<compile_context>
chip_gen: v7x
topology: tpu7x:2x2x1
jax: 0.10.2.dev20260603
libtpu: 0.0.44.dev20260713+nightly
codegen_flags: <defaults>
</compile_context>

<pallas_src>
import functools

import jax
import jax.numpy as jnp
from jax import lax
from jax.experimental import pallas as pl
from jax.experimental.pallas import tpu as pltpu
from jax.experimental.pallas import tpu_sc as plsc

BATCH = 16384
EMB = 64
BERT_GENRE = 786
HID = 256

NC = 2
NS = 16
NW = NC * NS
BPW = BATCH // NW
GRP = 32
NGRP = BPW // GRP
NSLOT = 8
DEPTH = NSLOT - 1


def _user_gather_body(idx_hbm, tab3_hbm, out_hbm, idxs_v, blk_v, oute_v, *sems):
    wid = lax.axis_index("s") * NC + lax.axis_index("c")
    base = wid * BPW

    def stage(row0):
        pltpu.sync_copy(idx_hbm.at[pl.ds(row0, GRP)], idxs_v)
        return tuple(idxs_v[pl.ds(16 * h, 16)] for h in range(GRP // 16))

    def sidx(vgs, j):
        return vgs[j // 16][j % 16]

    def fire(vgs, j):
        b0 = lax.shift_right_logical(sidx(vgs, j), 7) * 128
        pltpu.async_copy(tab3_hbm.at[:, :, pl.ds(b0, 128)],
                         blk_v.at[j % NSLOT], sems[j % NSLOT])

    def drain(j):
        pltpu.make_async_copy(tab3_hbm.at[:, :, pl.ds(0, 128)],
                              blk_v.at[j % NSLOT], sems[j % NSLOT]).wait()

    def extract(vgs, j):
        lanev = jnp.full((16,), jnp.bitwise_and(sidx(vgs, j), 127), jnp.int32)
        for g2 in range(EMB // 16):
            cv = lax.iota(jnp.int32, 16) + 16 * g2
            av = lax.shift_right_logical(cv, 3)
            sv = jnp.bitwise_and(cv, 7)
            vals = plsc.load_gather(blk_v.at[j % NSLOT], [av, sv, lanev])
            oute_v[j, pl.ds(16 * g2, 16)] = vals

    def body(g, vgs):
        nvgs = lax.cond(g + 1 < NGRP,
                        lambda: stage(base + (g + 1) * GRP),
                        lambda: vgs)
        for j in range(GRP):
            drain(j)
            extract(vgs, j)
            nj = j + DEPTH
            if nj < GRP:
                fire(vgs, nj)
            else:
                @pl.when(g + 1 < NGRP)
                def _():
                    fire(nvgs, nj - GRP)
        pltpu.sync_copy(oute_v, out_hbm.at[pl.ds(base + g * GRP, GRP)])
        return nvgs

    vgs0 = stage(base)
    for j in range(DEPTH):
        fire(vgs0, j)
    lax.fori_loop(0, NGRP, body, vgs0)


@jax.jit
def _sc_user_gather(user_idx, utab3):
    mesh = plsc.VectorSubcoreMesh(core_axis_name="c", subcore_axis_name="s")
    f = functools.partial(
        pl.kernel,
        mesh=mesh,
        compiler_params=pltpu.CompilerParams(use_tc_tiling_on_sc=True,
                                             needs_layout_passes=False),
        out_type=jax.ShapeDtypeStruct((BATCH, EMB), jnp.float32),
        scratch_types=[
            pltpu.VMEM((GRP,), jnp.int32),
            pltpu.VMEM((NSLOT, 8, 8, 128), jnp.float32),
            pltpu.VMEM((GRP, EMB), jnp.float32),
        ] + [pltpu.SemaphoreType.DMA] * NSLOT,
    )(_user_gather_body)
    return f(user_idx, utab3)


MCH = 64
NMCH = BPW // MCH


def _movie_gather_body(idx_hbm, tab_hbm, out_hbm, idxc_v, oute_v, sem):
    wid = lax.axis_index("s") * NC + lax.axis_index("c")
    base = wid * BPW

    def chunk_body(k, _):
        row0 = base + k * MCH
        pltpu.sync_copy(idx_hbm.at[pl.ds(row0, MCH)], idxc_v)
        for g in range(MCH // 16):
            vg = idxc_v[pl.ds(16 * g, 16)]
            for j in range(16):
                pltpu.async_copy(tab_hbm.at[vg[j]], oute_v.at[16 * g + j], sem)
        for j in range(MCH):
            pltpu.make_async_copy(tab_hbm.at[0], oute_v.at[j], sem).wait()
        pltpu.sync_copy(oute_v, out_hbm.at[pl.ds(row0, MCH)])
        return ()

    lax.fori_loop(0, NMCH, chunk_body, ())


@jax.jit
def _sc_movie_gather(movie_idx, movie_table):
    mesh = plsc.VectorSubcoreMesh(core_axis_name="c", subcore_axis_name="s")
    f = functools.partial(
        pl.kernel,
        mesh=mesh,
        compiler_params=pltpu.CompilerParams(use_tc_tiling_on_sc=True,
                                             needs_layout_passes=False),
        out_type=jax.ShapeDtypeStruct((BATCH, EMB), jnp.float32),
        scratch_types=[
            pltpu.VMEM((MCH,), jnp.int32),
            pltpu.VMEM((MCH, EMB), jnp.float32),
            pltpu.SemaphoreType.DMA,
        ],
    )(_movie_gather_body)
    return f(movie_idx, movie_table)


BB = 2048


def _mlp1_body(mfvt_ref, w1f_ref, b1_ref, p_ref):
    p_ref[...] = lax.dot_general(
        mfvt_ref[...], w1f_ref[...], (((0,), (0,)), ((), ())),
        preferred_element_type=jnp.float32) + b1_ref[...]


@jax.jit
def _mlp_partial(mfvt, w1f, b1):
    nblk = BATCH // BB
    return pl.pallas_call(
        _mlp1_body,
        grid=(nblk,),
        in_specs=[
            pl.BlockSpec((BERT_GENRE, BB), lambda i: (0, i)),
            pl.BlockSpec((BERT_GENRE, HID), lambda i: (0, 0)),
            pl.BlockSpec((1, HID), lambda i: (0, 0)),
        ],
        out_specs=pl.BlockSpec((BB, HID), lambda i: (i, 0)),
        out_shape=jax.ShapeDtypeStruct((BATCH, HID), jnp.float32),
    )(mfvt, w1f, b1)


def _mlp2_body(p_ref, ue_ref, me_ref, w1u_ref, w1m_ref,
               w2_ref, b2_ref, w3_ref, b3_ref, out_ref):
    h = p_ref[...] + ue_ref[...] @ w1u_ref[...] + me_ref[...] @ w1m_ref[...]
    h = jnp.maximum(h, 0.0)
    h = jnp.maximum(h @ w2_ref[...] + b2_ref[...], 0.0)
    o = h @ w3_ref[...] + b3_ref[...]
    out_ref[...] = jax.nn.sigmoid(o)[:, 0]


@jax.jit
def _mlp_final(p, ue, me, w1u, w1m, w2, b2, w3, b3):
    nblk = BATCH // BB
    return pl.pallas_call(
        _mlp2_body,
        grid=(nblk,),
        in_specs=[
            pl.BlockSpec((BB, HID), lambda i: (i, 0)),
            pl.BlockSpec((BB, EMB), lambda i: (i, 0)),
            pl.BlockSpec((BB, EMB), lambda i: (i, 0)),
            pl.BlockSpec((EMB, HID), lambda i: (0, 0)),
            pl.BlockSpec((EMB, HID), lambda i: (0, 0)),
            pl.BlockSpec((HID, HID // 2), lambda i: (0, 0)),
            pl.BlockSpec((1, HID // 2), lambda i: (0, 0)),
            pl.BlockSpec((HID // 2, 1), lambda i: (0, 0)),
            pl.BlockSpec((1, 1), lambda i: (0, 0)),
        ],
        out_specs=pl.BlockSpec((BB,), lambda i: (i,)),
        out_shape=jax.ShapeDtypeStruct((BATCH,), jnp.float32),
    )(p, ue, me, w1u, w1m, w2, b2, w3, b3)


def kernel(user, movie, movie_feature_vec, user_table, movie_table,
           W1, b1, W2, b2, W3, b3):
    utab3 = user_table.T.reshape(8, 8, user_table.shape[0])
    ue = _sc_user_gather(user, utab3)
    p = _mlp_partial(movie_feature_vec.T, W1[2 * EMB:], b1[None, :])
    movie_q, ue, p = lax.optimization_barrier((movie, ue, p))
    me = _sc_movie_gather(movie_q, movie_table)
    return _mlp_final(p, ue, me, W1[:EMB], W1[EMB:2 * EMB],
                      W2, b2[None, :], W3, b3[None, :])

# --- scband reference (transcript-rebuilt; emitter-appended) ---
"""Pipeline reference for scband-recommender-24584392802825 (READ-ONLY COPY).

The authoritative reference and input builder live on the scoring server;
editing this copy changes nothing except your own understanding.
"""

import jax, jax.numpy as jnp
import numpy as np

BATCH = 16384
NUM_USERS = 1000000
NUM_MOVIES = 100000
EMB = 64
BERT = 768
GENRE = 18
HID = 256
FC_IN = 2 * EMB + BERT + GENRE  # 914


def setup_inputs(seed: int = 0) -> dict:
    key = jax.random.key(seed)
    ks = jax.random.split(key, 12)
    user = jax.random.randint(ks[0], (BATCH,), 0, NUM_USERS, dtype=jnp.int32)
    movie = jax.random.randint(ks[1], (BATCH,), 0, NUM_MOVIES, dtype=jnp.int32)
    movie_feature_vec = jax.random.normal(ks[2], (BATCH, BERT + GENRE), dtype=jnp.float32)
    user_table = jax.random.normal(ks[3], (NUM_USERS, EMB), dtype=jnp.float32) * 0.02
    movie_table = jax.random.normal(ks[4], (NUM_MOVIES, EMB), dtype=jnp.float32) * 0.02
    W1 = jax.random.normal(ks[5], (FC_IN, HID), dtype=jnp.float32) * (1.0 / np.sqrt(FC_IN))
    b1 = jnp.zeros((HID,), dtype=jnp.float32)
    W2 = jax.random.normal(ks[6], (HID, HID // 2), dtype=jnp.float32) * (1.0 / np.sqrt(HID))
    b2 = jnp.zeros((HID // 2,), dtype=jnp.float32)
    W3 = jax.random.normal(ks[7], (HID // 2, 1), dtype=jnp.float32) * (1.0 / np.sqrt(HID // 2))
    b3 = jnp.zeros((1,), dtype=jnp.float32)
    return {
        "user": user,
        "movie": movie,
        "movie_feature_vec": movie_feature_vec,
        "user_table": user_table,
        "movie_table": movie_table,
        "W1": W1, "b1": b1,
        "W2": W2, "b2": b2,
        "W3": W3, "b3": b3,
    }


def reference(user, movie, movie_feature_vec, user_table, movie_table, W1, b1, W2, b2, W3, b3):
    # embedding lookups (SparseCore gathers)
    user_emb = jnp.take(user_table, user, axis=0)
    movie_emb = jnp.take(movie_table, movie, axis=0)
    x = jnp.concatenate([user_emb, movie_emb, movie_feature_vec], axis=1)
    # fc: Linear -> ReLU -> Dropout(eval: identity) -> Linear -> ReLU -> Linear -> Sigmoid
    h = jax.nn.relu(x @ W1 + b1)
    h = jax.nn.relu(h @ W2 + b2)
    out = jax.nn.sigmoid(h @ W3 + b3)
    return jnp.squeeze(out, axis=-1)

if __name__ == "__main__":
    import jax
    _d = setup_inputs()
    print(jax.jit(kernel)(*tuple(_d.values())))

</pallas_src>

<mosaic_0001>
#map = affine_map<(d0, d1) -> (0)>
#map1 = affine_map<(d0, d1) -> (0, 0, 0)>
#map2 = affine_map<(d0, d1) -> (0, 0)>
module attributes {stable_mosaic.version = 14 : i64} {
  func.func @_user_gather_body(%arg0: i32, %arg1: i32, %arg2: memref<16384xi32, #tpu.memory_space<hbm>>, %arg3: memref<8x8x1000000xf32, #tpu.memory_space<hbm>>, %arg4: memref<16384x64xf32, #tpu.memory_space<hbm>>, %arg5: memref<32xi32, #tpu.memory_space<vmem>>, %arg6: memref<8x8x8x128xf32, #tpu.memory_space<vmem>>, %arg7: memref<32x64xf32, #tpu.memory_space<vmem>>, %arg8: memref<!tpu.dma_semaphore, #tpu.memory_space<semaphore_mem>>, %arg9: memref<!tpu.dma_semaphore, #tpu.memory_space<semaphore_mem>>, %arg10: memref<!tpu.dma_semaphore, #tpu.memory_space<semaphore_mem>>, %arg11: memref<!tpu.dma_semaphore, #tpu.memory_space<semaphore_mem>>, %arg12: memref<!tpu.dma_semaphore, #tpu.memory_space<semaphore_mem>>, %arg13: memref<!tpu.dma_semaphore, #tpu.memory_space<semaphore_mem>>, %arg14: memref<!tpu.dma_semaphore, #tpu.memory_space<semaphore_mem>>, %arg15: memref<!tpu.dma_semaphore, #tpu.memory_space<semaphore_mem>>) attributes {dimension_semantics = [#tpu.dimension_semantics<core_parallel>, #tpu.dimension_semantics<subcore_parallel>], iteration_bounds = array<i64: 2, 16>, scalar_prefetch = 0 : i64, scratch_operands = 11 : i64, tpu.core_type = #tpu.core_type<sc_vector_subcore>, window_params = [{transform_indices = #map}, {transform_indices = #map1}, {transform_indices = #map2}]} {
    %mul3A = arith.constant 2 : i32
    %mul3A_0 = arith.muli %arg1, %mul3A : i32
    %add3A = arith.addi %mul3A_0, %arg0 : i32
    %mul3A_1 = arith.constant 512 : i32
    %mul3A_2 = arith.muli %add3A, %mul3A_1 : i32
    "tpu.region"() ({
      %run_scoped3A = tpu.sem_alloc : memref<!tpu.dma_semaphore, #tpu.memory_space<semaphore_mem>>
      %dma_start3A_168 = tpu.memref_slice %arg2[%mul3A_2] : memref<16384xi32, #tpu.memory_space<hbm>> -> memref<32xi32, #tpu.memory_space<hbm>>
      %dma_start3A_169 = tpu.memref_slice %arg2[%mul3A_2] : memref<16384xi32, #tpu.memory_space<hbm>> -> memref<32xi32, #tpu.memory_space<hbm>>
      tpu.enqueue_dma source(%dma_start3A_169 : memref<32xi32, #tpu.memory_space<hbm>>) target(%arg5 : memref<32xi32, #tpu.memory_space<vmem>>) target_semaphore(%run_scoped3A : memref<!tpu.dma_semaphore, #tpu.memory_space<semaphore_mem>>)
      %dma_wait3A = tpu.memref_slice %arg2[%mul3A_2] : memref<16384xi32, #tpu.memory_space<hbm>> -> memref<32xi32, #tpu.memory_space<hbm>>
      %dma_wait3A_170 = tpu.memref_slice %arg2[%mul3A_2] : memref<16384xi32, #tpu.memory_space<hbm>> -> memref<32xi32, #tpu.memory_space<hbm>>
      tpu.wait_dma2 semaphore(%run_scoped3A : memref<!tpu.dma_semaphore, #tpu.memory_space<semaphore_mem>>) src(%dma_wait3A_170 : memref<32xi32, #tpu.memory_space<hbm>>) dst(%arg5 : memref<32xi32, #tpu.memory_space<vmem>>)
      tpu.yield
    }) : () -> ()
    %get3A = arith.constant 0 : index
    %get3A_3 = tpu.vector_load %arg5[%get3A] {strides = array<i32>} : memref<32xi32, #tpu.memory_space<vmem>>, vector<16xi32>,
    %get3A_4 = arith.constant 16 : index
    %get3A_5 = tpu.vector_load %arg5[%get3A_4] {strides = array<i32>} : memref<32xi32, #tpu.memory_space<vmem>>, vector<16xi32>,
    %slice3A = vector.extract_strided_slice %get3A_3 {offsets = [0], sizes = [1], strides = [1]} : vector<16xi32> to vector<1xi32>
    %squeeze3A = vector.extract %slice3A[0] : i32 from vector<1xi32>
    %shift_right_logical3A = arith.constant 7 : i32
    %shift_right_logical3A_6 = arith.shrui %squeeze3A, %shift_right_logical3A : i32
    %mul3A_7 = arith.constant 128 : i32
    %mul3A_8 = arith.muli %shift_right_logical3A_6, %mul3A_7 : i32
    %dma_start3A = arith.constant 0 : i32
    %dma_start3A_9 = arith.constant 0 : i32
    %dma_start3A_10 = arith.constant 0 : i32
    %dma_start3A_11 = arith.constant 0 : i32
    %dma_start3A_12 = tpu.memref_slice %arg6[%dma_start3A, %dma_start3A_9, %dma_start3A_10, %dma_start3A_11] : memref<8x8x8x128xf32, #tpu.memory_space<vmem>> -> memref<1x8x8x128xf32, #tpu.memory_space<vmem>>
    %dma_start3A_13 = tpu.memref_squeeze %dma_start3A_12 : memref<1x8x8x128xf32, #tpu.memory_space<vmem>> -> memref<8x8x128xf32, #tpu.memory_space<vmem>>
    %dma_start3A_14 = arith.constant 0 : i32
    %dma_start3A_15 = arith.constant 0 : i32
    %dma_start3A_16 = tpu.memref_slice %arg3[%dma_start3A_14, %dma_start3A_15, %mul3A_8] : memref<8x8x1000000xf32, #tpu.memory_space<hbm>> -> memref<8x8x128xf32, #tpu.memory_space<hbm>>
    %dma_start3A_17 = arith.constant 0 : i32
    %dma_start3A_18 = arith.constant 0 : i32
    %dma_start3A_19 = arith.constant 0 : i32
    %dma_start3A_20 = tpu.memref_slice %arg6[%dma_start3A, %dma_start3A_17, %dma_start3A_18, %dma_start3A_19] : memref<8x8x8x128xf32, #tpu.memory_space<vmem>> -> memref<1x8x8x128xf32, #tpu.memory_space<vmem>>
    %dma_start3A_21 = tpu.memref_squeeze %dma_start3A_20 : memref<1x8x8x128xf32, #tpu.memory_space<vmem>> -> memref<8x8x128xf32, #tpu.memory_space<vmem>>
    %dma_start3A_22 = arith.constant 0 : i32
    %dma_start3A_23 = arith.constant 0 : i32
    %dma_start3A_24 = tpu.memref_slice %arg3[%dma_start3A_22, %dma_start3A_23, %mul3A_8] : memref<8x8x1000000xf32, #tpu.memory_space<hbm>> -> memref<8x8x128xf32, #tpu.memory_space<hbm>>
    tpu.enqueue_dma source(%dma_start3A_24 : memref<8x8x128xf32, #tpu.memory_space<hbm>>) target(%dma_start3A_21 : memref<8x8x128xf32, #tpu.memory_space<vmem>>) target_semaphore(%arg8 : memref<!tpu.dma_semaphore, #tpu.memory_space<semaphore_mem>>)
    %slice3A_25 = vector.extract_strided_slice %get3A_3 {offsets = [1], sizes = [1], strides = [1]} : vector<16xi32> to vector<1xi32>
    %squeeze3A_26 = vector.extract %slice3A_25[0] : i32 from vector<1xi32>
    %shift_right_logical3A_27 = arith.constant 7 : i32
    %shift_right_logical3A_28 = arith.shrui %squeeze3A_26, %shift_right_logical3A_27 : i32
    %mul3A_29 = arith.constant 128 : i32
    %mul3A_30 = arith.muli %shift_right_logical3A_28, %mul3A_29 : i32
    %dma_start3A_31 = arith.constant 1 : i32
    %dma_start3A_32 = arith.constant 0 : i32
    %dma_start3A_33 = arith.constant 0 : i32
    %dma_start3A_34 = arith.constant 0 : i32
    %dma_start3A_35 = tpu.memref_slice %arg6[%dma_start3A_31, %dma_start3A_32, %dma_start3A_33, %dma_start3A_34] : memref<8x8x8x128xf32, #tpu.memory_space<vmem>> -> memref<1x8x8x128xf32, #tpu.memory_space<vmem>>
    %dma_start3A_36 = tpu.memref_squeeze %dma_start3A_35 : memref<1x8x8x128xf32, #tpu.memory_space<vmem>> -> memref<8x8x128xf32, #tpu.memory_space<vmem>>
    %dma_start3A_37 = arith.constant 0 : i32
    %dma_start3A_38 = arith.constant 0 : i32
    %dma_start3A_39 = tpu.memref_slice %arg3[%dma_start3A_37, %dma_start3A_38, %mul3A_30] : memref<8x8x1000000xf32, #tpu.memory_space<hbm>> -> memref<8x8x128xf32, #tpu.memory_space<hbm>>
    %dma_start3A_40 = arith.constant 0 : i32
    %dma_start3A_41 = arith.constant 0 : i32
    %dma_start3A_42 = arith.constant 0 : i32
    %dma_start3A_43 = tpu.memref_slice %arg6[%dma_start3A_31, %dma_start3A_40, %dma_start3A_41, %dma_start3A_42] : memref<8x8x8x128xf32, #tpu.memory_space<vmem>> -> memref<1x8x8x128xf32, #tpu.memory_space<vmem>>
    %dma_start3A_44 = tpu.memref_squeeze %dma_start3A_43 : memref<1x8x8x128xf32, #tpu.memory_space<vmem>> -> memref<8x8x128xf32, #tpu.memory_space<vmem>>
    %dma_start3A_45 = arith.constant 0 : i32
    %dma_start3A_46 = arith.constant 0 : i32
    %dma_start3A_47 = tpu.memref_slice %arg3[%dma_start3A_45, %dma_start3A_46, %mul3A_30] : memref<8x8x1000000xf32, #tpu.memory_space<hbm>> -> memref<8x8x128xf32, #tpu.memory_space<hbm>>
    tpu.enqueue_dma source(%dma_start3A_47 : memref<8x8x128xf32, #tpu.memory_space<hbm>>) target(%dma_start3A_44 : memref<8x8x128xf32, #tpu.memory_space<vmem>>) target_semaphore(%arg9 : memref<!tpu.dma_semaphore, #tpu.memory_space<semaphore_mem>>)
    %slice3A_48 = vector.extract_strided_slice %get3A_3 {offsets = [2], sizes = [1], strides = [1]} : vector<16xi32> to vector<1xi32>
    %squeeze3A_49 = vector.extract %slice3A_48[0] : i32 from vector<1xi32>
    %shift_right_logical3A_50 = arith.constant 7 : i32
    %shift_right_logical3A_51 = arith.shrui %squeeze3A_49, %shift_right_logical3A_50 : i32
    %mul3A_52 = arith.constant 128 : i32
    %mul3A_53 = arith.muli %shift_right_logical3A_51, %mul3A_52 : i32
    %dma_start3A_54 = arith.constant 2 : i32
    %dma_start3A_55 = arith.constant 0 : i32
    %dma_start3A_56 = arith.constant 0 : i32
    %dma_start3A_57 = arith.constant 0 : i32
    %dma_start3A_58 = tpu.memref_slice %arg6[%dma_start3A_54, %dma_start3A_55, %dma_start3A_56, %dma_start3A_57] : memref<8x8x8x128xf32, #tpu.memory_space<vmem>> -> memref<1x8x8x128xf32, #tpu.memory_space<vmem>>
    %dma_start3A_59 = tpu.memref_squeeze %dma_start3A_58 : memref<1x8x8x128xf32, #tpu.memory_space<vmem>> -> memref<8x8x128xf32, #tpu.memory_space<vmem>>
    %dma_start3A_60 = arith.constant 0 : i32
    %dma_start3A_61 = arith.constant 0 : i32
    %dma_start3A_62 = tpu.memref_slice %arg3[%dma_start3A_60, %dma_start3A_61, %mul3A_53] : memref<8x8x1000000xf32, #tpu.memory_space<hbm>> -> memref<8x8x128xf32, #tpu.memory_space<hbm>>
    %dma_start3A_63 = arith.constant 0 : i32
    %dma_start3A_64 = arith.constant 0 : i32
    %dma_start3A_65 = arith.constant 0 : i32
    %dma_start3A_66 = tpu.memref_slice %arg6[%dma_start3A_54, %dma_start3A_63, %dma_start3A_64, %dma_start3A_65] : memref<8x8x8x128xf32, #tpu.memory_space<vmem>> -> memref<1x8x8x128xf32, #tpu.memory_space<vmem>>
    %dma_start3A_67 = tpu.memref_squeeze %dma_start3A_66 : memref<1x8x8x128xf32, #tpu.memory_space<vmem>> -> memref<8x8x128xf32, #tpu.memory_space<vmem>>
    %dma_start3A_68 = arith.constant 0 : i32
    %dma_start3A_69 = arith.constant 0 : i32
    %dma_start3A_70 = tpu.memref_slice %arg3[%dma_start3A_68, %dma_start3A_69, %mul3A_53] : memref<8x8x1000000xf32, #tpu.memory_space<hbm>> -> memref<8x8x128xf32, #tpu.memory_space<hbm>>
    tpu.enqueue_dma source(%dma_start3A_70 : memref<8x8x128xf32, #tpu.memory_space<hbm>>) target(%dma_start3A_67 : memref<8x8x128xf32, #tpu.memory_space<vmem>>) target_semaphore(%arg10 : memref<!tpu.dma_semaphore, #tpu.memory_space<semaphore_mem>>)
    %slice3A_71 = vector.extract_strided_slice %get3A_3 {offsets = [3], sizes = [1], strides = [1]} : vector<16xi32> to vector<1xi32>
    %squeeze3A_72 = vector.extract %slice3A_71[0] : i32 from vector<1xi32>
    %shift_right_logical3A_73 = arith.constant 7 : i32
    %shift_right_logical3A_74 = arith.shrui %squeeze3A_72, %shift_right_logical3A_73 : i32
    %mul3A_75 = arith.constant 128 : i32
    %mul3A_76 = arith.muli %shift_right_logical3A_74, %mul3A_75 : i32
    %dma_start3A_77 = arith.constant 3 : i32
    %dma_start3A_78 = arith.constant 0 : i32
    %dma_start3A_79 = arith.constant 0 : i32
    %dma_start3A_80 = arith.constant 0 : i32
    %dma_start3A_81 = tpu.memref_slice %arg6[%dma_start3A_77, %dma_start3A_78, %dma_start3A_79, %dma_start3A_80] : memref<8x8x8x128xf32, #tpu.memory_space<vmem>> -> memref<1x8x8x128xf32, #tpu.memory_space<vmem>>
    %dma_start3A_82 = tpu.memref_squeeze %dma_start3A_81 : memref<1x8x8x128xf32, #tpu.memory_space<vmem>> -> memref<8x8x128xf32, #tpu.memory_space<vmem>>
    %dma_start3A_83 = arith.constant 0 : i32
    %dma_start3A_84 = arith.constant 0 : i32
    %dma_start3A_85 = tpu.memref_slice %arg3[%dma_start3A_83, %dma_start3A_84, %mul3A_76] : memref<8x8x1000000xf32, #tpu.memory_space<hbm>> -> memref<8x8x128xf32, #tpu.memory_space<hbm>>
    %dma_start3A_86 = arith.constant 0 : i32
    %dma_start3A_87 = arith.constant 0 : i32
    %dma_start3A_88 = arith.constant 0 : i32
    %dma_start3A_89 = tpu.memref_slice %arg6[%dma_start3A_77, %dma_start3A_86, %dma_start3A_87, %dma_start3A_88] : memref<8x8x8x128xf32, #tpu.memory_space<vmem>> -> memref<1x8x8x128xf32, #tpu.memory_space<vmem>>
    %dma_start3A_90 = tpu.memref_squeeze %dma_start3A_89 : memref<1x8x8x128xf32, #tpu.memory_space<vmem>> -> memref<8x8x128xf32, #tpu.memory_space<vmem>>
    %dma_start3A_91 = arith.constant 0 : i32
    %dma_start3A_92 = arith.constant 0 : i32
    %dma_start3A_93 = tpu.memref_slice %arg3[%dma_start3A_91, %dma_start3A_92, %mul3A_76] : memref<8x8x1000000xf32, #tpu.memory_space<hbm>> -> memref<8x8x128xf32, #tpu.memory_space<hbm>>
    tpu.enqueue_dma source(%dma_start3A_93 : memref<8x8x128xf32, #tpu.memory_space<hbm>>) target(%dma_start3A_90 : memref<8x8x128xf32, #tpu.memory_space<vmem>>) target_semaphore(%arg11 : memref<!tpu.dma_semaphore, #tpu.memory_space<semaphore_mem>>)
    %slice3A_94 = vector.extract_strided_slice %get3A_3 {offsets = [4], sizes = [1], strides = [1]} : vector<16xi32> to vector<1xi32>
    %squeeze3A_95 = vector.extract %slice3A_94[0] : i32 from vector<1xi32>
    %shift_right_logical3A_96 = arith.constant 7 : i32
    %shift_right_logical3A_97 = arith.shrui %squeeze3A_95, %shift_right_logical3A_96 : i32
    %mul3A_98 = arith.constant 128 : i32
    %mul3A_99 = arith.muli %shift_right_logical3A_97, %mul3A_98 : i32
    %dma_start3A_100 = arith.constant 4 : i32
    %dma_start3A_101 = arith.constant 0 : i32
    %dma_start3A_102 = arith.constant 0 : i32
    %dma_start3A_103 = arith.constant 0 : i32
    %dma_start3A_104 = tpu.memref_slice %arg6[%dma_start3A_100, %dma_start3A_101, %dma_start3A_102, %dma_start3A_103] : memref<8x8x8x128xf32, #tpu.memory_space<vmem>> -> memref<1x8x8x128xf32, #tpu.memory_space<vmem>>
    %dma_start3A_105 = tpu.memref_squeeze %dma_start3A_104 : memref<1x8x8x128xf32, #tpu.memory_space<vmem>> -> memref<8x8x128xf32, #tpu.memory_space<vmem>>
    %dma_start3A_106 = arith.constant 0 : i32
    %dma_start3A_107 = arith.constant 0 : i32
    %dma_start3A_108 = tpu.memref_slice %arg3[%dma_start3A_106, %dma_start3A_107, %mul3A_99] : memref<8x8x1000000xf32, #tpu.memory_space<hbm>> -> memref<8x8x128xf32, #tpu.memory_space<hbm>>
    %dma_start3A_109 = arith.constant 0 : i32
    %dma_start3A_110 = arith.constant 0 : i32
    %dma_start3A_111 = arith.constant 0 : i32
    %dma_start3A_112 = tpu.memref_slice %arg6[%dma_start3A_100, %dma_start3A_109, %dma_start3A_110, %dma_start3A_111] : memref<8x8x8x128xf32, #tpu.memory_space<vmem>> -> memref<1x8x8x128xf32, #tpu.memory_space<vmem>>
    %dma_start3A_113 = tpu.memref_squeeze %dma_start3A_112 : memref<1x8x8x128xf32, #tpu.memory_space<vmem>> -> memref<8x8x128xf32, #tpu.memory_space<vmem>>
    %dma_start3A_114 = arith.constant 0 : i32
    %dma_start3A_115 = arith.constant 0 : i32
    %dma_start3A_116 = tpu.memref_slice %arg3[%dma_start3A_114, %dma_start3A_115, %mul3A_99] : memref<8x8x1000000xf32, #tpu.memory_space<hbm>> -> memref<8x8x128xf32, #tpu.memory_space<hbm>>
    tpu.enqueue_dma source(%dma_start3A_116 : memref<8x8x128xf32, #tpu.memory_space<hbm>>) target(%dma_start3A_113 : memref<8x8x128xf32, #tpu.memory_space<vmem>>) target_semaphore(%arg12 : memref<!tpu.dma_semaphore, #tpu.memory_space<semaphore_mem>>)
    %slice3A_117 = vector.extract_strided_slice %get3A_3 {offsets = [5], sizes = [1], strides = [1]} : vector<16xi32> to vector<1xi32>
    %squeeze3A_118 = vector.extract %slice3A_117[0] : i32 from vector<1xi32>
    %shift_right_logical3A_119 = arith.constant 7 : i32
    %shift_right_logical3A_120 = arith.shrui %squeeze3A_118, %shift_right_logical3A_119 : i32
    %mul3A_121 = arith.constant 128 : i32
    %mul3A_122 = arith.muli %shift_right_logical3A_120, %mul3A_121 : i32
    %dma_start3A_123 = arith.constant 5 : i32
    %dma_start3A_124 = arith.constant 0 : i32
    %dma_start3A_125 = arith.constant 0 : i32
    %dma_start3A_126 = arith.constant 0 : i32
    %dma_start3A_127 = tpu.memref_slice %arg6[%dma_start3A_123, %dma_start3A_124, %dma_start3A_125, %dma_start3A_126] : memref<8x8x8x128xf32, #tpu.memory_space<vmem>> -> memref<1x8x8x128xf32, #tpu.memory_space<vmem>>
    %dma_start3A_128 = tpu.memref_squeeze %dma_start3A_127 : memref<1x8x8x128xf32, #tpu.memory_space<vmem>> -> memref<8x8x128xf32, #tpu.memory_space<vmem>>
    %dma_start3A_129 = arith.constant 0 : i32
    %dma_start3A_130 = arith.constant 0 : i32
    %dma_start3A_131 = tpu.memref_slice %arg3[%dma_start3A_129, %dma_start3A_130, %mul3A_122] : memref<8x8x1000000xf32, #tpu.memory_space<hbm>> -> memref<8x8x128xf32, #tpu.memory_space<hbm>>
    %dma_start3A_132 = arith.constant 0 : i32
    %dma_start3A_133 = arith.constant 0 : i32
    %dma_start3A_134 = arith.constant 0 : i32
    %dma_start3A_135 = tpu.memref_slice %arg6[%dma_start3A_123, %dma_start3A_132, %dma_start3A_133, %dma_start3A_134] : memref<8x8x8x128xf32, #tpu.memory_space<vmem>> -> memref<1x8x8x128xf32, #tpu.memory_space<vmem>>
    %dma_start3A_136 = tpu.memref_squeeze %dma_start3A_135 : memref<1x8x8x128xf32, #tpu.memory_space<vmem>> -> memref<8x8x128xf32, #tpu.memory_space<vmem>>
    %dma_start3A_137 = arith.constant 0 : i32
    %dma_start3A_138 = arith.constant 0 : i32
    %dma_start3A_139 = tpu.memref_slice %arg3[%dma_start3A_137, %dma_start3A_138, %mul3A_122] : memref<8x8x1000000xf32, #tpu.memory_space<hbm>> -> memref<8x8x128xf32, #tpu.memory_space<hbm>>
    tpu.enqueue_dma source(%dma_start3A_139 : memref<8x8x128xf32, #tpu.memory_space<hbm>>) target(%dma_start3A_136 : memref<8x8x128xf32, #tpu.memory_space<vmem>>) target_semaphore(%arg13 : memref<!tpu.dma_semaphore, #tpu.memory_space<semaphore_mem>>)
    %slice3A_140 = vector.extract_strided_slice %get3A_3 {offsets = [6], sizes = [1], strides = [1]} : vector<16xi32> to vector<1xi32>
    %squeeze3A_141 = vector.extract %slice3A_140[0] : i32 from vector<1xi32>
    %shift_right_logical3A_142 = arith.constant 7 : i32
    %shift_right_logical3A_143 = arith.shrui %squeeze3A_141, %shift_right_logical3A_142 : i32
    %mul3A_144 = arith.constant 128 : i32
    %mul3A_145 = arith.muli %shift_right_logical3A_143, %mul3A_144 : i32
    %dma_start3A_146 = arith.constant 6 : i32
    %dma_start3A_147 = arith.constant 0 : i32
    %dma_start3A_148 = arith.constant 0 : i32
    %dma_start3A_149 = arith.constant 0 : i32
    %dma_start3A_150 = tpu.memref_slice %arg6[%dma_start3A_146, %dma_start3A_147, %dma_start3A_148, %dma_start3A_149] : memref<8x8x8x128xf32, #tpu.memory_space<vmem>> -> memref<1x8x8x128xf32, #tpu.memory_space<vmem>>
    %dma_start3A_151 = tpu.memref_squeeze %dma_start3A_150 : memref<1x8x8x128xf32, #tpu.memory_space<vmem>> -> memref<8x8x128xf32, #tpu.memory_space<vmem>>
    %dma_start3A_152 = arith.constant 0 : i32
    %dma_start3A_153 = arith.constant 0 : i32
    %dma_start3A_154 = tpu.memref_slice %arg3[%dma_start3A_152, %dma_start3A_153, %mul3A_145] : memref<8x8x1000000xf32, #tpu.memory_space<hbm>> -> memref<8x8x128xf32, #tpu.memory_space<hbm>>
    %dma_start3A_155 = arith.constant 0 : i32
    %dma_start3A_156 = arith.constant 0 : i32
    %dma_start3A_157 = arith.constant 0 : i32
    %dma_start3A_158 = tpu.memref_slice %arg6[%dma_start3A_146, %dma_start3A_155, %dma_start3A_156, %dma_start3A_157] : memref<8x8x8x128xf32, #tpu.memory_space<vmem>> -> memref<1x8x8x128xf32, #tpu.memory_space<vmem>>
    %dma_start3A_159 = tpu.memref_squeeze %dma_start3A_158 : memref<1x8x8x128xf32, #tpu.memory_space<vmem>> -> memref<8x8x128xf32, #tpu.memory_space<vmem>>
    %dma_start3A_160 = arith.constant 0 : i32
    %dma_start3A_161 = arith.constant 0 : i32
    %dma_start3A_162 = tpu.memref_slice %arg3[%dma_start3A_160, %dma_start3A_161, %mul3A_145] : memref<8x8x1000000xf32, #tpu.memory_space<hbm>> -> memref<8x8x128xf32, #tpu.memory_space<hbm>>
    tpu.enqueue_dma source(%dma_start3A_162 : memref<8x8x128xf32, #tpu.memory_space<hbm>>) target(%dma_start3A_159 : memref<8x8x128xf32, #tpu.memory_space<vmem>>) target_semaphore(%arg14 : memref<!tpu.dma_semaphore, #tpu.memory_space<semaphore_mem>>)
    %scan3A = arith.constant 0 : i32
    %scan3A_163 = arith.constant 16 : i32
    %scan3A_164 = arith.addi %scan3A, %scan3A_163 : i32
    %scan3A_165 = arith.constant 1 : i32
    %scan3A_166:2 = scf.for %scan3A_168 = %scan3A to %scan3A_164 step %scan3A_165 iter_args(%scan3A_169 = %get3A_3, %scan3A_170 = %get3A_5) -> (vector<16xi32>, vector<16xi32>)  : i32 {
      %add3A_171 = arith.constant 1 : i32
      %add3A_172 = arith.addi %scan3A_168, %add3A_171 : i32
      %lt3A = arith.constant 16 : i32
      %lt3A_173 = arith.cmpi slt, %add3A_172, %lt3A : i32
      %convert_element_type3A = arith.extui %lt3A_173 : i1 to i32
      %cond3A = arith.constant 0 : i32
      %cond3A_174 = arith.cmpi ne, %convert_element_type3A, %cond3A : i32
      %cond3A_175:2 = scf.if %cond3A_174 -> (vector<16xi32>, vector<16xi32>) {
        %add3A_4253 = arith.constant 1 : i32
        %add3A_4254 = arith.addi %scan3A_168, %add3A_4253 : i32
        %mul3A_4255 = arith.constant 32 : i32
        %mul3A_4256 = arith.muli %add3A_4254, %mul3A_4255 : i32
        %add3A_4257 = arith.addi %mul3A_2, %mul3A_4256 : i32
        "tpu.region"() ({
          %run_scoped3A = tpu.sem_alloc : memref<!tpu.dma_semaphore, #tpu.memory_space<semaphore_mem>>
          %dma_start3A_4262 = tpu.memref_slice %arg2[%add3A_4257] : memref<16384xi32, #tpu.memory_space<hbm>> -> memref<32xi32, #tpu.memory_space<hbm>>
          %dma_start3A_4263 = tpu.memref_slice %arg2[%add3A_4257] : memref<16384xi32, #tpu.memory_space<hbm>> -> memref<32xi32, #tpu.memory_space<hbm>>
          tpu.enqueue_dma source(%dma_start3A_4263 : memref<32xi32, #tpu.memory_space<hbm>>) target(%arg5 : memref<32xi32, #tpu.memory_space<vmem>>) target_semaphore(%run_scoped3A : memref<!tpu.dma_semaphore, #tpu.memory_space<semaphore_mem>>)
          %dma_wait3A_4264 = tpu.memref_slice %arg2[%add3A_4257] : memref<16384xi32, #tpu.memory_space<hbm>> -> memref<32xi32, #tpu.memory_space<hbm>>
          %dma_wait3A_4265 = tpu.memref_slice %arg2[%add3A_4257] : memref<16384xi32, #tpu.memory_space<hbm>> -> memref<32xi32, #tpu.memory_space<hbm>>
          tpu.wait_dma2 semaphore(%run_scoped3A : memref<!tpu.dma_semaphore, #tpu.memory_space<semaphore_mem>>) src(%dma_wait3A_4265 : memref<32xi32, #tpu.memory_space<hbm>>) dst(%arg5 : memref<32xi32, #tpu.memory_space<vmem>>)
          tpu.yield
        }) : () -> ()
        %get3A_4258 = arith.constant 0 : index
        %get3A_4259 = tpu.vector_load %arg5[%get3A_4258] {strides = array<i32>} : memref<32xi32, #tpu.memory_space<vmem>>, vector<16xi32>,
        %get3A_4260 = arith.constant 16 : index
        %get3A_4261 = tpu.vector_load %arg5[%get3A_4260] {strides = array<i32>} : memref<32xi32, #tpu.memory_space<vmem>>, vector<16xi32>,
        scf.yield %get3A_4259, %get3A_4261 : vector<16xi32>, vector<16xi32>
      } else {
        scf.yield %scan3A_169, %scan3A_170 : vector<16xi32>, vector<16xi32>
      }
      %dma_wait3A = arith.constant 0 : i32
      %dma_wait3A_176 = arith.constant 0 : i32
      %dma_wait3A_177 = arith.constant 0 : i32
      %dma_wait3A_178 = arith.constant 0 : i32
      %dma_wait3A_179 = tpu.memref_slice %arg6[%dma_wait3A, %dma_wait3A_176, %dma_wait3A_177, %dma_wait3A_178] : memref<8x8x8x128xf32, #tpu.memory_space<vmem>> -> memref<1x8x8x128xf32, #tpu.memory_space<vmem>>
      %dma_wait3A_180 = tpu.memref_squeeze %dma_wait3A_179 : memref<1x8x8x128xf32, #tpu.memory_space<vmem>> -> memref<8x8x128xf32, #tpu.memory_space<vmem>>
      %dma_wait3A_181 = arith.constant 0 : i32
      %dma_wait3A_182 = arith.constant 0 : i32
      %dma_wait3A_183 = arith.constant 0 : i32
      %dma_wait3A_184 = tpu.memref_slice %arg3[%dma_wait3A_181, %dma_wait3A_182, %dma_wait3A_183] : memref<8x8x1000000xf32, #tpu.memory_space<hbm>> -> memref<8x8x128xf32, #tpu.memory_space<hbm>>
      %dma_wait3A_185 = arith.constant 0 : i32
      %dma_wait3A_186 = arith.constant 0 : i32
      %dma_wait3A_187 = arith.constant 0 : i32
      %dma_wait3A_188 = tpu.memref_slice %arg6[%dma_wait3A, %dma_wait3A_185, %dma_wait3A_186, %dma_wait3A_187] : memref<8x8x8x128xf32, #tpu.memory_space<vmem>> -> memref<1x8x8x128xf32, #tpu.memory_space<vmem>>
      %dma_wait3A_189 = tpu.memref_squeeze %dma_wait3A_188 : memref<1x8x8x128xf32, #tpu.memory_space<vmem>> -> memref<8x8x128xf32, #tpu.memory_space<vmem>>
      %dma_wait3A_190 = arith.constant 0 : i32
      %dma_wait3A_191 = arith.constant 0 : i32
      %dma_wait3A_192 = arith.constant 0 : i32
      %dma_wait3A_193 = tpu.memref_slice %arg3[%dma_wait3A_190, %dma_wait3A_191, %dma_wait3A_192] : memref<8x8x1000000xf32, #tpu.memory_space<hbm>> -> memref<8x8x128xf32, #tpu.memory_space<hbm>>
      tpu.wait_dma2 semaphore(%arg8 : memref<!tpu.dma_semaphore, #tpu.memory_space<semaphore_mem>>) src(%dma_wait3A_193 : memref<8x8x128xf32, #tpu.memory_space<hbm>>) dst(%dma_wait3A_189 : memref<8x8x128xf32, #tpu.memory_space<vmem>>)
      %slice3A_194 = vector.extract_strided_slice %scan3A_169 {offsets = [0], sizes = [1], strides = [1]} : vector<16xi32> to vector<1xi32>
      %squeeze3A_195 = vector.extract %slice3A_194[0] : i32 from vector<1xi32>
      %and3A = arith.constant 127 : i32
      %and3A_196 = arith.andi %squeeze3A_195, %and3A : i32
      %broadcast_in_dim3A = vector.broadcast %and3A_196 : i32 to vector<16xi32>
      %iota3A = tpu.iota {dimensions = array<i32: 0>} : vector<16xi32>
      %add3A_197 = arith.constant 0 : i32
      %add3A_198 = vector.broadcast %add3A_197 : i32 to vector<16xi32>
      %add3A_199 = arith.addi %iota3A, %add3A_198 : vector<16xi32>
      %shift_right_logical3A_200 = arith.constant 3 : i32
      %shift_right_logical3A_201 = vector.broadcast %shift_right_logical3A_200 : i32 to vector<16xi32>
      %shift_right_logical3A_202 = arith.shrui %add3A_199, %shift_right_logical3A_201 : vector<16xi32>
      %and3A_203 = arith.constant 7 : i32
      %and3A_204 = vector.broadcast %and3A_203 : i32 to vector<16xi32>
      %and3A_205 = arith.andi %add3A_199, %and3A_204 : vector<16xi32>
      %gather3A = arith.constant 0 : i32
      %gather3A_206 = arith.constant 0 : i32
      %gather3A_207 = arith.constant 0 : i32
      %gather3A_208 = arith.constant 0 : i32
      %gather3A_209 = tpu.memref_slice %arg6[%gather3A, %gather3A_206, %gather3A_207, %gather3A_208] : memref<8x8x8x128xf32, #tpu.memory_space<vmem>> -> memref<1x8x8x128xf32, #tpu.memory_space<vmem>>
      %gather3A_210 = tpu.memref_squeeze %gather3A_209 : memref<1x8x8x128xf32, #tpu.memory_space<vmem>> -> memref<8x8x128xf32, #tpu.memory_space<vmem>>
      %gather3A_211 = tpu.vector_load_idx %gather3A_210[%shift_right_logical3A_202, %and3A_205, %broadcast_in_dim3A] : memref<8x8x128xf32, #tpu.memory_space<vmem>>[vector<16xi32>, vector<16xi32>, vector<16xi32>], vector<16xf32>,
      %swap3A = arith.constant 0 : i32
      %swap3A_212 = arith.index_cast %swap3A : i32 to index
      %swap3A_213 = arith.constant 0 : index
      %swap3A_214 = tpu.vector_load %arg7[%swap3A_212, %swap3A_213] {strides = array<i32>} : memref<32x64xf32, #tpu.memory_space<vmem>>, vector<16xf32>,
      tpu.vector_store %arg7[%swap3A_212, %swap3A_213], %gather3A_211 {strides = array<i32>} : memref<32x64xf32, #tpu.memory_space<vmem>>, vector<16xf32>,
      %iota3A_215 = tpu.iota {dimensions = array<i32: 0>} : vector<16xi32>
      %add3A_216 = arith.constant 16 : i32
      %add3A_217 = vector.broadcast %add3A_216 : i32 to vector<16xi32>
      %add3A_218 = arith.addi %iota3A_215, %add3A_217 : vector<16xi32>
      %shift_right_logical3A_219 = arith.constant 3 : i32
      %shift_right_logical3A_220 = vector.broadcast %shift_right_logical3A_219 : i32 to vector<16xi32>
      %shift_right_logical3A_221 = arith.shrui %add3A_218, %shift_right_logical3A_220 : vector<16xi32>
      %and3A_222 = arith.constant 7 : i32
      %and3A_223 = vector.broadcast %and3A_222 : i32 to vector<16xi32>
      %and3A_224 = arith.andi %add3A_218, %and3A_223 : vector<16xi32>
      %gather3A_225 = arith.constant 0 : i32
      %gather3A_226 = arith.constant 0 : i32
      %gather3A_227 = arith.constant 0 : i32
      %gather3A_228 = arith.constant 0 : i32
      %gather3A_229 = tpu.memref_slice %arg6[%gather3A_225, %gather3A_226, %gather3A_227, %gather3A_228] : memref<8x8x8x128xf32, #tpu.memory_space<vmem>> -> memref<1x8x8x128xf32, #tpu.memory_space<vmem>>
      %gather3A_230 = tpu.memref_squeeze %gather3A_229 : memref<1x8x8x128xf32, #tpu.memory_space<vmem>> -> memref<8x8x128xf32, #tpu.memory_space<vmem>>
      %gather3A_231 = tpu.vector_load_idx %gather3A_230[%shift_right_logical3A_221, %and3A_224, %broadcast_in_dim3A] : memref<8x8x128xf32, #tpu.memory_space<vmem>>[vector<16xi32>, vector<16xi32>, vector<16xi32>], vector<16xf32>,
      %swap3A_232 = arith.constant 0 : i32
      %swap3A_233 = arith.index_cast %swap3A_232 : i32 to index
      %swap3A_234 = arith.constant 16 : index
      %swap3A_235 = tpu.vector_load %arg7[%swap3A_233, %swap3A_234] {strides = array<i32>} : memref<32x64xf32, #tpu.memory_space<vmem>>, vector<16xf32>,
      tpu.vector_store %arg7[%swap3A_233, %swap3A_234], %gather3A_231 {strides = array<i32>} : memref<32x64xf32, #tpu.memory_space<vmem>>, vector<16xf32>,
      %iota3A_236 = tpu.iota {dimensions = array<i32: 0>} : vector<16xi32>
      %add3A_237 = arith.constant 32 : i32
      %add3A_238 = vector.broadcast %add3A_237 : i32 to vector<16xi32>
      %add3A_239 = arith.addi %iota3A_236, %add3A_238 : vector<16xi32>
      %shift_right_logical3A_240 = arith.constant 3 : i32
      %shift_right_logical3A_241 = vector.broadcast %shift_right_logical3A_240 : i32 to vector<16xi32>
      %shift_right_logical3A_242 = arith.shrui %add3A_239, %shift_right_logical3A_241 : vector<16xi32>
      %and3A_243 = arith.constant 7 : i32
      %and3A_244 = vector.broadcast %and3A_243 : i32 to vector<16xi32>
      %and3A_245 = arith.andi %add3A_239, %and3A_244 : vector<16xi32>
      %gather3A_246 = arith.constant 0 : i32
      %gather3A_247 = arith.constant 0 : i32
      %gather3A_248 = arith.constant 0 : i32
      %gather3A_249 = arith.constant 0 : i32
      %gather3A_250 = tpu.memref_slice %arg6[%gather3A_246, %gather3A_247, %gather3A_248, %gather3A_249] : memref<8x8x8x128xf32, #tpu.memory_space<vmem>> -> memref<1x8x8x128xf32, #tpu.memory_space<vmem>>
      %gather3A_251 = tpu.memref_squeeze %gather3A_250 : memref<1x8x8x128xf32, #tpu.memory_space<vmem>> -> memref<8x8x128xf32, #tpu.memory_space<vmem>>
      %gather3A_252 = tpu.vector_load_idx %gather3A_251[%shift_right_logical3A_242, %and3A_245, %broadcast_in_dim3A] : memref<8x8x128xf32, #tpu.memory_space<vmem>>[vector<16xi32>, vector<16xi32>, vector<16xi32>], vector<16xf32>,
      %swap3A_253 = arith.constant 0 : i32
      %swap3A_254 = arith.index_cast %swap3A_253 : i32 to index
      %swap3A_255 = arith.constant 32 : index
      %swap3A_256 = tpu.vector_load %arg7[%swap3A_254, %swap3A_255] {strides = array<i32>} : memref<32x64xf32, #tpu.memory_space<vmem>>, vector<16xf32>,
      tpu.vector_store %arg7[%swap3A_254, %swap3A_255], %gather3A_252 {strides = array<i32>} : memref<32x64xf32, #tpu.memory_space<vmem>>, vector<16xf32>,
      %iota3A_257 = tpu.iota {dimensions = array<i32: 0>} : vector<16xi32>
      %add3A_258 = arith.constant 48 : i32
      %add3A_259 = vector.broadcast %add3A_258 : i32 to vector<16xi32>
      %add3A_260 = arith.addi %iota3A_257, %add3A_259 : vector<16xi32>
      %shift_right_logical3A_261 = arith.constant 3 : i32
      %shift_right_logical3A_262 = vector.broadcast %shift_right_logical3A_261 : i32 to vector<16xi32>
      %shift_right_logical3A_263 = arith.shrui %add3A_260, %shift_right_logical3A_262 : vector<16xi32>
      %and3A_264 = arith.constant 7 : i32
      %and3A_265 = vector.broadcast %and3A_264 : i32 to vector<16xi32>
      %and3A_266 = arith.andi %add3A_260, %and3A_265 : vector<16xi32>
      %gather3A_267 = arith.constant 0 : i32
      %gather3A_268 = arith.constant 0 : i32
      %gather3A_269 = arith.constant 0 : i32
      %gather3A_270 = arith.constant 0 : i32
      %gather3A_271 = tpu.memref_slice %arg6[%gather3A_267, %gather3A_268, %gather3A_269, %gather3A_270] : memref<8x8x8x128xf32, #tpu.memory_space<vmem>> -> memref<1x8x8x128xf32, #tpu.memory_space<vmem>>
      %gather3A_272 = tpu.memref_squeeze %gather3A_271 : memref<1x8x8x128xf32, #tpu.memory_space<vmem>> -> memref<8x8x128xf32, #tpu.memory_space<vmem>>
      %gather3A_273 = tpu.vector_load_idx %gather3A_272[%shift_right_logical3A_263, %and3A_266, %broadcast_in_dim3A] : memref<8x8x128xf32, #tpu.memory_space<vmem>>[vector<16xi32>, vector<16xi32>, vector<16xi32>], vector<16xf32>,
      %swap3A_274 = arith.constant 0 : i32
      %swap3A_275 = arith.index_cast %swap3A_274 : i32 to index
      %swap3A_276 = arith.constant 48 : index
      %swap3A_277 = tpu.vector_load %arg7[%swap3A_275, %swap3A_276] {strides = array<i32>} : memref<32x64xf32, #tpu.memory_space<vmem>>, vector<16xf32>,
      tpu.vector_store %arg7[%swap3A_275, %swap3A_276], %gather3A_273 {strides = array<i32>} : memref<32x64xf32, #tpu.memory_space<vmem>>, vector<16xf32>,
      %slice3A_278 = vector.extract_strided_slice %scan3A_169 {offsets = [7], sizes = [1], strides = [1]} : vector<16xi32> to vector<1xi32>
      %squeeze3A_279 = vector.extract %slice3A_278[0] : i32 from vector<1xi32>
      %shift_right_logical3A_280 = arith.constant 7 : i32
      %shift_right_logical3A_281 = arith.shrui %squeeze3A_279, %shift_right_logical3A_280 : i32
      %mul3A_282 = arith.constant 128 : i32
      %mul3A_283 = arith.muli %shift_right_logical3A_281, %mul3A_282 : i32
      %dma_start3A_284 = arith.constant 7 : i32
      %dma_start3A_285 = arith.constant 0 : i32
      %dma_start3A_286 = arith.constant 0 : i32
      %dma_start3A_287 = arith.constant 0 : i32
      %dma_start3A_288 = tpu.memref_slice %arg6[%dma_start3A_284, %dma_start3A_285, %dma_start3A_286, %dma_start3A_287] : memref<8x8x8x128xf32, #tpu.memory_space<vmem>> -> memref<1x8x8x128xf32, #tpu.memory_space<vmem>>
      %dma_start3A_289 = tpu.memref_squeeze %dma_start3A_288 : memref<1x8x8x128xf32, #tpu.memory_space<vmem>> -> memref<8x8x128xf32, #tpu.memory_space<vmem>>
      %dma_start3A_290 = arith.constant 0 : i32
      %dma_start3A_291 = arith.constant 0 : i32
      %dma_start3A_292 = tpu.memref_slice %arg3[%dma_start3A_290, %dma_start3A_291, %mul3A_283] : memref<8x8x1000000xf32, #tpu.memory_space<hbm>> -> memref<8x8x128xf32, #tpu.memory_space<hbm>>
      %dma_start3A_293 = arith.constant 0 : i32
      %dma_start3A_294 = arith.constant 0 : i32
      %dma_start3A_295 = arith.constant 0 : i32
      %dma_start3A_296 = tpu.memref_slice %arg6[%dma_start3A_284, %dma_start3A_293, %dma_start3A_294, %dma_start3A_295] : memref<8x8x8x128xf32, #tpu.memory_space<vmem>> -> memref<1x8x8x128xf32, #tpu.memory_space<vmem>>
      %dma_start3A_297 = tpu.memref_squeeze %dma_start3A_296 : memref<1x8x8x128xf32, #tpu.memory_space<vmem>> -> memref<8x8x128xf32, #tpu.memory_space<vmem>>
      %dma_start3A_298 = arith.constant 0 : i32
      %dma_start3A_299 = arith.constant 0 : i32
      %dma_start3A_300 = tpu.memref_slice %arg3[%dma_start3A_298, %dma_start3A_299, %mul3A_283] : memref<8x8x1000000xf32, #tpu.memory_space<hbm>> -> memref<8x8x128xf32, #tpu.memory_space<hbm>>
      tpu.enqueue_dma source(%dma_start3A_300 : memref<8x8x128xf32, #tpu.memory_space<hbm>>) target(%dma_start3A_297 : memref<8x8x128xf32, #tpu.memory_space<vmem>>) target_semaphore(%arg15 : memref<!tpu.dma_semaphore, #tpu.memory_space<semaphore_mem>>)
      %dma_wait3A_301 = arith.constant 1 : i32
      %dma_wait3A_302 = arith.constant 0 : i32
      %dma_wait3A_303 = arith.constant 0 : i32
      %dma_wait3A_304 = arith.constant 0 : i32
      %dma_wait3A_305 = tpu.memref_slice %arg6[%dma_wait3A_301, %dma_wait3A_302, %dma_wait3A_303, %dma_wait3A_304] : memref<8x8x8x128xf32, #tpu.memory_space<vmem>> -> memref<1x8x8x128xf32, #tpu.memory_space<vmem>>
      %dma_wait3A_306 = tpu.memref_squeeze %dma_wait3A_305 : memref<1x8x8x128xf32, #tpu.memory_space<vmem>> -> memref<8x8x128xf32, #tpu.memory_space<vmem>>
      %dma_wait3A_307 = arith.constant 0 : i32
      %dma_wait3A_308 = arith.constant 0 : i32
      %dma_wait3A_309 = arith.constant 0 : i32
      %dma_wait3A_310 = tpu.memref_slice %arg3[%dma_wait3A_307, %dma_wait3A_308, %dma_wait3A_309] : memref<8x8x1000000xf32, #tpu.memory_space<hbm>> -> memref<8x8x128xf32, #tpu.memory_space<hbm>>
      %dma_wait3A_311 = arith.constant 0 : i32
      %dma_wait3A_312 = arith.constant 0 : i32
      %dma_wait3A_313 = arith.constant 0 : i32
      %dma_wait3A_314 = tpu.memref_slice %arg6[%dma_wait3A_301, %dma_wait3A_311, %dma_wait3A_312, %dma_wait3A_313] : memref<8x8x8x128xf32, #tpu.memory_space<vmem>> -> memref<1x8x8x128xf32, #tpu.memory_space<vmem>>
      %dma_wait3A_315 = tpu.memref_squeeze %dma_wait3A_314 : memref<1x8x8x128xf32, #tpu.memory_space<vmem>> -> memref<8x8x128xf32, #tpu.memory_space<vmem>>
      %dma_wait3A_316 = arith.constant 0 : i32
      %dma_wait3A_317 = arith.constant 0 : i32
      %dma_wait3A_318 = arith.constant 0 : i32
      %dma_wait3A_319 = tpu.memref_slice %arg3[%dma_wait3A_316, %dma_wait3A_317, %dma_wait3A_318] : memref<8x8x1000000xf32, #tpu.memory_space<hbm>> -> memref<8x8x128xf32, #tpu.memory_space<hbm>>
      tpu.wait_dma2 semaphore(%arg9 : memref<!tpu.dma_semaphore, #tpu.memory_space<semaphore_mem>>) src(%dma_wait3A_319 : memref<8x8x128xf32, #tpu.memory_space<hbm>>) dst(%dma_wait3A_315 : memref<8x8x128xf32, #tpu.memory_space<vmem>>)
      %slice3A_320 = vector.extract_strided_slice %scan3A_169 {offsets = [1], sizes = [1], strides = [1]} : vector<16xi32> to vector<1xi32>
      %squeeze3A_321 = vector.extract %slice3A_320[0] : i32 from vector<1xi32>
      %and3A_322 = arith.constant 127 : i32
      %and3A_323 = arith.andi %squeeze3A_321, %and3A_322 : i32
      %broadcast_in_dim3A_324 = vector.broadcast %and3A_323 : i32 to vector<16xi32>
      %iota3A_325 = tpu.iota {dimensions = array<i32: 0>} : vector<16xi32>
      %add3A_326 = arith.constant 0 : i32
      %add3A_327 = vector.broadcast %add3A_326 : i32 to vector<16xi32>
      %add3A_328 = arith.addi %iota3A_325, %add3A_327 : vector<16xi32>
      %shift_right_logical3A_329 = arith.constant 3 : i32
      %shift_right_logical3A_330 = vector.broadcast %shift_right_logical3A_329 : i32 to vector<16xi32>
      %shift_right_logical3A_331 = arith.shrui %add3A_328, %shift_right_logical3A_330 : vector<16xi32>
      %and3A_332 = arith.constant 7 : i32
      %and3A_333 = vector.broadcast %and3A_332 : i32 to vector<16xi32>
      %and3A_334 = arith.andi %add3A_328, %and3A_333 : vector<16xi32>
      %gather3A_335 = arith.constant 1 : i32
      %gather3A_336 = arith.constant 0 : i32
      %gather3A_337 = arith.constant 0 : i32
      %gather3A_338 = arith.constant 0 : i32
      %gather3A_339 = tpu.memref_slice %arg6[%gather3A_335, %gather3A_336, %gather3A_337, %gather3A_338] : memref<8x8x8x128xf32, #tpu.memory_space<vmem>> -> memref<1x8x8x128xf32, #tpu.memory_space<vmem>>
      %gather3A_340 = tpu.memref_squeeze %gather3A_339 : memref<1x8x8x128xf32, #tpu.memory_space<vmem>> -> memref<8x8x128xf32, #tpu.memory_space<vmem>>
      %gather3A_341 = tpu.vector_load_idx %gather3A_340[%shift_right_logical3A_331, %and3A_334, %broadcast_in_dim3A_324] : memref<8x8x128xf32, #tpu.memory_space<vmem>>[vector<16xi32>, vector<16xi32>, vector<16xi32>], vector<16xf32>,
      %swap3A_342 = arith.constant 1 : i32
      %swap3A_343 = arith.index_cast %swap3A_342 : i32 to index
      %swap3A_344 = arith.constant 0 : index
      %swap3A_345 = tpu.vector_load %arg7[%swap3A_343, %swap3A_344] {strides = array<i32>} : memref<32x64xf32, #tpu.memory_space<vmem>>, vector<16xf32>,
      tpu.vector_store %arg7[%swap3A_343, %swap3A_344], %gather3A_341 {strides = array<i32>} : memref<32x64xf32, #tpu.memory_space<vmem>>, vector<16xf32>,
      %iota3A_346 = tpu.iota {dimensions = array<i32: 0>} : vector<16xi32>
      %add3A_347 = arith.constant 16 : i32
      %add3A_348 = vector.broadcast %add3A_347 : i32 to vector<16xi32>
      %add3A_349 = arith.addi %iota3A_346, %add3A_348 : vector<16xi32>
      %shift_right_logical3A_350 = arith.constant 3 : i32
      %shift_right_logical3A_351 = vector.broadcast %shift_right_logical3A_350 : i32 to vector<16xi32>
      %shift_right_logical3A_352 = arith.shrui %add3A_349, %shift_right_logical3A_351 : vector<16xi32>
      %and3A_353 = arith.constant 7 : i32
      %and3A_354 = vector.broadcast %and3A_353 : i32 to vector<16xi32>
      %and3A_355 = arith.andi %add3A_349, %and3A_354 : vector<16xi32>
      %gather3A_356 = arith.constant 1 : i32
      %gather3A_357 = arith.constant 0 : i32
      %gather3A_358 = arith.constant 0 : i32
      %gather3A_359 = arith.constant 0 : i32
      %gather3A_360 = tpu.memref_slice %arg6[%gather3A_356, %gather3A_357, %gather3A_358, %gather3A_359] : memref<8x8x8x128xf32, #tpu.memory_space<vmem>> -> memref<1x8x8x128xf32, #tpu.memory_space<vmem>>
      %gather3A_361 = tpu.memref_squeeze %gather3A_360 : memref<1x8x8x128xf32, #tpu.memory_space<vmem>> -> memref<8x8x128xf32, #tpu.memory_space<vmem>>
      %gather3A_362 = tpu.vector_load_idx %gather3A_361[%shift_right_logical3A_352, %and3A_355, %broadcast_in_dim3A_324] : memref<8x8x128xf32, #tpu.memory_space<vmem>>[vector<16xi32>, vector<16xi32>, vector<16xi32>], vector<16xf32>,
      %swap3A_363 = arith.constant 1 : i32
      %swap3A_364 = arith.index_cast %swap3A_363 : i32 to index
      %swap3A_365 = arith.constant 16 : index
      %swap3A_366 = tpu.vector_load %arg7[%swap3A_364, %swap3A_365] {strides = array<i32>} : memref<32x64xf32, #tpu.memory_space<vmem>>, vector<16xf32>,
      tpu.vector_store %arg7[%swap3A_364, %swap3A_365], %gather3A_362 {strides = array<i32>} : memref<32x64xf32, #tpu.memory_space<vmem>>, vector<16xf32>,
      %iota3A_367 = tpu.iota {dimensions = array<i32: 0>} : vector<16xi32>
      %add3A_368 = arith.constant 32 : i32
      %add3A_369 = vector.broadcast %add3A_368 : i32 to vector<16xi32>
      %add3A_370 = arith.addi %iota3A_367, %add3A_369 : vector<16xi32>
      %shift_right_logical3A_371 = arith.constant 3 : i32
      %shift_right_logical3A_372 = vector.broadcast %shift_right_logical3A_371 : i32 to vector<16xi32>
      %shift_right_logical3A_373 = arith.shrui %add3A_370, %shift_right_logical3A_372 : vector<16xi32>
      %and3A_374 = arith.constant 7 : i32
      %and3A_375 = vector.broadcast %and3A_374 : i32 to vector<16xi32>
      %and3A_376 = arith.andi %add3A_370, %and3A_375 : vector<16xi32>
      %gather3A_377 = arith.constant 1 : i32
      %gather3A_378 = arith.constant 0 : i32
      %gather3A_379 = arith.constant 0 : i32
      %gather3A_380 = arith.constant 0 : i32
      %gather3A_381 = tpu.memref_slice %arg6[%gather3A_377, %gather3A_378, %gather3A_379, %gather3A_380] : memref<8x8x8x128xf32, #tpu.memory_space<vmem>> -> memref<1x8x8x128xf32, #tpu.memory_space<vmem>>
      %gather3A_382 = tpu.memref_squeeze %gather3A_381 : memref<1x8x8x128xf32, #tpu.memory_space<vmem>> -> memref<8x8x128xf32, #tpu.memory_space<vmem>>
      %gather3A_383 = tpu.vector_load_idx %gather3A_382[%shift_right_logical3A_373, %and3A_376, %broadcast_in_dim3A_324] : memref<8x8x128xf32, #tpu.memory_space<vmem>>[vector<16xi32>, vector<16xi32>, vector<16xi32>], vector<16xf32>,
      %swap3A_384 = arith.constant 1 : i32
      %swap3A_385 = arith.index_cast %swap3A_384 : i32 to index
      %swap3A_386 = arith.constant 32 : index
      %swap3A_387 = tpu.vector_load %arg7[%swap3A_385, %swap3A_386] {strides = array<i32>} : memref<32x64xf32, #tpu.memory_space<vmem>>, vector<16xf32>,
      tpu.vector_store %arg7[%swap3A_385, %swap3A_386], %gather3A_383 {strides = array<i32>} : memref<32x64xf32, #tpu.memory_space<vmem>>, vector<16xf32>,
      %iota3A_388 = tpu.iota {dimensions = array<i32: 0>} : vector<16xi32>
      %add3A_389 = arith.constant 48 : i32
      %add3A_390 = vector.broadcast %add3A_389 : i32 to vector<16xi32>
      %add3A_391 = arith.addi %iota3A_388, %add3A_390 : vector<16xi32>
      %shift_right_logical3A_392 = arith.constant 3 : i32
      %shift_right_logical3A_393 = vector.broadcast %shift_right_logical3A_392 : i32 to vector<16xi32>
      %shift_right_logical3A_394 = arith.shrui %add3A_391, %shift_right_logical3A_393 : vector<16xi32>
      %and3A_395 = arith.constant 7 : i32
      %and3A_396 = vector.broadcast %and3A_395 : i32 to vector<16xi32>
      %and3A_397 = arith.andi %add3A_391, %and3A_396 : vector<16xi32>
      %gather3A_398 = arith.constant 1 : i32
      %gather3A_399 = arith.constant 0 : i32
      %gather3A_400 = arith.constant 0 : i32
      %gather3A_401 = arith.constant 0 : i32
      %gather3A_402 = tpu.memref_slice %arg6[%gather3A_398, %gather3A_399, %gather3A_400, %gather3A_401] : memref<8x8x8x128xf32, #tpu.memory_space<vmem>> -> memref<1x8x8x128xf32, #tpu.memory_space<vmem>>
      %gather3A_403 = tpu.memref_squeeze %gather3A_402 : memref<1x8x8x128xf32, #tpu.memory_space<vmem>> -> memref<8x8x128xf32, #tpu.memory_space<vmem>>
      %gather3A_404 = tpu.vector_load_idx %gather3A_403[%shift_right_logical3A_394, %and3A_397, %broadcast_in_dim3A_324] : memref<8x8x128xf32, #tpu.memory_space<vmem>>[vector<16xi32>, vector<16xi32>, vector<16xi32>], vector<16xf32>,
      %swap3A_405 = arith.constant 1 : i32
      %swap3A_406 = arith.index_cast %swap3A_405 : i32 to index
      %swap3A_407 = arith.constant 48 : index
      %swap3A_408 = tpu.vector_load %arg7[%swap3A_406, %swap3A_407] {strides = array<i32>} : memref<32x64xf32, #tpu.memory_space<vmem>>, vector<16xf32>,
      tpu.vector_store %arg7[%swap3A_406, %swap3A_407], %gather3A_404 {strides = array<i32>} : memref<32x64xf32, #tpu.memory_space<vmem>>, vector<16xf32>,
      %slice3A_409 = vector.extract_strided_slice %scan3A_169 {offsets = [8], sizes = [1], strides = [1]} : vector<16xi32> to vector<1xi32>
      %squeeze3A_410 = vector.extract %slice3A_409[0] : i32 from vector<1xi32>
      %shift_right_logical3A_411 = arith.constant 7 : i32
      %shift_right_logical3A_412 = arith.shrui %squeeze3A_410, %shift_right_logical3A_411 : i32
      %mul3A_413 = arith.constant 128 : i32
      %mul3A_414 = arith.muli %shift_right_logical3A_412, %mul3A_413 : i32
      %dma_start3A_415 = arith.constant 0 : i32
      %dma_start3A_416 = arith.constant 0 : i32
      %dma_start3A_417 = arith.constant 0 : i32
      %dma_start3A_418 = arith.constant 0 : i32
      %dma_start3A_419 = tpu.memref_slice %arg6[%dma_start3A_415, %dma_start3A_416, %dma_start3A_417, %dma_start3A_418] : memref<8x8x8x128xf32, #tpu.memory_space<vmem>> -> memref<1x8x8x128xf32, #tpu.memory_space<vmem>>
      %dma_start3A_420 = tpu.memref_squeeze %dma_start3A_419 : memref<1x8x8x128xf32, #tpu.memory_space<vmem>> -> memref<8x8x128xf32, #tpu.memory_space<vmem>>
      %dma_start3A_421 = arith.constant 0 : i32
      %dma_start3A_422 = arith.constant 0 : i32
      %dma_start3A_423 = tpu.memref_slice %arg3[%dma_start3A_421, %dma_start3A_422, %mul3A_414] : memref<8x8x1000000xf32, #tpu.memory_space<hbm>> -> memref<8x8x128xf32, #tpu.memory_space<hbm>>
      %dma_start3A_424 = arith.constant 0 : i32
      %dma_start3A_425 = arith.constant 0 : i32
      %dma_start3A_426 = arith.constant 0 : i32
      %dma_start3A_427 = tpu.memref_slice %arg6[%dma_start3A_415, %dma_start3A_424, %dma_start3A_425, %dma_start3A_426] : memref<8x8x8x128xf32, #tpu.memory_space<vmem>> -> memref<1x8x8x128xf32, #tpu.memory_space<vmem>>
      %dma_start3A_428 = tpu.memref_squeeze %dma_start3A_427 : memref<1x8x8x128xf32, #tpu.memory_space<vmem>> -> memref<8x8x128xf32, #tpu.memory_space<vmem>>
      %dma_start3A_429 = arith.constant 0 : i32
      %dma_start3A_430 = arith.constant 0 : i32
      %dma_start3A_431 = tpu.memref_slice %arg3[%dma_start3A_429, %dma_start3A_430, %mul3A_414] : memref<8x8x1000000xf32, #tpu.memory_space<hbm>> -> memref<8x8x128xf32, #tpu.memory_space<hbm>>
      tpu.enqueue_dma source(%dma_start3A_431 : memref<8x8x128xf32, #tpu.memory_space<hbm>>) target(%dma_start3A_428 : memref<8x8x128xf32, #tpu.memory_space<vmem>>) target_semaphore(%arg8 : memref<!tpu.dma_semaphore, #tpu.memory_space<semaphore_mem>>)
      %dma_wait3A_432 = arith.constant 2 : i32
      %dma_wait3A_433 = arith.constant 0 : i32
      %dma_wait3A_434 = arith.constant 0 : i32
      %dma_wait3A_435 = arith.constant 0 : i32
      %dma_wait3A_436 = tpu.memref_slice %arg6[%dma_wait3A_432, %dma_wait3A_433, %dma_wait3A_434, %dma_wait3A_435] : memref<8x8x8x128xf32, #tpu.memory_space<vmem>> -> memref<1x8x8x128xf32, #tpu.memory_space<vmem>>
      %dma_wait3A_437 = tpu.memref_squeeze %dma_wait3A_436 : memref<1x8x8x128xf32, #tpu.memory_space<vmem>> -> memref<8x8x128xf32, #tpu.memory_space<vmem>>
      %dma_wait3A_438 = arith.constant 0 : i32
      %dma_wait3A_439 = arith.constant 0 : i32
      %dma_wait3A_440 = arith.constant 0 : i32
      %dma_wait3A_441 = tpu.memref_slice %arg3[%dma_wait3A_438, %dma_wait3A_439, %dma_wait3A_440] : memref<8x8x1000000xf32, #tpu.memory_space<hbm>> -> memref<8x8x128xf32, #tpu.memory_space<hbm>>
      %dma_wait3A_442 = arith.constant 0 : i32
      %dma_wait3A_443 = arith.constant 0 : i32
      %dma_wait3A_444 = arith.constant 0 : i32
      %dma_wait3A_445 = tpu.memref_slice %arg6[%dma_wait3A_432, %dma_wait3A_442, %dma_wait3A_443, %dma_wait3A_444] : memref<8x8x8x128xf32, #tpu.memory_space<vmem>> -> memref<1x8x8x128xf32, #tpu.memory_space<vmem>>
      %dma_wait3A_446 = tpu.memref_squeeze %dma_wait3A_445 : memref<1x8x8x128xf32, #tpu.memory_space<vmem>> -> memref<8x8x128xf32, #tpu.memory_space<vmem>>
      %dma_wait3A_447 = arith.constant 0 : i32
      %dma_wait3A_448 = arith.constant 0 : i32
      %dma_wait3A_449 = arith.constant 0 : i32
      %dma_wait3A_450 = tpu.memref_slice %arg3[%dma_wait3A_447, %dma_wait3A_448, %dma_wait3A_449] : memref<8x8x1000000xf32, #tpu.memory_space<hbm>> -> memref<8x8x128xf32, #tpu.memory_space<hbm>>
      tpu.wait_dma2 semaphore(%arg10 : memref<!tpu.dma_semaphore, #tpu.memory_space<semaphore_mem>>) src(%dma_wait3A_450 : memref<8x8x128xf32, #tpu.memory_space<hbm>>) dst(%dma_wait3A_446 : memref<8x8x128xf32, #tpu.memory_space<vmem>>)
      %slice3A_451 = vector.extract_strided_slice %scan3A_169 {offsets = [2], sizes = [1], strides = [1]} : vector<16xi32> to vector<1xi32>
      %squeeze3A_452 = vector.extract %slice3A_451[0] : i32 from vector<1xi32>
      %and3A_453 = arith.constant 127 : i32
      %and3A_454 = arith.andi %squeeze3A_452, %and3A_453 : i32
      %broadcast_in_dim3A_455 = vector.broadcast %and3A_454 : i32 to vector<16xi32>
      %iota3A_456 = tpu.iota {dimensions = array<i32: 0>} : vector<16xi32>
      %add3A_457 = arith.constant 0 : i32
      %add3A_458 = vector.broadcast %add3A_457 : i32 to vector<16xi32>
      %add3A_459 = arith.addi %iota3A_456, %add3A_458 : vector<16xi32>
      %shift_right_logical3A_460 = arith.constant 3 : i32
      %shift_right_logical3A_461 = vector.broadcast %shift_right_logical3A_460 : i32 to vector<16xi32>
      %shift_right_logical3A_462 = arith.shrui %add3A_459, %shift_right_logical3A_461 : vector<16xi32>
      %and3A_463 = arith.constant 7 : i32
      %and3A_464 = vector.broadcast %and3A_463 : i32 to vector<16xi32>
      %and3A_465 = arith.andi %add3A_459, %and3A_464 : vector<16xi32>
      %gather3A_466 = arith.constant 2 : i32
      %gather3A_467 = arith.constant 0 : i32
      %gather3A_468 = arith.constant 0 : i32
      %gather3A_469 = arith.constant 0 : i32
      %gather3A_470 = tpu.memref_slice %arg6[%gather3A_466, %gather3A_467, %gather3A_468, %gather3A_469] : memref<8x8x8x128xf32, #tpu.memory_space<vmem>> -> memref<1x8x8x128xf32, #tpu.memory_space<vmem>>
      %gather3A_471 = tpu.memref_squeeze %gather3A_470 : memref<1x8x8x128xf32, #tpu.memory_space<vmem>> -> memref<8x8x128xf32, #tpu.memory_space<vmem>>
      %gather3A_472 = tpu.vector_load_idx %gather3A_471[%shift_right_logical3A_462, %and3A_465, %broadcast_in_dim3A_455] : memref<8x8x128xf32, #tpu.memory_space<vmem>>[vector<16xi32>, vector<16xi32>, vector<16xi32>], vector<16xf32>,
      %swap3A_473 = arith.constant 2 : i32
      %swap3A_474 = arith.index_cast %swap3A_473 : i32 to index
      %swap3A_475 = arith.constant 0 : index
      %swap3A_476 = tpu.vector_load %arg7[%swap3A_474, %swap3A_475] {strides = array<i32>} : memref<32x64xf32, #tpu.memory_space<vmem>>, vector<16xf32>,
      tpu.vector_store %arg7[%swap3A_474, %swap3A_475], %gather3A_472 {strides = array<i32>} : memref<32x64xf32, #tpu.memory_space<vmem>>, vector<16xf32>,
      %iota3A_477 = tpu.iota {dimensions = array<i32: 0>} : vector<16xi32>
      %add3A_478 = arith.constant 16 : i32
      %add3A_479 = vector.broadcast %add3A_478 : i32 to vector<16xi32>
      %add3A_480 = arith.addi %iota3A_477, %add3A_479 : vector<16xi32>
      %shift_right_logical3A_481 = arith.constant 3 : i32
      %shift_right_logical3A_482 = vector.broadcast %shift_right_logical3A_481 : i32 to vector<16xi32>
      %shift_right_logical3A_483 = arith.shrui %add3A_480, %shift_right_logical3A_482 : vector<16xi32>
      %and3A_484 = arith.constant 7 : i32
      %and3A_485 = vector.broadcast %and3A_484 : i32 to vector<16xi32>
      %and3A_486 = arith.andi %add3A_480, %and3A_485 : vector<16xi32>
      %gather3A_487 = arith.constant 2 : i32
      %gather3A_488 = arith.constant 0 : i32
      %gather3A_489 = arith.constant 0 : i32
      %gather3A_490 = arith.constant 0 : i32
      %gather3A_491 = tpu.memref_slice %arg6[%gather3A_487, %gather3A_488, %gather3A_489, %gather3A_490] : memref<8x8x8x128xf32, #tpu.memory_space<vmem>> -> memref<1x8x8x128xf32, #tpu.memory_space<vmem>>
      %gather3A_492 = tpu.memref_squeeze %gather3A_491 : memref<1x8x8x128xf32, #tpu.memory_space<vmem>> -> memref<8x8x128xf32, #tpu.memory_space<vmem>>
      %gather3A_493 = tpu.vector_load_idx %gather3A_492[%shift_right_logical3A_483, %and3A_486, %broadcast_in_dim3A_455] : memref<8x8x128xf32, #tpu.memory_space<vmem>>[vector<16xi32>, vector<16xi32>, vector<16xi32>], vector<16xf32>,
      %swap3A_494 = arith.constant 2 : i32
      %swap3A_495 = arith.index_cast %swap3A_494 : i32 to index
      %swap3A_496 = arith.constant 16 : index
      %swap3A_497 = tpu.vector_load %arg7[%swap3A_495, %swap3A_496] {strides = array<i32>} : memref<32x64xf32, #tpu.memory_space<vmem>>, vector<16xf32>,
      tpu.vector_store %arg7[%swap3A_495, %swap3A_496], %gather3A_493 {strides = array<i32>} : memref<32x64xf32, #tpu.memory_space<vmem>>, vector<16xf32>,
      %iota3A_498 = tpu.iota {dimensions = array<i32: 0>} : vector<16xi32>
      %add3A_499 = arith.constant 32 : i32
      %add3A_500 = vector.broadcast %add3A_499 : i32 to vector<16xi32>
      %add3A_501 = arith.addi %iota3A_498, %add3A_500 : vector<16xi32>
      %shift_right_logical3A_502 = arith.constant 3 : i32
      %shift_right_logical3A_503 = vector.broadcast %shift_right_logical3A_502 : i32 to vector<16xi32>
      %shift_right_logical3A_504 = arith.shrui %add3A_501, %shift_right_logical3A_503 : vector<16xi32>
      %and3A_505 = arith.constant 7 : i32
      %and3A_506 = vector.broadcast %and3A_505 : i32 to vector<16xi32>
      %and3A_507 = arith.andi %add3A_501, %and3A_506 : vector<16xi32>
      %gather3A_508 = arith.constant 2 : i32
      %gather3A_509 = arith.constant 0 : i32
      %gather3A_510 = arith.constant 0 : i32
      %gather3A_511 = arith.constant 0 : i32
      %gather3A_512 = tpu.memref_slice %arg6[%gather3A_508, %gather3A_509, %gather3A_510, %gather3A_511] : memref<8x8x8x128xf32, #tpu.memory_space<vmem>> -> memref<1x8x8x128xf32, #tpu.memory_space<vmem>>
      %gather3A_513 = tpu.memref_squeeze %gather3A_512 : memref<1x8x8x128xf32, #tpu.memory_space<vmem>> -> memref<8x8x128xf32, #tpu.memory_space<vmem>>
      %gather3A_514 = tpu.vector_load_idx %gather3A_513[%shift_right_logical3A_504, %and3A_507, %broadcast_in_dim3A_455] : memref<8x8x128xf32, #tpu.memory_space<vmem>>[vector<16xi32>, vector<16xi32>, vector<16xi32>], vector<16xf32>,
      %swap3A_515 = arith.constant 2 : i32
      %swap3A_516 = arith.index_cast %swap3A_515 : i32 to index
      %swap3A_517 = arith.constant 32 : index
      %swap3A_518 = tpu.vector_load %arg7[%swap3A_516, %swap3A_517] {strides = array<i32>} : memref<32x64xf32, #tpu.memory_space<vmem>>, vector<16xf32>,
      tpu.vector_store %arg7[%swap3A_516, %swap3A_517], %gather3A_514 {strides = array<i32>} : memref<32x64xf32, #tpu.memory_space<vmem>>, vector<16xf32>,
      %iota3A_519 = tpu.iota {dimensions = array<i32: 0>} : vector<16xi32>
      %add3A_520 = arith.constant 48 : i32
      %add3A_521 = vector.broadcast %add3A_520 : i32 to vector<16xi32>
      %add3A_522 = arith.addi %iota3A_519, %add3A_521 : vector<16xi32>
      %shift_right_logical3A_523 = arith.constant 3 : i32
      %shift_right_logical3A_524 = vector.broadcast %shift_right_logical3A_523 : i32 to vector<16xi32>
      %shift_right_logical3A_525 = arith.shrui %add3A_522, %shift_right_logical3A_524 : vector<16xi32>
      %and3A_526 = arith.constant 7 : i32
      %and3A_527 = vector.broadcast %and3A_526 : i32 to vector<16xi32>
      %and3A_528 = arith.andi %add3A_522, %and3A_527 : vector<16xi32>
      %gather3A_529 = arith.constant 2 : i32
      %gather3A_530 = arith.constant 0 : i32
      %gather3A_531 = arith.constant 0 : i32
      %gather3A_532 = arith.constant 0 : i32
      %gather3A_533 = tpu.memref_slice %arg6[%gather3A_529, %gather3A_530, %gather3A_531, %gather3A_532] : memref<8x8x8x128xf32, #tpu.memory_space<vmem>> -> memref<1x8x8x128xf32, #tpu.memory_space<vmem>>
      %gather3A_534 = tpu.memref_squeeze %gather3A_533 : memref<1x8x8x128xf32, #tpu.memory_space<vmem>> -> memref<8x8x128xf32, #tpu.memory_space<vmem>>
      %gather3A_535 = tpu.vector_load_idx %gather3A_534[%shift_right_logical3A_525, %and3A_528, %broadcast_in_dim3A_455] : memref<8x8x128xf32, #tpu.memory_space<vmem>>[vector<16xi32>, vector<16xi32>, vector<16xi32>], vector<16xf32>,
      %swap3A_536 = arith.constant 2 : i32
      %swap3A_537 = arith.index_cast %swap3A_536 : i32 to index
      %swap3A_538 = arith.constant 48 : index
      %swap3A_539 = tpu.vector_load %arg7[%swap3A_537, %swap3A_538] {strides = array<i32>} : memref<32x64xf32, #tpu.memory_space<vmem>>, vector<16xf32>,
      tpu.vector_store %arg7[%swap3A_537, %swap3A_538], %gather3A_535 {strides = array<i32>} : memref<32x64xf32, #tpu.memory_space<vmem>>, vector<16xf32>,
      %slice3A_540 = vector.extract_strided_slice %scan3A_169 {offsets = [9], sizes = [1], strides = [1]} : vector<16xi32> to vector<1xi32>
      %squeeze3A_541 = vector.extract %slice3A_540[0] : i32 from vector<1xi32>
      %shift_right_logical3A_542 = arith.constant 7 : i32
      %shift_right_logical3A_543 = arith.shrui %squeeze3A_541, %shift_right_logical3A_542 : i32
      %mul3A_544 = arith.constant 128 : i32
      %mul3A_545 = arith.muli %shift_right_logical3A_543, %mul3A_544 : i32
      %dma_start3A_546 = arith.constant 1 : i32
      %dma_start3A_547 = arith.constant 0 : i32
      %dma_start3A_548 = arith.constant 0 : i32
      %dma_start3A_549 = arith.constant 0 : i32
      %dma_start3A_550 = tpu.memref_slice %arg6[%dma_start3A_546, %dma_start3A_547, %dma_start3A_548, %dma_start3A_549] : memref<8x8x8x128xf32, #tpu.memory_space<vmem>> -> memref<1x8x8x128xf32, #tpu.memory_space<vmem>>
      %dma_start3A_551 = tpu.memref_squeeze %dma_start3A_550 : memref<1x8x8x128xf32, #tpu.memory_space<vmem>> -> memref<8x8x128xf32, #tpu.memory_space<vmem>>
      %dma_start3A_552 = arith.constant 0 : i32
      %dma_start3A_553 = arith.constant 0 : i32
      %dma_start3A_554 = tpu.memref_slice %arg3[%dma_start3A_552, %dma_start3A_553, %mul3A_545] : memref<8x8x1000000xf32, #tpu.memory_space<hbm>> -> memref<8x8x128xf32, #tpu.memory_space<hbm>>
      %dma_start3A_555 = arith.constant 0 : i32
      %dma_start3A_556 = arith.constant 0 : i32
      %dma_start3A_557 = arith.constant 0 : i32
      %dma_start3A_558 = tpu.memref_slice %arg6[%dma_start3A_546, %dma_start3A_555, %dma_start3A_556, %dma_start3A_557] : memref<8x8x8x128xf32, #tpu.memory_space<vmem>> -> memref<1x8x8x128xf32, #tpu.memory_space<vmem>>
      %dma_start3A_559 = tpu.memref_squeeze %dma_start3A_558 : memref<1x8x8x128xf32, #tpu.memory_space<vmem>> -> memref<8x8x128xf32, #tpu.memory_space<vmem>>
      %dma_start3A_560 = arith.constant 0 : i32
      %dma_start3A_561 = arith.constant 0 : i32
      %dma_start3A_562 = tpu.memref_slice %arg3[%dma_start3A_560, %dma_start3A_561, %mul3A_545] : memref<8x8x1000000xf32, #tpu.memory_space<hbm>> -> memref<8x8x128xf32, #tpu.memory_space<hbm>>
      tpu.enqueue_dma source(%dma_start3A_562 : memref<8x8x128xf32, #tpu.memory_space<hbm>>) target(%dma_start3A_559 : memref<8x8x128xf32, #tpu.memory_space<vmem>>) target_semaphore(%arg9 : memref<!tpu.dma_semaphore, #tpu.memory_space<semaphore_mem>>)
      %dma_wait3A_563 = arith.constant 3 : i32
      %dma_wait3A_564 = arith.constant 0 : i32
      %dma_wait3A_565 = arith.constant 0 : i32
      %dma_wait3A_566 = arith.constant 0 : i32
      %dma_wait3A_567 = tpu.memref_slice %arg6[%dma_wait3A_563, %dma_wait3A_564, %dma_wait3A_565, %dma_wait3A_566] : memref<8x8x8x128xf32, #tpu.memory_space<vmem>> -> memref<1x8x8x128xf32, #tpu.memory_space<vmem>>
      %dma_wait3A_568 = tpu.memref_squeeze %dma_wait3A_567 : memref<1x8x8x128xf32, #tpu.memory_space<vmem>> -> memref<8x8x128xf32, #tpu.memory_space<vmem>>
      %dma_wait3A_569 = arith.constant 0 : i32
      %dma_wait3A_570 = arith.constant 0 : i32
      %dma_wait3A_571 = arith.constant 0 : i32
      %dma_wait3A_572 = tpu.memref_slice %arg3[%dma_wait3A_569, %dma_wait3A_570, %dma_wait3A_571] : memref<8x8x1000000xf32, #tpu.memory_space<hbm>> -> memref<8x8x128xf32, #tpu.memory_space<hbm>>
      %dma_wait3A_573 = arith.constant 0 : i32
      %dma_wait3A_574 = arith.constant 0 : i32
      %dma_wait3A_575 = arith.constant 0 : i32
      %dma_wait3A_576 = tpu.memref_slice %arg6[%dma_wait3A_563, %dma_wait3A_573, %dma_wait3A_574, %dma_wait3A_575] : memref<8x8x8x128xf32, #tpu.memory_space<vmem>> -> memref<1x8x8x128xf32, #tpu.memory_space<vmem>>
      %dma_wait3A_577 = tpu.memref_squeeze %dma_wait3A_576 : memref<1x8x8x128xf32, #tpu.memory_space<vmem>> -> memref<8x8x128xf32, #tpu.memory_space<vmem>>
      %dma_wait3A_578 = arith.constant 0 : i32
      %dma_wait3A_579 = arith.constant 0 : i32
      %dma_wait3A_580 = arith.constant 0 : i32
      %dma_wait3A_581 = tpu.memref_slice %arg3[%dma_wait3A_578, %dma_wait3A_579, %dma_wait3A_580] : memref<8x8x1000000xf32, #tpu.memory_space<hbm>> -> memref<8x8x128xf32, #tpu.memory_space<hbm>>
      tpu.wait_dma2 semaphore(%arg11 : memref<!tpu.dma_semaphore, #tpu.memory_space<semaphore_mem>>) src(%dma_wait3A_581 : memref<8x8x128xf32, #tpu.memory_space<hbm>>) dst(%dma_wait3A_577 : memref<8x8x128xf32, #tpu.memory_space<vmem>>)
      %slice3A_582 = vector.extract_strided_slice %scan3A_169 {offsets = [3], sizes = [1], strides = [1]} : vector<16xi32> to vector<1xi32>
      %squeeze3A_583 = vector.extract %slice3A_582[0] : i32 from vector<1xi32>
      %and3A_584 = arith.constant 127 : i32
      %and3A_585 = arith.andi %squeeze3A_583, %and3A_584 : i32
      %broadcast_in_dim3A_586 = vector.broadcast %and3A_585 : i32 to vector<16xi32>
      %iota3A_587 = tpu.iota {dimensions = array<i32: 0>} : vector<16xi32>
      %add3A_588 = arith.constant 0 : i32
      %add3A_589 = vector.broadcast %add3A_588 : i32 to vector<16xi32>
      %add3A_590 = arith.addi %iota3A_587, %add3A_589 : vector<16xi32>
      %shift_right_logical3A_591 = arith.constant 3 : i32
      %shift_right_logical3A_592 = vector.broadcast %shift_right_logical3A_591 : i32 to vector<16xi32>
      %shift_right_logical3A_593 = arith.shrui %add3A_590, %shift_right_logical3A_592 : vector<16xi32>
      %and3A_594 = arith.constant 7 : i32
      %and3A_595 = vector.broadcast %and3A_594 : i32 to vector<16xi32>
      %and3A_596 = arith.andi %add3A_590, %and3A_595 : vector<16xi32>
      %gather3A_597 = arith.constant 3 : i32
      %gather3A_598 = arith.constant 0 : i32
      %gather3A_599 = arith.constant 0 : i32
      %gather3A_600 = arith.constant 0 : i32
      %gather3A_601 = tpu.memref_slice %arg6[%gather3A_597, %gather3A_598, %gather3A_599, %gather3A_600] : memref<8x8x8x128xf32, #tpu.memory_space<vmem>> -> memref<1x8x8x128xf32, #tpu.memory_space<vmem>>
      %gather3A_602 = tpu.memref_squeeze %gather3A_601 : memref<1x8x8x128xf32, #tpu.memory_space<vmem>> -> memref<8x8x128xf32, #tpu.memory_space<vmem>>
      %gather3A_603 = tpu.vector_load_idx %gather3A_602[%shift_right_logical3A_593, %and3A_596, %broadcast_in_dim3A_586] : memref<8x8x128xf32, #tpu.memory_space<vmem>>[vector<16xi32>, vector<16xi32>, vector<16xi32>], vector<16xf32>,
      %swap3A_604 = arith.constant 3 : i32
      %swap3A_605 = arith.index_cast %swap3A_604 : i32 to index
      %swap3A_606 = arith.constant 0 : index
      %swap3A_607 = tpu.vector_load %arg7[%swap3A_605, %swap3A_606] {strides = array<i32>} : memref<32x64xf32, #tpu.memory_space<vmem>>, vector<16xf32>,
      tpu.vector_store %arg7[%swap3A_605, %swap3A_606], %gather3A_603 {strides = array<i32>} : memref<32x64xf32, #tpu.memory_space<vmem>>, vector<16xf32>,
      %iota3A_608 = tpu.iota {dimensions = array<i32: 0>} : vector<16xi32>
      %add3A_609 = arith.constant 16 : i32
      %add3A_610 = vector.broadcast %add3A_609 : i32 to vector<16xi32>
      %add3A_611 = arith.addi %iota3A_608, %add3A_610 : vector<16xi32>
      %shift_right_logical3A_612 = arith.constant 3 : i32
      %shift_right_logical3A_613 = vector.broadcast %shift_right_logical3A_612 : i32 to vector<16xi32>
      %shift_right_logical3A_614 = arith.shrui %add3A_611, %shift_right_logical3A_613 : vector<16xi32>
      %and3A_615 = arith.constant 7 : i32
      %and3A_616 = vector.broadcast %and3A_615 : i32 to vector<16xi32>
      %and3A_617 = arith.andi %add3A_611, %and3A_616 : vector<16xi32>
      %gather3A_618 = arith.constant 3 : i32
      %gather3A_619 = arith.constant 0 : i32
      %gather3A_620 = arith.constant 0 : i32
      %gather3A_621 = arith.constant 0 : i32
      %gather3A_622 = tpu.memref_slice %arg6[%gather3A_618, %gather3A_619, %gather3A_620, %gather3A_621] : memref<8x8x8x128xf32, #tpu.memory_space<vmem>> -> memref<1x8x8x128xf32, #tpu.memory_space<vmem>>
      %gather3A_623 = tpu.memref_squeeze %gather3A_622 : memref<1x8x8x128xf32, #tpu.memory_space<vmem>> -> memref<8x8x128xf32, #tpu.memory_space<vmem>>
      %gather3A_624 = tpu.vector_load_idx %gather3A_623[%shift_right_logical3A_614, %and3A_617, %broadcast_in_dim3A_586] : memref<8x8x128xf32, #tpu.memory_space<vmem>>[vector<16xi32>, vector<16xi32>, vector<16xi32>], vector<16xf32>,
      %swap3A_625 = arith.constant 3 : i32
      %swap3A_626 = arith.index_cast %swap3A_625 : i32 to index
      %swap3A_627 = arith.constant 16 : index
      %swap3A_628 = tpu.vector_load %arg7[%swap3A_626, %swap3A_627] {strides = array<i32>} : memref<32x64xf32, #tpu.memory_space<vmem>>, vector<16xf32>,
      tpu.vector_store %arg7[%swap3A_626, %swap3A_627], %gather3A_624 {strides = array<i32>} : memref<32x64xf32, #tpu.memory_space<vmem>>, vector<16xf32>,
      %iota3A_629 = tpu.iota {dimensions = array<i32: 0>} : vector<16xi32>
      %add3A_630 = arith.constant 32 : i32
      %add3A_631 = vector.broadcast %add3A_630 : i32 to vector<16xi32>
      %add3A_632 = arith.addi %iota3A_629, %add3A_631 : vector<16xi32>
      %shift_right_logical3A_633 = arith.constant 3 : i32
      %shift_right_logical3A_634 = vector.broadcast %shift_right_logical3A_633 : i32 to vector<16xi32>
      %shift_right_logical3A_635 = arith.shrui %add3A_632, %shift_right_logical3A_634 : vector<16xi32>
      %and3A_636 = arith.constant 7 : i32
      %and3A_637 = vector.broadcast %and3A_636 : i32 to vector<16xi32>
      %and3A_638 = arith.andi %add3A_632, %and3A_637 : vector<16xi32>
      %gather3A_639 = arith.constant 3 : i32
      %gather3A_640 = arith.constant 0 : i32
      %gather3A_641 = arith.constant 0 : i32
      %gather3A_642 = arith.constant 0 : i32
      %gather3A_643 = tpu.memref_slice %arg6[%gather3A_639, %gather3A_640, %gather3A_641, %gather3A_642] : memref<8x8x8x128xf32, #tpu.memory_space<vmem>> -> memref<1x8x8x128xf32, #tpu.memory_space<vmem>>
      %gather3A_644 = tpu.memref_squeeze %gather3A_643 : memref<1x8x8x128xf32, #tpu.memory_space<vmem>> -> memref<8x8x128xf32, #tpu.memory_space<vmem>>
      %gather3A_645 = tpu.vector_load_idx %gather3A_644[%shift_right_logical3A_635, %and3A_638, %broadcast_in_dim3A_586] : memref<8x8x128xf32, #tpu.memory_space<vmem>>[vector<16xi32>, vector<16xi32>, vector<16xi32>], vector<16xf32>,
      %swap3A_646 = arith.constant 3 : i32
      %swap3A_647 = arith.index_cast %swap3A_646 : i32 to index
      %swap3A_648 = arith.constant 32 : index
      %swap3A_649 = tpu.vector_load %arg7[%swap3A_647, %swap3A_648] {strides = array<i32>} : memref<32x64xf32, #tpu.memory_space<vmem>>, vector<16xf32>,
      tpu.vector_store %arg7[%swap3A_647, %swap3A_648], %gather3A_645 {strides = array<i32>} : memref<32x64xf32, #tpu.memory_space<vmem>>, vector<16xf32>,
      %iota3A_650 = tpu.iota {dimensions = array<i32: 0>} : vector<16xi32>
      %add3A_651 = arith.constant 48 : i32
      %add3A_652 = vector.broadcast %add3A_651 : i32 to vector<16xi32>
      %add3A_653 = arith.addi %iota3A_650, %add3A_652 : vector<16xi32>
      %shift_right_logical3A_654 = arith.constant 3 : i32
      %shift_right_logical3A_655 = vector.broadcast %shift_right_logical3A_654 : i32 to vector<16xi32>
      %shift_right_logical3A_656 = arith.shrui %add3A_653, %shift_right_logical3A_655 : vector<16xi32>
      %and3A_657 = arith.constant 7 : i32
      %and3A_658 = vector.broadcast %and3A_657 : i32 to vector<16xi32>
      %and3A_659 = arith.andi %add3A_653, %and3A_658 : vector<16xi32>
      %gather3A_660 = arith.constant 3 : i32
      %gather3A_661 = arith.constant 0 : i32
      %gather3A_662 = arith.constant 0 : i32
      %gather3A_663 = arith.constant 0 : i32
      %gather3A_664 = tpu.memref_slice %arg6[%gather3A_660, %gather3A_661, %gather3A_662, %gather3A_663] : memref<8x8x8x128xf32, #tpu.memory_space<vmem>> -> memref<1x8x8x128xf32, #tpu.memory_space<vmem>>
      %gather3A_665 = tpu.memref_squeeze %gather3A_664 : memref<1x8x8x128xf32, #tpu.memory_space<vmem>> -> memref<8x8x128xf32, #tpu.memory_space<vmem>>
      %gather3A_666 = tpu.vector_load_idx %gather3A_665[%shift_right_logical3A_656, %and3A_659, %broadcast_in_dim3A_586] : memref<8x8x128xf32, #tpu.memory_space<vmem>>[vector<16xi32>, vector<16xi32>, vector<16xi32>], vector<16xf32>,
      %swap3A_667 = arith.constant 3 : i32
      %swap3A_668 = arith.index_cast %swap3A_667 : i32 to index
      %swap3A_669 = arith.constant 48 : index
      %swap3A_670 = tpu.vector_load %arg7[%swap3A_668, %swap3A_669] {strides = array<i32>} : memref<32x64xf32, #tpu.memory_space<vmem>>, vector<16xf32>,
      tpu.vector_store %arg7[%swap3A_668, %swap3A_669], %gather3A_666 {strides = array<i32>} : memref<32x64xf32, #tpu.memory_space<vmem>>, vector<16xf32>,
      %slice3A_671 = vector.extract_strided_slice %scan3A_169 {offsets = [10], sizes = [1], strides = [1]} : vector<16xi32> to vector<1xi32>
      %squeeze3A_672 = vector.extract %slice3A_671[0] : i32 from vector<1xi32>
      %shift_right_logical3A_673 = arith.constant 7 : i32
      %shift_right_logical3A_674 = arith.shrui %squeeze3A_672, %shift_right_logical3A_673 : i32
      %mul3A_675 = arith.constant 128 : i32
      %mul3A_676 = arith.muli %shift_right_logical3A_674, %mul3A_675 : i32
      %dma_start3A_677 = arith.constant 2 : i32
      %dma_start3A_678 = arith.constant 0 : i32
      %dma_start3A_679 = arith.constant 0 : i32
      %dma_start3A_680 = arith.constant 0 : i32
      %dma_start3A_681 = tpu.memref_slice %arg6[%dma_start3A_677, %dma_start3A_678, %dma_start3A_679, %dma_start3A_680] : memref<8x8x8x128xf32, #tpu.memory_space<vmem>> -> memref<1x8x8x128xf32, #tpu.memory_space<vmem>>
      %dma_start3A_682 = tpu.memref_squeeze %dma_start3A_681 : memref<1x8x8x128xf32, #tpu.memory_space<vmem>> -> memref<8x8x128xf32, #tpu.memory_space<vmem>>
      %dma_start3A_683 = arith.constant 0 : i32
      %dma_start3A_684 = arith.constant 0 : i32
      %dma_start3A_685 = tpu.memref_slice %arg3[%dma_start3A_683, %dma_start3A_684, %mul3A_676] : memref<8x8x1000000xf32, #tpu.memory_space<hbm>> -> memref<8x8x128xf32, #tpu.memory_space<hbm>>
      %dma_start3A_686 = arith.constant 0 : i32
      %dma_start3A_687 = arith.constant 0 : i32
      %dma_start3A_688 = arith.constant 0 : i32
      %dma_start3A_689 = tpu.memref_slice %arg6[%dma_start3A_677, %dma_start3A_686, %dma_start3A_687, %dma_start3A_688] : memref<8x8x8x128xf32, #tpu.memory_space<vmem>> -> memref<1x8x8x128xf32, #tpu.memory_space<vmem>>
      %dma_start3A_690 = tpu.memref_squeeze %dma_start3A_689 : memref<1x8x8x128xf32, #tpu.memory_space<vmem>> -> memref<8x8x128xf32, #tpu.memory_space<vmem>>
      %dma_start3A_691 = arith.constant 0 : i32
      %dma_start3A_692 = arith.constant 0 : i32
      %dma_start3A_693 = tpu.memref_slice %arg3[%dma_start3A_691, %dma_start3A_692, %mul3A_676] : memref<8x8x1000000xf32, #tpu.memory_space<hbm>> -> memref<8x8x128xf32, #tpu.memory_space<hbm>>
      tpu.enqueue_dma source(%dma_start3A_693 : memref<8x8x128xf32, #tpu.memory_space<hbm>>) target(%dma_start3A_690 : memref<8x8x128xf32, #tpu.memory_space<vmem>>) target_semaphore(%arg10 : memref<!tpu.dma_semaphore, #tpu.memory_space<semaphore_mem>>)
      %dma_wait3A_694 = arith.constant 4 : i32
      %dma_wait3A_695 = arith.constant 0 : i32
      %dma_wait3A_696 = arith.constant 0 : i32
      %dma_wait3A_697 = arith.constant 0 : i32
      %dma_wait3A_698 = tpu.memref_slice %arg6[%dma_wait3A_694, %dma_wait3A_695, %dma_wait3A_696, %dma_wait3A_697] : memref<8x8x8x128xf32, #tpu.memory_space<vmem>> -> memref<1x8x8x128xf32, #tpu.memory_space<vmem>>
      %dma_wait3A_699 = tpu.memref_squeeze %dma_wait3A_698 : memref<1x8x8x128xf32, #tpu.memory_space<vmem>> -> memref<8x8x128xf32, #tpu.memory_space<vmem>>
      %dma_wait3A_700 = arith.constant 0 : i32
      %dma_wait3A_701 = arith.constant 0 : i32
      %dma_wait3A_702 = arith.constant 0 : i32
      %dma_wait3A_703 = tpu.memref_slice %arg3[%dma_wait3A_700, %dma_wait3A_701, %dma_wait3A_702] : memref<8x8x1000000xf32, #tpu.memory_space<hbm>> -> memref<8x8x128xf32, #tpu.memory_space<hbm>>
      %dma_wait3A_704 = arith.constant 0 : i32
      %dma_wait3A_705 = arith.constant 0 : i32
      %dma_wait3A_706 = arith.constant 0 : i32
      %dma_wait3A_707 = tpu.memref_slice %arg6[%dma_wait3A_694, %dma_wait3A_704, %dma_wait3A_705, %dma_wait3A_706] : memref<8x8x8x128xf32, #tpu.memory_space<vmem>> -> memref<1x8x8x128xf32, #tpu.memory_space<vmem>>
      %dma_wait3A_708 = tpu.memref_squeeze %dma_wait3A_707 : memref<1x8x8x128xf32, #tpu.memory_space<vmem>> -> memref<8x8x128xf32, #tpu.memory_space<vmem>>
      %dma_wait3A_709 = arith.constant 0 : i32
      %dma_wait3A_710 = arith.constant 0 : i32
      %dma_wait3A_711 = arith.constant 0 : i32
      %dma_wait3A_712 = tpu.memref_slice %arg3[%dma_wait3A_709, %dma_wait3A_710, %dma_wait3A_711] : memref<8x8x1000000xf32, #tpu.memory_space<hbm>> -> memref<8x8x128xf32, #tpu.memory_space<hbm>>
      tpu.wait_dma2 semaphore(%arg12 : memref<!tpu.dma_semaphore, #tpu.memory_space<semaphore_mem>>) src(%dma_wait3A_712 : memref<8x8x128xf32, #tpu.memory_space<hbm>>) dst(%dma_wait3A_708 : memref<8x8x128xf32, #tpu.memory_space<vmem>>)
      %slice3A_713 = vector.extract_strided_slice %scan3A_169 {offsets = [4], sizes = [1], strides = [1]} : vector<16xi32> to vector<1xi32>
      %squeeze3A_714 = vector.extract %slice3A_713[0] : i32 from vector<1xi32>
      %and3A_715 = arith.constant 127 : i32
      %and3A_716 = arith.andi %squeeze3A_714, %and3A_715 : i32
      %broadcast_in_dim3A_717 = vector.broadcast %and3A_716 : i32 to vector<16xi32>
      %iota3A_718 = tpu.iota {dimensions = array<i32: 0>} : vector<16xi32>
      %add3A_719 = arith.constant 0 : i32
      %add3A_720 = vector.broadcast %add3A_719 : i32 to vector<16xi32>
      %add3A_721 = arith.addi %iota3A_718, %add3A_720 : vector<16xi32>
      %shift_right_logical3A_722 = arith.constant 3 : i32
      %shift_right_logical3A_723 = vector.broadcast %shift_right_logical3A_722 : i32 to vector<16xi32>
      %shift_right_logical3A_724 = arith.shrui %add3A_721, %shift_right_logical3A_723 : vector<16xi32>
      %and3A_725 = arith.constant 7 : i32
      %and3A_726 = vector.broadcast %and3A_725 : i32 to vector<16xi32>
      %and3A_727 = arith.andi %add3A_721, %and3A_726 : vector<16xi32>
      %gather3A_728 = arith.constant 4 : i32
      %gather3A_729 = arith.constant 0 : i32
      %gather3A_730 = arith.constant 0 : i32
      %gather3A_731 = arith.constant 0 : i32
      %gather3A_732 = tpu.memref_slice %arg6[%gather3A_728, %gather3A_729, %gather3A_730, %gather3A_731] : memref<8x8x8x128xf32, #tpu.memory_space<vmem>> -> memref<1x8x8x128xf32, #tpu.memory_space<vmem>>
      %gather3A_733 = tpu.memref_squeeze %gather3A_732 : memref<1x8x8x128xf32, #tpu.memory_space<vmem>> -> memref<8x8x128xf32, #tpu.memory_space<vmem>>
      %gather3A_734 = tpu.vector_load_idx %gather3A_733[%shift_right_logical3A_724, %and3A_727, %broadcast_in_dim3A_717] : memref<8x8x128xf32, #tpu.memory_space<vmem>>[vector<16xi32>, vector<16xi32>, vector<16xi32>], vector<16xf32>,
      %swap3A_735 = arith.constant 4 : i32
      %swap3A_736 = arith.index_cast %swap3A_735 : i32 to index
      %swap3A_737 = arith.constant 0 : index
      %swap3A_738 = tpu.vector_load %arg7[%swap3A_736, %swap3A_737] {strides = array<i32>} : memref<32x64xf32, #tpu.memory_space<vmem>>, vector<16xf32>,
      tpu.vector_store %arg7[%swap3A_736, %swap3A_737], %gather3A_734 {strides = array<i32>} : memref<32x64xf32, #tpu.memory_space<vmem>>, vector<16xf32>,
      %iota3A_739 = tpu.iota {dimensions = array<i32: 0>} : vector<16xi32>
      %add3A_740 = arith.constant 16 : i32
      %add3A_741 = vector.broadcast %add3A_740 : i32 to vector<16xi32>
      %add3A_742 = arith.addi %iota3A_739, %add3A_741 : vector<16xi32>
      %shift_right_logical3A_743 = arith.constant 3 : i32
      %shift_right_logical3A_744 = vector.broadcast %shift_right_logical3A_743 : i32 to vector<16xi32>
      %shift_right_logical3A_745 = arith.shrui %add3A_742, %shift_right_logical3A_744 : vector<16xi32>
      %and3A_746 = arith.constant 7 : i32
      %and3A_747 = vector.broadcast %and3A_746 : i32 to vector<16xi32>
      %and3A_748 = arith.andi %add3A_742, %and3A_747 : vector<16xi32>
      %gather3A_749 = arith.constant 4 : i32
      %gather3A_750 = arith.constant 0 : i32
      %gather3A_751 = arith.constant 0 : i32
      %gather3A_752 = arith.constant 0 : i32
      %gather3A_753 = tpu.memref_slice %arg6[%gather3A_749, %gather3A_750, %gather3A_751, %gather3A_752] : memref<8x8x8x128xf32, #tpu.memory_space<vmem>> -> memref<1x8x8x128xf32, #tpu.memory_space<vmem>>
      %gather3A_754 = tpu.memref_squeeze %gather3A_753 : memref<1x8x8x128xf32, #tpu.memory_space<vmem>> -> memref<8x8x128xf32, #tpu.memory_space<vmem>>
      %gather3A_755 = tpu.vector_load_idx %gather3A_754[%shift_right_logical3A_745, %and3A_748, %broadcast_in_dim3A_717] : memref<8x8x128xf32, #tpu.memory_space<vmem>>[vector<16xi32>, vector<16xi32>, vector<16xi32>], vector<16xf32>,
      %swap3A_756 = arith.constant 4 : i32
      %swap3A_757 = arith.index_cast %swap3A_756 : i32 to index
      %swap3A_758 = arith.constant 16 : index
      %swap3A_759 = tpu.vector_load %arg7[%swap3A_757, %swap3A_758] {strides = array<i32>} : memref<32x64xf32, #tpu.memory_space<vmem>>, vector<16xf32>,
      tpu.vector_store %arg7[%swap3A_757, %swap3A_758], %gather3A_755 {strides = array<i32>} : memref<32x64xf32, #tpu.memory_space<vmem>>, vector<16xf32>,
      %iota3A_760 = tpu.iota {dimensions = array<i32: 0>} : vector<16xi32>
      %add3A_761 = arith.constant 32 : i32
      %add3A_762 = vector.broadcast %add3A_761 : i32 to vector<16xi32>
      %add3A_763 = arith.addi %iota3A_760, %add3A_762 : vector<16xi32>
      %shift_right_logical3A_764 = arith.constant 3 : i32
      %shift_right_logical3A_765 = vector.broadcast %shift_right_logical3A_764 : i32 to vector<16xi32>
      %shift_right_logical3A_766 = arith.shrui %add3A_763, %shift_right_logical3A_765 : vector<16xi32>
      %and3A_767 = arith.constant 7 : i32
      %and3A_768 = vector.broadcast %and3A_767 : i32 to vector<16xi32>
      %and3A_769 = arith.andi %add3A_763, %and3A_768 : vector<16xi32>
      %gather3A_770 = arith.constant 4 : i32
      %gather3A_771 = arith.constant 0 : i32
      %gather3A_772 = arith.constant 0 : i32
      %gather3A_773 = arith.constant 0 : i32
      %gather3A_774 = tpu.memref_slice %arg6[%gather3A_770, %gather3A_771, %gather3A_772, %gather3A_773] : memref<8x8x8x128xf32, #tpu.memory_space<vmem>> -> memref<1x8x8x128xf32, #tpu.memory_space<vmem>>
      %gather3A_775 = tpu.memref_squeeze %gather3A_774 : memref<1x8x8x128xf32, #tpu.memory_space<vmem>> -> memref<8x8x128xf32, #tpu.memory_space<vmem>>
      %gather3A_776 = tpu.vector_load_idx %gather3A_775[%shift_right_logical3A_766, %and3A_769, %broadcast_in_dim3A_717] : memref<8x8x128xf32, #tpu.memory_space<vmem>>[vector<16xi32>, vector<16xi32>, vector<16xi32>], vector<16xf32>,
      %swap3A_777 = arith.constant 4 : i32
      %swap3A_778 = arith.index_cast %swap3A_777 : i32 to index
      %swap3A_779 = arith.constant 32 : index
      %swap3A_780 = tpu.vector_load %arg7[%swap3A_778, %swap3A_779] {strides = array<i32>} : memref<32x64xf32, #tpu.memory_space<vmem>>, vector<16xf32>,
      tpu.vector_store %arg7[%swap3A_778, %swap3A_779], %gather3A_776 {strides = array<i32>} : memref<32x64xf32, #tpu.memory_space<vmem>>, vector<16xf32>,
      %iota3A_781 = tpu.iota {dimensions = array<i32: 0>} : vector<16xi32>
      %add3A_782 = arith.constant 48 : i32
      %add3A_783 = vector.broadcast %add3A_782 : i32 to vector<16xi32>
      %add3A_784 = arith.addi %iota3A_781, %add3A_783 : vector<16xi32>
      %shift_right_logical3A_785 = arith.constant 3 : i32
      %shift_right_logical3A_786 = vector.broadcast %shift_right_logical3A_785 : i32 to vector<16xi32>
      %shift_right_logical3A_787 = arith.shrui %add3A_784, %shift_right_logical3A_786 : vector<16xi32>
      %and3A_788 = arith.constant 7 : i32
      %and3A_789 = vector.broadcast %and3A_788 : i32 to vector<16xi32>
      %and3A_790 = arith.andi %add3A_784, %and3A_789 : vector<16xi32>
      %gather3A_791 = arith.constant 4 : i32
      %gather3A_792 = arith.constant 0 : i32
      %gather3A_793 = arith.constant 0 : i32
      %gather3A_794 = arith.constant 0 : i32
      %gather3A_795 = tpu.memref_slice %arg6[%gather3A_791, %gather3A_792, %gather3A_793, %gather3A_794] : memref<8x8x8x128xf32, #tpu.memory_space<vmem>> -> memref<1x8x8x128xf32, #tpu.memory_space<vmem>>
      %gather3A_796 = tpu.memref_squeeze %gather3A_795 : memref<1x8x8x128xf32, #tpu.memory_space<vmem>> -> memref<8x8x128xf32, #tpu.memory_space<vmem>>
      %gather3A_797 = tpu.vector_load_idx %gather3A_796[%shift_right_logical3A_787, %and3A_790, %broadcast_in_dim3A_717] : memref<8x8x128xf32, #tpu.memory_space<vmem>>[vector<16xi32>, vector<16xi32>, vector<16xi32>], vector<16xf32>,
      %swap3A_798 = arith.constant 4 : i32
      %swap3A_799 = arith.index_cast %swap3A_798 : i32 to index
      %swap3A_800 = arith.constant 48 : index
      %swap3A_801 = tpu.vector_load %arg7[%swap3A_799, %swap3A_800] {strides = array<i32>} : memref<32x64xf32, #tpu.memory_space<vmem>>, vector<16xf32>,
      tpu.vector_store %arg7[%swap3A_799, %swap3A_800], %gather3A_797 {strides = array<i32>} : memref<32x64xf32, #tpu.memory_space<vmem>>, vector<16xf32>,
      %slice3A_802 = vector.extract_strided_slice %scan3A_169 {offsets = [11], sizes = [1], strides = [1]} : vector<16xi32> to vector<1xi32>
      %squeeze3A_803 = vector.extract %slice3A_802[0] : i32 from vector<1xi32>
      %shift_right_logical3A_804 = arith.constant 7 : i32
      %shift_right_logical3A_805 = arith.shrui %squeeze3A_803, %shift_right_logical3A_804 : i32
      %mul3A_806 = arith.constant 128 : i32
      %mul3A_807 = arith.muli %shift_right_logical3A_805, %mul3A_806 : i32
      %dma_start3A_808 = arith.constant 3 : i32
      %dma_start3A_809 = arith.constant 0 : i32
      %dma_start3A_810 = arith.constant 0 : i32
      %dma_start3A_811 = arith.constant 0 : i32
      %dma_start3A_812 = tpu.memref_slice %arg6[%dma_start3A_808, %dma_start3A_809, %dma_start3A_810, %dma_start3A_811] : memref<8x8x8x128xf32, #tpu.memory_space<vmem>> -> memref<1x8x8x128xf32, #tpu.memory_space<vmem>>
      %dma_start3A_813 = tpu.memref_squeeze %dma_start3A_812 : memref<1x8x8x128xf32, #tpu.memory_space<vmem>> -> memref<8x8x128xf32, #tpu.memory_space<vmem>>
      %dma_start3A_814 = arith.constant 0 : i32
      %dma_start3A_815 = arith.constant 0 : i32
      %dma_start3A_816 = tpu.memref_slice %arg3[%dma_start3A_814, %dma_start3A_815, %mul3A_807] : memref<8x8x1000000xf32, #tpu.memory_space<hbm>> -> memref<8x8x128xf32, #tpu.memory_space<hbm>>
      %dma_start3A_817 = arith.constant 0 : i32
      %dma_start3A_818 = arith.constant 0 : i32
      %dma_start3A_819 = arith.constant 0 : i32
      %dma_start3A_820 = tpu.memref_slice %arg6[%dma_start3A_808, %dma_start3A_817, %dma_start3A_818, %dma_start3A_819] : memref<8x8x8x128xf32, #tpu.memory_space<vmem>> -> memref<1x8x8x128xf32, #tpu.memory_space<vmem>>
      %dma_start3A_821 = tpu.memref_squeeze %dma_start3A_820 : memref<1x8x8x128xf32, #tpu.memory_space<vmem>> -> memref<8x8x128xf32, #tpu.memory_space<vmem>>
      %dma_start3A_822 = arith.constant 0 : i32
      %dma_start3A_823 = arith.constant 0 : i32
      %dma_start3A_824 = tpu.memref_slice %arg3[%dma_start3A_822, %dma_start3A_823, %mul3A_807] : memref<8x8x1000000xf32, #tpu.memory_space<hbm>> -> memref<8x8x128xf32, #tpu.memory_space<hbm>>
      tpu.enqueue_dma source(%dma_start3A_824 : memref<8x8x128xf32, #tpu.memory_space<hbm>>) target(%dma_start3A_821 : memref<8x8x128xf32, #tpu.memory_space<vmem>>) target_semaphore(%arg11 : memref<!tpu.dma_semaphore, #tpu.memory_space<semaphore_mem>>)
      %dma_wait3A_825 = arith.constant 5 : i32
      %dma_wait3A_826 = arith.constant 0 : i32
      %dma_wait3A_827 = arith.constant 0 : i32
      %dma_wait3A_828 = arith.constant 0 : i32
      %dma_wait3A_829 = tpu.memref_slice %arg6[%dma_wait3A_825, %dma_wait3A_826, %dma_wait3A_827, %dma_wait3A_828] : memref<8x8x8x128xf32, #tpu.memory_space<vmem>> -> memref<1x8x8x128xf32, #tpu.memory_space<vmem>>
      %dma_wait3A_830 = tpu.memref_squeeze %dma_wait3A_829 : memref<1x8x8x128xf32, #tpu.memory_space<vmem>> -> memref<8x8x128xf32, #tpu.memory_space<vmem>>
      %dma_wait3A_831 = arith.constant 0 : i32
      %dma_wait3A_832 = arith.constant 0 : i32
      %dma_wait3A_833 = arith.constant 0 : i32
      %dma_wait3A_834 = tpu.memref_slice %arg3[%dma_wait3A_831, %dma_wait3A_832, %dma_wait3A_833] : memref<8x8x1000000xf32, #tpu.memory_space<hbm>> -> memref<8x8x128xf32, #tpu.memory_space<hbm>>
      %dma_wait3A_835 = arith.constant 0 : i32
      %dma_wait3A_836 = arith.constant 0 : i32
      %dma_wait3A_837 = arith.constant 0 : i32
      %dma_wait3A_838 = tpu.memref_slice %arg6[%dma_wait3A_825, %dma_wait3A_835, %dma_wait3A_836, %dma_wait3A_837] : memref<8x8x8x128xf32, #tpu.memory_space<vmem>> -> memref<1x8x8x128xf32, #tpu.memory_space<vmem>>
      %dma_wait3A_839 = tpu.memref_squeeze %dma_wait3A_838 : memref<1x8x8x128xf32, #tpu.memory_space<vmem>> -> memref<8x8x128xf32, #tpu.memory_space<vmem>>
      %dma_wait3A_840 = arith.constant 0 : i32
      %dma_wait3A_841 = arith.constant 0 : i32
      %dma_wait3A_842 = arith.constant 0 : i32
      %dma_wait3A_843 = tpu.memref_slice %arg3[%dma_wait3A_840, %dma_wait3A_841, %dma_wait3A_842] : memref<8x8x1000000xf32, #tpu.memory_space<hbm>> -> memref<8x8x128xf32, #tpu.memory_space<hbm>>
      tpu.wait_dma2 semaphore(%arg13 : memref<!tpu.dma_semaphore, #tpu.memory_space<semaphore_mem>>) src(%dma_wait3A_843 : memref<8x8x128xf32, #tpu.memory_space<hbm>>) dst(%dma_wait3A_839 : memref<8x8x128xf32, #tpu.memory_space<vmem>>)
      %slice3A_844 = vector.extract_strided_slice %scan3A_169 {offsets = [5], sizes = [1], strides = [1]} : vector<16xi32> to vector<1xi32>
      %squeeze3A_845 = vector.extract %slice3A_844[0] : i32 from vector<1xi32>
      %and3A_846 = arith.constant 127 : i32
      %and3A_847 = arith.andi %squeeze3A_845, %and3A_846 : i32
      %broadcast_in_dim3A_848 = vector.broadcast %and3A_847 : i32 to vector<16xi32>
      %iota3A_849 = tpu.iota {dimensions = array<i32: 0>} : vector<16xi32>
      %add3A_850 = arith.constant 0 : i32
      %add3A_851 = vector.broadcast %add3A_850 : i32 to vector<16xi32>
      %add3A_852 = arith.addi %iota3A_849, %add3A_851 : vector<16xi32>
      %shift_right_logical3A_853 = arith.constant 3 : i32
      %shift_right_logical3A_854 = vector.broadcast %shift_right_logical3A_853 : i32 to vector<16xi32>
      %shift_right_logical3A_855 = arith.shrui %add3A_852, %shift_right_logical3A_854 : vector<16xi32>
      %and3A_856 = arith.constant 7 : i32
      %and3A_857 = vector.broadcast %and3A_856 : i32 to vector<16xi32>
      %and3A_858 = arith.andi %add3A_852, %and3A_857 : vector<16xi32>
      %gather3A_859 = arith.constant 5 : i32
      %gather3A_860 = arith.constant 0 : i32
      %gather3A_861 = arith.constant 0 : i32
      %gather3A_862 = arith.constant 0 : i32
      %gather3A_863 = tpu.memref_slice %arg6[%gather3A_859, %gather3A_860, %gather3A_861, %gather3A_862] : memref<8x8x8x128xf32, #tpu.memory_space<vmem>> -> memref<1x8x8x128xf32, #tpu.memory_space<vmem>>
      %gather3A_864 = tpu.memref_squeeze %gather3A_863 : memref<1x8x8x128xf32, #tpu.memory_space<vmem>> -> memref<8x8x128xf32, #tpu.memory_space<vmem>>
      %gather3A_865 = tpu.vector_load_idx %gather3A_864[%shift_right_logical3A_855, %and3A_858, %broadcast_in_dim3A_848] : memref<8x8x128xf32, #tpu.memory_space<vmem>>[vector<16xi32>, vector<16xi32>, vector<16xi32>], vector<16xf32>,
      %swap3A_866 = arith.constant 5 : i32
      %swap3A_867 = arith.index_cast %swap3A_866 : i32 to index
      %swap3A_868 = arith.constant 0 : index
      %swap3A_869 = tpu.vector_load %arg7[%swap3A_867, %swap3A_868] {strides = array<i32>} : memref<32x64xf32, #tpu.memory_space<vmem>>, vector<16xf32>,
      tpu.vector_store %arg7[%swap3A_867, %swap3A_868], %gather3A_865 {strides = array<i32>} : memref<32x64xf32, #tpu.memory_space<vmem>>, vector<16xf32>,
      %iota3A_870 = tpu.iota {dimensions = array<i32: 0>} : vector<16xi32>
      %add3A_871 = arith.constant 16 : i32
      %add3A_872 = vector.broadcast %add3A_871 : i32 to vector<16xi32>
      %add3A_873 = arith.addi %iota3A_870, %add3A_872 : vector<16xi32>
      %shift_right_logical3A_874 = arith.constant 3 : i32
      %shift_right_logical3A_875 = vector.broadcast %shift_right_logical3A_874 : i32 to vector<16xi32>
      %shift_right_logical3A_876 = arith.shrui %add3A_873, %shift_right_logical3A_875 : vector<16xi32>
      %and3A_877 = arith.constant 7 : i32
      %and3A_878 = vector.broadcast %and3A_877 : i32 to vector<16xi32>
      %and3A_879 = arith.andi %add3A_873, %and3A_878 : vector<16xi32>
      %gather3A_880 = arith.constant 5 : i32
      %gather3A_881 = arith.constant 0 : i32
      %gather3A_882 = arith.constant 0 : i32
      %gather3A_883 = arith.constant 0 : i32
      %gather3A_884 = tpu.memref_slice %arg6[%gather3A_880, %gather3A_881, %gather3A_882, %gather3A_883] : memref<8x8x8x128xf32, #tpu.memory_space<vmem>> -> memref<1x8x8x128xf32, #tpu.memory_space<vmem>>
      %gather3A_885 = tpu.memref_squeeze %gather3A_884 : memref<1x8x8x128xf32, #tpu.memory_space<vmem>> -> memref<8x8x128xf32, #tpu.memory_space<vmem>>
      %gather3A_886 = tpu.vector_load_idx %gather3A_885[%shift_right_logical3A_876, %and3A_879, %broadcast_in_dim3A_848] : memref<8x8x128xf32, #tpu.memory_space<vmem>>[vector<16xi32>, vector<16xi32>, vector<16xi32>], vector<16xf32>,
      %swap3A_887 = arith.constant 5 : i32
      %swap3A_888 = arith.index_cast %swap3A_887 : i32 to index
      %swap3A_889 = arith.constant 16 : index
      %swap3A_890 = tpu.vector_load %arg7[%swap3A_888, %swap3A_889] {strides = array<i32>} : memref<32x64xf32, #tpu.memory_space<vmem>>, vector<16xf32>,
      tpu.vector_store %arg7[%swap3A_888, %swap3A_889], %gather3A_886 {strides = array<i32>} : memref<32x64xf32, #tpu.memory_space<vmem>>, vector<16xf32>,
      %iota3A_891 = tpu.iota {dimensions = array<i32: 0>} : vector<16xi32>
      %add3A_892 = arith.constant 32 : i32
      %add3A_893 = vector.broadcast %add3A_892 : i32 to vector<16xi32>
      %add3A_894 = arith.addi %iota3A_891, %add3A_893 : vector<16xi32>
      %shift_right_logical3A_895 = arith.constant 3 : i32
      %shift_right_logical3A_896 = vector.broadcast %shift_right_logical3A_895 : i32 to vector<16xi32>
      %shift_right_logical3A_897 = arith.shrui %add3A_894, %shift_right_logical3A_896 : vector<16xi32>
      %and3A_898 = arith.constant 7 : i32
      %and3A_899 = vector.broadcast %and3A_898 : i32 to vector<16xi32>
      %and3A_900 = arith.andi %add3A_894, %and3A_899 : vector<16xi32>
      %gather3A_901 = arith.constant 5 : i32
      %gather3A_902 = arith.constant 0 : i32
      %gather3A_903 = arith.constant 0 : i32
      %gather3A_904 = arith.constant 0 : i32
      %gather3A_905 = tpu.memref_slice %arg6[%gather3A_901, %gather3A_902, %gather3A_903, %gather3A_904] : memref<8x8x8x128xf32, #tpu.memory_space<vmem>> -> memref<1x8x8x128xf32, #tpu.memory_space<vmem>>
      %gather3A_906 = tpu.memref_squeeze %gather3A_905 : memref<1x8x8x128xf32, #tpu.memory_space<vmem>> -> memref<8x8x128xf32, #tpu.memory_space<vmem>>
      %gather3A_907 = tpu.vector_load_idx %gather3A_906[%shift_right_logical3A_897, %and3A_900, %broadcast_in_dim3A_848] : memref<8x8x128xf32, #tpu.memory_space<vmem>>[vector<16xi32>, vector<16xi32>, vector<16xi32>], vector<16xf32>,
      %swap3A_908 = arith.constant 5 : i32
      %swap3A_909 = arith.index_cast %swap3A_908 : i32 to index
      %swap3A_910 = arith.constant 32 : index
      %swap3A_911 = tpu.vector_load %arg7[%swap3A_909, %swap3A_910] {strides = array<i32>} : memref<32x64xf32, #tpu.memory_space<vmem>>, vector<16xf32>,
      tpu.vector_store %arg7[%swap3A_909, %swap3A_910], %gather3A_907 {strides = array<i32>} : memref<32x64xf32, #tpu.memory_space<vmem>>, vector<16xf32>,
      %iota3A_912 = tpu.iota {dimensions = array<i32: 0>} : vector<16xi32>
      %add3A_913 = arith.constant 48 : i32
      %add3A_914 = vector.broadcast %add3A_913 : i32 to vector<16xi32>
      %add3A_915 = arith.addi %iota3A_912, %add3A_914 : vector<16xi32>
      %shift_right_logical3A_916 = arith.constant 3 : i32
      %shift_right_logical3A_917 = vector.broadcast %shift_right_logical3A_916 : i32 to vector<16xi32>
      %shift_right_logical3A_918 = arith.shrui %add3A_915, %shift_right_logical3A_917 : vector<16xi32>
      %and3A_919 = arith.constant 7 : i32
      %and3A_920 = vector.broadcast %and3A_919 : i32 to vector<16xi32>
      %and3A_921 = arith.andi %add3A_915, %and3A_920 : vector<16xi32>
      %gather3A_922 = arith.constant 5 : i32
      %gather3A_923 = arith.constant 0 : i32
      %gather3A_924 = arith.constant 0 : i32
      %gather3A_925 = arith.constant 0 : i32
      %gather3A_926 = tpu.memref_slice %arg6[%gather3A_922, %gather3A_923, %gather3A_924, %gather3A_925] : memref<8x8x8x128xf32, #tpu.memory_space<vmem>> -> memref<1x8x8x128xf32, #tpu.memory_space<vmem>>
      %gather3A_927 = tpu.memref_squeeze %gather3A_926 : memref<1x8x8x128xf32, #tpu.memory_space<vmem>> -> memref<8x8x128xf32, #tpu.memory_space<vmem>>
      %gather3A_928 = tpu.vector_load_idx %gather3A_927[%shift_right_logical3A_918, %and3A_921, %broadcast_in_dim3A_848] : memref<8x8x128xf32, #tpu.memory_space<vmem>>[vector<16xi32>, vector<16xi32>, vector<16xi32>], vector<16xf32>,
      %swap3A_929 = arith.constant 5 : i32
      %swap3A_930 = arith.index_cast %swap3A_929 : i32 to index
      %swap3A_931 = arith.constant 48 : index
      %swap3A_932 = tpu.vector_load %arg7[%swap3A_930, %swap3A_931] {strides = array<i32>} : memref<32x64xf32, #tpu.memory_space<vmem>>, vector<16xf32>,
      tpu.vector_store %arg7[%swap3A_930, %swap3A_931], %gather3A_928 {strides = array<i32>} : memref<32x64xf32, #tpu.memory_space<vmem>>, vector<16xf32>,
      %slice3A_933 = vector.extract_strided_slice %scan3A_169 {offsets = [12], sizes = [1], strides = [1]} : vector<16xi32> to vector<1xi32>
      %squeeze3A_934 = vector.extract %slice3A_933[0] : i32 from vector<1xi32>
      %shift_right_logical3A_935 = arith.constant 7 : i32
      %shift_right_logical3A_936 = arith.shrui %squeeze3A_934, %shift_right_logical3A_935 : i32
      %mul3A_937 = arith.constant 128 : i32
      %mul3A_938 = arith.muli %shift_right_logical3A_936, %mul3A_937 : i32
      %dma_start3A_939 = arith.constant 4 : i32
      %dma_start3A_940 = arith.constant 0 : i32
      %dma_start3A_941 = arith.constant 0 : i32
      %dma_start3A_942 = arith.constant 0 : i32
      %dma_start3A_943 = tpu.memref_slice %arg6[%dma_start3A_939, %dma_start3A_940, %dma_start3A_941, %dma_start3A_942] : memref<8x8x8x128xf32, #tpu.memory_space<vmem>> -> memref<1x8x8x128xf32, #tpu.memory_space<vmem>>
      %dma_start3A_944 = tpu.memref_squeeze %dma_start3A_943 : memref<1x8x8x128xf32, #tpu.memory_space<vmem>> -> memref<8x8x128xf32, #tpu.memory_space<vmem>>
      %dma_start3A_945 = arith.constant 0 : i32
      %dma_start3A_946 = arith.constant 0 : i32
      %dma_start3A_947 = tpu.memref_slice %arg3[%dma_start3A_945, %dma_start3A_946, %mul3A_938] : memref<8x8x1000000xf32, #tpu.memory_space<hbm>> -> memref<8x8x128xf32, #tpu.memory_space<hbm>>
      %dma_start3A_948 = arith.constant 0 : i32
      %dma_start3A_949 = arith.constant 0 : i32
      %dma_start3A_950 = arith.constant 0 : i32
      %dma_start3A_951 = tpu.memref_slice %arg6[%dma_start3A_939, %dma_start3A_948, %dma_start3A_949, %dma_start3A_950] : memref<8x8x8x128xf32, #tpu.memory_space<vmem>> -> memref<1x8x8x128xf32, #tpu.memory_space<vmem>>
      %dma_start3A_952 = tpu.memref_squeeze %dma_start3A_951 : memref<1x8x8x128xf32, #tpu.memory_space<vmem>> -> memref<8x8x128xf32, #tpu.memory_space<vmem>>
      %dma_start3A_953 = arith.constant 0 : i32
      %dma_start3A_954 = arith.constant 0 : i32
      %dma_start3A_955 = tpu.memref_slice %arg3[%dma_start3A_953, %dma_start3A_954, %mul3A_938] : memref<8x8x1000000xf32, #tpu.memory_space<hbm>> -> memref<8x8x128xf32, #tpu.memory_space<hbm>>
      tpu.enqueue_dma source(%dma_start3A_955 : memref<8x8x128xf32, #tpu.memory_space<hbm>>) target(%dma_start3A_952 : memref<8x8x128xf32, #tpu.memory_space<vmem>>) target_semaphore(%arg12 : memref<!tpu.dma_semaphore, #tpu.memory_space<semaphore_mem>>)
      %dma_wait3A_956 = arith.constant 6 : i32
      %dma_wait3A_957 = arith.constant 0 : i32
      %dma_wait3A_958 = arith.constant 0 : i32
      %dma_wait3A_959 = arith.constant 0 : i32
      %dma_wait3A_960 = tpu.memref_slice %arg6[%dma_wait3A_956, %dma_wait3A_957, %dma_wait3A_958, %dma_wait3A_959] : memref<8x8x8x128xf32, #tpu.memory_space<vmem>> -> memref<1x8x8x128xf32, #tpu.memory_space<vmem>>
      %dma_wait3A_961 = tpu.memref_squeeze %dma_wait3A_960 : memref<1x8x8x128xf32, #tpu.memory_space<vmem>> -> memref<8x8x128xf32, #tpu.memory_space<vmem>>
      %dma_wait3A_962 = arith.constant 0 : i32
      %dma_wait3A_963 = arith.constant 0 : i32
      %dma_wait3A_964 = arith.constant 0 : i32
      %dma_wait3A_965 = tpu.memref_slice %arg3[%dma_wait3A_962, %dma_wait3A_963, %dma_wait3A_964] : memref<8x8x1000000xf32, #tpu.memory_space<hbm>> -> memref<8x8x128xf32, #tpu.memory_space<hbm>>
      %dma_wait3A_966 = arith.constant 0 : i32
      %dma_wait3A_967 = arith.constant 0 : i32
      %dma_wait3A_968 = arith.constant 0 : i32
      %dma_wait3A_969 = tpu.memref_slice %arg6[%dma_wait3A_956, %dma_wait3A_966, %dma_wait3A_967, %dma_wait3A_968] : memref<8x8x8x128xf32, #tpu.memory_space<vmem>> -> memref<1x8x8x128xf32, #tpu.memory_space<vmem>>
      %dma_wait3A_970 = tpu.memref_squeeze %dma_wait3A_969 : memref<1x8x8x128xf32, #tpu.memory_space<vmem>> -> memref<8x8x128xf32, #tpu.memory_space<vmem>>
      %dma_wait3A_971 = arith.constant 0 : i32
      %dma_wait3A_972 = arith.constant 0 : i32
      %dma_wait3A_973 = arith.constant 0 : i32
      %dma_wait3A_974 = tpu.memref_slice %arg3[%dma_wait3A_971, %dma_wait3A_972, %dma_wait3A_973] : memref<8x8x1000000xf32, #tpu.memory_space<hbm>> -> memref<8x8x128xf32, #tpu.memory_space<hbm>>
      tpu.wait_dma2 semaphore(%arg14 : memref<!tpu.dma_semaphore, #tpu.memory_space<semaphore_mem>>) src(%dma_wait3A_974 : memref<8x8x128xf32, #tpu.memory_space<hbm>>) dst(%dma_wait3A_970 : memref<8x8x128xf32, #tpu.memory_space<vmem>>)
      %slice3A_975 = vector.extract_strided_slice %scan3A_169 {offsets = [6], sizes = [1], strides = [1]} : vector<16xi32> to vector<1xi32>
      %squeeze3A_976 = vector.extract %slice3A_975[0] : i32 from vector<1xi32>
      %and3A_977 = arith.constant 127 : i32
      %and3A_978 = arith.andi %squeeze3A_976, %and3A_977 : i32
      %broadcast_in_dim3A_979 = vector.broadcast %and3A_978 : i32 to vector<16xi32>
      %iota3A_980 = tpu.iota {dimensions = array<i32: 0>} : vector<16xi32>
      %add3A_981 = arith.constant 0 : i32
      %add3A_982 = vector.broadcast %add3A_981 : i32 to vector<16xi32>
      %add3A_983 = arith.addi %iota3A_980, %add3A_982 : vector<16xi32>
      %shift_right_logical3A_984 = arith.constant 3 : i32
      %shift_right_logical3A_985 = vector.broadcast %shift_right_logical3A_984 : i32 to vector<16xi32>
      %shift_right_logical3A_986 = arith.shrui %add3A_983, %shift_right_logical3A_985 : vector<16xi32>
      %and3A_987 = arith.constant 7 : i32
      %and3A_988 = vector.broadcast %and3A_987 : i32 to vector<16xi32>
      %and3A_989 = arith.andi %add3A_983, %and3A_988 : vector<16xi32>
      %gather3A_990 = arith.constant 6 : i32
      %gather3A_991 = arith.constant 0 : i32
      %gather3A_992 = arith.constant 0 : i32
      %gather3A_993 = arith.constant 0 : i32
      %gather3A_994 = tpu.memref_slice %arg6[%gather3A_990, %gather3A_991, %gather3A_992, %gather3A_993] : memref<8x8x8x128xf32, #tpu.memory_space<vmem>> -> memref<1x8x8x128xf32, #tpu.memory_space<vmem>>
      %gather3A_995 = tpu.memref_squeeze %gather3A_994 : memref<1x8x8x128xf32, #tpu.memory_space<vmem>> -> memref<8x8x128xf32, #tpu.memory_space<vmem>>
      %gather3A_996 = tpu.vector_load_idx %gather3A_995[%shift_right_logical3A_986, %and3A_989, %broadcast_in_dim3A_979] : memref<8x8x128xf32, #tpu.memory_space<vmem>>[vector<16xi32>, vector<16xi32>, vector<16xi32>], vector<16xf32>,
      %swap3A_997 = arith.constant 6 : i32
      %swap3A_998 = arith.index_cast %swap3A_997 : i32 to index
      %swap3A_999 = arith.constant 0 : index
      %swap3A_1000 = tpu.vector_load %arg7[%swap3A_998, %swap3A_999] {strides = array<i32>} : memref<32x64xf32, #tpu.memory_space<vmem>>, vector<16xf32>,
      tpu.vector_store %arg7[%swap3A_998, %swap3A_999], %gather3A_996 {strides = array<i32>} : memref<32x64xf32, #tpu.memory_space<vmem>>, vector<16xf32>,
      %iota3A_1001 = tpu.iota {dimensions = array<i32: 0>} : vector<16xi32>
      %add3A_1002 = arith.constant 16 : i32
      %add3A_1003 = vector.broadcast %add3A_1002 : i32 to vector<16xi32>
      %add3A_1004 = arith.addi %iota3A_1001, %add3A_1003 : vector<16xi32>
      %shift_right_logical3A_1005 = arith.constant 3 : i32
      %shift_right_logical3A_1006 = vector.broadcast %shift_right_logical3A_1005 : i32 to vector<16xi32>
      %shift_right_logical3A_1007 = arith.shrui %add3A_1004, %shift_right_logical3A_1006 : vector<16xi32>
      %and3A_1008 = arith.constant 7 : i32
      %and3A_1009 = vector.broadcast %and3A_1008 : i32 to vector<16xi32>
      %and3A_1010 = arith.andi %add3A_1004, %and3A_1009 : vector<16xi32>
      %gather3A_1011 = arith.constant 6 : i32
      %gather3A_1012 = arith.constant 0 : i32
      %gather3A_1013 = arith.constant 0 : i32
      %gather3A_1014 = arith.constant 0 : i32
      %gather3A_1015 = tpu.memref_slice %arg6[%gather3A_1011, %gather3A_1012, %gather3A_1013, %gather3A_1014] : memref<8x8x8x128xf32, #tpu.memory_space<vmem>> -> memref<1x8x8x128xf32, #tpu.memory_space<vmem>>
      %gather3A_1016 = tpu.memref_squeeze %gather3A_1015 : memref<1x8x8x128xf32, #tpu.memory_space<vmem>> -> memref<8x8x128xf32, #tpu.memory_space<vmem>>
      %gather3A_1017 = tpu.vector_load_idx %gather3A_1016[%shift_right_logical3A_1007, %and3A_1010, %broadcast_in_dim3A_979] : memref<8x8x128xf32, #tpu.memory_space<vmem>>[vector<16xi32>, vector<16xi32>, vector<16xi32>], vector<16xf32>,
      %swap3A_1018 = arith.constant 6 : i32
      %swap3A_1019 = arith.index_cast %swap3A_1018 : i32 to index
      %swap3A_1020 = arith.constant 16 : index
      %swap3A_1021 = tpu.vector_load %arg7[%swap3A_1019, %swap3A_1020] {strides = array<i32>} : memref<32x64xf32, #tpu.memory_space<vmem>>, vector<16xf32>,
      tpu.vector_store %arg7[%swap3A_1019, %swap3A_1020], %gather3A_1017 {strides = array<i32>} : memref<32x64xf32, #tpu.memory_space<vmem>>, vector<16xf32>,
      %iota3A_1022 = tpu.iota {dimensions = array<i32: 0>} : vector<16xi32>
      %add3A_1023 = arith.constant 32 : i32
      %add3A_1024 = vector.broadcast %add3A_1023 : i32 to vector<16xi32>
      %add3A_1025 = arith.addi %iota3A_1022, %add3A_1024 : vector<16xi32>
      %shift_right_logical3A_1026 = arith.constant 3 : i32
      %shift_right_logical3A_1027 = vector.broadcast %shift_right_logical3A_1026 : i32 to vector<16xi32>
      %shift_right_logical3A_1028 = arith.shrui %add3A_1025, %shift_right_logical3A_1027 : vector<16xi32>
      %and3A_1029 = arith.constant 7 : i32
      %and3A_1030 = vector.broadcast %and3A_1029 : i32 to vector<16xi32>
      %and3A_1031 = arith.andi %add3A_1025, %and3A_1030 : vector<16xi32>
      %gather3A_1032 = arith.constant 6 : i32
      %gather3A_1033 = arith.constant 0 : i32
      %gather3A_1034 = arith.constant 0 : i32
      %gather3A_1035 = arith.constant 0 : i32
      %gather3A_1036 = tpu.memref_slice %arg6[%gather3A_1032, %gather3A_1033, %gather3A_1034, %gather3A_1035] : memref<8x8x8x128xf32, #tpu.memory_space<vmem>> -> memref<1x8x8x128xf32, #tpu.memory_space<vmem>>
      %gather3A_1037 = tpu.memref_squeeze %gather3A_1036 : memref<1x8x8x128xf32, #tpu.memory_space<vmem>> -> memref<8x8x128xf32, #tpu.memory_space<vmem>>
      %gather3A_1038 = tpu.vector_load_idx %gather3A_1037[%shift_right_logical3A_1028, %and3A_1031, %broadcast_in_dim3A_979] : memref<8x8x128xf32, #tpu.memory_space<vmem>>[vector<16xi32>, vector<16xi32>, vector<16xi32>], vector<16xf32>,
      %swap3A_1039 = arith.constant 6 : i32
      %swap3A_1040 = arith.index_cast %swap3A_1039 : i32 to index
      %swap3A_1041 = arith.constant 32 : index
      %swap3A_1042 = tpu.vector_load %arg7[%swap3A_1040, %swap3A_1041] {strides = array<i32>} : memref<32x64xf32, #tpu.memory_space<vmem>>, vector<16xf32>,
      tpu.vector_store %arg7[%swap3A_1040, %swap3A_1041], %gather3A_1038 {strides = array<i32>} : memref<32x64xf32, #tpu.memory_space<vmem>>, vector<16xf32>,
      %iota3A_1043 = tpu.iota {dimensions = array<i32: 0>} : vector<16xi32>
      %add3A_1044 = arith.constant 48 : i32
      %add3A_1045 = vector.broadcast %add3A_1044 : i32 to vector<16xi32>
      %add3A_1046 = arith.addi %iota3A_1043, %add3A_1045 : vector<16xi32>
      %shift_right_logical3A_1047 = arith.constant 3 : i32
      %shift_right_logical3A_1048 = vector.broadcast %shift_right_logical3A_1047 : i32 to vector<16xi32>
      %shift_right_logical3A_1049 = arith.shrui %add3A_1046, %shift_right_logical3A_1048 : vector<16xi32>
      %and3A_1050 = arith.constant 7 : i32
      %and3A_1051 = vector.broadcast %and3A_1050 : i32 to vector<16xi32>
      %and3A_1052 = arith.andi %add3A_1046, %and3A_1051 : vector<16xi32>
      %gather3A_1053 = arith.constant 6 : i32
      %gather3A_1054 = arith.constant 0 : i32
      %gather3A_1055 = arith.constant 0 : i32
      %gather3A_1056 = arith.constant 0 : i32
      %gather3A_1057 = tpu.memref_slice %arg6[%gather3A_1053, %gather3A_1054, %gather3A_1055, %gather3A_1056] : memref<8x8x8x128xf32, #tpu.memory_space<vmem>> -> memref<1x8x8x128xf32, #tpu.memory_space<vmem>>
      %gather3A_1058 = tpu.memref_squeeze %gather3A_1057 : memref<1x8x8x128xf32, #tpu.memory_space<vmem>> -> memref<8x8x128xf32, #tpu.memory_space<vmem>>
      %gather3A_1059 = tpu.vector_load_idx %gather3A_1058[%shift_right_logical3A_1049, %and3A_1052, %broadcast_in_dim3A_979] : memref<8x8x128xf32, #tpu.memory_space<vmem>>[vector<16xi32>, vector<16xi32>, vector<16xi32>], vector<16xf32>,
      %swap3A_1060 = arith.constant 6 : i32
      %swap3A_1061 = arith.index_cast %swap3A_1060 : i32 to index
      %swap3A_1062 = arith.constant 48 : index
      %swap3A_1063 = tpu.vector_load %arg7[%swap3A_1061, %swap3A_1062] {strides = array<i32>} : memref<32x64xf32, #tpu.memory_space<vmem>>, vector<16xf32>,
      tpu.vector_store %arg7[%swap3A_1061, %swap3A_1062], %gather3A_1059 {strides = array<i32>} : memref<32x64xf32, #tpu.memory_space<vmem>>, vector<16xf32>,
      %slice3A_1064 = vector.extract_strided_slice %scan3A_169 {offsets = [13], sizes = [1], strides = [1]} : vector<16xi32> to vector<1xi32>
      %squeeze3A_1065 = vector.extract %slice3A_1064[0] : i32 from vector<1xi32>
      %shift_right_logical3A_1066 = arith.constant 7 : i32
      %shift_right_logical3A_1067 = arith.shrui %squeeze3A_1065, %shift_right_logical3A_1066 : i32
      %mul3A_1068 = arith.constant 128 : i32
      %mul3A_1069 = arith.muli %shift_right_logical3A_1067, %mul3A_1068 : i32
      %dma_start3A_1070 = arith.constant 5 : i32
      %dma_start3A_1071 = arith.constant 0 : i32
      %dma_start3A_1072 = arith.constant 0 : i32
      %dma_start3A_1073 = arith.constant 0 : i32
      %dma_start3A_1074 = tpu.memref_slice %arg6[%dma_start3A_1070, %dma_start3A_1071, %dma_start3A_1072, %dma_start3A_1073] : memref<8x8x8x128xf32, #tpu.memory_space<vmem>> -> memref<1x8x8x128xf32, #tpu.memory_space<vmem>>
      %dma_start3A_1075 = tpu.memref_squeeze %dma_start3A_1074 : memref<1x8x8x128xf32, #tpu.memory_space<vmem>> -> memref<8x8x128xf32, #tpu.memory_space<vmem>>
      %dma_start3A_1076 = arith.constant 0 : i32
      %dma_start3A_1077 = arith.constant 0 : i32
      %dma_start3A_1078 = tpu.memref_slice %arg3[%dma_start3A_1076, %dma_start3A_1077, %mul3A_1069] : memref<8x8x1000000xf32, #tpu.memory_space<hbm>> -> memref<8x8x128xf32, #tpu.memory_space<hbm>>
      %dma_start3A_1079 = arith.constant 0 : i32
      %dma_start3A_1080 = arith.constant 0 : i32
      %dma_start3A_1081 = arith.constant 0 : i32
      %dma_start3A_1082 = tpu.memref_slice %arg6[%dma_start3A_1070, %dma_start3A_1079, %dma_start3A_1080, %dma_start3A_1081] : memref<8x8x8x128xf32, #tpu.memory_space<vmem>> -> memref<1x8x8x128xf32, #tpu.memory_space<vmem>>
      %dma_start3A_1083 = tpu.memref_squeeze %dma_start3A_1082 : memref<1x8x8x128xf32, #tpu.memory_space<vmem>> -> memref<8x8x128xf32, #tpu.memory_space<vmem>>
      %dma_start3A_1084 = arith.constant 0 : i32
      %dma_start3A_1085 = arith.constant 0 : i32
      %dma_start3A_1086 = tpu.memref_slice %arg3[%dma_start3A_1084, %dma_start3A_1085, %mul3A_1069] : memref<8x8x1000000xf32, #tpu.memory_space<hbm>> -> memref<8x8x128xf32, #tpu.memory_space<hbm>>
      tpu.enqueue_dma source(%dma_start3A_1086 : memref<8x8x128xf32, #tpu.memory_space<hbm>>) target(%dma_start3A_1083 : memref<8x8x128xf32, #tpu.memory_space<vmem>>) target_semaphore(%arg13 : memref<!tpu.dma_semaphore, #tpu.memory_space<semaphore_mem>>)
      %dma_wait3A_1087 = arith.constant 7 : i32
      %dma_wait3A_1088 = arith.constant 0 : i32
      %dma_wait3A_1089 = arith.constant 0 : i32
      %dma_wait3A_1090 = arith.constant 0 : i32
      %dma_wait3A_1091 = tpu.memref_slice %arg6[%dma_wait3A_1087, %dma_wait3A_1088, %dma_wait3A_1089, %dma_wait3A_1090] : memref<8x8x8x128xf32, #tpu.memory_space<vmem>> -> memref<1x8x8x128xf32, #tpu.memory_space<vmem>>
      %dma_wait3A_1092 = tpu.memref_squeeze %dma_wait3A_1091 : memref<1x8x8x128xf32, #tpu.memory_space<vmem>> -> memref<8x8x128xf32, #tpu.memory_space<vmem>>
      %dma_wait3A_1093 = arith.constant 0 : i32
      %dma_wait3A_1094 = arith.constant 0 : i32
      %dma_wait3A_1095 = arith.constant 0 : i32
      %dma_wait3A_1096 = tpu.memref_slice %arg3[%dma_wait3A_1093, %dma_wait3A_1094, %dma_wait3A_1095] : memref<8x8x1000000xf32, #tpu.memory_space<hbm>> -> memref<8x8x128xf32, #tpu.memory_space<hbm>>
      %dma_wait3A_1097 = arith.constant 0 : i32
      %dma_wait3A_1098 = arith.constant 0 : i32
      %dma_wait3A_1099 = arith.constant 0 : i32
      %dma_wait3A_1100 = tpu.memref_slice %arg6[%dma_wait3A_1087, %dma_wait3A_1097, %dma_wait3A_1098, %dma_wait3A_1099] : memref<8x8x8x128xf32, #tpu.memory_space<vmem>> -> memref<1x8x8x128xf32, #tpu.memory_space<vmem>>
      %dma_wait3A_1101 = tpu.memref_squeeze %dma_wait3A_1100 : memref<1x8x8x128xf32, #tpu.memory_space<vmem>> -> memref<8x8x128xf32, #tpu.memory_space<vmem>>
      %dma_wait3A_1102 = arith.constant 0 : i32
      %dma_wait3A_1103 = arith.constant 0 : i32
      %dma_wait3A_1104 = arith.constant 0 : i32
      %dma_wait3A_1105 = tpu.memref_slice %arg3[%dma_wait3A_1102, %dma_wait3A_1103, %dma_wait3A_1104] : memref<8x8x1000000xf32, #tpu.memory_space<hbm>> -> memref<8x8x128xf32, #tpu.memory_space<hbm>>
      tpu.wait_dma2 semaphore(%arg15 : memref<!tpu.dma_semaphore, #tpu.memory_space<semaphore_mem>>) src(%dma_wait3A_1105 : memref<8x8x128xf32, #tpu.memory_space<hbm>>) dst(%dma_wait3A_1101 : memref<8x8x128xf32, #tpu.memory_space<vmem>>)
      %slice3A_1106 = vector.extract_strided_slice %scan3A_169 {offsets = [7], sizes = [1], strides = [1]} : vector<16xi32> to vector<1xi32>
      %squeeze3A_1107 = vector.extract %slice3A_1106[0] : i32 from vector<1xi32>
      %and3A_1108 = arith.constant 127 : i32
      %and3A_1109 = arith.andi %squeeze3A_1107, %and3A_1108 : i32
      %broadcast_in_dim3A_1110 = vector.broadcast %and3A_1109 : i32 to vector<16xi32>
      %iota3A_1111 = tpu.iota {dimensions = array<i32: 0>} : vector<16xi32>
      %add3A_1112 = arith.constant 0 : i32
      %add3A_1113 = vector.broadcast %add3A_1112 : i32 to vector<16xi32>
      %add3A_1114 = arith.addi %iota3A_1111, %add3A_1113 : vector<16xi32>
      %shift_right_logical3A_1115 = arith.constant 3 : i32
      %shift_right_logical3A_1116 = vector.broadcast %shift_right_logical3A_1115 : i32 to vector<16xi32>
      %shift_right_logical3A_1117 = arith.shrui %add3A_1114, %shift_right_logical3A_1116 : vector<16xi32>
      %and3A_1118 = arith.constant 7 : i32
      %and3A_1119 = vector.broadcast %and3A_1118 : i32 to vector<16xi32>
      %and3A_1120 = arith.andi %add3A_1114, %and3A_1119 : vector<16xi32>
      %gather3A_1121 = arith.constant 7 : i32
      %gather3A_1122 = arith.constant 0 : i32
      %gather3A_1123 = arith.constant 0 : i32
      %gather3A_1124 = arith.constant 0 : i32
      %gather3A_1125 = tpu.memref_slice %arg6[%gather3A_1121, %gather3A_1122, %gather3A_1123, %gather3A_1124] : memref<8x8x8x128xf32, #tpu.memory_space<vmem>> -> memref<1x8x8x128xf32, #tpu.memory_space<vmem>>
      %gather3A_1126 = tpu.memref_squeeze %gather3A_1125 : memref<1x8x8x128xf32, #tpu.memory_space<vmem>> -> memref<8x8x128xf32, #tpu.memory_space<vmem>>
      %gather3A_1127 = tpu.vector_load_idx %gather3A_1126[%shift_right_logical3A_1117, %and3A_1120, %broadcast_in_dim3A_1110] : memref<8x8x128xf32, #tpu.memory_space<vmem>>[vector<16xi32>, vector<16xi32>, vector<16xi32>], vector<16xf32>,
      %swap3A_1128 = arith.constant 7 : i32
      %swap3A_1129 = arith.index_cast %swap3A_1128 : i32 to index
      %swap3A_1130 = arith.constant 0 : index
      %swap3A_1131 = tpu.vector_load %arg7[%swap3A_1129, %swap3A_1130] {strides = array<i32>} : memref<32x64xf32, #tpu.memory_space<vmem>>, vector<16xf32>,
      tpu.vector_store %arg7[%swap3A_1129, %swap3A_1130], %gather3A_1127 {strides = array<i32>} : memref<32x64xf32, #tpu.memory_space<vmem>>, vector<16xf32>,
      %iota3A_1132 = tpu.iota {dimensions = array<i32: 0>} : vector<16xi32>
      %add3A_1133 = arith.constant 16 : i32
      %add3A_1134 = vector.broadcast %add3A_1133 : i32 to vector<16xi32>
      %add3A_1135 = arith.addi %iota3A_1132, %add3A_1134 : vector<16xi32>
      %shift_right_logical3A_1136 = arith.constant 3 : i32
      %shift_right_logical3A_1137 = vector.broadcast %shift_right_logical3A_1136 : i32 to vector<16xi32>
      %shift_right_logical3A_1138 = arith.shrui %add3A_1135, %shift_right_logical3A_1137 : vector<16xi32>
      %and3A_1139 = arith.constant 7 : i32
      %and3A_1140 = vector.broadcast %and3A_1139 : i32 to vector<16xi32>
      %and3A_1141 = arith.andi %add3A_1135, %and3A_1140 : vector<16xi32>
      %gather3A_1142 = arith.constant 7 : i32
      %gather3A_1143 = arith.constant 0 : i32
      %gather3A_1144 = arith.constant 0 : i32
      %gather3A_1145 = arith.constant 0 : i32
      %gather3A_1146 = tpu.memref_slice %arg6[%gather3A_1142, %gather3A_1143, %gather3A_1144, %gather3A_1145] : memref<8x8x8x128xf32, #tpu.memory_space<vmem>> -> memref<1x8x8x128xf32, #tpu.memory_space<vmem>>
      %gather3A_1147 = tpu.memref_squeeze %gather3A_1146 : memref<1x8x8x128xf32, #tpu.memory_space<vmem>> -> memref<8x8x128xf32, #tpu.memory_space<vmem>>
      %gather3A_1148 = tpu.vector_load_idx %gather3A_1147[%shift_right_logical3A_1138, %and3A_1141, %broadcast_in_dim3A_1110] : memref<8x8x128xf32, #tpu.memory_space<vmem>>[vector<16xi32>, vector<16xi32>, vector<16xi32>], vector<16xf32>,
      %swap3A_1149 = arith.constant 7 : i32
      %swap3A_1150 = arith.index_cast %swap3A_1149 : i32 to index
      %swap3A_1151 = arith.constant 16 : index
      %swap3A_1152 = tpu.vector_load %arg7[%swap3A_1150, %swap3A_1151] {strides = array<i32>} : memref<32x64xf32, #tpu.memory_space<vmem>>, vector<16xf32>,
      tpu.vector_store %arg7[%swap3A_1150, %swap3A_1151], %gather3A_1148 {strides = array<i32>} : memref<32x64xf32, #tpu.memory_space<vmem>>, vector<16xf32>,
      %iota3A_1153 = tpu.iota {dimensions = array<i32: 0>} : vector<16xi32>
      %add3A_1154 = arith.constant 32 : i32
      %add3A_1155 = vector.broadcast %add3A_1154 : i32 to vector<16xi32>
      %add3A_1156 = arith.addi %iota3A_1153, %add3A_1155 : vector<16xi32>
      %shift_right_logical3A_1157 = arith.constant 3 : i32
      %shift_right_logical3A_1158 = vector.broadcast %shift_right_logical3A_1157 : i32 to vector<16xi32>
      %shift_right_logical3A_1159 = arith.shrui %add3A_1156, %shift_right_logical3A_1158 : vector<16xi32>
      %and3A_1160 = arith.constant 7 : i32
      %and3A_1161 = vector.broadcast %and3A_1160 : i32 to vector<16xi32>
      %and3A_1162 = arith.andi %add3A_1156, %and3A_1161 : vector<16xi32>
      %gather3A_1163 = arith.constant 7 : i32
      %gather3A_1164 = arith.constant 0 : i32
      %gather3A_1165 = arith.constant 0 : i32
      %gather3A_1166 = arith.constant 0 : i32
      %gather3A_1167 = tpu.memref_slice %arg6[%gather3A_1163, %gather3A_1164, %gather3A_1165, %gather3A_1166] : memref<8x8x8x128xf32, #tpu.memory_space<vmem>> -> memref<1x8x8x128xf32, #tpu.memory_space<vmem>>
      %gather3A_1168 = tpu.memref_squeeze %gather3A_1167 : memref<1x8x8x128xf32, #tpu.memory_space<vmem>> -> memref<8x8x128xf32, #tpu.memory_space<vmem>>
      %gather3A_1169 = tpu.vector_load_idx %gather3A_1168[%shift_right_logical3A_1159, %and3A_1162, %broadcast_in_dim3A_1110] : memref<8x8x128xf32, #tpu.memory_space<vmem>>[vector<16xi32>, vector<16xi32>, vector<16xi32>], vector<16xf32>,
      %swap3A_1170 = arith.constant 7 : i32
      %swap3A_1171 = arith.index_cast %swap3A_1170 : i32 to index
      %swap3A_1172 = arith.constant 32 : index
      %swap3A_1173 = tpu.vector_load %arg7[%swap3A_1171, %swap3A_1172] {strides = array<i32>} : memref<32x64xf32, #tpu.memory_space<vmem>>, vector<16xf32>,
      tpu.vector_store %arg7[%swap3A_1171, %swap3A_1172], %gather3A_1169 {strides = array<i32>} : memref<32x64xf32, #tpu.memory_space<vmem>>, vector<16xf32>,
      %iota3A_1174 = tpu.iota {dimensions = array<i32: 0>} : vector<16xi32>
      %add3A_1175 = arith.constant 48 : i32
      %add3A_1176 = vector.broadcast %add3A_1175 : i32 to vector<16xi32>
      %add3A_1177 = arith.addi %iota3A_1174, %add3A_1176 : vector<16xi32>
      %shift_right_logical3A_1178 = arith.constant 3 : i32
      %shift_right_logical3A_1179 = vector.broadcast %shift_right_logical3A_1178 : i32 to vector<16xi32>
      %shift_right_logical3A_1180 = arith.shrui %add3A_1177, %shift_right_logical3A_1179 : vector<16xi32>
      %and3A_1181 = arith.constant 7 : i32
      %and3A_1182 = vector.broadcast %and3A_1181 : i32 to vector<16xi32>
      %and3A_1183 = arith.andi %add3A_1177, %and3A_1182 : vector<16xi32>
      %gather3A_1184 = arith.constant 7 : i32
      %gather3A_1185 = arith.constant 0 : i32
      %gather3A_1186 = arith.constant 0 : i32
      %gather3A_1187 = arith.constant 0 : i32
      %gather3A_1188 = tpu.memref_slice %arg6[%gather3A_1184, %gather3A_1185, %gather3A_1186, %gather3A_1187] : memref<8x8x8x128xf32, #tpu.memory_space<vmem>> -> memref<1x8x8x128xf32, #tpu.memory_space<vmem>>
      %gather3A_1189 = tpu.memref_squeeze %gather3A_1188 : memref<1x8x8x128xf32, #tpu.memory_space<vmem>> -> memref<8x8x128xf32, #tpu.memory_space<vmem>>
      %gather3A_1190 = tpu.vector_load_idx %gather3A_1189[%shift_right_logical3A_1180, %and3A_1183, %broadcast_in_dim3A_1110] : memref<8x8x128xf32, #tpu.memory_space<vmem>>[vector<16xi32>, vector<16xi32>, vector<16xi32>], vector<16xf32>,
      %swap3A_1191 = arith.constant 7 : i32
      %swap3A_1192 = arith.index_cast %swap3A_1191 : i32 to index
      %swap3A_1193 = arith.constant 48 : index
      %swap3A_1194 = tpu.vector_load %arg7[%swap3A_1192, %swap3A_1193] {strides = array<i32>} : memref<32x64xf32, #tpu.memory_space<vmem>>, vector<16xf32>,
      tpu.vector_store %arg7[%swap3A_1192, %swap3A_1193], %gather3A_1190 {strides = array<i32>} : memref<32x64xf32, #tpu.memory_space<vmem>>, vector<16xf32>,
      %slice3A_1195 = vector.extract_strided_slice %scan3A_169 {offsets = [14], sizes = [1], strides = [1]} : vector<16xi32> to vector<1xi32>
      %squeeze3A_1196 = vector.extract %slice3A_1195[0] : i32 from vector<1xi32>
      %shift_right_logical3A_1197 = arith.constant 7 : i32
      %shift_right_logical3A_1198 = arith.shrui %squeeze3A_1196, %shift_right_logical3A_1197 : i32
      %mul3A_1199 = arith.constant 128 : i32
      %mul3A_1200 = arith.muli %shift_right_logical3A_1198, %mul3A_1199 : i32
      %dma_start3A_1201 = arith.constant 6 : i32
      %dma_start3A_1202 = arith.constant 0 : i32
      %dma_start3A_1203 = arith.constant 0 : i32
      %dma_start3A_1204 = arith.constant 0 : i32
      %dma_start3A_1205 = tpu.memref_slice %arg6[%dma_start3A_1201, %dma_start3A_1202, %dma_start3A_1203, %dma_start3A_1204] : memref<8x8x8x128xf32, #tpu.memory_space<vmem>> -> memref<1x8x8x128xf32, #tpu.memory_space<vmem>>
      %dma_start3A_1206 = tpu.memref_squeeze %dma_start3A_1205 : memref<1x8x8x128xf32, #tpu.memory_space<vmem>> -> memref<8x8x128xf32, #tpu.memory_space<vmem>>
      %dma_start3A_1207 = arith.constant 0 : i32
      %dma_start3A_1208 = arith.constant 0 : i32
      %dma_start3A_1209 = tpu.memref_slice %arg3[%dma_start3A_1207, %dma_start3A_1208, %mul3A_1200] : memref<8x8x1000000xf32, #tpu.memory_space<hbm>> -> memref<8x8x128xf32, #tpu.memory_space<hbm>>
      %dma_start3A_1210 = arith.constant 0 : i32
      %dma_start3A_1211 = arith.constant 0 : i32
      %dma_start3A_1212 = arith.constant 0 : i32
      %dma_start3A_1213 = tpu.memref_slice %arg6[%dma_start3A_1201, %dma_start3A_1210, %dma_start3A_1211, %dma_start3A_1212] : memref<8x8x8x128xf32, #tpu.memory_space<vmem>> -> memref<1x8x8x128xf32, #tpu.memory_space<vmem>>
      %dma_start3A_1214 = tpu.memref_squeeze %dma_start3A_1213 : memref<1x8x8x128xf32, #tpu.memory_space<vmem>> -> memref<8x8x128xf32, #tpu.memory_space<vmem>>
      %dma_start3A_1215 = arith.constant 0 : i32
      %dma_start3A_1216 = arith.constant 0 : i32
      %dma_start3A_1217 = tpu.memref_slice %arg3[%dma_start3A_1215, %dma_start3A_1216, %mul3A_1200] : memref<8x8x1000000xf32, #tpu.memory_space<hbm>> -> memref<8x8x128xf32, #tpu.memory_space<hbm>>
      tpu.enqueue_dma source(%dma_start3A_1217 : memref<8x8x128xf32, #tpu.memory_space<hbm>>) target(%dma_start3A_1214 : memref<8x8x128xf32, #tpu.memory_space<vmem>>) target_semaphore(%arg14 : memref<!tpu.dma_semaphore, #tpu.memory_space<semaphore_mem>>)
      %dma_wait3A_1218 = arith.constant 0 : i32
      %dma_wait3A_1219 = arith.constant 0 : i32
      %dma_wait3A_1220 = arith.constant 0 : i32
      %dma_wait3A_1221 = arith.constant 0 : i32
      %dma_wait3A_1222 = tpu.memref_slice %arg6[%dma_wait3A_1218, %dma_wait3A_1219, %dma_wait3A_1220, %dma_wait3A_1221] : memref<8x8x8x128xf32, #tpu.memory_space<vmem>> -> memref<1x8x8x128xf32, #tpu.memory_space<vmem>>
      %dma_wait3A_1223 = tpu.memref_squeeze %dma_wait3A_1222 : memref<1x8x8x128xf32, #tpu.memory_space<vmem>> -> memref<8x8x128xf32, #tpu.memory_space<vmem>>
      %dma_wait3A_1224 = arith.constant 0 : i32
      %dma_wait3A_1225 = arith.constant 0 : i32
      %dma_wait3A_1226 = arith.constant 0 : i32
      %dma_wait3A_1227 = tpu.memref_slice %arg3[%dma_wait3A_1224, %dma_wait3A_1225, %dma_wait3A_1226] : memref<8x8x1000000xf32, #tpu.memory_space<hbm>> -> memref<8x8x128xf32, #tpu.memory_space<hbm>>
      %dma_wait3A_1228 = arith.constant 0 : i32
      %dma_wait3A_1229 = arith.constant 0 : i32
      %dma_wait3A_1230 = arith.constant 0 : i32
      %dma_wait3A_1231 = tpu.memref_slice %arg6[%dma_wait3A_1218, %dma_wait3A_1228, %dma_wait3A_1229, %dma_wait3A_1230] : memref<8x8x8x128xf32, #tpu.memory_space<vmem>> -> memref<1x8x8x128xf32, #tpu.memory_space<vmem>>
      %dma_wait3A_1232 = tpu.memref_squeeze %dma_wait3A_1231 : memref<1x8x8x128xf32, #tpu.memory_space<vmem>> -> memref<8x8x128xf32, #tpu.memory_space<vmem>>
      %dma_wait3A_1233 = arith.constant 0 : i32
      %dma_wait3A_1234 = arith.constant 0 : i32
      %dma_wait3A_1235 = arith.constant 0 : i32
      %dma_wait3A_1236 = tpu.memref_slice %arg3[%dma_wait3A_1233, %dma_wait3A_1234, %dma_wait3A_1235] : memref<8x8x1000000xf32, #tpu.memory_space<hbm>> -> memref<8x8x128xf32, #tpu.memory_space<hbm>>
      tpu.wait_dma2 semaphore(%arg8 : memref<!tpu.dma_semaphore, #tpu.memory_space<semaphore_mem>>) src(%dma_wait3A_1236 : memref<8x8x128xf32, #tpu.memory_space<hbm>>) dst(%dma_wait3A_1232 : memref<8x8x128xf32, #tpu.memory_space<vmem>>)
      %slice3A_1237 = vector.extract_strided_slice %scan3A_169 {offsets = [8], sizes = [1], strides = [1]} : vector<16xi32> to vector<1xi32>
      %squeeze3A_1238 = vector.extract %slice3A_1237[0] : i32 from vector<1xi32>
      %and3A_1239 = arith.constant 127 : i32
      %and3A_1240 = arith.andi %squeeze3A_1238, %and3A_1239 : i32
      %broadcast_in_dim3A_1241 = vector.broadcast %and3A_1240 : i32 to vector<16xi32>
      %iota3A_1242 = tpu.iota {dimensions = array<i32: 0>} : vector<16xi32>
      %add3A_1243 = arith.constant 0 : i32
      %add3A_1244 = vector.broadcast %add3A_1243 : i32 to vector<16xi32>
      %add3A_1245 = arith.addi %iota3A_1242, %add3A_1244 : vector<16xi32>
      %shift_right_logical3A_1246 = arith.constant 3 : i32
      %shift_right_logical3A_1247 = vector.broadcast %shift_right_logical3A_1246 : i32 to vector<16xi32>
      %shift_right_logical3A_1248 = arith.shrui %add3A_1245, %shift_right_logical3A_1247 : vector<16xi32>
      %and3A_1249 = arith.constant 7 : i32
      %and3A_1250 = vector.broadcast %and3A_1249 : i32 to vector<16xi32>
      %and3A_1251 = arith.andi %add3A_1245, %and3A_1250 : vector<16xi32>
      %gather3A_1252 = arith.constant 0 : i32
      %gather3A_1253 = arith.constant 0 : i32
      %gather3A_1254 = arith.constant 0 : i32
      %gather3A_1255 = arith.constant 0 : i32
      %gather3A_1256 = tpu.memref_slice %arg6[%gather3A_1252, %gather3A_1253, %gather3A_1254, %gather3A_1255] : memref<8x8x8x128xf32, #tpu.memory_space<vmem>> -> memref<1x8x8x128xf32, #tpu.memory_space<vmem>>
      %gather3A_1257 = tpu.memref_squeeze %gather3A_1256 : memref<1x8x8x128xf32, #tpu.memory_space<vmem>> -> memref<8x8x128xf32, #tpu.memory_space<vmem>>
      %gather3A_1258 = tpu.vector_load_idx %gather3A_1257[%shift_right_logical3A_1248, %and3A_1251, %broadcast_in_dim3A_1241] : memref<8x8x128xf32, #tpu.memory_space<vmem>>[vector<16xi32>, vector<16xi32>, vector<16xi32>], vector<16xf32>,
      %swap3A_1259 = arith.constant 8 : i32
      %swap3A_1260 = arith.index_cast %swap3A_1259 : i32 to index
      %swap3A_1261 = arith.constant 0 : index
      %swap3A_1262 = tpu.vector_load %arg7[%swap3A_1260, %swap3A_1261] {strides = array<i32>} : memref<32x64xf32, #tpu.memory_space<vmem>>, vector<16xf32>,
      tpu.vector_store %arg7[%swap3A_1260, %swap3A_1261], %gather3A_1258 {strides = array<i32>} : memref<32x64xf32, #tpu.memory_space<vmem>>, vector<16xf32>,
      %iota3A_1263 = tpu.iota {dimensions = array<i32: 0>} : vector<16xi32>
      %add3A_1264 = arith.constant 16 : i32
      %add3A_1265 = vector.broadcast %add3A_1264 : i32 to vector<16xi32>
      %add3A_1266 = arith.addi %iota3A_1263, %add3A_1265 : vector<16xi32>
      %shift_right_logical3A_1267 = arith.constant 3 : i32
      %shift_right_logical3A_1268 = vector.broadcast %shift_right_logical3A_1267 : i32 to vector<16xi32>
      %shift_right_logical3A_1269 = arith.shrui %add3A_1266, %shift_right_logical3A_1268 : vector<16xi32>
      %and3A_1270 = arith.constant 7 : i32
      %and3A_1271 = vector.broadcast %and3A_1270 : i32 to vector<16xi32>
      %and3A_1272 = arith.andi %add3A_1266, %and3A_1271 : vector<16xi32>
      %gather3A_1273 = arith.constant 0 : i32
      %gather3A_1274 = arith.constant 0 : i32
      %gather3A_1275 = arith.constant 0 : i32
      %gather3A_1276 = arith.constant 0 : i32
      %gather3A_1277 = tpu.memref_slice %arg6[%gather3A_1273, %gather3A_1274, %gather3A_1275, %gather3A_1276] : memref<8x8x8x128xf32, #tpu.memory_space<vmem>> -> memref<1x8x8x128xf32, #tpu.memory_space<vmem>>
      %gather3A_1278 = tpu.memref_squeeze %gather3A_1277 : memref<1x8x8x128xf32, #tpu.memory_space<vmem>> -> memref<8x8x128xf32, #tpu.memory_space<vmem>>
      %gather3A_1279 = tpu.vector_load_idx %gather3A_1278[%shift_right_logical3A_1269, %and3A_1272, %broadcast_in_dim3A_1241] : memref<8x8x128xf32, #tpu.memory_space<vmem>>[vector<16xi32>, vector<16xi32>, vector<16xi32>], vector<16xf32>,
      %swap3A_1280 = arith.constant 8 : i32
      %swap3A_1281 = arith.index_cast %swap3A_1280 : i32 to index
      %swap3A_1282 = arith.constant 16 : index
      %swap3A_1283 = tpu.vector_load %arg7[%swap3A_1281, %swap3A_1282] {strides = array<i32>} : memref<32x64xf32, #tpu.memory_space<vmem>>, vector<16xf32>,
      tpu.vector_store %arg7[%swap3A_1281, %swap3A_1282], %gather3A_1279 {strides = array<i32>} : memref<32x64xf32, #tpu.memory_space<vmem>>, vector<16xf32>,
      %iota3A_1284 = tpu.iota {dimensions = array<i32: 0>} : vector<16xi32>
      %add3A_1285 = arith.constant 32 : i32
      %add3A_1286 = vector.broadcast %add3A_1285 : i32 to vector<16xi32>
      %add3A_1287 = arith.addi %iota3A_1284, %add3A_1286 : vector<16xi32>
      %shift_right_logical3A_1288 = arith.constant 3 : i32
      %shift_right_logical3A_1289 = vector.broadcast %shift_right_logical3A_1288 : i32 to vector<16xi32>
      %shift_right_logical3A_1290 = arith.shrui %add3A_1287, %shift_right_logical3A_1289 : vector<16xi32>
      %and3A_1291 = arith.constant 7 : i32
      %and3A_1292 = vector.broadcast %and3A_1291 : i32 to vector<16xi32>
      %and3A_1293 = arith.andi %add3A_1287, %and3A_1292 : vector<16xi32>
      %gather3A_1294 = arith.constant 0 : i32
      %gather3A_1295 = arith.constant 0 : i32
      %gather3A_1296 = arith.constant 0 : i32
      %gather3A_1297 = arith.constant 0 : i32
      %gather3A_1298 = tpu.memref_slice %arg6[%gather3A_1294, %gather3A_1295, %gather3A_1296, %gather3A_1297] : memref<8x8x8x128xf32, #tpu.memory_space<vmem>> -> memref<1x8x8x128xf32, #tpu.memory_space<vmem>>
      %gather3A_1299 = tpu.memref_squeeze %gather3A_1298 : memref<1x8x8x128xf32, #tpu.memory_space<vmem>> -> memref<8x8x128xf32, #tpu.memory_space<vmem>>
      %gather3A_1300 = tpu.vector_load_idx %gather3A_1299[%shift_right_logical3A_1290, %and3A_1293, %broadcast_in_dim3A_1241] : memref<8x8x128xf32, #tpu.memory_space<vmem>>[vector<16xi32>, vector<16xi32>, vector<16xi32>], vector<16xf32>,
      %swap3A_1301 = arith.constant 8 : i32
      %swap3A_1302 = arith.index_cast %swap3A_1301 : i32 to index
      %swap3A_1303 = arith.constant 32 : index
      %swap3A_1304 = tpu.vector_load %arg7[%swap3A_1302, %swap3A_1303] {strides = array<i32>} : memref<32x64xf32, #tpu.memory_space<vmem>>, vector<16xf32>,
      tpu.vector_store %arg7[%swap3A_1302, %swap3A_1303], %gather3A_1300 {strides = array<i32>} : memref<32x64xf32, #tpu.memory_space<vmem>>, vector<16xf32>,
      %iota3A_1305 = tpu.iota {dimensions = array<i32: 0>} : vector<16xi32>
      %add3A_1306 = arith.constant 48 : i32
      %add3A_1307 = vector.broadcast %add3A_1306 : i32 to vector<16xi32>
      %add3A_1308 = arith.addi %iota3A_1305, %add3A_1307 : vector<16xi32>
      %shift_right_logical3A_1309 = arith.constant 3 : i32
      %shift_right_logical3A_1310 = vector.broadcast %shift_right_logical3A_1309 : i32 to vector<16xi32>
      %shift_right_logical3A_1311 = arith.shrui %add3A_1308, %shift_right_logical3A_1310 : vector<16xi32>
      %and3A_1312 = arith.constant 7 : i32
      %and3A_1313 = vector.broadcast %and3A_1312 : i32 to vector<16xi32>
      %and3A_1314 = arith.andi %add3A_1308, %and3A_1313 : vector<16xi32>
      %gather3A_1315 = arith.constant 0 : i32
      %gather3A_1316 = arith.constant 0 : i32
      %gather3A_1317 = arith.constant 0 : i32
      %gather3A_1318 = arith.constant 0 : i32
      %gather3A_1319 = tpu.memref_slice %arg6[%gather3A_1315, %gather3A_1316, %gather3A_1317, %gather3A_1318] : memref<8x8x8x128xf32, #tpu.memory_space<vmem>> -> memref<1x8x8x128xf32, #tpu.memory_space<vmem>>
      %gather3A_1320 = tpu.memref_squeeze %gather3A_1319 : memref<1x8x8x128xf32, #tpu.memory_space<vmem>> -> memref<8x8x128xf32, #tpu.memory_space<vmem>>
      %gather3A_1321 = tpu.vector_load_idx %gather3A_1320[%shift_right_logical3A_1311, %and3A_1314, %broadcast_in_dim3A_1241] : memref<8x8x128xf32, #tpu.memory_space<vmem>>[vector<16xi32>, vector<16xi32>, vector<16xi32>], vector<16xf32>,
      %swap3A_1322 = arith.constant 8 : i32
      %swap3A_1323 = arith.index_cast %swap3A_1322 : i32 to index
      %swap3A_1324 = arith.constant 48 : index
      %swap3A_1325 = tpu.vector_load %arg7[%swap3A_1323, %swap3A_1324] {strides = array<i32>} : memref<32x64xf32, #tpu.memory_space<vmem>>, vector<16xf32>,
      tpu.vector_store %arg7[%swap3A_1323, %swap3A_1324], %gather3A_1321 {strides = array<i32>} : memref<32x64xf32, #tpu.memory_space<vmem>>, vector<16xf32>,
      %slice3A_1326 = vector.extract_strided_slice %scan3A_169 {offsets = [15], sizes = [1], strides = [1]} : vector<16xi32> to vector<1xi32>
      %squeeze3A_1327 = vector.extract %slice3A_1326[0] : i32 from vector<1xi32>
      %shift_right_logical3A_1328 = arith.constant 7 : i32
      %shift_right_logical3A_1329 = arith.shrui %squeeze3A_1327, %shift_right_logical3A_1328 : i32
      %mul3A_1330 = arith.constant 128 : i32
      %mul3A_1331 = arith.muli %shift_right_logical3A_1329, %mul3A_1330 : i32
      %dma_start3A_1332 = arith.constant 7 : i32
      %dma_start3A_1333 = arith.constant 0 : i32
      %dma_start3A_1334 = arith.constant 0 : i32
      %dma_start3A_1335 = arith.constant 0 : i32
      %dma_start3A_1336 = tpu.memref_slice %arg6[%dma_start3A_1332, %dma_start3A_1333, %dma_start3A_1334, %dma_start3A_1335] : memref<8x8x8x128xf32, #tpu.memory_space<vmem>> -> memref<1x8x8x128xf32, #tpu.memory_space<vmem>>
      %dma_start3A_1337 = tpu.memref_squeeze %dma_start3A_1336 : memref<1x8x8x128xf32, #tpu.memory_space<vmem>> -> memref<8x8x128xf32, #tpu.memory_space<vmem>>
      %dma_start3A_1338 = arith.constant 0 : i32
      %dma_start3A_1339 = arith.constant 0 : i32
      %dma_start3A_1340 = tpu.memref_slice %arg3[%dma_start3A_1338, %dma_start3A_1339, %mul3A_1331] : memref<8x8x1000000xf32, #tpu.memory_space<hbm>> -> memref<8x8x128xf32, #tpu.memory_space<hbm>>
      %dma_start3A_1341 = arith.constant 0 : i32
      %dma_start3A_1342 = arith.constant 0 : i32
      %dma_start3A_1343 = arith.constant 0 : i32
      %dma_start3A_1344 = tpu.memref_slice %arg6[%dma_start3A_1332, %dma_start3A_1341, %dma_start3A_1342, %dma_start3A_1343] : memref<8x8x8x128xf32, #tpu.memory_space<vmem>> -> memref<1x8x8x128xf32, #tpu.memory_space<vmem>>
      %dma_start3A_1345 = tpu.memref_squeeze %dma_start3A_1344 : memref<1x8x8x128xf32, #tpu.memory_space<vmem>> -> memref<8x8x128xf32, #tpu.memory_space<vmem>>
      %dma_start3A_1346 = arith.constant 0 : i32
      %dma_start3A_1347 = arith.constant 0 : i32
      %dma_start3A_1348 = tpu.memref_slice %arg3[%dma_start3A_1346, %dma_start3A_1347, %mul3A_1331] : memref<8x8x1000000xf32, #tpu.memory_space<hbm>> -> memref<8x8x128xf32, #tpu.memory_space<hbm>>
      tpu.enqueue_dma source(%dma_start3A_1348 : memref<8x8x128xf32, #tpu.memory_space<hbm>>) target(%dma_start3A_1345 : memref<8x8x128xf32, #tpu.memory_space<vmem>>) target_semaphore(%arg15 : memref<!tpu.dma_semaphore, #tpu.memory_space<semaphore_mem>>)
      %dma_wait3A_1349 = arith.constant 1 : i32
      %dma_wait3A_1350 = arith.constant 0 : i32
      %dma_wait3A_1351 = arith.constant 0 : i32
      %dma_wait3A_1352 = arith.constant 0 : i32
      %dma_wait3A_1353 = tpu.memref_slice %arg6[%dma_wait3A_1349, %dma_wait3A_1350, %dma_wait3A_1351, %dma_wait3A_1352] : memref<8x8x8x128xf32, #tpu.memory_space<vmem>> -> memref<1x8x8x128xf32, #tpu.memory_space<vmem>>
      %dma_wait3A_1354 = tpu.memref_squeeze %dma_wait3A_1353 : memref<1x8x8x128xf32, #tpu.memory_space<vmem>> -> memref<8x8x128xf32, #tpu.memory_space<vmem>>
      %dma_wait3A_1355 = arith.constant 0 : i32
      %dma_wait3A_1356 = arith.constant 0 : i32
      %dma_wait3A_1357 = arith.constant 0 : i32
      %dma_wait3A_1358 = tpu.memref_slice %arg3[%dma_wait3A_1355, %dma_wait3A_1356, %dma_wait3A_1357] : memref<8x8x1000000xf32, #tpu.memory_space<hbm>> -> memref<8x8x128xf32, #tpu.memory_space<hbm>>
      %dma_wait3A_1359 = arith.constant 0 : i32
      %dma_wait3A_1360 = arith.constant 0 : i32
      %dma_wait3A_1361 = arith.constant 0 : i32
      %dma_wait3A_1362 = tpu.memref_slice %arg6[%dma_wait3A_1349, %dma_wait3A_1359, %dma_wait3A_1360, %dma_wait3A_1361] : memref<8x8x8x128xf32, #tpu.memory_space<vmem>> -> memref<1x8x8x128xf32, #tpu.memory_space<vmem>>
      %dma_wait3A_1363 = tpu.memref_squeeze %dma_wait3A_1362 : memref<1x8x8x128xf32, #tpu.memory_space<vmem>> -> memref<8x8x128xf32, #tpu.memory_space<vmem>>
      %dma_wait3A_1364 = arith.constant 0 : i32
      %dma_wait3A_1365 = arith.constant 0 : i32
      %dma_wait3A_1366 = arith.constant 0 : i32
      %dma_wait3A_1367 = tpu.memref_slice %arg3[%dma_wait3A_1364, %dma_wait3A_1365, %dma_wait3A_1366] : memref<8x8x1000000xf32, #tpu.memory_space<hbm>> -> memref<8x8x128xf32, #tpu.memory_space<hbm>>
      tpu.wait_dma2 semaphore(%arg9 : memref<!tpu.dma_semaphore, #tpu.memory_space<semaphore_mem>>) src(%dma_wait3A_1367 : memref<8x8x128xf32, #tpu.memory_space<hbm>>) dst(%dma_wait3A_1363 : memref<8x8x128xf32, #tpu.memory_space<vmem>>)
      %slice3A_1368 = vector.extract_strided_slice %scan3A_169 {offsets = [9], sizes = [1], strides = [1]} : vector<16xi32> to vector<1xi32>
      %squeeze3A_1369 = vector.extract %slice3A_1368[0] : i32 from vector<1xi32>
      %and3A_1370 = arith.constant 127 : i32
      %and3A_1371 = arith.andi %squeeze3A_1369, %and3A_1370 : i32
      %broadcast_in_dim3A_1372 = vector.broadcast %and3A_1371 : i32 to vector<16xi32>
      %iota3A_1373 = tpu.iota {dimensions = array<i32: 0>} : vector<16xi32>
      %add3A_1374 = arith.constant 0 : i32
      %add3A_1375 = vector.broadcast %add3A_1374 : i32 to vector<16xi32>
      %add3A_1376 = arith.addi %iota3A_1373, %add3A_1375 : vector<16xi32>
      %shift_right_logical3A_1377 = arith.constant 3 : i32
      %shift_right_logical3A_1378 = vector.broadcast %shift_right_logical3A_1377 : i32 to vector<16xi32>
      %shift_right_logical3A_1379 = arith.shrui %add3A_1376, %shift_right_logical3A_1378 : vector<16xi32>
      %and3A_1380 = arith.constant 7 : i32
      %and3A_1381 = vector.broadcast %and3A_1380 : i32 to vector<16xi32>
      %and3A_1382 = arith.andi %add3A_1376, %and3A_1381 : vector<16xi32>
      %gather3A_1383 = arith.constant 1 : i32
      %gather3A_1384 = arith.constant 0 : i32
      %gather3A_1385 = arith.constant 0 : i32
      %gather3A_1386 = arith.constant 0 : i32
      %gather3A_1387 = tpu.memref_slice %arg6[%gather3A_1383, %gather3A_1384, %gather3A_1385, %gather3A_1386] : memref<8x8x8x128xf32, #tpu.memory_space<vmem>> -> memref<1x8x8x128xf32, #tpu.memory_space<vmem>>
      %gather3A_1388 = tpu.memref_squeeze %gather3A_1387 : memref<1x8x8x128xf32, #tpu.memory_space<vmem>> -> memref<8x8x128xf32, #tpu.memory_space<vmem>>
      %gather3A_1389 = tpu.vector_load_idx %gather3A_1388[%shift_right_logical3A_1379, %and3A_1382, %broadcast_in_dim3A_1372] : memref<8x8x128xf32, #tpu.memory_space<vmem>>[vector<16xi32>, vector<16xi32>, vector<16xi32>], vector<16xf32>,
      %swap3A_1390 = arith.constant 9 : i32
      %swap3A_1391 = arith.index_cast %swap3A_1390 : i32 to index
      %swap3A_1392 = arith.constant 0 : index
      %swap3A_1393 = tpu.vector_load %arg7[%swap3A_1391, %swap3A_1392] {strides = array<i32>} : memref<32x64xf32, #tpu.memory_space<vmem>>, vector<16xf32>,
      tpu.vector_store %arg7[%swap3A_1391, %swap3A_1392], %gather3A_1389 {strides = array<i32>} : memref<32x64xf32, #tpu.memory_space<vmem>>, vector<16xf32>,
      %iota3A_1394 = tpu.iota {dimensions = array<i32: 0>} : vector<16xi32>
      %add3A_1395 = arith.constant 16 : i32
      %add3A_1396 = vector.broadcast %add3A_1395 : i32 to vector<16xi32>
      %add3A_1397 = arith.addi %iota3A_1394, %add3A_1396 : vector<16xi32>
      %shift_right_logical3A_1398 = arith.constant 3 : i32
      %shift_right_logical3A_1399 = vector.broadcast %shift_right_logical3A_1398 : i32 to vector<16xi32>
      %shift_right_logical3A_1400 = arith.shrui %add3A_1397, %shift_right_logical3A_1399 : vector<16xi32>
      %and3A_1401 = arith.constant 7 : i32
      %and3A_1402 = vector.broadcast %and3A_1401 : i32 to vector<16xi32>
      %and3A_1403 = arith.andi %add3A_1397, %and3A_1402 : vector<16xi32>
      %gather3A_1404 = arith.constant 1 : i32
      %gather3A_1405 = arith.constant 0 : i32
      %gather3A_1406 = arith.constant 0 : i32
      %gather3A_1407 = arith.constant 0 : i32
      %gather3A_1408 = tpu.memref_slice %arg6[%gather3A_1404, %gather3A_1405, %gather3A_1406, %gather3A_1407] : memref<8x8x8x128xf32, #tpu.memory_space<vmem>> -> memref<1x8x8x128xf32, #tpu.memory_space<vmem>>
      %gather3A_1409 = tpu.memref_squeeze %gather3A_1408 : memref<1x8x8x128xf32, #tpu.memory_space<vmem>> -> memref<8x8x128xf32, #tpu.memory_space<vmem>>
      %gather3A_1410 = tpu.vector_load_idx %gather3A_1409[%shift_right_logical3A_1400, %and3A_1403, %broadcast_in_dim3A_1372] : memref<8x8x128xf32, #tpu.memory_space<vmem>>[vector<16xi32>, vector<16xi32>, vector<16xi32>], vector<16xf32>,
      %swap3A_1411 = arith.constant 9 : i32
      %swap3A_1412 = arith.index_cast %swap3A_1411 : i32 to index
      %swap3A_1413 = arith.constant 16 : index
      %swap3A_1414 = tpu.vector_load %arg7[%swap3A_1412, %swap3A_1413] {strides = array<i32>} : memref<32x64xf32, #tpu.memory_space<vmem>>, vector<16xf32>,
      tpu.vector_store %arg7[%swap3A_1412, %swap3A_1413], %gather3A_1410 {strides = array<i32>} : memref<32x64xf32, #tpu.memory_space<vmem>>, vector<16xf32>,
      %iota3A_1415 = tpu.iota {dimensions = array<i32: 0>} : vector<16xi32>
      %add3A_1416 = arith.constant 32 : i32
      %add3A_1417 = vector.broadcast %add3A_1416 : i32 to vector<16xi32>
      %add3A_1418 = arith.addi %iota3A_1415, %add3A_1417 : vector<16xi32>
      %shift_right_logical3A_1419 = arith.constant 3 : i32
      %shift_right_logical3A_1420 = vector.broadcast %shift_right_logical3A_1419 : i32 to vector<16xi32>
      %shift_right_logical3A_1421 = arith.shrui %add3A_1418, %shift_right_logical3A_1420 : vector<16xi32>
      %and3A_1422 = arith.constant 7 : i32
      %and3A_1423 = vector.broadcast %and3A_1422 : i32 to vector<16xi32>
      %and3A_1424 = arith.andi %add3A_1418, %and3A_1423 : vector<16xi32>
      %gather3A_1425 = arith.constant 1 : i32
      %gather3A_1426 = arith.constant 0 : i32
      %gather3A_1427 = arith.constant 0 : i32
      %gather3A_1428 = arith.constant 0 : i32
      %gather3A_1429 = tpu.memref_slice %arg6[%gather3A_1425, %gather3A_1426, %gather3A_1427, %gather3A_1428] : memref<8x8x8x128xf32, #tpu.memory_space<vmem>> -> memref<1x8x8x128xf32, #tpu.memory_space<vmem>>
      %gather3A_1430 = tpu.memref_squeeze %gather3A_1429 : memref<1x8x8x128xf32, #tpu.memory_space<vmem>> -> memref<8x8x128xf32, #tpu.memory_space<vmem>>
      %gather3A_1431 = tpu.vector_load_idx %gather3A_1430[%shift_right_logical3A_1421, %and3A_1424, %broadcast_in_dim3A_1372] : memref<8x8x128xf32, #tpu.memory_space<vmem>>[vector<16xi32>, vector<16xi32>, vector<16xi32>], vector<16xf32>,
      %swap3A_1432 = arith.constant 9 : i32
      %swap3A_1433 = arith.index_cast %swap3A_1432 : i32 to index
      %swap3A_1434 = arith.constant 32 : index
      %swap3A_1435 = tpu.vector_load %arg7[%swap3A_1433, %swap3A_1434] {strides = array<i32>} : memref<32x64xf32, #tpu.memory_space<vmem>>, vector<16xf32>,
      tpu.vector_store %arg7[%swap3A_1433, %swap3A_1434], %gather3A_1431 {strides = array<i32>} : memref<32x64xf32, #tpu.memory_space<vmem>>, vector<16xf32>,
      %iota3A_1436 = tpu.iota {dimensions = array<i32: 0>} : vector<16xi32>
      %add3A_1437 = arith.constant 48 : i32
      %add3A_1438 = vector.broadcast %add3A_1437 : i32 to vector<16xi32>
      %add3A_1439 = arith.addi %iota3A_1436, %add3A_1438 : vector<16xi32>
      %shift_right_logical3A_1440 = arith.constant 3 : i32
      %shift_right_logical3A_1441 = vector.broadcast %shift_right_logical3A_1440 : i32 to vector<16xi32>
      %shift_right_logical3A_1442 = arith.shrui %add3A_1439, %shift_right_logical3A_1441 : vector<16xi32>
      %and3A_1443 = arith.constant 7 : i32
      %and3A_1444 = vector.broadcast %and3A_1443 : i32 to vector<16xi32>
      %and3A_1445 = arith.andi %add3A_1439, %and3A_1444 : vector<16xi32>
      %gather3A_1446 = arith.constant 1 : i32
      %gather3A_1447 = arith.constant 0 : i32
      %gather3A_1448 = arith.constant 0 : i32
      %gather3A_1449 = arith.constant 0 : i32
      %gather3A_1450 = tpu.memref_slice %arg6[%gather3A_1446, %gather3A_1447, %gather3A_1448, %gather3A_1449] : memref<8x8x8x128xf32, #tpu.memory_space<vmem>> -> memref<1x8x8x128xf32, #tpu.memory_space<vmem>>
      %gather3A_1451 = tpu.memref_squeeze %gather3A_1450 : memref<1x8x8x128xf32, #tpu.memory_space<vmem>> -> memref<8x8x128xf32, #tpu.memory_space<vmem>>
      %gather3A_1452 = tpu.vector_load_idx %gather3A_1451[%shift_right_logical3A_1442, %and3A_1445, %broadcast_in_dim3A_1372] : memref<8x8x128xf32, #tpu.memory_space<vmem>>[vector<16xi32>, vector<16xi32>, vector<16xi32>], vector<16xf32>,
      %swap3A_1453 = arith.constant 9 : i32
      %swap3A_1454 = arith.index_cast %swap3A_1453 : i32 to index
      %swap3A_1455 = arith.constant 48 : index
      %swap3A_1456 = tpu.vector_load %arg7[%swap3A_1454, %swap3A_1455] {strides = array<i32>} : memref<32x64xf32, #tpu.memory_space<vmem>>, vector<16xf32>,
      tpu.vector_store %arg7[%swap3A_1454, %swap3A_1455], %gather3A_1452 {strides = array<i32>} : memref<32x64xf32, #tpu.memory_space<vmem>>, vector<16xf32>,
      %slice3A_1457 = vector.extract_strided_slice %scan3A_170 {offsets = [0], sizes = [1], strides = [1]} : vector<16xi32> to vector<1xi32>
      %squeeze3A_1458 = vector.extract %slice3A_1457[0] : i32 from vector<1xi32>
      %shift_right_logical3A_1459 = arith.constant 7 : i32
      %shift_right_logical3A_1460 = arith.shrui %squeeze3A_1458, %shift_right_logical3A_1459 : i32
      %mul3A_1461 = arith.constant 128 : i32
      %mul3A_1462 = arith.muli %shift_right_logical3A_1460, %mul3A_1461 : i32
      %dma_start3A_1463 = arith.constant 0 : i32
      %dma_start3A_1464 = arith.constant 0 : i32
      %dma_start3A_1465 = arith.constant 0 : i32
      %dma_start3A_1466 = arith.constant 0 : i32
      %dma_start3A_1467 = tpu.memref_slice %arg6[%dma_start3A_1463, %dma_start3A_1464, %dma_start3A_1465, %dma_start3A_1466] : memref<8x8x8x128xf32, #tpu.memory_space<vmem>> -> memref<1x8x8x128xf32, #tpu.memory_space<vmem>>
      %dma_start3A_1468 = tpu.memref_squeeze %dma_start3A_1467 : memref<1x8x8x128xf32, #tpu.memory_space<vmem>> -> memref<8x8x128xf32, #tpu.memory_space<vmem>>
      %dma_start3A_1469 = arith.constant 0 : i32
      %dma_start3A_1470 = arith.constant 0 : i32
      %dma_start3A_1471 = tpu.memref_slice %arg3[%dma_start3A_1469, %dma_start3A_1470, %mul3A_1462] : memref<8x8x1000000xf32, #tpu.memory_space<hbm>> -> memref<8x8x128xf32, #tpu.memory_space<hbm>>
      %dma_start3A_1472 = arith.constant 0 : i32
      %dma_start3A_1473 = arith.constant 0 : i32
      %dma_start3A_1474 = arith.constant 0 : i32
      %dma_start3A_1475 = tpu.memref_slice %arg6[%dma_start3A_1463, %dma_start3A_1472, %dma_start3A_1473, %dma_start3A_1474] : memref<8x8x8x128xf32, #tpu.memory_space<vmem>> -> memref<1x8x8x128xf32, #tpu.memory_space<vmem>>
      %dma_start3A_1476 = tpu.memref_squeeze %dma_start3A_1475 : memref<1x8x8x128xf32, #tpu.memory_space<vmem>> -> memref<8x8x128xf32, #tpu.memory_space<vmem>>
      %dma_start3A_1477 = arith.constant 0 : i32
      %dma_start3A_1478 = arith.constant 0 : i32
      %dma_start3A_1479 = tpu.memref_slice %arg3[%dma_start3A_1477, %dma_start3A_1478, %mul3A_1462] : memref<8x8x1000000xf32, #tpu.memory_space<hbm>> -> memref<8x8x128xf32, #tpu.memory_space<hbm>>
      tpu.enqueue_dma source(%dma_start3A_1479 : memref<8x8x128xf32, #tpu.memory_space<hbm>>) target(%dma_start3A_1476 : memref<8x8x128xf32, #tpu.memory_space<vmem>>) target_semaphore(%arg8 : memref<!tpu.dma_semaphore, #tpu.memory_space<semaphore_mem>>)
      %dma_wait3A_1480 = arith.constant 2 : i32
      %dma_wait3A_1481 = arith.constant 0 : i32
      %dma_wait3A_1482 = arith.constant 0 : i32
      %dma_wait3A_1483 = arith.constant 0 : i32
      %dma_wait3A_1484 = tpu.memref_slice %arg6[%dma_wait3A_1480, %dma_wait3A_1481, %dma_wait3A_1482, %dma_wait3A_1483] : memref<8x8x8x128xf32, #tpu.memory_space<vmem>> -> memref<1x8x8x128xf32, #tpu.memory_space<vmem>>
      %dma_wait3A_1485 = tpu.memref_squeeze %dma_wait3A_1484 : memref<1x8x8x128xf32, #tpu.memory_space<vmem>> -> memref<8x8x128xf32, #tpu.memory_space<vmem>>
      %dma_wait3A_1486 = arith.constant 0 : i32
      %dma_wait3A_1487 = arith.constant 0 : i32
      %dma_wait3A_1488 = arith.constant 0 : i32
      %dma_wait3A_1489 = tpu.memref_slice %arg3[%dma_wait3A_1486, %dma_wait3A_1487, %dma_wait3A_1488] : memref<8x8x1000000xf32, #tpu.memory_space<hbm>> -> memref<8x8x128xf32, #tpu.memory_space<hbm>>
      %dma_wait3A_1490 = arith.constant 0 : i32
      %dma_wait3A_1491 = arith.constant 0 : i32
      %dma_wait3A_1492 = arith.constant 0 : i32
      %dma_wait3A_1493 = tpu.memref_slice %arg6[%dma_wait3A_1480, %dma_wait3A_1490, %dma_wait3A_1491, %dma_wait3A_1492] : memref<8x8x8x128xf32, #tpu.memory_space<vmem>> -> memref<1x8x8x128xf32, #tpu.memory_space<vmem>>
      %dma_wait3A_1494 = tpu.memref_squeeze %dma_wait3A_1493 : memref<1x8x8x128xf32, #tpu.memory_space<vmem>> -> memref<8x8x128xf32, #tpu.memory_space<vmem>>
      %dma_wait3A_1495 = arith.constant 0 : i32
      %dma_wait3A_1496 = arith.constant 0 : i32
      %dma_wait3A_1497 = arith.constant 0 : i32
      %dma_wait3A_1498 = tpu.memref_slice %arg3[%dma_wait3A_1495, %dma_wait3A_1496, %dma_wait3A_1497] : memref<8x8x1000000xf32, #tpu.memory_space<hbm>> -> memref<8x8x128xf32, #tpu.memory_space<hbm>>
      tpu.wait_dma2 semaphore(%arg10 : memref<!tpu.dma_semaphore, #tpu.memory_space<semaphore_mem>>) src(%dma_wait3A_1498 : memref<8x8x128xf32, #tpu.memory_space<hbm>>) dst(%dma_wait3A_1494 : memref<8x8x128xf32, #tpu.memory_space<vmem>>)
      %slice3A_1499 = vector.extract_strided_slice %scan3A_169 {offsets = [10], sizes = [1], strides = [1]} : vector<16xi32> to vector<1xi32>
      %squeeze3A_1500 = vector.extract %slice3A_1499[0] : i32 from vector<1xi32>
      %and3A_1501 = arith.constant 127 : i32
      %and3A_1502 = arith.andi %squeeze3A_1500, %and3A_1501 : i32
      %broadcast_in_dim3A_1503 = vector.broadcast %and3A_1502 : i32 to vector<16xi32>
      %iota3A_1504 = tpu.iota {dimensions = array<i32: 0>} : vector<16xi32>
      %add3A_1505 = arith.constant 0 : i32
      %add3A_1506 = vector.broadcast %add3A_1505 : i32 to vector<16xi32>
      %add3A_1507 = arith.addi %iota3A_1504, %add3A_1506 : vector<16xi32>
      %shift_right_logical3A_1508 = arith.constant 3 : i32
      %shift_right_logical3A_1509 = vector.broadcast %shift_right_logical3A_1508 : i32 to vector<16xi32>
      %shift_right_logical3A_1510 = arith.shrui %add3A_1507, %shift_right_logical3A_1509 : vector<16xi32>
      %and3A_1511 = arith.constant 7 : i32
      %and3A_1512 = vector.broadcast %and3A_1511 : i32 to vector<16xi32>
      %and3A_1513 = arith.andi %add3A_1507, %and3A_1512 : vector<16xi32>
      %gather3A_1514 = arith.constant 2 : i32
      %gather3A_1515 = arith.constant 0 : i32
      %gather3A_1516 = arith.constant 0 : i32
      %gather3A_1517 = arith.constant 0 : i32
      %gather3A_1518 = tpu.memref_slice %arg6[%gather3A_1514, %gather3A_1515, %gather3A_1516, %gather3A_1517] : memref<8x8x8x128xf32, #tpu.memory_space<vmem>> -> memref<1x8x8x128xf32, #tpu.memory_space<vmem>>
      %gather3A_1519 = tpu.memref_squeeze %gather3A_1518 : memref<1x8x8x128xf32, #tpu.memory_space<vmem>> -> memref<8x8x128xf32, #tpu.memory_space<vmem>>
      %gather3A_1520 = tpu.vector_load_idx %gather3A_1519[%shift_right_logical3A_1510, %and3A_1513, %broadcast_in_dim3A_1503] : memref<8x8x128xf32, #tpu.memory_space<vmem>>[vector<16xi32>, vector<16xi32>, vector<16xi32>], vector<16xf32>,
      %swap3A_1521 = arith.constant 10 : i32
      %swap3A_1522 = arith.index_cast %swap3A_1521 : i32 to index
      %swap3A_1523 = arith.constant 0 : index
      %swap3A_1524 = tpu.vector_load %arg7[%swap3A_1522, %swap3A_1523] {strides = array<i32>} : memref<32x64xf32, #tpu.memory_space<vmem>>, vector<16xf32>,
      tpu.vector_store %arg7[%swap3A_1522, %swap3A_1523], %gather3A_1520 {strides = array<i32>} : memref<32x64xf32, #tpu.memory_space<vmem>>, vector<16xf32>,
      %iota3A_1525 = tpu.iota {dimensions = array<i32: 0>} : vector<16xi32>
      %add3A_1526 = arith.constant 16 : i32
      %add3A_1527 = vector.broadcast %add3A_1526 : i32 to vector<16xi32>
      %add3A_1528 = arith.addi %iota3A_1525, %add3A_1527 : vector<16xi32>
      %shift_right_logical3A_1529 = arith.constant 3 : i32
      %shift_right_logical3A_1530 = vector.broadcast %shift_right_logical3A_1529 : i32 to vector<16xi32>
      %shift_right_logical3A_1531 = arith.shrui %add3A_1528, %shift_right_logical3A_1530 : vector<16xi32>
      %and3A_1532 = arith.constant 7 : i32
      %and3A_1533 = vector.broadcast %and3A_1532 : i32 to vector<16xi32>
      %and3A_1534 = arith.andi %add3A_1528, %and3A_1533 : vector<16xi32>
      %gather3A_1535 = arith.constant 2 : i32
      %gather3A_1536 = arith.constant 0 : i32
      %gather3A_1537 = arith.constant 0 : i32
      %gather3A_1538 = arith.constant 0 : i32
      %gather3A_1539 = tpu.memref_slice %arg6[%gather3A_1535, %gather3A_1536, %gather3A_1537, %gather3A_1538] : memref<8x8x8x128xf32, #tpu.memory_space<vmem>> -> memref<1x8x8x128xf32, #tpu.memory_space<vmem>>
      %gather3A_1540 = tpu.memref_squeeze %gather3A_1539 : memref<1x8x8x128xf32, #tpu.memory_space<vmem>> -> memref<8x8x128xf32, #tpu.memory_space<vmem>>
      %gather3A_1541 = tpu.vector_load_idx %gather3A_1540[%shift_right_logical3A_1531, %and3A_1534, %broadcast_in_dim3A_1503] : memref<8x8x128xf32, #tpu.memory_space<vmem>>[vector<16xi32>, vector<16xi32>, vector<16xi32>], vector<16xf32>,
      %swap3A_1542 = arith.constant 10 : i32
      %swap3A_1543 = arith.index_cast %swap3A_1542 : i32 to index
      %swap3A_1544 = arith.constant 16 : index
      %swap3A_1545 = tpu.vector_load %arg7[%swap3A_1543, %swap3A_1544] {strides = array<i32>} : memref<32x64xf32, #tpu.memory_space<vmem>>, vector<16xf32>,
      tpu.vector_store %arg7[%swap3A_1543, %swap3A_1544], %gather3A_1541 {strides = array<i32>} : memref<32x64xf32, #tpu.memory_space<vmem>>, vector<16xf32>,
      %iota3A_1546 = tpu.iota {dimensions = array<i32: 0>} : vector<16xi32>
      %add3A_1547 = arith.constant 32 : i32
      %add3A_1548 = vector.broadcast %add3A_1547 : i32 to vector<16xi32>
      %add3A_1549 = arith.addi %iota3A_1546, %add3A_1548 : vector<16xi32>
      %shift_right_logical3A_1550 = arith.constant 3 : i32
      %shift_right_logical3A_1551 = vector.broadcast %shift_right_logical3A_1550 : i32 to vector<16xi32>
      %shift_right_logical3A_1552 = arith.shrui %add3A_1549, %shift_right_logical3A_1551 : vector<16xi32>
      %and3A_1553 = arith.constant 7 : i32
      %and3A_1554 = vector.broadcast %and3A_1553 : i32 to vector<16xi32>
      %and3A_1555 = arith.andi %add3A_1549, %and3A_1554 : vector<16xi32>
      %gather3A_1556 = arith.constant 2 : i32
      %gather3A_1557 = arith.constant 0 : i32
      %gather3A_1558 = arith.constant 0 : i32
      %gather3A_1559 = arith.constant 0 : i32
      %gather3A_1560 = tpu.memref_slice %arg6[%gather3A_1556, %gather3A_1557, %gather3A_1558, %gather3A_1559] : memref<8x8x8x128xf32, #tpu.memory_space<vmem>> -> memref<1x8x8x128xf32, #tpu.memory_space<vmem>>
      %gather3A_1561 = tpu.memref_squeeze %gather3A_1560 : memref<1x8x8x128xf32, #tpu.memory_space<vmem>> -> memref<8x8x128xf32, #tpu.memory_space<vmem>>
      %gather3A_1562 = tpu.vector_load_idx %gather3A_1561[%shift_right_logical3A_1552, %and3A_1555, %broadcast_in_dim3A_1503] : memref<8x8x128xf32, #tpu.memory_space<vmem>>[vector<16xi32>, vector<16xi32>, vector<16xi32>], vector<16xf32>,
      %swap3A_1563 = arith.constant 10 : i32
      %swap3A_1564 = arith.index_cast %swap3A_1563 : i32 to index
      %swap3A_1565 = arith.constant 32 : index
      %swap3A_1566 = tpu.vector_load %arg7[%swap3A_1564, %swap3A_1565] {strides = array<i32>} : memref<32x64xf32, #tpu.memory_space<vmem>>, vector<16xf32>,
      tpu.vector_store %arg7[%swap3A_1564, %swap3A_1565], %gather3A_1562 {strides = array<i32>} : memref<32x64xf32, #tpu.memory_space<vmem>>, vector<16xf32>,
      %iota3A_1567 = tpu.iota {dimensions = array<i32: 0>} : vector<16xi32>
      %add3A_1568 = arith.constant 48 : i32
      %add3A_1569 = vector.broadcast %add3A_1568 : i32 to vector<16xi32>
      %add3A_1570 = arith.addi %iota3A_1567, %add3A_1569 : vector<16xi32>
      %shift_right_logical3A_1571 = arith.constant 3 : i32
      %shift_right_logical3A_1572 = vector.broadcast %shift_right_logical3A_1571 : i32 to vector<16xi32>
      %shift_right_logical3A_1573 = arith.shrui %add3A_1570, %shift_right_logical3A_1572 : vector<16xi32>
      %and3A_1574 = arith.constant 7 : i32
      %and3A_1575 = vector.broadcast %and3A_1574 : i32 to vector<16xi32>
      %and3A_1576 = arith.andi %add3A_1570, %and3A_1575 : vector<16xi32>
      %gather3A_1577 = arith.constant 2 : i32
      %gather3A_1578 = arith.constant 0 : i32
      %gather3A_1579 = arith.constant 0 : i32
      %gather3A_1580 = arith.constant 0 : i32
      %gather3A_1581 = tpu.memref_slice %arg6[%gather3A_1577, %gather3A_1578, %gather3A_1579, %gather3A_1580] : memref<8x8x8x128xf32, #tpu.memory_space<vmem>> -> memref<1x8x8x128xf32, #tpu.memory_space<vmem>>
      %gather3A_1582 = tpu.memref_squeeze %gather3A_1581 : memref<1x8x8x128xf32, #tpu.memory_space<vmem>> -> memref<8x8x128xf32, #tpu.memory_space<vmem>>
      %gather3A_1583 = tpu.vector_load_idx %gather3A_1582[%shift_right_logical3A_1573, %and3A_1576, %broadcast_in_dim3A_1503] : memref<8x8x128xf32, #tpu.memory_space<vmem>>[vector<16xi32>, vector<16xi32>, vector<16xi32>], vector<16xf32>,
      %swap3A_1584 = arith.constant 10 : i32
      %swap3A_1585 = arith.index_cast %swap3A_1584 : i32 to index
      %swap3A_1586 = arith.constant 48 : index
      %swap3A_1587 = tpu.vector_load %arg7[%swap3A_1585, %swap3A_1586] {strides = array<i32>} : memref<32x64xf32, #tpu.memory_space<vmem>>, vector<16xf32>,
      tpu.vector_store %arg7[%swap3A_1585, %swap3A_1586], %gather3A_1583 {strides = array<i32>} : memref<32x64xf32, #tpu.memory_space<vmem>>, vector<16xf32>,
      %slice3A_1588 = vector.extract_strided_slice %scan3A_170 {offsets = [1], sizes = [1], strides = [1]} : vector<16xi32> to vector<1xi32>
      %squeeze3A_1589 = vector.extract %slice3A_1588[0] : i32 from vector<1xi32>
      %shift_right_logical3A_1590 = arith.constant 7 : i32
      %shift_right_logical3A_1591 = arith.shrui %squeeze3A_1589, %shift_right_logical3A_1590 : i32
      %mul3A_1592 = arith.constant 128 : i32
      %mul3A_1593 = arith.muli %shift_right_logical3A_1591, %mul3A_1592 : i32
      %dma_start3A_1594 = arith.constant 1 : i32
      %dma_start3A_1595 = arith.constant 0 : i32
      %dma_start3A_1596 = arith.constant 0 : i32
      %dma_start3A_1597 = arith.constant 0 : i32
      %dma_start3A_1598 = tpu.memref_slice %arg6[%dma_start3A_1594, %dma_start3A_1595, %dma_start3A_1596, %dma_start3A_1597] : memref<8x8x8x128xf32, #tpu.memory_space<vmem>> -> memref<1x8x8x128xf32, #tpu.memory_space<vmem>>
      %dma_start3A_1599 = tpu.memref_squeeze %dma_start3A_1598 : memref<1x8x8x128xf32, #tpu.memory_space<vmem>> -> memref<8x8x128xf32, #tpu.memory_space<vmem>>
      %dma_start3A_1600 = arith.constant 0 : i32
      %dma_start3A_1601 = arith.constant 0 : i32
      %dma_start3A_1602 = tpu.memref_slice %arg3[%dma_start3A_1600, %dma_start3A_1601, %mul3A_1593] : memref<8x8x1000000xf32, #tpu.memory_space<hbm>> -> memref<8x8x128xf32, #tpu.memory_space<hbm>>
      %dma_start3A_1603 = arith.constant 0 : i32
      %dma_start3A_1604 = arith.constant 0 : i32
      %dma_start3A_1605 = arith.constant 0 : i32
      %dma_start3A_1606 = tpu.memref_slice %arg6[%dma_start3A_1594, %dma_start3A_1603, %dma_start3A_1604, %dma_start3A_1605] : memref<8x8x8x128xf32, #tpu.memory_space<vmem>> -> memref<1x8x8x128xf32, #tpu.memory_space<vmem>>
      %dma_start3A_1607 = tpu.memref_squeeze %dma_start3A_1606 : memref<1x8x8x128xf32, #tpu.memory_space<vmem>> -> memref<8x8x128xf32, #tpu.memory_space<vmem>>
      %dma_start3A_1608 = arith.constant 0 : i32
      %dma_start3A_1609 = arith.constant 0 : i32
      %dma_start3A_1610 = tpu.memref_slice %arg3[%dma_start3A_1608, %dma_start3A_1609, %mul3A_1593] : memref<8x8x1000000xf32, #tpu.memory_space<hbm>> -> memref<8x8x128xf32, #tpu.memory_space<hbm>>
      tpu.enqueue_dma source(%dma_start3A_1610 : memref<8x8x128xf32, #tpu.memory_space<hbm>>) target(%dma_start3A_1607 : memref<8x8x128xf32, #tpu.memory_space<vmem>>) target_semaphore(%arg9 : memref<!tpu.dma_semaphore, #tpu.memory_space<semaphore_mem>>)
      %dma_wait3A_1611 = arith.constant 3 : i32
      %dma_wait3A_1612 = arith.constant 0 : i32
      %dma_wait3A_1613 = arith.constant 0 : i32
      %dma_wait3A_1614 = arith.constant 0 : i32
      %dma_wait3A_1615 = tpu.memref_slice %arg6[%dma_wait3A_1611, %dma_wait3A_1612, %dma_wait3A_1613, %dma_wait3A_1614] : memref<8x8x8x128xf32, #tpu.memory_space<vmem>> -> memref<1x8x8x128xf32, #tpu.memory_space<vmem>>
      %dma_wait3A_1616 = tpu.memref_squeeze %dma_wait3A_1615 : memref<1x8x8x128xf32, #tpu.memory_space<vmem>> -> memref<8x8x128xf32, #tpu.memory_space<vmem>>
      %dma_wait3A_1617 = arith.constant 0 : i32
      %dma_wait3A_1618 = arith.constant 0 : i32
      %dma_wait3A_1619 = arith.constant 0 : i32
      %dma_wait3A_1620 = tpu.memref_slice %arg3[%dma_wait3A_1617, %dma_wait3A_1618, %dma_wait3A_1619] : memref<8x8x1000000xf32, #tpu.memory_space<hbm>> -> memref<8x8x128xf32, #tpu.memory_space<hbm>>
      %dma_wait3A_1621 = arith.constant 0 : i32
      %dma_wait3A_1622 = arith.constant 0 : i32
      %dma_wait3A_1623 = arith.constant 0 : i32
      %dma_wait3A_1624 = tpu.memref_slice %arg6[%dma_wait3A_1611, %dma_wait3A_1621, %dma_wait3A_1622, %dma_wait3A_1623] : memref<8x8x8x128xf32, #tpu.memory_space<vmem>> -> memref<1x8x8x128xf32, #tpu.memory_space<vmem>>
      %dma_wait3A_1625 = tpu.memref_squeeze %dma_wait3A_1624 : memref<1x8x8x128xf32, #tpu.memory_space<vmem>> -> memref<8x8x128xf32, #tpu.memory_space<vmem>>
      %dma_wait3A_1626 = arith.constant 0 : i32
      %dma_wait3A_1627 = arith.constant 0 : i32
      %dma_wait3A_1628 = arith.constant 0 : i32
      %dma_wait3A_1629 = tpu.memref_slice %arg3[%dma_wait3A_1626, %dma_wait3A_1627, %dma_wait3A_1628] : memref<8x8x1000000xf32, #tpu.memory_space<hbm>> -> memref<8x8x128xf32, #tpu.memory_space<hbm>>
      tpu.wait_dma2 semaphore(%arg11 : memref<!tpu.dma_semaphore, #tpu.memory_space<semaphore_mem>>) src(%dma_wait3A_1629 : memref<8x8x128xf32, #tpu.memory_space<hbm>>) dst(%dma_wait3A_1625 : memref<8x8x128xf32, #tpu.memory_space<vmem>>)
      %slice3A_1630 = vector.extract_strided_slice %scan3A_169 {offsets = [11], sizes = [1], strides = [1]} : vector<16xi32> to vector<1xi32>
      %squeeze3A_1631 = vector.extract %slice3A_1630[0] : i32 from vector<1xi32>
      %and3A_1632 = arith.constant 127 : i32
      %and3A_1633 = arith.andi %squeeze3A_1631, %and3A_1632 : i32
      %broadcast_in_dim3A_1634 = vector.broadcast %and3A_1633 : i32 to vector<16xi32>
      %iota3A_1635 = tpu.iota {dimensions = array<i32: 0>} : vector<16xi32>
      %add3A_1636 = arith.constant 0 : i32
      %add3A_1637 = vector.broadcast %add3A_1636 : i32 to vector<16xi32>
      %add3A_1638 = arith.addi %iota3A_1635, %add3A_1637 : vector<16xi32>
      %shift_right_logical3A_1639 = arith.constant 3 : i32
      %shift_right_logical3A_1640 = vector.broadcast %shift_right_logical3A_1639 : i32 to vector<16xi32>
      %shift_right_logical3A_1641 = arith.shrui %add3A_1638, %shift_right_logical3A_1640 : vector<16xi32>
      %and3A_1642 = arith.constant 7 : i32
      %and3A_1643 = vector.broadcast %and3A_1642 : i32 to vector<16xi32>
      %and3A_1644 = arith.andi %add3A_1638, %and3A_1643 : vector<16xi32>
      %gather3A_1645 = arith.constant 3 : i32
      %gather3A_1646 = arith.constant 0 : i32
      %gather3A_1647 = arith.constant 0 : i32
      %gather3A_1648 = arith.constant 0 : i32
      %gather3A_1649 = tpu.memref_slice %arg6[%gather3A_1645, %gather3A_1646, %gather3A_1647, %gather3A_1648] : memref<8x8x8x128xf32, #tpu.memory_space<vmem>> -> memref<1x8x8x128xf32, #tpu.memory_space<vmem>>
      %gather3A_1650 = tpu.memref_squeeze %gather3A_1649 : memref<1x8x8x128xf32, #tpu.memory_space<vmem>> -> memref<8x8x128xf32, #tpu.memory_space<vmem>>
      %gather3A_1651 = tpu.vector_load_idx %gather3A_1650[%shift_right_logical3A_1641, %and3A_1644, %broadcast_in_dim3A_1634] : memref<8x8x128xf32, #tpu.memory_space<vmem>>[vector<16xi32>, vector<16xi32>, vector<16xi32>], vector<16xf32>,
      %swap3A_1652 = arith.constant 11 : i32
      %swap3A_1653 = arith.index_cast %swap3A_1652 : i32 to index
      %swap3A_1654 = arith.constant 0 : index
      %swap3A_1655 = tpu.vector_load %arg7[%swap3A_1653, %swap3A_1654] {strides = array<i32>} : memref<32x64xf32, #tpu.memory_space<vmem>>, vector<16xf32>,
      tpu.vector_store %arg7[%swap3A_1653, %swap3A_1654], %gather3A_1651 {strides = array<i32>} : memref<32x64xf32, #tpu.memory_space<vmem>>, vector<16xf32>,
      %iota3A_1656 = tpu.iota {dimensions = array<i32: 0>} : vector<16xi32>
      %add3A_1657 = arith.constant 16 : i32
      %add3A_1658 = vector.broadcast %add3A_1657 : i32 to vector<16xi32>
      %add3A_1659 = arith.addi %iota3A_1656, %add3A_1658 : vector<16xi32>
      %shift_right_logical3A_1660 = arith.constant 3 : i32
      %shift_right_logical3A_1661 = vector.broadcast %shift_right_logical3A_1660 : i32 to vector<16xi32>
      %shift_right_logical3A_1662 = arith.shrui %add3A_1659, %shift_right_logical3A_1661 : vector<16xi32>
      %and3A_1663 = arith.constant 7 : i32
      %and3A_1664 = vector.broadcast %and3A_1663 : i32 to vector<16xi32>
      %and3A_1665 = arith.andi %add3A_1659, %and3A_1664 : vector<16xi32>
      %gather3A_1666 = arith.constant 3 : i32
      %gather3A_1667 = arith.constant 0 : i32
      %gather3A_1668 = arith.constant 0 : i32
      %gather3A_1669 = arith.constant 0 : i32
      %gather3A_1670 = tpu.memref_slice %arg6[%gather3A_1666, %gather3A_1667, %gather3A_1668, %gather3A_1669] : memref<8x8x8x128xf32, #tpu.memory_space<vmem>> -> memref<1x8x8x128xf32, #tpu.memory_space<vmem>>
      %gather3A_1671 = tpu.memref_squeeze %gather3A_1670 : memref<1x8x8x128xf32, #tpu.memory_space<vmem>> -> memref<8x8x128xf32, #tpu.memory_space<vmem>>
      %gather3A_1672 = tpu.vector_load_idx %gather3A_1671[%shift_right_logical3A_1662, %and3A_1665, %broadcast_in_dim3A_1634] : memref<8x8x128xf32, #tpu.memory_space<vmem>>[vector<16xi32>, vector<16xi32>, vector<16xi32>], vector<16xf32>,
      %swap3A_1673 = arith.constant 11 : i32
      %swap3A_1674 = arith.index_cast %swap3A_1673 : i32 to index
      %swap3A_1675 = arith.constant 16 : index
      %swap3A_1676 = tpu.vector_load %arg7[%swap3A_1674, %swap3A_1675] {strides = array<i32>} : memref<32x64xf32, #tpu.memory_space<vmem>>, vector<16xf32>,
      tpu.vector_store %arg7[%swap3A_1674, %swap3A_1675], %gather3A_1672 {strides = array<i32>} : memref<32x64xf32, #tpu.memory_space<vmem>>, vector<16xf32>,
      %iota3A_1677 = tpu.iota {dimensions = array<i32: 0>} : vector<16xi32>
      %add3A_1678 = arith.constant 32 : i32
      %add3A_1679 = vector.broadcast %add3A_1678 : i32 to vector<16xi32>
      %add3A_1680 = arith.addi %iota3A_1677, %add3A_1679 : vector<16xi32>
      %shift_right_logical3A_1681 = arith.constant 3 : i32
      %shift_right_logical3A_1682 = vector.broadcast %shift_right_logical3A_1681 : i32 to vector<16xi32>
      %shift_right_logical3A_1683 = arith.shrui %add3A_1680, %shift_right_logical3A_1682 : vector<16xi32>
      %and3A_1684 = arith.constant 7 : i32
      %and3A_1685 = vector.broadcast %and3A_1684 : i32 to vector<16xi32>
      %and3A_1686 = arith.andi %add3A_1680, %and3A_1685 : vector<16xi32>
      %gather3A_1687 = arith.constant 3 : i32
      %gather3A_1688 = arith.constant 0 : i32
      %gather3A_1689 = arith.constant 0 : i32
      %gather3A_1690 = arith.constant 0 : i32
      %gather3A_1691 = tpu.memref_slice %arg6[%gather3A_1687, %gather3A_1688, %gather3A_1689, %gather3A_1690] : memref<8x8x8x128xf32, #tpu.memory_space<vmem>> -> memref<1x8x8x128xf32, #tpu.memory_space<vmem>>
      %gather3A_1692 = tpu.memref_squeeze %gather3A_1691 : memref<1x8x8x128xf32, #tpu.memory_space<vmem>> -> memref<8x8x128xf32, #tpu.memory_space<vmem>>
      %gather3A_1693 = tpu.vector_load_idx %gather3A_1692[%shift_right_logical3A_1683, %and3A_1686, %broadcast_in_dim3A_1634] : memref<8x8x128xf32, #tpu.memory_space<vmem>>[vector<16xi32>, vector<16xi32>, vector<16xi32>], vector<16xf32>,
      %swap3A_1694 = arith.constant 11 : i32
      %swap3A_1695 = arith.index_cast %swap3A_1694 : i32 to index
      %swap3A_1696 = arith.constant 32 : index
      %swap3A_1697 = tpu.vector_load %arg7[%swap3A_1695, %swap3A_1696] {strides = array<i32>} : memref<32x64xf32, #tpu.memory_space<vmem>>, vector<16xf32>,
      tpu.vector_store %arg7[%swap3A_1695, %swap3A_1696], %gather3A_1693 {strides = array<i32>} : memref<32x64xf32, #tpu.memory_space<vmem>>, vector<16xf32>,
      %iota3A_1698 = tpu.iota {dimensions = array<i32: 0>} : vector<16xi32>
      %add3A_1699 = arith.constant 48 : i32
      %add3A_1700 = vector.broadcast %add3A_1699 : i32 to vector<16xi32>
      %add3A_1701 = arith.addi %iota3A_1698, %add3A_1700 : vector<16xi32>
      %shift_right_logical3A_1702 = arith.constant 3 : i32
      %shift_right_logical3A_1703 = vector.broadcast %shift_right_logical3A_1702 : i32 to vector<16xi32>
      %shift_right_logical3A_1704 = arith.shrui %add3A_1701, %shift_right_logical3A_1703 : vector<16xi32>
      %and3A_1705 = arith.constant 7 : i32
      %and3A_1706 = vector.broadcast %and3A_1705 : i32 to vector<16xi32>
      %and3A_1707 = arith.andi %add3A_1701, %and3A_1706 : vector<16xi32>
      %gather3A_1708 = arith.constant 3 : i32
      %gather3A_1709 = arith.constant 0 : i32
      %gather3A_1710 = arith.constant 0 : i32
      %gather3A_1711 = arith.constant 0 : i32
      %gather3A_1712 = tpu.memref_slice %arg6[%gather3A_1708, %gather3A_1709, %gather3A_1710, %gather3A_1711] : memref<8x8x8x128xf32, #tpu.memory_space<vmem>> -> memref<1x8x8x128xf32, #tpu.memory_space<vmem>>
      %gather3A_1713 = tpu.memref_squeeze %gather3A_1712 : memref<1x8x8x128xf32, #tpu.memory_space<vmem>> -> memref<8x8x128xf32, #tpu.memory_space<vmem>>
      %gather3A_1714 = tpu.vector_load_idx %gather3A_1713[%shift_right_logical3A_1704, %and3A_1707, %broadcast_in_dim3A_1634] : memref<8x8x128xf32, #tpu.memory_space<vmem>>[vector<16xi32>, vector<16xi32>, vector<16xi32>], vector<16xf32>,
      %swap3A_1715 = arith.constant 11 : i32
      %swap3A_1716 = arith.index_cast %swap3A_1715 : i32 to index
      %swap3A_1717 = arith.constant 48 : index
      %swap3A_1718 = tpu.vector_load %arg7[%swap3A_1716, %swap3A_1717] {strides = array<i32>} : memref<32x64xf32, #tpu.memory_space<vmem>>, vector<16xf32>,
      tpu.vector_store %arg7[%swap3A_1716, %swap3A_1717], %gather3A_1714 {strides = array<i32>} : memref<32x64xf32, #tpu.memory_space<vmem>>, vector<16xf32>,
      %slice3A_1719 = vector.extract_strided_slice %scan3A_170 {offsets = [2], sizes = [1], strides = [1]} : vector<16xi32> to vector<1xi32>
      %squeeze3A_1720 = vector.extract %slice3A_1719[0] : i32 from vector<1xi32>
      %shift_right_logical3A_1721 = arith.constant 7 : i32
      %shift_right_logical3A_1722 = arith.shrui %squeeze3A_1720, %shift_right_logical3A_1721 : i32
      %mul3A_1723 = arith.constant 128 : i32
      %mul3A_1724 = arith.muli %shift_right_logical3A_1722, %mul3A_1723 : i32
      %dma_start3A_1725 = arith.constant 2 : i32
      %dma_start3A_1726 = arith.constant 0 : i32
      %dma_start3A_1727 = arith.constant 0 : i32
      %dma_start3A_1728 = arith.constant 0 : i32
      %dma_start3A_1729 = tpu.memref_slice %arg6[%dma_start3A_1725, %dma_start3A_1726, %dma_start3A_1727, %dma_start3A_1728] : memref<8x8x8x128xf32, #tpu.memory_space<vmem>> -> memref<1x8x8x128xf32, #tpu.memory_space<vmem>>
      %dma_start3A_1730 = tpu.memref_squeeze %dma_start3A_1729 : memref<1x8x8x128xf32, #tpu.memory_space<vmem>> -> memref<8x8x128xf32, #tpu.memory_space<vmem>>
      %dma_start3A_1731 = arith.constant 0 : i32
      %dma_start3A_1732 = arith.constant 0 : i32
      %dma_start3A_1733 = tpu.memref_slice %arg3[%dma_start3A_1731, %dma_start3A_1732, %mul3A_1724] : memref<8x8x1000000xf32, #tpu.memory_space<hbm>> -> memref<8x8x128xf32, #tpu.memory_space<hbm>>
      %dma_start3A_1734 = arith.constant 0 : i32
      %dma_start3A_1735 = arith.constant 0 : i32
      %dma_start3A_1736 = arith.constant 0 : i32
      %dma_start3A_1737 = tpu.memref_slice %arg6[%dma_start3A_1725, %dma_start3A_1734, %dma_start3A_1735, %dma_start3A_1736] : memref<8x8x8x128xf32, #tpu.memory_space<vmem>> -> memref<1x8x8x128xf32, #tpu.memory_space<vmem>>
      %dma_start3A_1738 = tpu.memref_squeeze %dma_start3A_1737 : memref<1x8x8x128xf32, #tpu.memory_space<vmem>> -> memref<8x8x128xf32, #tpu.memory_space<vmem>>
      %dma_start3A_1739 = arith.constant 0 : i32
      %dma_start3A_1740 = arith.constant 0 : i32
      %dma_start3A_1741 = tpu.memref_slice %arg3[%dma_start3A_1739, %dma_start3A_1740, %mul3A_1724] : memref<8x8x1000000xf32, #tpu.memory_space<hbm>> -> memref<8x8x128xf32, #tpu.memory_space<hbm>>
      tpu.enqueue_dma source(%dma_start3A_1741 : memref<8x8x128xf32, #tpu.memory_space<hbm>>) target(%dma_start3A_1738 : memref<8x8x128xf32, #tpu.memory_space<vmem>>) target_semaphore(%arg10 : memref<!tpu.dma_semaphore, #tpu.memory_space<semaphore_mem>>)
      %dma_wait3A_1742 = arith.constant 4 : i32
      %dma_wait3A_1743 = arith.constant 0 : i32
      %dma_wait3A_1744 = arith.constant 0 : i32
      %dma_wait3A_1745 = arith.constant 0 : i32
      %dma_wait3A_1746 = tpu.memref_slice %arg6[%dma_wait3A_1742, %dma_wait3A_1743, %dma_wait3A_1744, %dma_wait3A_1745] : memref<8x8x8x128xf32, #tpu.memory_space<vmem>> -> memref<1x8x8x128xf32, #tpu.memory_space<vmem>>
      %dma_wait3A_1747 = tpu.memref_squeeze %dma_wait3A_1746 : memref<1x8x8x128xf32, #tpu.memory_space<vmem>> -> memref<8x8x128xf32, #tpu.memory_space<vmem>>
      %dma_wait3A_1748 = arith.constant 0 : i32
      %dma_wait3A_1749 = arith.constant 0 : i32
      %dma_wait3A_1750 = arith.constant 0 : i32
      %dma_wait3A_1751 = tpu.memref_slice %arg3[%dma_wait3A_1748, %dma_wait3A_1749, %dma_wait3A_1750] : memref<8x8x1000000xf32, #tpu.memory_space<hbm>> -> memref<8x8x128xf32, #tpu.memory_space<hbm>>
      %dma_wait3A_1752 = arith.constant 0 : i32
      %dma_wait3A_1753 = arith.constant 0 : i32
      %dma_wait3A_1754 = arith.constant 0 : i32
      %dma_wait3A_1755 = tpu.memref_slice %arg6[%dma_wait3A_1742, %dma_wait3A_1752, %dma_wait3A_1753, %dma_wait3A_1754] : memref<8x8x8x128xf32, #tpu.memory_space<vmem>> -> memref<1x8x8x128xf32, #tpu.memory_space<vmem>>
      %dma_wait3A_1756 = tpu.memref_squeeze %dma_wait3A_1755 : memref<1x8x8x128xf32, #tpu.memory_space<vmem>> -> memref<8x8x128xf32, #tpu.memory_space<vmem>>
      %dma_wait3A_1757 = arith.constant 0 : i32
      %dma_wait3A_1758 = arith.constant 0 : i32
      %dma_wait3A_1759 = arith.constant 0 : i32
      %dma_wait3A_1760 = tpu.memref_slice %arg3[%dma_wait3A_1757, %dma_wait3A_1758, %dma_wait3A_1759] : memref<8x8x1000000xf32, #tpu.memory_space<hbm>> -> memref<8x8x128xf32, #tpu.memory_space<hbm>>
      tpu.wait_dma2 semaphore(%arg12 : memref<!tpu.dma_semaphore, #tpu.memory_space<semaphore_mem>>) src(%dma_wait3A_1760 : memref<8x8x128xf32, #tpu.memory_space<hbm>>) dst(%dma_wait3A_1756 : memref<8x8x128xf32, #tpu.memory_space<vmem>>)
      %slice3A_1761 = vector.extract_strided_slice %scan3A_169 {offsets = [12], sizes = [1], strides = [1]} : vector<16xi32> to vector<1xi32>
      %squeeze3A_1762 = vector.extract %slice3A_1761[0] : i32 from vector<1xi32>
      %and3A_1763 = arith.constant 127 : i32
      %and3A_1764 = arith.andi %squeeze3A_1762, %and3A_1763 : i32
      %broadcast_in_dim3A_1765 = vector.broadcast %and3A_1764 : i32 to vector<16xi32>
      %iota3A_1766 = tpu.iota {dimensions = array<i32: 0>} : vector<16xi32>
      %add3A_1767 = arith.constant 0 : i32
      %add3A_1768 = vector.broadcast %add3A_1767 : i32 to vector<16xi32>
      %add3A_1769 = arith.addi %iota3A_1766, %add3A_1768 : vector<16xi32>
      %shift_right_logical3A_1770 = arith.constant 3 : i32
      %shift_right_logical3A_1771 = vector.broadcast %shift_right_logical3A_1770 : i32 to vector<16xi32>
      %shift_right_logical3A_1772 = arith.shrui %add3A_1769, %shift_right_logical3A_1771 : vector<16xi32>
      %and3A_1773 = arith.constant 7 : i32
      %and3A_1774 = vector.broadcast %and3A_1773 : i32 to vector<16xi32>
      %and3A_1775 = arith.andi %add3A_1769, %and3A_1774 : vector<16xi32>
      %gather3A_1776 = arith.constant 4 : i32
      %gather3A_1777 = arith.constant 0 : i32
      %gather3A_1778 = arith.constant 0 : i32
      %gather3A_1779 = arith.constant 0 : i32
      %gather3A_1780 = tpu.memref_slice %arg6[%gather3A_1776, %gather3A_1777, %gather3A_1778, %gather3A_1779] : memref<8x8x8x128xf32, #tpu.memory_space<vmem>> -> memref<1x8x8x128xf32, #tpu.memory_space<vmem>>
      %gather3A_1781 = tpu.memref_squeeze %gather3A_1780 : memref<1x8x8x128xf32, #tpu.memory_space<vmem>> -> memref<8x8x128xf32, #tpu.memory_space<vmem>>
      %gather3A_1782 = tpu.vector_load_idx %gather3A_1781[%shift_right_logical3A_1772, %and3A_1775, %broadcast_in_dim3A_1765] : memref<8x8x128xf32, #tpu.memory_space<vmem>>[vector<16xi32>, vector<16xi32>, vector<16xi32>], vector<16xf32>,
      %swap3A_1783 = arith.constant 12 : i32
      %swap3A_1784 = arith.index_cast %swap3A_1783 : i32 to index
      %swap3A_1785 = arith.constant 0 : index
      %swap3A_1786 = tpu.vector_load %arg7[%swap3A_1784, %swap3A_1785] {strides = array<i32>} : memref<32x64xf32, #tpu.memory_space<vmem>>, vector<16xf32>,
      tpu.vector_store %arg7[%swap3A_1784, %swap3A_1785], %gather3A_1782 {strides = array<i32>} : memref<32x64xf32, #tpu.memory_space<vmem>>, vector<16xf32>,
      %iota3A_1787 = tpu.iota {dimensions = array<i32: 0>} : vector<16xi32>
      %add3A_1788 = arith.constant 16 : i32
      %add3A_1789 = vector.broadcast %add3A_1788 : i32 to vector<16xi32>
      %add3A_1790 = arith.addi %iota3A_1787, %add3A_1789 : vector<16xi32>
      %shift_right_logical3A_1791 = arith.constant 3 : i32
      %shift_right_logical3A_1792 = vector.broadcast %shift_right_logical3A_1791 : i32 to vector<16xi32>
      %shift_right_logical3A_1793 = arith.shrui %add3A_1790, %shift_right_logical3A_1792 : vector<16xi32>
      %and3A_1794 = arith.constant 7 : i32
      %and3A_1795 = vector.broadcast %and3A_1794 : i32 to vector<16xi32>
      %and3A_1796 = arith.andi %add3A_1790, %and3A_1795 : vector<16xi32>
      %gather3A_1797 = arith.constant 4 : i32
      %gather3A_1798 = arith.constant 0 : i32
      %gather3A_1799 = arith.constant 0 : i32
      %gather3A_1800 = arith.constant 0 : i32
      %gather3A_1801 = tpu.memref_slice %arg6[%gather3A_1797, %gather3A_1798, %gather3A_1799, %gather3A_1800] : memref<8x8x8x128xf32, #tpu.memory_space<vmem>> -> memref<1x8x8x128xf32, #tpu.memory_space<vmem>>
      %gather3A_1802 = tpu.memref_squeeze %gather3A_1801 : memref<1x8x8x128xf32, #tpu.memory_space<vmem>> -> memref<8x8x128xf32, #tpu.memory_space<vmem>>
      %gather3A_1803 = tpu.vector_load_idx %gather3A_1802[%shift_right_logical3A_1793, %and3A_1796, %broadcast_in_dim3A_1765] : memref<8x8x128xf32, #tpu.memory_space<vmem>>[vector<16xi32>, vector<16xi32>, vector<16xi32>], vector<16xf32>,
      %swap3A_1804 = arith.constant 12 : i32
      %swap3A_1805 = arith.index_cast %swap3A_1804 : i32 to index
      %swap3A_1806 = arith.constant 16 : index
      %swap3A_1807 = tpu.vector_load %arg7[%swap3A_1805, %swap3A_1806] {strides = array<i32>} : memref<32x64xf32, #tpu.memory_space<vmem>>, vector<16xf32>,
      tpu.vector_store %arg7[%swap3A_1805, %swap3A_1806], %gather3A_1803 {strides = array<i32>} : memref<32x64xf32, #tpu.memory_space<vmem>>, vector<16xf32>,
      %iota3A_1808 = tpu.iota {dimensions = array<i32: 0>} : vector<16xi32>
      %add3A_1809 = arith.constant 32 : i32
      %add3A_1810 = vector.broadcast %add3A_1809 : i32 to vector<16xi32>
      %add3A_1811 = arith.addi %iota3A_1808, %add3A_1810 : vector<16xi32>
      %shift_right_logical3A_1812 = arith.constant 3 : i32
      %shift_right_logical3A_1813 = vector.broadcast %shift_right_logical3A_1812 : i32 to vector<16xi32>
      %shift_right_logical3A_1814 = arith.shrui %add3A_1811, %shift_right_logical3A_1813 : vector<16xi32>
      %and3A_1815 = arith.constant 7 : i32
      %and3A_1816 = vector.broadcast %and3A_1815 : i32 to vector<16xi32>
      %and3A_1817 = arith.andi %add3A_1811, %and3A_1816 : vector<16xi32>
      %gather3A_1818 = arith.constant 4 : i32
      %gather3A_1819 = arith.constant 0 : i32
      %gather3A_1820 = arith.constant 0 : i32
      %gather3A_1821 = arith.constant 0 : i32
      %gather3A_1822 = tpu.memref_slice %arg6[%gather3A_1818, %gather3A_1819, %gather3A_1820, %gather3A_1821] : memref<8x8x8x128xf32, #tpu.memory_space<vmem>> -> memref<1x8x8x128xf32, #tpu.memory_space<vmem>>
      %gather3A_1823 = tpu.memref_squeeze %gather3A_1822 : memref<1x8x8x128xf32, #tpu.memory_space<vmem>> -> memref<8x8x128xf32, #tpu.memory_space<vmem>>
      %gather3A_1824 = tpu.vector_load_idx %gather3A_1823[%shift_right_logical3A_1814, %and3A_1817, %broadcast_in_dim3A_1765] : memref<8x8x128xf32, #tpu.memory_space<vmem>>[vector<16xi32>, vector<16xi32>, vector<16xi32>], vector<16xf32>,
      %swap3A_1825 = arith.constant 12 : i32
      %swap3A_1826 = arith.index_cast %swap3A_1825 : i32 to index
      %swap3A_1827 = arith.constant 32 : index
      %swap3A_1828 = tpu.vector_load %arg7[%swap3A_1826, %swap3A_1827] {strides = array<i32>} : memref<32x64xf32, #tpu.memory_space<vmem>>, vector<16xf32>,
      tpu.vector_store %arg7[%swap3A_1826, %swap3A_1827], %gather3A_1824 {strides = array<i32>} : memref<32x64xf32, #tpu.memory_space<vmem>>, vector<16xf32>,
      %iota3A_1829 = tpu.iota {dimensions = array<i32: 0>} : vector<16xi32>
      %add3A_1830 = arith.constant 48 : i32
      %add3A_1831 = vector.broadcast %add3A_1830 : i32 to vector<16xi32>
      %add3A_1832 = arith.addi %iota3A_1829, %add3A_1831 : vector<16xi32>
      %shift_right_logical3A_1833 = arith.constant 3 : i32
      %shift_right_logical3A_1834 = vector.broadcast %shift_right_logical3A_1833 : i32 to vector<16xi32>
      %shift_right_logical3A_1835 = arith.shrui %add3A_1832, %shift_right_logical3A_1834 : vector<16xi32>
      %and3A_1836 = arith.constant 7 : i32
      %and3A_1837 = vector.broadcast %and3A_1836 : i32 to vector<16xi32>
      %and3A_1838 = arith.andi %add3A_1832, %and3A_1837 : vector<16xi32>
      %gather3A_1839 = arith.constant 4 : i32
      %gather3A_1840 = arith.constant 0 : i32
      %gather3A_1841 = arith.constant 0 : i32
      %gather3A_1842 = arith.constant 0 : i32
      %gather3A_1843 = tpu.memref_slice %arg6[%gather3A_1839, %gather3A_1840, %gather3A_1841, %gather3A_1842] : memref<8x8x8x128xf32, #tpu.memory_space<vmem>> -> memref<1x8x8x128xf32, #tpu.memory_space<vmem>>
      %gather3A_1844 = tpu.memref_squeeze %gather3A_1843 : memref<1x8x8x128xf32, #tpu.memory_space<vmem>> -> memref<8x8x128xf32, #tpu.memory_space<vmem>>
      %gather3A_1845 = tpu.vector_load_idx %gather3A_1844[%shift_right_logical3A_1835, %and3A_1838, %broadcast_in_dim3A_1765] : memref<8x8x128xf32, #tpu.memory_space<vmem>>[vector<16xi32>, vector<16xi32>, vector<16xi32>], vector<16xf32>,
      %swap3A_1846 = arith.constant 12 : i32
      %swap3A_1847 = arith.index_cast %swap3A_1846 : i32 to index
      %swap3A_1848 = arith.constant 48 : index
      %swap3A_1849 = tpu.vector_load %arg7[%swap3A_1847, %swap3A_1848] {strides = array<i32>} : memref<32x64xf32, #tpu.memory_space<vmem>>, vector<16xf32>,
      tpu.vector_store %arg7[%swap3A_1847, %swap3A_1848], %gather3A_1845 {strides = array<i32>} : memref<32x64xf32, #tpu.memory_space<vmem>>, vector<16xf32>,
      %slice3A_1850 = vector.extract_strided_slice %scan3A_170 {offsets = [3], sizes = [1], strides = [1]} : vector<16xi32> to vector<1xi32>
      %squeeze3A_1851 = vector.extract %slice3A_1850[0] : i32 from vector<1xi32>
      %shift_right_logical3A_1852 = arith.constant 7 : i32
      %shift_right_logical3A_1853 = arith.shrui %squeeze3A_1851, %shift_right_logical3A_1852 : i32
      %mul3A_1854 = arith.constant 128 : i32
      %mul3A_1855 = arith.muli %shift_right_logical3A_1853, %mul3A_1854 : i32
      %dma_start3A_1856 = arith.constant 3 : i32
      %dma_start3A_1857 = arith.constant 0 : i32
      %dma_start3A_1858 = arith.constant 0 : i32
      %dma_start3A_1859 = arith.constant 0 : i32
      %dma_start3A_1860 = tpu.memref_slice %arg6[%dma_start3A_1856, %dma_start3A_1857, %dma_start3A_1858, %dma_start3A_1859] : memref<8x8x8x128xf32, #tpu.memory_space<vmem>> -> memref<1x8x8x128xf32, #tpu.memory_space<vmem>>
      %dma_start3A_1861 = tpu.memref_squeeze %dma_start3A_1860 : memref<1x8x8x128xf32, #tpu.memory_space<vmem>> -> memref<8x8x128xf32, #tpu.memory_space<vmem>>
      %dma_start3A_1862 = arith.constant 0 : i32
      %dma_start3A_1863 = arith.constant 0 : i32
      %dma_start3A_1864 = tpu.memref_slice %arg3[%dma_start3A_1862, %dma_start3A_1863, %mul3A_1855] : memref<8x8x1000000xf32, #tpu.memory_space<hbm>> -> memref<8x8x128xf32, #tpu.memory_space<hbm>>
      %dma_start3A_1865 = arith.constant 0 : i32
      %dma_start3A_1866 = arith.constant 0 : i32
      %dma_start3A_1867 = arith.constant 0 : i32
      %dma_start3A_1868 = tpu.memref_slice %arg6[%dma_start3A_1856, %dma_start3A_1865, %dma_start3A_1866, %dma_start3A_1867] : memref<8x8x8x128xf32, #tpu.memory_space<vmem>> -> memref<1x8x8x128xf32, #tpu.memory_space<vmem>>
      %dma_start3A_1869 = tpu.memref_squeeze %dma_start3A_1868 : memref<1x8x8x128xf32, #tpu.memory_space<vmem>> -> memref<8x8x128xf32, #tpu.memory_space<vmem>>
      %dma_start3A_1870 = arith.constant 0 : i32
      %dma_start3A_1871 = arith.constant 0 : i32
      %dma_start3A_1872 = tpu.memref_slice %arg3[%dma_start3A_1870, %dma_start3A_1871, %mul3A_1855] : memref<8x8x1000000xf32, #tpu.memory_space<hbm>> -> memref<8x8x128xf32, #tpu.memory_space<hbm>>
      tpu.enqueue_dma source(%dma_start3A_1872 : memref<8x8x128xf32, #tpu.memory_space<hbm>>) target(%dma_start3A_1869 : memref<8x8x128xf32, #tpu.memory_space<vmem>>) target_semaphore(%arg11 : memref<!tpu.dma_semaphore, #tpu.memory_space<semaphore_mem>>)
      %dma_wait3A_1873 = arith.constant 5 : i32
      %dma_wait3A_1874 = arith.constant 0 : i32
      %dma_wait3A_1875 = arith.constant 0 : i32
      %dma_wait3A_1876 = arith.constant 0 : i32
      %dma_wait3A_1877 = tpu.memref_slice %arg6[%dma_wait3A_1873, %dma_wait3A_1874, %dma_wait3A_1875, %dma_wait3A_1876] : memref<8x8x8x128xf32, #tpu.memory_space<vmem>> -> memref<1x8x8x128xf32, #tpu.memory_space<vmem>>
      %dma_wait3A_1878 = tpu.memref_squeeze %dma_wait3A_1877 : memref<1x8x8x128xf32, #tpu.memory_space<vmem>> -> memref<8x8x128xf32, #tpu.memory_space<vmem>>
      %dma_wait3A_1879 = arith.constant 0 : i32
      %dma_wait3A_1880 = arith.constant 0 : i32
      %dma_wait3A_1881 = arith.constant 0 : i32
      %dma_wait3A_1882 = tpu.memref_slice %arg3[%dma_wait3A_1879, %dma_wait3A_1880, %dma_wait3A_1881] : memref<8x8x1000000xf32, #tpu.memory_space<hbm>> -> memref<8x8x128xf32, #tpu.memory_space<hbm>>
      %dma_wait3A_1883 = arith.constant 0 : i32
      %dma_wait3A_1884 = arith.constant 0 : i32
      %dma_wait3A_1885 = arith.constant 0 : i32
      %dma_wait3A_1886 = tpu.memref_slice %arg6[%dma_wait3A_1873, %dma_wait3A_1883, %dma_wait3A_1884, %dma_wait3A_1885] : memref<8x8x8x128xf32, #tpu.memory_space<vmem>> -> memref<1x8x8x128xf32, #tpu.memory_space<vmem>>
      %dma_wait3A_1887 = tpu.memref_squeeze %dma_wait3A_1886 : memref<1x8x8x128xf32, #tpu.memory_space<vmem>> -> memref<8x8x128xf32, #tpu.memory_space<vmem>>
      %dma_wait3A_1888 = arith.constant 0 : i32
      %dma_wait3A_1889 = arith.constant 0 : i32
      %dma_wait3A_1890 = arith.constant 0 : i32
      %dma_wait3A_1891 = tpu.memref_slice %arg3[%dma_wait3A_1888, %dma_wait3A_1889, %dma_wait3A_1890] : memref<8x8x1000000xf32, #tpu.memory_space<hbm>> -> memref<8x8x128xf32, #tpu.memory_space<hbm>>
      tpu.wait_dma2 semaphore(%arg13 : memref<!tpu.dma_semaphore, #tpu.memory_space<semaphore_mem>>) src(%dma_wait3A_1891 : memref<8x8x128xf32, #tpu.memory_space<hbm>>) dst(%dma_wait3A_1887 : memref<8x8x128xf32, #tpu.memory_space<vmem>>)
      %slice3A_1892 = vector.extract_strided_slice %scan3A_169 {offsets = [13], sizes = [1], strides = [1]} : vector<16xi32> to vector<1xi32>
      %squeeze3A_1893 = vector.extract %slice3A_1892[0] : i32 from vector<1xi32>
      %and3A_1894 = arith.constant 127 : i32
      %and3A_1895 = arith.andi %squeeze3A_1893, %and3A_1894 : i32
      %broadcast_in_dim3A_1896 = vector.broadcast %and3A_1895 : i32 to vector<16xi32>
      %iota3A_1897 = tpu.iota {dimensions = array<i32: 0>} : vector<16xi32>
      %add3A_1898 = arith.constant 0 : i32
      %add3A_1899 = vector.broadcast %add3A_1898 : i32 to vector<16xi32>
      %add3A_1900 = arith.addi %iota3A_1897, %add3A_1899 : vector<16xi32>
      %shift_right_logical3A_1901 = arith.constant 3 : i32
      %shift_right_logical3A_1902 = vector.broadcast %shift_right_logical3A_1901 : i32 to vector<16xi32>
      %shift_right_logical3A_1903 = arith.shrui %add3A_1900, %shift_right_logical3A_1902 : vector<16xi32>
      %and3A_1904 = arith.constant 7 : i32
      %and3A_1905 = vector.broadcast %and3A_1904 : i32 to vector<16xi32>
      %and3A_1906 = arith.andi %add3A_1900, %and3A_1905 : vector<16xi32>
      %gather3A_1907 = arith.constant 5 : i32
      %gather3A_1908 = arith.constant 0 : i32
      %gather3A_1909 = arith.constant 0 : i32
      %gather3A_1910 = arith.constant 0 : i32
      %gather3A_1911 = tpu.memref_slice %arg6[%gather3A_1907, %gather3A_1908, %gather3A_1909, %gather3A_1910] : memref<8x8x8x128xf32, #tpu.memory_space<vmem>> -> memref<1x8x8x128xf32, #tpu.memory_space<vmem>>
      %gather3A_1912 = tpu.memref_squeeze %gather3A_1911 : memref<1x8x8x128xf32, #tpu.memory_space<vmem>> -> memref<8x8x128xf32, #tpu.memory_space<vmem>>
      %gather3A_1913 = tpu.vector_load_idx %gather3A_1912[%shift_right_logical3A_1903, %and3A_1906, %broadcast_in_dim3A_1896] : memref<8x8x128xf32, #tpu.memory_space<vmem>>[vector<16xi32>, vector<16xi32>, vector<16xi32>], vector<16xf32>,
      %swap3A_1914 = arith.constant 13 : i32
      %swap3A_1915 = arith.index_cast %swap3A_1914 : i32 to index
      %swap3A_1916 = arith.constant 0 : index
      %swap3A_1917 = tpu.vector_load %arg7[%swap3A_1915, %swap3A_1916] {strides = array<i32>} : memref<32x64xf32, #tpu.memory_space<vmem>>, vector<16xf32>,
      tpu.vector_store %arg7[%swap3A_1915, %swap3A_1916], %gather3A_1913 {strides = array<i32>} : memref<32x64xf32, #tpu.memory_space<vmem>>, vector<16xf32>,
      %iota3A_1918 = tpu.iota {dimensions = array<i32: 0>} : vector<16xi32>
      %add3A_1919 = arith.constant 16 : i32
      %add3A_1920 = vector.broadcast %add3A_1919 : i32 to vector<16xi32>
      %add3A_1921 = arith.addi %iota3A_1918, %add3A_1920 : vector<16xi32>
      %shift_right_logical3A_1922 = arith.constant 3 : i32
      %shift_right_logical3A_1923 = vector.broadcast %shift_right_logical3A_1922 : i32 to vector<16xi32>
      %shift_right_logical3A_1924 = arith.shrui %add3A_1921, %shift_right_logical3A_1923 : vector<16xi32>
      %and3A_1925 = arith.constant 7 : i32
      %and3A_1926 = vector.broadcast %and3A_1925 : i32 to vector<16xi32>
      %and3A_1927 = arith.andi %add3A_1921, %and3A_1926 : vector<16xi32>
      %gather3A_1928 = arith.constant 5 : i32
      %gather3A_1929 = arith.constant 0 : i32
      %gather3A_1930 = arith.constant 0 : i32
      %gather3A_1931 = arith.constant 0 : i32
      %gather3A_1932 = tpu.memref_slice %arg6[%gather3A_1928, %gather3A_1929, %gather3A_1930, %gather3A_1931] : memref<8x8x8x128xf32, #tpu.memory_space<vmem>> -> memref<1x8x8x128xf32, #tpu.memory_space<vmem>>
      %gather3A_1933 = tpu.memref_squeeze %gather3A_1932 : memref<1x8x8x128xf32, #tpu.memory_space<vmem>> -> memref<8x8x128xf32, #tpu.memory_space<vmem>>
      %gather3A_1934 = tpu.vector_load_idx %gather3A_1933[%shift_right_logical3A_1924, %and3A_1927, %broadcast_in_dim3A_1896] : memref<8x8x128xf32, #tpu.memory_space<vmem>>[vector<16xi32>, vector<16xi32>, vector<16xi32>], vector<16xf32>,
      %swap3A_1935 = arith.constant 13 : i32
      %swap3A_1936 = arith.index_cast %swap3A_1935 : i32 to index
      %swap3A_1937 = arith.constant 16 : index
      %swap3A_1938 = tpu.vector_load %arg7[%swap3A_1936, %swap3A_1937] {strides = array<i32>} : memref<32x64xf32, #tpu.memory_space<vmem>>, vector<16xf32>,
      tpu.vector_store %arg7[%swap3A_1936, %swap3A_1937], %gather3A_1934 {strides = array<i32>} : memref<32x64xf32, #tpu.memory_space<vmem>>, vector<16xf32>,
      %iota3A_1939 = tpu.iota {dimensions = array<i32: 0>} : vector<16xi32>
      %add3A_1940 = arith.constant 32 : i32
      %add3A_1941 = vector.broadcast %add3A_1940 : i32 to vector<16xi32>
      %add3A_1942 = arith.addi %iota3A_1939, %add3A_1941 : vector<16xi32>
      %shift_right_logical3A_1943 = arith.constant 3 : i32
      %shift_right_logical3A_1944 = vector.broadcast %shift_right_logical3A_1943 : i32 to vector<16xi32>
      %shift_right_logical3A_1945 = arith.shrui %add3A_1942, %shift_right_logical3A_1944 : vector<16xi32>
      %and3A_1946 = arith.constant 7 : i32
      %and3A_1947 = vector.broadcast %and3A_1946 : i32 to vector<16xi32>
      %and3A_1948 = arith.andi %add3A_1942, %and3A_1947 : vector<16xi32>
      %gather3A_1949 = arith.constant 5 : i32
      %gather3A_1950 = arith.constant 0 : i32
      %gather3A_1951 = arith.constant 0 : i32
      %gather3A_1952 = arith.constant 0 : i32
      %gather3A_1953 = tpu.memref_slice %arg6[%gather3A_1949, %gather3A_1950, %gather3A_1951, %gather3A_1952] : memref<8x8x8x128xf32, #tpu.memory_space<vmem>> -> memref<1x8x8x128xf32, #tpu.memory_space<vmem>>
      %gather3A_1954 = tpu.memref_squeeze %gather3A_1953 : memref<1x8x8x128xf32, #tpu.memory_space<vmem>> -> memref<8x8x128xf32, #tpu.memory_space<vmem>>
      %gather3A_1955 = tpu.vector_load_idx %gather3A_1954[%shift_right_logical3A_1945, %and3A_1948, %broadcast_in_dim3A_1896] : memref<8x8x128xf32, #tpu.memory_space<vmem>>[vector<16xi32>, vector<16xi32>, vector<16xi32>], vector<16xf32>,
      %swap3A_1956 = arith.constant 13 : i32
      %swap3A_1957 = arith.index_cast %swap3A_1956 : i32 to index
      %swap3A_1958 = arith.constant 32 : index
      %swap3A_1959 = tpu.vector_load %arg7[%swap3A_1957, %swap3A_1958] {strides = array<i32>} : memref<32x64xf32, #tpu.memory_space<vmem>>, vector<16xf32>,
      tpu.vector_store %arg7[%swap3A_1957, %swap3A_1958], %gather3A_1955 {strides = array<i32>} : memref<32x64xf32, #tpu.memory_space<vmem>>, vector<16xf32>,
      %iota3A_1960 = tpu.iota {dimensions = array<i32: 0>} : vector<16xi32>
      %add3A_1961 = arith.constant 48 : i32
      %add3A_1962 = vector.broadcast %add3A_1961 : i32 to vector<16xi32>
      %add3A_1963 = arith.addi %iota3A_1960, %add3A_1962 : vector<16xi32>
      %shift_right_logical3A_1964 = arith.constant 3 : i32
      %shift_right_logical3A_1965 = vector.broadcast %shift_right_logical3A_1964 : i32 to vector<16xi32>
      %shift_right_logical3A_1966 = arith.shrui %add3A_1963, %shift_right_logical3A_1965 : vector<16xi32>
      %and3A_1967 = arith.constant 7 : i32
      %and3A_1968 = vector.broadcast %and3A_1967 : i32 to vector<16xi32>
      %and3A_1969 = arith.andi %add3A_1963, %and3A_1968 : vector<16xi32>
      %gather3A_1970 = arith.constant 5 : i32
      %gather3A_1971 = arith.constant 0 : i32
      %gather3A_1972 = arith.constant 0 : i32
      %gather3A_1973 = arith.constant 0 : i32
      %gather3A_1974 = tpu.memref_slice %arg6[%gather3A_1970, %gather3A_1971, %gather3A_1972, %gather3A_1973] : memref<8x8x8x128xf32, #tpu.memory_space<vmem>> -> memref<1x8x8x128xf32, #tpu.memory_space<vmem>>
      %gather3A_1975 = tpu.memref_squeeze %gather3A_1974 : memref<1x8x8x128xf32, #tpu.memory_space<vmem>> -> memref<8x8x128xf32, #tpu.memory_space<vmem>>
      %gather3A_1976 = tpu.vector_load_idx %gather3A_1975[%shift_right_logical3A_1966, %and3A_1969, %broadcast_in_dim3A_1896] : memref<8x8x128xf32, #tpu.memory_space<vmem>>[vector<16xi32>, vector<16xi32>, vector<16xi32>], vector<16xf32>,
      %swap3A_1977 = arith.constant 13 : i32
      %swap3A_1978 = arith.index_cast %swap3A_1977 : i32 to index
      %swap3A_1979 = arith.constant 48 : index
      %swap3A_1980 = tpu.vector_load %arg7[%swap3A_1978, %swap3A_1979] {strides = array<i32>} : memref<32x64xf32, #tpu.memory_space<vmem>>, vector<16xf32>,
      tpu.vector_store %arg7[%swap3A_1978, %swap3A_1979], %gather3A_1976 {strides = array<i32>} : memref<32x64xf32, #tpu.memory_space<vmem>>, vector<16xf32>,
      %slice3A_1981 = vector.extract_strided_slice %scan3A_170 {offsets = [4], sizes = [1], strides = [1]} : vector<16xi32> to vector<1xi32>
      %squeeze3A_1982 = vector.extract %slice3A_1981[0] : i32 from vector<1xi32>
      %shift_right_logical3A_1983 = arith.constant 7 : i32
      %shift_right_logical3A_1984 = arith.shrui %squeeze3A_1982, %shift_right_logical3A_1983 : i32
      %mul3A_1985 = arith.constant 128 : i32
      %mul3A_1986 = arith.muli %shift_right_logical3A_1984, %mul3A_1985 : i32
      %dma_start3A_1987 = arith.constant 4 : i32
      %dma_start3A_1988 = arith.constant 0 : i32
      %dma_start3A_1989 = arith.constant 0 : i32
      %dma_start3A_1990 = arith.constant 0 : i32
      %dma_start3A_1991 = tpu.memref_slice %arg6[%dma_start3A_1987, %dma_start3A_1988, %dma_start3A_1989, %dma_start3A_1990] : memref<8x8x8x128xf32, #tpu.memory_space<vmem>> -> memref<1x8x8x128xf32, #tpu.memory_space<vmem>>
      %dma_start3A_1992 = tpu.memref_squeeze %dma_start3A_1991 : memref<1x8x8x128xf32, #tpu.memory_space<vmem>> -> memref<8x8x128xf32, #tpu.memory_space<vmem>>
      %dma_start3A_1993 = arith.constant 0 : i32
      %dma_start3A_1994 = arith.constant 0 : i32
      %dma_start3A_1995 = tpu.memref_slice %arg3[%dma_start3A_1993, %dma_start3A_1994, %mul3A_1986] : memref<8x8x1000000xf32, #tpu.memory_space<hbm>> -> memref<8x8x128xf32, #tpu.memory_space<hbm>>
      %dma_start3A_1996 = arith.constant 0 : i32
      %dma_start3A_1997 = arith.constant 0 : i32
      %dma_start3A_1998 = arith.constant 0 : i32
      %dma_start3A_1999 = tpu.memref_slice %arg6[%dma_start3A_1987, %dma_start3A_1996, %dma_start3A_1997, %dma_start3A_1998] : memref<8x8x8x128xf32, #tpu.memory_space<vmem>> -> memref<1x8x8x128xf32, #tpu.memory_space<vmem>>
      %dma_start3A_2000 = tpu.memref_squeeze %dma_start3A_1999 : memref<1x8x8x128xf32, #tpu.memory_space<vmem>> -> memref<8x8x128xf32, #tpu.memory_space<vmem>>
      %dma_start3A_2001 = arith.constant 0 : i32
      %dma_start3A_2002 = arith.constant 0 : i32
      %dma_start3A_2003 = tpu.memref_slice %arg3[%dma_start3A_2001, %dma_start3A_2002, %mul3A_1986] : memref<8x8x1000000xf32, #tpu.memory_space<hbm>> -> memref<8x8x128xf32, #tpu.memory_space<hbm>>
      tpu.enqueue_dma source(%dma_start3A_2003 : memref<8x8x128xf32, #tpu.memory_space<hbm>>) target(%dma_start3A_2000 : memref<8x8x128xf32, #tpu.memory_space<vmem>>) target_semaphore(%arg12 : memref<!tpu.dma_semaphore, #tpu.memory_space<semaphore_mem>>)
      %dma_wait3A_2004 = arith.constant 6 : i32
      %dma_wait3A_2005 = arith.constant 0 : i32
      %dma_wait3A_2006 = arith.constant 0 : i32
      %dma_wait3A_2007 = arith.constant 0 : i32
      %dma_wait3A_2008 = tpu.memref_slice %arg6[%dma_wait3A_2004, %dma_wait3A_2005, %dma_wait3A_2006, %dma_wait3A_2007] : memref<8x8x8x128xf32, #tpu.memory_space<vmem>> -> memref<1x8x8x128xf32, #tpu.memory_space<vmem>>
      %dma_wait3A_2009 = tpu.memref_squeeze %dma_wait3A_2008 : memref<1x8x8x128xf32, #tpu.memory_space<vmem>> -> memref<8x8x128xf32, #tpu.memory_space<vmem>>
      %dma_wait3A_2010 = arith.constant 0 : i32
      %dma_wait3A_2011 = arith.constant 0 : i32
      %dma_wait3A_2012 = arith.constant 0 : i32
      %dma_wait3A_2013 = tpu.memref_slice %arg3[%dma_wait3A_2010, %dma_wait3A_2011, %dma_wait3A_2012] : memref<8x8x1000000xf32, #tpu.memory_space<hbm>> -> memref<8x8x128xf32, #tpu.memory_space<hbm>>
      %dma_wait3A_2014 = arith.constant 0 : i32
      %dma_wait3A_2015 = arith.constant 0 : i32
      %dma_wait3A_2016 = arith.constant 0 : i32
      %dma_wait3A_2017 = tpu.memref_slice %arg6[%dma_wait3A_2004, %dma_wait3A_2014, %dma_wait3A_2015, %dma_wait3A_2016] : memref<8x8x8x128xf32, #tpu.memory_space<vmem>> -> memref<1x8x8x128xf32, #tpu.memory_space<vmem>>
      %dma_wait3A_2018 = tpu.memref_squeeze %dma_wait3A_2017 : memref<1x8x8x128xf32, #tpu.memory_space<vmem>> -> memref<8x8x128xf32, #tpu.memory_space<vmem>>
      %dma_wait3A_2019 = arith.constant 0 : i32
      %dma_wait3A_2020 = arith.constant 0 : i32
      %dma_wait3A_2021 = arith.constant 0 : i32
      %dma_wait3A_2022 = tpu.memref_slice %arg3[%dma_wait3A_2019, %dma_wait3A_2020, %dma_wait3A_2021] : memref<8x8x1000000xf32, #tpu.memory_space<hbm>> -> memref<8x8x128xf32, #tpu.memory_space<hbm>>
      tpu.wait_dma2 semaphore(%arg14 : memref<!tpu.dma_semaphore, #tpu.memory_space<semaphore_mem>>) src(%dma_wait3A_2022 : memref<8x8x128xf32, #tpu.memory_space<hbm>>) dst(%dma_wait3A_2018 : memref<8x8x128xf32, #tpu.memory_space<vmem>>)
      %slice3A_2023 = vector.extract_strided_slice %scan3A_169 {offsets = [14], sizes = [1], strides = [1]} : vector<16xi32> to vector<1xi32>
      %squeeze3A_2024 = vector.extract %slice3A_2023[0] : i32 from vector<1xi32>
      %and3A_2025 = arith.constant 127 : i32
      %and3A_2026 = arith.andi %squeeze3A_2024, %and3A_2025 : i32
      %broadcast_in_dim3A_2027 = vector.broadcast %and3A_2026 : i32 to vector<16xi32>
      %iota3A_2028 = tpu.iota {dimensions = array<i32: 0>} : vector<16xi32>
      %add3A_2029 = arith.constant 0 : i32
      %add3A_2030 = vector.broadcast %add3A_2029 : i32 to vector<16xi32>
      %add3A_2031 = arith.addi %iota3A_2028, %add3A_2030 : vector<16xi32>
      %shift_right_logical3A_2032 = arith.constant 3 : i32
      %shift_right_logical3A_2033 = vector.broadcast %shift_right_logical3A_2032 : i32 to vector<16xi32>
      %shift_right_logical3A_2034 = arith.shrui %add3A_2031, %shift_right_logical3A_2033 : vector<16xi32>
      %and3A_2035 = arith.constant 7 : i32
      %and3A_2036 = vector.broadcast %and3A_2035 : i32 to vector<16xi32>
      %and3A_2037 = arith.andi %add3A_2031, %and3A_2036 : vector<16xi32>
      %gather3A_2038 = arith.constant 6 : i32
      %gather3A_2039 = arith.constant 0 : i32
      %gather3A_2040 = arith.constant 0 : i32
      %gather3A_2041 = arith.constant 0 : i32
      %gather3A_2042 = tpu.memref_slice %arg6[%gather3A_2038, %gather3A_2039, %gather3A_2040, %gather3A_2041] : memref<8x8x8x128xf32, #tpu.memory_space<vmem>> -> memref<1x8x8x128xf32, #tpu.memory_space<vmem>>
      %gather3A_2043 = tpu.memref_squeeze %gather3A_2042 : memref<1x8x8x128xf32, #tpu.memory_space<vmem>> -> memref<8x8x128xf32, #tpu.memory_space<vmem>>
      %gather3A_2044 = tpu.vector_load_idx %gather3A_2043[%shift_right_logical3A_2034, %and3A_2037, %broadcast_in_dim3A_2027] : memref<8x8x128xf32, #tpu.memory_space<vmem>>[vector<16xi32>, vector<16xi32>, vector<16xi32>], vector<16xf32>,
      %swap3A_2045 = arith.constant 14 : i32
      %swap3A_2046 = arith.index_cast %swap3A_2045 : i32 to index
      %swap3A_2047 = arith.constant 0 : index
      %swap3A_2048 = tpu.vector_load %arg7[%swap3A_2046, %swap3A_2047] {strides = array<i32>} : memref<32x64xf32, #tpu.memory_space<vmem>>, vector<16xf32>,
      tpu.vector_store %arg7[%swap3A_2046, %swap3A_2047], %gather3A_2044 {strides = array<i32>} : memref<32x64xf32, #tpu.memory_space<vmem>>, vector<16xf32>,
      %iota3A_2049 = tpu.iota {dimensions = array<i32: 0>} : vector<16xi32>
      %add3A_2050 = arith.constant 16 : i32
      %add3A_2051 = vector.broadcast %add3A_2050 : i32 to vector<16xi32>
      %add3A_2052 = arith.addi %iota3A_2049, %add3A_2051 : vector<16xi32>
      %shift_right_logical3A_2053 = arith.constant 3 : i32
      %shift_right_logical3A_2054 = vector.broadcast %shift_right_logical3A_2053 : i32 to vector<16xi32>
      %shift_right_logical3A_2055 = arith.shrui %add3A_2052, %shift_right_logical3A_2054 : vector<16xi32>
      %and3A_2056 = arith.constant 7 : i32
      %and3A_2057 = vector.broadcast %and3A_2056 : i32 to vector<16xi32>
      %and3A_2058 = arith.andi %add3A_2052, %and3A_2057 : vector<16xi32>
      %gather3A_2059 = arith.constant 6 : i32
      %gather3A_2060 = arith.constant 0 : i32
      %gather3A_2061 = arith.constant 0 : i32
      %gather3A_2062 = arith.constant 0 : i32
      %gather3A_2063 = tpu.memref_slice %arg6[%gather3A_2059, %gather3A_2060, %gather3A_2061, %gather3A_2062] : memref<8x8x8x128xf32, #tpu.memory_space<vmem>> -> memref<1x8x8x128xf32, #tpu.memory_space<vmem>>
      %gather3A_2064 = tpu.memref_squeeze %gather3A_2063 : memref<1x8x8x128xf32, #tpu.memory_space<vmem>> -> memref<8x8x128xf32, #tpu.memory_space<vmem>>
      %gather3A_2065 = tpu.vector_load_idx %gather3A_2064[%shift_right_logical3A_2055, %and3A_2058, %broadcast_in_dim3A_2027] : memref<8x8x128xf32, #tpu.memory_space<vmem>>[vector<16xi32>, vector<16xi32>, vector<16xi32>], vector<16xf32>,
      %swap3A_2066 = arith.constant 14 : i32
      %swap3A_2067 = arith.index_cast %swap3A_2066 : i32 to index
      %swap3A_2068 = arith.constant 16 : index
      %swap3A_2069 = tpu.vector_load %arg7[%swap3A_2067, %swap3A_2068] {strides = array<i32>} : memref<32x64xf32, #tpu.memory_space<vmem>>, vector<16xf32>,
      tpu.vector_store %arg7[%swap3A_2067, %swap3A_2068], %gather3A_2065 {strides = array<i32>} : memref<32x64xf32, #tpu.memory_space<vmem>>, vector<16xf32>,
      %iota3A_2070 = tpu.iota {dimensions = array<i32: 0>} : vector<16xi32>
      %add3A_2071 = arith.constant 32 : i32
      %add3A_2072 = vector.broadcast %add3A_2071 : i32 to vector<16xi32>
      %add3A_2073 = arith.addi %iota3A_2070, %add3A_2072 : vector<16xi32>
      %shift_right_logical3A_2074 = arith.constant 3 : i32
      %shift_right_logical3A_2075 = vector.broadcast %shift_right_logical3A_2074 : i32 to vector<16xi32>
      %shift_right_logical3A_2076 = arith.shrui %add3A_2073, %shift_right_logical3A_2075 : vector<16xi32>
      %and3A_2077 = arith.constant 7 : i32
      %and3A_2078 = vector.broadcast %and3A_2077 : i32 to vector<16xi32>
      %and3A_2079 = arith.andi %add3A_2073, %and3A_2078 : vector<16xi32>
      %gather3A_2080 = arith.constant 6 : i32
      %gather3A_2081 = arith.constant 0 : i32
      %gather3A_2082 = arith.constant 0 : i32
      %gather3A_2083 = arith.constant 0 : i32
      %gather3A_2084 = tpu.memref_slice %arg6[%gather3A_2080, %gather3A_2081, %gather3A_2082, %gather3A_2083] : memref<8x8x8x128xf32, #tpu.memory_space<vmem>> -> memref<1x8x8x128xf32, #tpu.memory_space<vmem>>
      %gather3A_2085 = tpu.memref_squeeze %gather3A_2084 : memref<1x8x8x128xf32, #tpu.memory_space<vmem>> -> memref<8x8x128xf32, #tpu.memory_space<vmem>>
      %gather3A_2086 = tpu.vector_load_idx %gather3A_2085[%shift_right_logical3A_2076, %and3A_2079, %broadcast_in_dim3A_2027] : memref<8x8x128xf32, #tpu.memory_space<vmem>>[vector<16xi32>, vector<16xi32>, vector<16xi32>], vector<16xf32>,
      %swap3A_2087 = arith.constant 14 : i32
      %swap3A_2088 = arith.index_cast %swap3A_2087 : i32 to index
      %swap3A_2089 = arith.constant 32 : index
      %swap3A_2090 = tpu.vector_load %arg7[%swap3A_2088, %swap3A_2089] {strides = array<i32>} : memref<32x64xf32, #tpu.memory_space<vmem>>, vector<16xf32>,
      tpu.vector_store %arg7[%swap3A_2088, %swap3A_2089], %gather3A_2086 {strides = array<i32>} : memref<32x64xf32, #tpu.memory_space<vmem>>, vector<16xf32>,
      %iota3A_2091 = tpu.iota {dimensions = array<i32: 0>} : vector<16xi32>
      %add3A_2092 = arith.constant 48 : i32
      %add3A_2093 = vector.broadcast %add3A_2092 : i32 to vector<16xi32>
      %add3A_2094 = arith.addi %iota3A_2091, %add3A_2093 : vector<16xi32>
      %shift_right_logical3A_2095 = arith.constant 3 : i32
      %shift_right_logical3A_2096 = vector.broadcast %shift_right_logical3A_2095 : i32 to vector<16xi32>
      %shift_right_logical3A_2097 = arith.shrui %add3A_2094, %shift_right_logical3A_2096 : vector<16xi32>
      %and3A_2098 = arith.constant 7 : i32
      %and3A_2099 = vector.broadcast %and3A_2098 : i32 to vector<16xi32>
      %and3A_2100 = arith.andi %add3A_2094, %and3A_2099 : vector<16xi32>
      %gather3A_2101 = arith.constant 6 : i32
      %gather3A_2102 = arith.constant 0 : i32
      %gather3A_2103 = arith.constant 0 : i32
      %gather3A_2104 = arith.constant 0 : i32
      %gather3A_2105 = tpu.memref_slice %arg6[%gather3A_2101, %gather3A_2102, %gather3A_2103, %gather3A_2104] : memref<8x8x8x128xf32, #tpu.memory_space<vmem>> -> memref<1x8x8x128xf32, #tpu.memory_space<vmem>>
      %gather3A_2106 = tpu.memref_squeeze %gather3A_2105 : memref<1x8x8x128xf32, #tpu.memory_space<vmem>> -> memref<8x8x128xf32, #tpu.memory_space<vmem>>
      %gather3A_2107 = tpu.vector_load_idx %gather3A_2106[%shift_right_logical3A_2097, %and3A_2100, %broadcast_in_dim3A_2027] : memref<8x8x128xf32, #tpu.memory_space<vmem>>[vector<16xi32>, vector<16xi32>, vector<16xi32>], vector<16xf32>,
      %swap3A_2108 = arith.constant 14 : i32
      %swap3A_2109 = arith.index_cast %swap3A_2108 : i32 to index
      %swap3A_2110 = arith.constant 48 : index
      %swap3A_2111 = tpu.vector_load %arg7[%swap3A_2109, %swap3A_2110] {strides = array<i32>} : memref<32x64xf32, #tpu.memory_space<vmem>>, vector<16xf32>,
      tpu.vector_store %arg7[%swap3A_2109, %swap3A_2110], %gather3A_2107 {strides = array<i32>} : memref<32x64xf32, #tpu.memory_space<vmem>>, vector<16xf32>,
      %slice3A_2112 = vector.extract_strided_slice %scan3A_170 {offsets = [5], sizes = [1], strides = [1]} : vector<16xi32> to vector<1xi32>
      %squeeze3A_2113 = vector.extract %slice3A_2112[0] : i32 from vector<1xi32>
      %shift_right_logical3A_2114 = arith.constant 7 : i32
      %shift_right_logical3A_2115 = arith.shrui %squeeze3A_2113, %shift_right_logical3A_2114 : i32
      %mul3A_2116 = arith.constant 128 : i32
      %mul3A_2117 = arith.muli %shift_right_logical3A_2115, %mul3A_2116 : i32
      %dma_start3A_2118 = arith.constant 5 : i32
      %dma_start3A_2119 = arith.constant 0 : i32
      %dma_start3A_2120 = arith.constant 0 : i32
      %dma_start3A_2121 = arith.constant 0 : i32
      %dma_start3A_2122 = tpu.memref_slice %arg6[%dma_start3A_2118, %dma_start3A_2119, %dma_start3A_2120, %dma_start3A_2121] : memref<8x8x8x128xf32, #tpu.memory_space<vmem>> -> memref<1x8x8x128xf32, #tpu.memory_space<vmem>>
      %dma_start3A_2123 = tpu.memref_squeeze %dma_start3A_2122 : memref<1x8x8x128xf32, #tpu.memory_space<vmem>> -> memref<8x8x128xf32, #tpu.memory_space<vmem>>
      %dma_start3A_2124 = arith.constant 0 : i32
      %dma_start3A_2125 = arith.constant 0 : i32
      %dma_start3A_2126 = tpu.memref_slice %arg3[%dma_start3A_2124, %dma_start3A_2125, %mul3A_2117] : memref<8x8x1000000xf32, #tpu.memory_space<hbm>> -> memref<8x8x128xf32, #tpu.memory_space<hbm>>
      %dma_start3A_2127 = arith.constant 0 : i32
      %dma_start3A_2128 = arith.constant 0 : i32
      %dma_start3A_2129 = arith.constant 0 : i32
      %dma_start3A_2130 = tpu.memref_slice %arg6[%dma_start3A_2118, %dma_start3A_2127, %dma_start3A_2128, %dma_start3A_2129] : memref<8x8x8x128xf32, #tpu.memory_space<vmem>> -> memref<1x8x8x128xf32, #tpu.memory_space<vmem>>
      %dma_start3A_2131 = tpu.memref_squeeze %dma_start3A_2130 : memref<1x8x8x128xf32, #tpu.memory_space<vmem>> -> memref<8x8x128xf32, #tpu.memory_space<vmem>>
      %dma_start3A_2132 = arith.constant 0 : i32
      %dma_start3A_2133 = arith.constant 0 : i32
      %dma_start3A_2134 = tpu.memref_slice %arg3[%dma_start3A_2132, %dma_start3A_2133, %mul3A_2117] : memref<8x8x1000000xf32, #tpu.memory_space<hbm>> -> memref<8x8x128xf32, #tpu.memory_space<hbm>>
      tpu.enqueue_dma source(%dma_start3A_2134 : memref<8x8x128xf32, #tpu.memory_space<hbm>>) target(%dma_start3A_2131 : memref<8x8x128xf32, #tpu.memory_space<vmem>>) target_semaphore(%arg13 : memref<!tpu.dma_semaphore, #tpu.memory_space<semaphore_mem>>)
      %dma_wait3A_2135 = arith.constant 7 : i32
      %dma_wait3A_2136 = arith.constant 0 : i32
      %dma_wait3A_2137 = arith.constant 0 : i32
      %dma_wait3A_2138 = arith.constant 0 : i32
      %dma_wait3A_2139 = tpu.memref_slice %arg6[%dma_wait3A_2135, %dma_wait3A_2136, %dma_wait3A_2137, %dma_wait3A_2138] : memref<8x8x8x128xf32, #tpu.memory_space<vmem>> -> memref<1x8x8x128xf32, #tpu.memory_space<vmem>>
      %dma_wait3A_2140 = tpu.memref_squeeze %dma_wait3A_2139 : memref<1x8x8x128xf32, #tpu.memory_space<vmem>> -> memref<8x8x128xf32, #tpu.memory_space<vmem>>
      %dma_wait3A_2141 = arith.constant 0 : i32
      %dma_wait3A_2142 = arith.constant 0 : i32
      %dma_wait3A_2143 = arith.constant 0 : i32
      %dma_wait3A_2144 = tpu.memref_slice %arg3[%dma_wait3A_2141, %dma_wait3A_2142, %dma_wait3A_2143] : memref<8x8x1000000xf32, #tpu.memory_space<hbm>> -> memref<8x8x128xf32, #tpu.memory_space<hbm>>
      %dma_wait3A_2145 = arith.constant 0 : i32
      %dma_wait3A_2146 = arith.constant 0 : i32
      %dma_wait3A_2147 = arith.constant 0 : i32
      %dma_wait3A_2148 = tpu.memref_slice %arg6[%dma_wait3A_2135, %dma_wait3A_2145, %dma_wait3A_2146, %dma_wait3A_2147] : memref<8x8x8x128xf32, #tpu.memory_space<vmem>> -> memref<1x8x8x128xf32, #tpu.memory_space<vmem>>
      %dma_wait3A_2149 = tpu.memref_squeeze %dma_wait3A_2148 : memref<1x8x8x128xf32, #tpu.memory_space<vmem>> -> memref<8x8x128xf32, #tpu.memory_space<vmem>>
      %dma_wait3A_2150 = arith.constant 0 : i32
      %dma_wait3A_2151 = arith.constant 0 : i32
      %dma_wait3A_2152 = arith.constant 0 : i32
      %dma_wait3A_2153 = tpu.memref_slice %arg3[%dma_wait3A_2150, %dma_wait3A_2151, %dma_wait3A_2152] : memref<8x8x1000000xf32, #tpu.memory_space<hbm>> -> memref<8x8x128xf32, #tpu.memory_space<hbm>>
      tpu.wait_dma2 semaphore(%arg15 : memref<!tpu.dma_semaphore, #tpu.memory_space<semaphore_mem>>) src(%dma_wait3A_2153 : memref<8x8x128xf32, #tpu.memory_space<hbm>>) dst(%dma_wait3A_2149 : memref<8x8x128xf32, #tpu.memory_space<vmem>>)
      %slice3A_2154 = vector.extract_strided_slice %scan3A_169 {offsets = [15], sizes = [1], strides = [1]} : vector<16xi32> to vector<1xi32>
      %squeeze3A_2155 = vector.extract %slice3A_2154[0] : i32 from vector<1xi32>
      %and3A_2156 = arith.constant 127 : i32
      %and3A_2157 = arith.andi %squeeze3A_2155, %and3A_2156 : i32
      %broadcast_in_dim3A_2158 = vector.broadcast %and3A_2157 : i32 to vector<16xi32>
      %iota3A_2159 = tpu.iota {dimensions = array<i32: 0>} : vector<16xi32>
      %add3A_2160 = arith.constant 0 : i32
      %add3A_2161 = vector.broadcast %add3A_2160 : i32 to vector<16xi32>
      %add3A_2162 = arith.addi %iota3A_2159, %add3A_2161 : vector<16xi32>
      %shift_right_logical3A_2163 = arith.constant 3 : i32
      %shift_right_logical3A_2164 = vector.broadcast %shift_right_logical3A_2163 : i32 to vector<16xi32>
      %shift_right_logical3A_2165 = arith.shrui %add3A_2162, %shift_right_logical3A_2164 : vector<16xi32>
      %and3A_2166 = arith.constant 7 : i32
      %and3A_2167 = vector.broadcast %and3A_2166 : i32 to vector<16xi32>
      %and3A_2168 = arith.andi %add3A_2162, %and3A_2167 : vector<16xi32>
      %gather3A_2169 = arith.constant 7 : i32
      %gather3A_2170 = arith.constant 0 : i32
      %gather3A_2171 = arith.constant 0 : i32
      %gather3A_2172 = arith.constant 0 : i32
      %gather3A_2173 = tpu.memref_slice %arg6[%gather3A_2169, %gather3A_2170, %gather3A_2171, %gather3A_2172] : memref<8x8x8x128xf32, #tpu.memory_space<vmem>> -> memref<1x8x8x128xf32, #tpu.memory_space<vmem>>
      %gather3A_2174 = tpu.memref_squeeze %gather3A_2173 : memref<1x8x8x128xf32, #tpu.memory_space<vmem>> -> memref<8x8x128xf32, #tpu.memory_space<vmem>>
      %gather3A_2175 = tpu.vector_load_idx %gather3A_2174[%shift_right_logical3A_2165, %and3A_2168, %broadcast_in_dim3A_2158] : memref<8x8x128xf32, #tpu.memory_space<vmem>>[vector<16xi32>, vector<16xi32>, vector<16xi32>], vector<16xf32>,
      %swap3A_2176 = arith.constant 15 : i32
      %swap3A_2177 = arith.index_cast %swap3A_2176 : i32 to index
      %swap3A_2178 = arith.constant 0 : index
      %swap3A_2179 = tpu.vector_load %arg7[%swap3A_2177, %swap3A_2178] {strides = array<i32>} : memref<32x64xf32, #tpu.memory_space<vmem>>, vector<16xf32>,
      tpu.vector_store %arg7[%swap3A_2177, %swap3A_2178], %gather3A_2175 {strides = array<i32>} : memref<32x64xf32, #tpu.memory_space<vmem>>, vector<16xf32>,
      %iota3A_2180 = tpu.iota {dimensions = array<i32: 0>} : vector<16xi32>
      %add3A_2181 = arith.constant 16 : i32
      %add3A_2182 = vector.broadcast %add3A_2181 : i32 to vector<16xi32>
      %add3A_2183 = arith.addi %iota3A_2180, %add3A_2182 : vector<16xi32>
      %shift_right_logical3A_2184 = arith.constant 3 : i32
      %shift_right_logical3A_2185 = vector.broadcast %shift_right_logical3A_2184 : i32 to vector<16xi32>
      %shift_right_logical3A_2186 = arith.shrui %add3A_2183, %shift_right_logical3A_2185 : vector<16xi32>
      %and3A_2187 = arith.constant 7 : i32
      %and3A_2188 = vector.broadcast %and3A_2187 : i32 to vector<16xi32>
      %and3A_2189 = arith.andi %add3A_2183, %and3A_2188 : vector<16xi32>
      %gather3A_2190 = arith.constant 7 : i32
      %gather3A_2191 = arith.constant 0 : i32
      %gather3A_2192 = arith.constant 0 : i32
      %gather3A_2193 = arith.constant 0 : i32
      %gather3A_2194 = tpu.memref_slice %arg6[%gather3A_2190, %gather3A_2191, %gather3A_2192, %gather3A_2193] : memref<8x8x8x128xf32, #tpu.memory_space<vmem>> -> memref<1x8x8x128xf32, #tpu.memory_space<vmem>>
      %gather3A_2195 = tpu.memref_squeeze %gather3A_2194 : memref<1x8x8x128xf32, #tpu.memory_space<vmem>> -> memref<8x8x128xf32, #tpu.memory_space<vmem>>
      %gather3A_2196 = tpu.vector_load_idx %gather3A_2195[%shift_right_logical3A_2186, %and3A_2189, %broadcast_in_dim3A_2158] : memref<8x8x128xf32, #tpu.memory_space<vmem>>[vector<16xi32>, vector<16xi32>, vector<16xi32>], vector<16xf32>,
      %swap3A_2197 = arith.constant 15 : i32
      %swap3A_2198 = arith.index_cast %swap3A_2197 : i32 to index
      %swap3A_2199 = arith.constant 16 : index
      %swap3A_2200 = tpu.vector_load %arg7[%swap3A_2198, %swap3A_2199] {strides = array<i32>} : memref<32x64xf32, #tpu.memory_space<vmem>>, vector<16xf32>,
      tpu.vector_store %arg7[%swap3A_2198, %swap3A_2199], %gather3A_2196 {strides = array<i32>} : memref<32x64xf32, #tpu.memory_space<vmem>>, vector<16xf32>,
      %iota3A_2201 = tpu.iota {dimensions = array<i32: 0>} : vector<16xi32>
      %add3A_2202 = arith.constant 32 : i32
      %add3A_2203 = vector.broadcast %add3A_2202 : i32 to vector<16xi32>
      %add3A_2204 = arith.addi %iota3A_2201, %add3A_2203 : vector<16xi32>
      %shift_right_logical3A_2205 = arith.constant 3 : i32
      %shift_right_logical3A_2206 = vector.broadcast %shift_right_logical3A_2205 : i32 to vector<16xi32>
      %shift_right_logical3A_2207 = arith.shrui %add3A_2204, %shift_right_logical3A_2206 : vector<16xi32>
      %and3A_2208 = arith.constant 7 : i32
      %and3A_2209 = vector.broadcast %and3A_2208 : i32 to vector<16xi32>
      %and3A_2210 = arith.andi %add3A_2204, %and3A_2209 : vector<16xi32>
      %gather3A_2211 = arith.constant 7 : i32
      %gather3A_2212 = arith.constant 0 : i32
      %gather3A_2213 = arith.constant 0 : i32
      %gather3A_2214 = arith.constant 0 : i32
      %gather3A_2215 = tpu.memref_slice %arg6[%gather3A_2211, %gather3A_2212, %gather3A_2213, %gather3A_2214] : memref<8x8x8x128xf32, #tpu.memory_space<vmem>> -> memref<1x8x8x128xf32, #tpu.memory_space<vmem>>
      %gather3A_2216 = tpu.memref_squeeze %gather3A_2215 : memref<1x8x8x128xf32, #tpu.memory_space<vmem>> -> memref<8x8x128xf32, #tpu.memory_space<vmem>>
      %gather3A_2217 = tpu.vector_load_idx %gather3A_2216[%shift_right_logical3A_2207, %and3A_2210, %broadcast_in_dim3A_2158] : memref<8x8x128xf32, #tpu.memory_space<vmem>>[vector<16xi32>, vector<16xi32>, vector<16xi32>], vector<16xf32>,
      %swap3A_2218 = arith.constant 15 : i32
      %swap3A_2219 = arith.index_cast %swap3A_2218 : i32 to index
      %swap3A_2220 = arith.constant 32 : index
      %swap3A_2221 = tpu.vector_load %arg7[%swap3A_2219, %swap3A_2220] {strides = array<i32>} : memref<32x64xf32, #tpu.memory_space<vmem>>, vector<16xf32>,
      tpu.vector_store %arg7[%swap3A_2219, %swap3A_2220], %gather3A_2217 {strides = array<i32>} : memref<32x64xf32, #tpu.memory_space<vmem>>, vector<16xf32>,
      %iota3A_2222 = tpu.iota {dimensions = array<i32: 0>} : vector<16xi32>
      %add3A_2223 = arith.constant 48 : i32
      %add3A_2224 = vector.broadcast %add3A_2223 : i32 to vector<16xi32>
      %add3A_2225 = arith.addi %iota3A_2222, %add3A_2224 : vector<16xi32>
      %shift_right_logical3A_2226 = arith.constant 3 : i32
      %shift_right_logical3A_2227 = vector.broadcast %shift_right_logical3A_2226 : i32 to vector<16xi32>
      %shift_right_logical3A_2228 = arith.shrui %add3A_2225, %shift_right_logical3A_2227 : vector<16xi32>
      %and3A_2229 = arith.constant 7 : i32
      %and3A_2230 = vector.broadcast %and3A_2229 : i32 to vector<16xi32>
      %and3A_2231 = arith.andi %add3A_2225, %and3A_2230 : vector<16xi32>
      %gather3A_2232 = arith.constant 7 : i32
      %gather3A_2233 = arith.constant 0 : i32
      %gather3A_2234 = arith.constant 0 : i32
      %gather3A_2235 = arith.constant 0 : i32
      %gather3A_2236 = tpu.memref_slice %arg6[%gather3A_2232, %gather3A_2233, %gather3A_2234, %gather3A_2235] : memref<8x8x8x128xf32, #tpu.memory_space<vmem>> -> memref<1x8x8x128xf32, #tpu.memory_space<vmem>>
      %gather3A_2237 = tpu.memref_squeeze %gather3A_2236 : memref<1x8x8x128xf32, #tpu.memory_space<vmem>> -> memref<8x8x128xf32, #tpu.memory_space<vmem>>
      %gather3A_2238 = tpu.vector_load_idx %gather3A_2237[%shift_right_logical3A_2228, %and3A_2231, %broadcast_in_dim3A_2158] : memref<8x8x128xf32, #tpu.memory_space<vmem>>[vector<16xi32>, vector<16xi32>, vector<16xi32>], vector<16xf32>,
      %swap3A_2239 = arith.constant 15 : i32
      %swap3A_2240 = arith.index_cast %swap3A_2239 : i32 to index
      %swap3A_2241 = arith.constant 48 : index
      %swap3A_2242 = tpu.vector_load %arg7[%swap3A_2240, %swap3A_2241] {strides = array<i32>} : memref<32x64xf32, #tpu.memory_space<vmem>>, vector<16xf32>,
      tpu.vector_store %arg7[%swap3A_2240, %swap3A_2241], %gather3A_2238 {strides = array<i32>} : memref<32x64xf32, #tpu.memory_space<vmem>>, vector<16xf32>,
      %slice3A_2243 = vector.extract_strided_slice %scan3A_170 {offsets = [6], sizes = [1], strides = [1]} : vector<16xi32> to vector<1xi32>
      %squeeze3A_2244 = vector.extract %slice3A_2243[0] : i32 from vector<1xi32>
      %shift_right_logical3A_2245 = arith.constant 7 : i32
      %shift_right_logical3A_2246 = arith.shrui %squeeze3A_2244, %shift_right_logical3A_2245 : i32
      %mul3A_2247 = arith.constant 128 : i32
      %mul3A_2248 = arith.muli %shift_right_logical3A_2246, %mul3A_2247 : i32
      %dma_start3A_2249 = arith.constant 6 : i32
      %dma_start3A_2250 = arith.constant 0 : i32
      %dma_start3A_2251 = arith.constant 0 : i32
      %dma_start3A_2252 = arith.constant 0 : i32
      %dma_start3A_2253 = tpu.memref_slice %arg6[%dma_start3A_2249, %dma_start3A_2250, %dma_start3A_2251, %dma_start3A_2252] : memref<8x8x8x128xf32, #tpu.memory_space<vmem>> -> memref<1x8x8x128xf32, #tpu.memory_space<vmem>>
      %dma_start3A_2254 = tpu.memref_squeeze %dma_start3A_2253 : memref<1x8x8x128xf32, #tpu.memory_space<vmem>> -> memref<8x8x128xf32, #tpu.memory_space<vmem>>
      %dma_start3A_2255 = arith.constant 0 : i32
      %dma_start3A_2256 = arith.constant 0 : i32
      %dma_start3A_2257 = tpu.memref_slice %arg3[%dma_start3A_2255, %dma_start3A_2256, %mul3A_2248] : memref<8x8x1000000xf32, #tpu.memory_space<hbm>> -> memref<8x8x128xf32, #tpu.memory_space<hbm>>
      %dma_start3A_2258 = arith.constant 0 : i32
      %dma_start3A_2259 = arith.constant 0 : i32
      %dma_start3A_2260 = arith.constant 0 : i32
      %dma_start3A_2261 = tpu.memref_slice %arg6[%dma_start3A_2249, %dma_start3A_2258, %dma_start3A_2259, %dma_start3A_2260] : memref<8x8x8x128xf32, #tpu.memory_space<vmem>> -> memref<1x8x8x128xf32, #tpu.memory_space<vmem>>
      %dma_start3A_2262 = tpu.memref_squeeze %dma_start3A_2261 : memref<1x8x8x128xf32, #tpu.memory_space<vmem>> -> memref<8x8x128xf32, #tpu.memory_space<vmem>>
      %dma_start3A_2263 = arith.constant 0 : i32
      %dma_start3A_2264 = arith.constant 0 : i32
      %dma_start3A_2265 = tpu.memref_slice %arg3[%dma_start3A_2263, %dma_start3A_2264, %mul3A_2248] : memref<8x8x1000000xf32, #tpu.memory_space<hbm>> -> memref<8x8x128xf32, #tpu.memory_space<hbm>>
      tpu.enqueue_dma source(%dma_start3A_2265 : memref<8x8x128xf32, #tpu.memory_space<hbm>>) target(%dma_start3A_2262 : memref<8x8x128xf32, #tpu.memory_space<vmem>>) target_semaphore(%arg14 : memref<!tpu.dma_semaphore, #tpu.memory_space<semaphore_mem>>)
      %dma_wait3A_2266 = arith.constant 0 : i32
      %dma_wait3A_2267 = arith.constant 0 : i32
      %dma_wait3A_2268 = arith.constant 0 : i32
      %dma_wait3A_2269 = arith.constant 0 : i32
      %dma_wait3A_2270 = tpu.memref_slice %arg6[%dma_wait3A_2266, %dma_wait3A_2267, %dma_wait3A_2268, %dma_wait3A_2269] : memref<8x8x8x128xf32, #tpu.memory_space<vmem>> -> memref<1x8x8x128xf32, #tpu.memory_space<vmem>>
      %dma_wait3A_2271 = tpu.memref_squeeze %dma_wait3A_2270 : memref<1x8x8x128xf32, #tpu.memory_space<vmem>> -> memref<8x8x128xf32, #tpu.memory_space<vmem>>
      %dma_wait3A_2272 = arith.constant 0 : i32
      %dma_wait3A_2273 = arith.constant 0 : i32
      %dma_wait3A_2274 = arith.constant 0 : i32
      %dma_wait3A_2275 = tpu.memref_slice %arg3[%dma_wait3A_2272, %dma_wait3A_2273, %dma_wait3A_2274] : memref<8x8x1000000xf32, #tpu.memory_space<hbm>> -> memref<8x8x128xf32, #tpu.memory_space<hbm>>
      %dma_wait3A_2276 = arith.constant 0 : i32
      %dma_wait3A_2277 = arith.constant 0 : i32
      %dma_wait3A_2278 = arith.constant 0 : i32
      %dma_wait3A_2279 = tpu.memref_slice %arg6[%dma_wait3A_2266, %dma_wait3A_2276, %dma_wait3A_2277, %dma_wait3A_2278] : memref<8x8x8x128xf32, #tpu.memory_space<vmem>> -> memref<1x8x8x128xf32, #tpu.memory_space<vmem>>
      %dma_wait3A_2280 = tpu.memref_squeeze %dma_wait3A_2279 : memref<1x8x8x128xf32, #tpu.memory_space<vmem>> -> memref<8x8x128xf32, #tpu.memory_space<vmem>>
      %dma_wait3A_2281 = arith.constant 0 : i32
      %dma_wait3A_2282 = arith.constant 0 : i32
      %dma_wait3A_2283 = arith.constant 0 : i32
      %dma_wait3A_2284 = tpu.memref_slice %arg3[%dma_wait3A_2281, %dma_wait3A_2282, %dma_wait3A_2283] : memref<8x8x1000000xf32, #tpu.memory_space<hbm>> -> memref<8x8x128xf32, #tpu.memory_space<hbm>>
      tpu.wait_dma2 semaphore(%arg8 : memref<!tpu.dma_semaphore, #tpu.memory_space<semaphore_mem>>) src(%dma_wait3A_2284 : memref<8x8x128xf32, #tpu.memory_space<hbm>>) dst(%dma_wait3A_2280 : memref<8x8x128xf32, #tpu.memory_space<vmem>>)
      %slice3A_2285 = vector.extract_strided_slice %scan3A_170 {offsets = [0], sizes = [1], strides = [1]} : vector<16xi32> to vector<1xi32>
      %squeeze3A_2286 = vector.extract %slice3A_2285[0] : i32 from vector<1xi32>
      %and3A_2287 = arith.constant 127 : i32
      %and3A_2288 = arith.andi %squeeze3A_2286, %and3A_2287 : i32
      %broadcast_in_dim3A_2289 = vector.broadcast %and3A_2288 : i32 to vector<16xi32>
      %iota3A_2290 = tpu.iota {dimensions = array<i32: 0>} : vector<16xi32>
      %add3A_2291 = arith.constant 0 : i32
      %add3A_2292 = vector.broadcast %add3A_2291 : i32 to vector<16xi32>
      %add3A_2293 = arith.addi %iota3A_2290, %add3A_2292 : vector<16xi32>
      %shift_right_logical3A_2294 = arith.constant 3 : i32
      %shift_right_logical3A_2295 = vector.broadcast %shift_right_logical3A_2294 : i32 to vector<16xi32>
      %shift_right_logical3A_2296 = arith.shrui %add3A_2293, %shift_right_logical3A_2295 : vector<16xi32>
      %and3A_2297 = arith.constant 7 : i32
      %and3A_2298 = vector.broadcast %and3A_2297 : i32 to vector<16xi32>
      %and3A_2299 = arith.andi %add3A_2293, %and3A_2298 : vector<16xi32>
      %gather3A_2300 = arith.constant 0 : i32
      %gather3A_2301 = arith.constant 0 : i32
      %gather3A_2302 = arith.constant 0 : i32
      %gather3A_2303 = arith.constant 0 : i32
      %gather3A_2304 = tpu.memref_slice %arg6[%gather3A_2300, %gather3A_2301, %gather3A_2302, %gather3A_2303] : memref<8x8x8x128xf32, #tpu.memory_space<vmem>> -> memref<1x8x8x128xf32, #tpu.memory_space<vmem>>
      %gather3A_2305 = tpu.memref_squeeze %gather3A_2304 : memref<1x8x8x128xf32, #tpu.memory_space<vmem>> -> memref<8x8x128xf32, #tpu.memory_space<vmem>>
      %gather3A_2306 = tpu.vector_load_idx %gather3A_2305[%shift_right_logical3A_2296, %and3A_2299, %broadcast_in_dim3A_2289] : memref<8x8x128xf32, #tpu.memory_space<vmem>>[vector<16xi32>, vector<16xi32>, vector<16xi32>], vector<16xf32>,
      %swap3A_2307 = arith.constant 16 : i32
      %swap3A_2308 = arith.index_cast %swap3A_2307 : i32 to index
      %swap3A_2309 = arith.constant 0 : index
      %swap3A_2310 = tpu.vector_load %arg7[%swap3A_2308, %swap3A_2309] {strides = array<i32>} : memref<32x64xf32, #tpu.memory_space<vmem>>, vector<16xf32>,
      tpu.vector_store %arg7[%swap3A_2308, %swap3A_2309], %gather3A_2306 {strides = array<i32>} : memref<32x64xf32, #tpu.memory_space<vmem>>, vector<16xf32>,
      %iota3A_2311 = tpu.iota {dimensions = array<i32: 0>} : vector<16xi32>
      %add3A_2312 = arith.constant 16 : i32
      %add3A_2313 = vector.broadcast %add3A_2312 : i32 to vector<16xi32>
      %add3A_2314 = arith.addi %iota3A_2311, %add3A_2313 : vector<16xi32>
      %shift_right_logical3A_2315 = arith.constant 3 : i32
      %shift_right_logical3A_2316 = vector.broadcast %shift_right_logical3A_2315 : i32 to vector<16xi32>
      %shift_right_logical3A_2317 = arith.shrui %add3A_2314, %shift_right_logical3A_2316 : vector<16xi32>
      %and3A_2318 = arith.constant 7 : i32
      %and3A_2319 = vector.broadcast %and3A_2318 : i32 to vector<16xi32>
      %and3A_2320 = arith.andi %add3A_2314, %and3A_2319 : vector<16xi32>
      %gather3A_2321 = arith.constant 0 : i32
      %gather3A_2322 = arith.constant 0 : i32
      %gather3A_2323 = arith.constant 0 : i32
      %gather3A_2324 = arith.constant 0 : i32
      %gather3A_2325 = tpu.memref_slice %arg6[%gather3A_2321, %gather3A_2322, %gather3A_2323, %gather3A_2324] : memref<8x8x8x128xf32, #tpu.memory_space<vmem>> -> memref<1x8x8x128xf32, #tpu.memory_space<vmem>>
      %gather3A_2326 = tpu.memref_squeeze %gather3A_2325 : memref<1x8x8x128xf32, #tpu.memory_space<vmem>> -> memref<8x8x128xf32, #tpu.memory_space<vmem>>
      %gather3A_2327 = tpu.vector_load_idx %gather3A_2326[%shift_right_logical3A_2317, %and3A_2320, %broadcast_in_dim3A_2289] : memref<8x8x128xf32, #tpu.memory_space<vmem>>[vector<16xi32>, vector<16xi32>, vector<16xi32>], vector<16xf32>,
      %swap3A_2328 = arith.constant 16 : i32
      %swap3A_2329 = arith.index_cast %swap3A_2328 : i32 to index
      %swap3A_2330 = arith.constant 16 : index
      %swap3A_2331 = tpu.vector_load %arg7[%swap3A_2329, %swap3A_2330] {strides = array<i32>} : memref<32x64xf32, #tpu.memory_space<vmem>>, vector<16xf32>,
      tpu.vector_store %arg7[%swap3A_2329, %swap3A_2330], %gather3A_2327 {strides = array<i32>} : memref<32x64xf32, #tpu.memory_space<vmem>>, vector<16xf32>,
      %iota3A_2332 = tpu.iota {dimensions = array<i32: 0>} : vector<16xi32>
      %add3A_2333 = arith.constant 32 : i32
      %add3A_2334 = vector.broadcast %add3A_2333 : i32 to vector<16xi32>
      %add3A_2335 = arith.addi %iota3A_2332, %add3A_2334 : vector<16xi32>
      %shift_right_logical3A_2336 = arith.constant 3 : i32
      %shift_right_logical3A_2337 = vector.broadcast %shift_right_logical3A_2336 : i32 to vector<16xi32>
      %shift_right_logical3A_2338 = arith.shrui %add3A_2335, %shift_right_logical3A_2337 : vector<16xi32>
      %and3A_2339 = arith.constant 7 : i32
      %and3A_2340 = vector.broadcast %and3A_2339 : i32 to vector<16xi32>
      %and3A_2341 = arith.andi %add3A_2335, %and3A_2340 : vector<16xi32>
      %gather3A_2342 = arith.constant 0 : i32
      %gather3A_2343 = arith.constant 0 : i32
      %gather3A_2344 = arith.constant 0 : i32
      %gather3A_2345 = arith.constant 0 : i32
      %gather3A_2346 = tpu.memref_slice %arg6[%gather3A_2342, %gather3A_2343, %gather3A_2344, %gather3A_2345] : memref<8x8x8x128xf32, #tpu.memory_space<vmem>> -> memref<1x8x8x128xf32, #tpu.memory_space<vmem>>
      %gather3A_2347 = tpu.memref_squeeze %gather3A_2346 : memref<1x8x8x128xf32, #tpu.memory_space<vmem>> -> memref<8x8x128xf32, #tpu.memory_space<vmem>>
      %gather3A_2348 = tpu.vector_load_idx %gather3A_2347[%shift_right_logical3A_2338, %and3A_2341, %broadcast_in_dim3A_2289] : memref<8x8x128xf32, #tpu.memory_space<vmem>>[vector<16xi32>, vector<16xi32>, vector<16xi32>], vector<16xf32>,
      %swap3A_2349 = arith.constant 16 : i32
      %swap3A_2350 = arith.index_cast %swap3A_2349 : i32 to index
      %swap3A_2351 = arith.constant 32 : index
      %swap3A_2352 = tpu.vector_load %arg7[%swap3A_2350, %swap3A_2351] {strides = array<i32>} : memref<32x64xf32, #tpu.memory_space<vmem>>, vector<16xf32>,
      tpu.vector_store %arg7[%swap3A_2350, %swap3A_2351], %gather3A_2348 {strides = array<i32>} : memref<32x64xf32, #tpu.memory_space<vmem>>, vector<16xf32>,
      %iota3A_2353 = tpu.iota {dimensions = array<i32: 0>} : vector<16xi32>
      %add3A_2354 = arith.constant 48 : i32
      %add3A_2355 = vector.broadcast %add3A_2354 : i32 to vector<16xi32>
      %add3A_2356 = arith.addi %iota3A_2353, %add3A_2355 : vector<16xi32>
      %shift_right_logical3A_2357 = arith.constant 3 : i32
      %shift_right_logical3A_2358 = vector.broadcast %shift_right_logical3A_2357 : i32 to vector<16xi32>
      %shift_right_logical3A_2359 = arith.shrui %add3A_2356, %shift_right_logical3A_2358 : vector<16xi32>
      %and3A_2360 = arith.constant 7 : i32
      %and3A_2361 = vector.broadcast %and3A_2360 : i32 to vector<16xi32>
      %and3A_2362 = arith.andi %add3A_2356, %and3A_2361 : vector<16xi32>
      %gather3A_2363 = arith.constant 0 : i32
      %gather3A_2364 = arith.constant 0 : i32
      %gather3A_2365 = arith.constant 0 : i32
      %gather3A_2366 = arith.constant 0 : i32
      %gather3A_2367 = tpu.memref_slice %arg6[%gather3A_2363, %gather3A_2364, %gather3A_2365, %gather3A_2366] : memref<8x8x8x128xf32, #tpu.memory_space<vmem>> -> memref<1x8x8x128xf32, #tpu.memory_space<vmem>>
      %gather3A_2368 = tpu.memref_squeeze %gather3A_2367 : memref<1x8x8x128xf32, #tpu.memory_space<vmem>> -> memref<8x8x128xf32, #tpu.memory_space<vmem>>
      %gather3A_2369 = tpu.vector_load_idx %gather3A_2368[%shift_right_logical3A_2359, %and3A_2362, %broadcast_in_dim3A_2289] : memref<8x8x128xf32, #tpu.memory_space<vmem>>[vector<16xi32>, vector<16xi32>, vector<16xi32>], vector<16xf32>,
      %swap3A_2370 = arith.constant 16 : i32
      %swap3A_2371 = arith.index_cast %swap3A_2370 : i32 to index
      %swap3A_2372 = arith.constant 48 : index
      %swap3A_2373 = tpu.vector_load %arg7[%swap3A_2371, %swap3A_2372] {strides = array<i32>} : memref<32x64xf32, #tpu.memory_space<vmem>>, vector<16xf32>,
      tpu.vector_store %arg7[%swap3A_2371, %swap3A_2372], %gather3A_2369 {strides = array<i32>} : memref<32x64xf32, #tpu.memory_space<vmem>>, vector<16xf32>,
      %slice3A_2374 = vector.extract_strided_slice %scan3A_170 {offsets = [7], sizes = [1], strides = [1]} : vector<16xi32> to vector<1xi32>
      %squeeze3A_2375 = vector.extract %slice3A_2374[0] : i32 from vector<1xi32>
      %shift_right_logical3A_2376 = arith.constant 7 : i32
      %shift_right_logical3A_2377 = arith.shrui %squeeze3A_2375, %shift_right_logical3A_2376 : i32
      %mul3A_2378 = arith.constant 128 : i32
      %mul3A_2379 = arith.muli %shift_right_logical3A_2377, %mul3A_2378 : i32
      %dma_start3A_2380 = arith.constant 7 : i32
      %dma_start3A_2381 = arith.constant 0 : i32
      %dma_start3A_2382 = arith.constant 0 : i32
      %dma_start3A_2383 = arith.constant 0 : i32
      %dma_start3A_2384 = tpu.memref_slice %arg6[%dma_start3A_2380, %dma_start3A_2381, %dma_start3A_2382, %dma_start3A_2383] : memref<8x8x8x128xf32, #tpu.memory_space<vmem>> -> memref<1x8x8x128xf32, #tpu.memory_space<vmem>>
      %dma_start3A_2385 = tpu.memref_squeeze %dma_start3A_2384 : memref<1x8x8x128xf32, #tpu.memory_space<vmem>> -> memref<8x8x128xf32, #tpu.memory_space<vmem>>
      %dma_start3A_2386 = arith.constant 0 : i32
      %dma_start3A_2387 = arith.constant 0 : i32
      %dma_start3A_2388 = tpu.memref_slice %arg3[%dma_start3A_2386, %dma_start3A_2387, %mul3A_2379] : memref<8x8x1000000xf32, #tpu.memory_space<hbm>> -> memref<8x8x128xf32, #tpu.memory_space<hbm>>
      %dma_start3A_2389 = arith.constant 0 : i32
      %dma_start3A_2390 = arith.constant 0 : i32
      %dma_start3A_2391 = arith.constant 0 : i32
      %dma_start3A_2392 = tpu.memref_slice %arg6[%dma_start3A_2380, %dma_start3A_2389, %dma_start3A_2390, %dma_start3A_2391] : memref<8x8x8x128xf32, #tpu.memory_space<vmem>> -> memref<1x8x8x128xf32, #tpu.memory_space<vmem>>
      %dma_start3A_2393 = tpu.memref_squeeze %dma_start3A_2392 : memref<1x8x8x128xf32, #tpu.memory_space<vmem>> -> memref<8x8x128xf32, #tpu.memory_space<vmem>>
      %dma_start3A_2394 = arith.constant 0 : i32
      %dma_start3A_2395 = arith.constant 0 : i32
      %dma_start3A_2396 = tpu.memref_slice %arg3[%dma_start3A_2394, %dma_start3A_2395, %mul3A_2379] : memref<8x8x1000000xf32, #tpu.memory_space<hbm>> -> memref<8x8x128xf32, #tpu.memory_space<hbm>>
      tpu.enqueue_dma source(%dma_start3A_2396 : memref<8x8x128xf32, #tpu.memory_space<hbm>>) target(%dma_start3A_2393 : memref<8x8x128xf32, #tpu.memory_space<vmem>>) target_semaphore(%arg15 : memref<!tpu.dma_semaphore, #tpu.memory_space<semaphore_mem>>)
      %dma_wait3A_2397 = arith.constant 1 : i32
      %dma_wait3A_2398 = arith.constant 0 : i32
      %dma_wait3A_2399 = arith.constant 0 : i32
      %dma_wait3A_2400 = arith.constant 0 : i32
      %dma_wait3A_2401 = tpu.memref_slice %arg6[%dma_wait3A_2397, %dma_wait3A_2398, %dma_wait3A_2399, %dma_wait3A_2400] : memref<8x8x8x128xf32, #tpu.memory_space<vmem>> -> memref<1x8x8x128xf32, #tpu.memory_space<vmem>>
      %dma_wait3A_2402 = tpu.memref_squeeze %dma_wait3A_2401 : memref<1x8x8x128xf32, #tpu.memory_space<vmem>> -> memref<8x8x128xf32, #tpu.memory_space<vmem>>
      %dma_wait3A_2403 = arith.constant 0 : i32
      %dma_wait3A_2404 = arith.constant 0 : i32
      %dma_wait3A_2405 = arith.constant 0 : i32
      %dma_wait3A_2406 = tpu.memref_slice %arg3[%dma_wait3A_2403, %dma_wait3A_2404, %dma_wait3A_2405] : memref<8x8x1000000xf32, #tpu.memory_space<hbm>> -> memref<8x8x128xf32, #tpu.memory_space<hbm>>
      %dma_wait3A_2407 = arith.constant 0 : i32
      %dma_wait3A_2408 = arith.constant 0 : i32
      %dma_wait3A_2409 = arith.constant 0 : i32
      %dma_wait3A_2410 = tpu.memref_slice %arg6[%dma_wait3A_2397, %dma_wait3A_2407, %dma_wait3A_2408, %dma_wait3A_2409] : memref<8x8x8x128xf32, #tpu.memory_space<vmem>> -> memref<1x8x8x128xf32, #tpu.memory_space<vmem>>
      %dma_wait3A_2411 = tpu.memref_squeeze %dma_wait3A_2410 : memref<1x8x8x128xf32, #tpu.memory_space<vmem>> -> memref<8x8x128xf32, #tpu.memory_space<vmem>>
      %dma_wait3A_2412 = arith.constant 0 : i32
      %dma_wait3A_2413 = arith.constant 0 : i32
      %dma_wait3A_2414 = arith.constant 0 : i32
      %dma_wait3A_2415 = tpu.memref_slice %arg3[%dma_wait3A_2412, %dma_wait3A_2413, %dma_wait3A_2414] : memref<8x8x1000000xf32, #tpu.memory_space<hbm>> -> memref<8x8x128xf32, #tpu.memory_space<hbm>>
      tpu.wait_dma2 semaphore(%arg9 : memref<!tpu.dma_semaphore, #tpu.memory_space<semaphore_mem>>) src(%dma_wait3A_2415 : memref<8x8x128xf32, #tpu.memory_space<hbm>>) dst(%dma_wait3A_2411 : memref<8x8x128xf32, #tpu.memory_space<vmem>>)
      %slice3A_2416 = vector.extract_strided_slice %scan3A_170 {offsets = [1], sizes = [1], strides = [1]} : vector<16xi32> to vector<1xi32>
      %squeeze3A_2417 = vector.extract %slice3A_2416[0] : i32 from vector<1xi32>
      %and3A_2418 = arith.constant 127 : i32
      %and3A_2419 = arith.andi %squeeze3A_2417, %and3A_2418 : i32
      %broadcast_in_dim3A_2420 = vector.broadcast %and3A_2419 : i32 to vector<16xi32>
      %iota3A_2421 = tpu.iota {dimensions = array<i32: 0>} : vector<16xi32>
      %add3A_2422 = arith.constant 0 : i32
      %add3A_2423 = vector.broadcast %add3A_2422 : i32 to vector<16xi32>
      %add3A_2424 = arith.addi %iota3A_2421, %add3A_2423 : vector<16xi32>
      %shift_right_logical3A_2425 = arith.constant 3 : i32
      %shift_right_logical3A_2426 = vector.broadcast %shift_right_logical3A_2425 : i32 to vector<16xi32>
      %shift_right_logical3A_2427 = arith.shrui %add3A_2424, %shift_right_logical3A_2426 : vector<16xi32>
      %and3A_2428 = arith.constant 7 : i32
      %and3A_2429 = vector.broadcast %and3A_2428 : i32 to vector<16xi32>
      %and3A_2430 = arith.andi %add3A_2424, %and3A_2429 : vector<16xi32>
      %gather3A_2431 = arith.constant 1 : i32
      %gather3A_2432 = arith.constant 0 : i32
      %gather3A_2433 = arith.constant 0 : i32
      %gather3A_2434 = arith.constant 0 : i32
      %gather3A_2435 = tpu.memref_slice %arg6[%gather3A_2431, %gather3A_2432, %gather3A_2433, %gather3A_2434] : memref<8x8x8x128xf32, #tpu.memory_space<vmem>> -> memref<1x8x8x128xf32, #tpu.memory_space<vmem>>
      %gather3A_2436 = tpu.memref_squeeze %gather3A_2435 : memref<1x8x8x128xf32, #tpu.memory_space<vmem>> -> memref<8x8x128xf32, #tpu.memory_space<vmem>>
      %gather3A_2437 = tpu.vector_load_idx %gather3A_2436[%shift_right_logical3A_2427, %and3A_2430, %broadcast_in_dim3A_2420] : memref<8x8x128xf32, #tpu.memory_space<vmem>>[vector<16xi32>, vector<16xi32>, vector<16xi32>], vector<16xf32>,
      %swap3A_2438 = arith.constant 17 : i32
      %swap3A_2439 = arith.index_cast %swap3A_2438 : i32 to index
      %swap3A_2440 = arith.constant 0 : index
      %swap3A_2441 = tpu.vector_load %arg7[%swap3A_2439, %swap3A_2440] {strides = array<i32>} : memref<32x64xf32, #tpu.memory_space<vmem>>, vector<16xf32>,
      tpu.vector_store %arg7[%swap3A_2439, %swap3A_2440], %gather3A_2437 {strides = array<i32>} : memref<32x64xf32, #tpu.memory_space<vmem>>, vector<16xf32>,
      %iota3A_2442 = tpu.iota {dimensions = array<i32: 0>} : vector<16xi32>
      %add3A_2443 = arith.constant 16 : i32
      %add3A_2444 = vector.broadcast %add3A_2443 : i32 to vector<16xi32>
      %add3A_2445 = arith.addi %iota3A_2442, %add3A_2444 : vector<16xi32>
      %shift_right_logical3A_2446 = arith.constant 3 : i32
      %shift_right_logical3A_2447 = vector.broadcast %shift_right_logical3A_2446 : i32 to vector<16xi32>
      %shift_right_logical3A_2448 = arith.shrui %add3A_2445, %shift_right_logical3A_2447 : vector<16xi32>
      %and3A_2449 = arith.constant 7 : i32
      %and3A_2450 = vector.broadcast %and3A_2449 : i32 to vector<16xi32>
      %and3A_2451 = arith.andi %add3A_2445, %and3A_2450 : vector<16xi32>
      %gather3A_2452 = arith.constant 1 : i32
      %gather3A_2453 = arith.constant 0 : i32
      %gather3A_2454 = arith.constant 0 : i32
      %gather3A_2455 = arith.constant 0 : i32
      %gather3A_2456 = tpu.memref_slice %arg6[%gather3A_2452, %gather3A_2453, %gather3A_2454, %gather3A_2455] : memref<8x8x8x128xf32, #tpu.memory_space<vmem>> -> memref<1x8x8x128xf32, #tpu.memory_space<vmem>>
      %gather3A_2457 = tpu.memref_squeeze %gather3A_2456 : memref<1x8x8x128xf32, #tpu.memory_space<vmem>> -> memref<8x8x128xf32, #tpu.memory_space<vmem>>
      %gather3A_2458 = tpu.vector_load_idx %gather3A_2457[%shift_right_logical3A_2448, %and3A_2451, %broadcast_in_dim3A_2420] : memref<8x8x128xf32, #tpu.memory_space<vmem>>[vector<16xi32>, vector<16xi32>, vector<16xi32>], vector<16xf32>,
      %swap3A_2459 = arith.constant 17 : i32
      %swap3A_2460 = arith.index_cast %swap3A_2459 : i32 to index
      %swap3A_2461 = arith.constant 16 : index
      %swap3A_2462 = tpu.vector_load %arg7[%swap3A_2460, %swap3A_2461] {strides = array<i32>} : memref<32x64xf32, #tpu.memory_space<vmem>>, vector<16xf32>,
      tpu.vector_store %arg7[%swap3A_2460, %swap3A_2461], %gather3A_2458 {strides = array<i32>} : memref<32x64xf32, #tpu.memory_space<vmem>>, vector<16xf32>,
      %iota3A_2463 = tpu.iota {dimensions = array<i32: 0>} : vector<16xi32>
      %add3A_2464 = arith.constant 32 : i32
      %add3A_2465 = vector.broadcast %add3A_2464 : i32 to vector<16xi32>
      %add3A_2466 = arith.addi %iota3A_2463, %add3A_2465 : vector<16xi32>
      %shift_right_logical3A_2467 = arith.constant 3 : i32
      %shift_right_logical3A_2468 = vector.broadcast %shift_right_logical3A_2467 : i32 to vector<16xi32>
      %shift_right_logical3A_2469 = arith.shrui %add3A_2466, %shift_right_logical3A_2468 : vector<16xi32>
      %and3A_2470 = arith.constant 7 : i32
      %and3A_2471 = vector.broadcast %and3A_2470 : i32 to vector<16xi32>
      %and3A_2472 = arith.andi %add3A_2466, %and3A_2471 : vector<16xi32>
      %gather3A_2473 = arith.constant 1 : i32
      %gather3A_2474 = arith.constant 0 : i32
      %gather3A_2475 = arith.constant 0 : i32
      %gather3A_2476 = arith.constant 0 : i32
      %gather3A_2477 = tpu.memref_slice %arg6[%gather3A_2473, %gather3A_2474, %gather3A_2475, %gather3A_2476] : memref<8x8x8x128xf32, #tpu.memory_space<vmem>> -> memref<1x8x8x128xf32, #tpu.memory_space<vmem>>
      %gather3A_2478 = tpu.memref_squeeze %gather3A_2477 : memref<1x8x8x128xf32, #tpu.memory_space<vmem>> -> memref<8x8x128xf32, #tpu.memory_space<vmem>>
      %gather3A_2479 = tpu.vector_load_idx %gather3A_2478[%shift_right_logical3A_2469, %and3A_2472, %broadcast_in_dim3A_2420] : memref<8x8x128xf32, #tpu.memory_space<vmem>>[vector<16xi32>, vector<16xi32>, vector<16xi32>], vector<16xf32>,
      %swap3A_2480 = arith.constant 17 : i32
      %swap3A_2481 = arith.index_cast %swap3A_2480 : i32 to index
      %swap3A_2482 = arith.constant 32 : index
      %swap3A_2483 = tpu.vector_load %arg7[%swap3A_2481, %swap3A_2482] {strides = array<i32>} : memref<32x64xf32, #tpu.memory_space<vmem>>, vector<16xf32>,
      tpu.vector_store %arg7[%swap3A_2481, %swap3A_2482], %gather3A_2479 {strides = array<i32>} : memref<32x64xf32, #tpu.memory_space<vmem>>, vector<16xf32>,
      %iota3A_2484 = tpu.iota {dimensions = array<i32: 0>} : vector<16xi32>
      %add3A_2485 = arith.constant 48 : i32
      %add3A_2486 = vector.broadcast %add3A_2485 : i32 to vector<16xi32>
      %add3A_2487 = arith.addi %iota3A_2484, %add3A_2486 : vector<16xi32>
      %shift_right_logical3A_2488 = arith.constant 3 : i32
      %shift_right_logical3A_2489 = vector.broadcast %shift_right_logical3A_2488 : i32 to vector<16xi32>
      %shift_right_logical3A_2490 = arith.shrui %add3A_2487, %shift_right_logical3A_2489 : vector<16xi32>
      %and3A_2491 = arith.constant 7 : i32
      %and3A_2492 = vector.broadcast %and3A_2491 : i32 to vector<16xi32>
      %and3A_2493 = arith.andi %add3A_2487, %and3A_2492 : vector<16xi32>
      %gather3A_2494 = arith.constant 1 : i32
      %gather3A_2495 = arith.constant 0 : i32
      %gather3A_2496 = arith.constant 0 : i32
      %gather3A_2497 = arith.constant 0 : i32
      %gather3A_2498 = tpu.memref_slice %arg6[%gather3A_2494, %gather3A_2495, %gather3A_2496, %gather3A_2497] : memref<8x8x8x128xf32, #tpu.memory_space<vmem>> -> memref<1x8x8x128xf32, #tpu.memory_space<vmem>>
      %gather3A_2499 = tpu.memref_squeeze %gather3A_2498 : memref<1x8x8x128xf32, #tpu.memory_space<vmem>> -> memref<8x8x128xf32, #tpu.memory_space<vmem>>
      %gather3A_2500 = tpu.vector_load_idx %gather3A_2499[%shift_right_logical3A_2490, %and3A_2493, %broadcast_in_dim3A_2420] : memref<8x8x128xf32, #tpu.memory_space<vmem>>[vector<16xi32>, vector<16xi32>, vector<16xi32>], vector<16xf32>,
      %swap3A_2501 = arith.constant 17 : i32
      %swap3A_2502 = arith.index_cast %swap3A_2501 : i32 to index
      %swap3A_2503 = arith.constant 48 : index
      %swap3A_2504 = tpu.vector_load %arg7[%swap3A_2502, %swap3A_2503] {strides = array<i32>} : memref<32x64xf32, #tpu.memory_space<vmem>>, vector<16xf32>,
      tpu.vector_store %arg7[%swap3A_2502, %swap3A_2503], %gather3A_2500 {strides = array<i32>} : memref<32x64xf32, #tpu.memory_space<vmem>>, vector<16xf32>,
      %slice3A_2505 = vector.extract_strided_slice %scan3A_170 {offsets = [8], sizes = [1], strides = [1]} : vector<16xi32> to vector<1xi32>
      %squeeze3A_2506 = vector.extract %slice3A_2505[0] : i32 from vector<1xi32>
      %shift_right_logical3A_2507 = arith.constant 7 : i32
      %shift_right_logical3A_2508 = arith.shrui %squeeze3A_2506, %shift_right_logical3A_2507 : i32
      %mul3A_2509 = arith.constant 128 : i32
      %mul3A_2510 = arith.muli %shift_right_logical3A_2508, %mul3A_2509 : i32
      %dma_start3A_2511 = arith.constant 0 : i32
      %dma_start3A_2512 = arith.constant 0 : i32
      %dma_start3A_2513 = arith.constant 0 : i32
      %dma_start3A_2514 = arith.constant 0 : i32
      %dma_start3A_2515 = tpu.memref_slice %arg6[%dma_start3A_2511, %dma_start3A_2512, %dma_start3A_2513, %dma_start3A_2514] : memref<8x8x8x128xf32, #tpu.memory_space<vmem>> -> memref<1x8x8x128xf32, #tpu.memory_space<vmem>>
      %dma_start3A_2516 = tpu.memref_squeeze %dma_start3A_2515 : memref<1x8x8x128xf32, #tpu.memory_space<vmem>> -> memref<8x8x128xf32, #tpu.memory_space<vmem>>
      %dma_start3A_2517 = arith.constant 0 : i32
      %dma_start3A_2518 = arith.constant 0 : i32
      %dma_start3A_2519 = tpu.memref_slice %arg3[%dma_start3A_2517, %dma_start3A_2518, %mul3A_2510] : memref<8x8x1000000xf32, #tpu.memory_space<hbm>> -> memref<8x8x128xf32, #tpu.memory_space<hbm>>
      %dma_start3A_2520 = arith.constant 0 : i32
      %dma_start3A_2521 = arith.constant 0 : i32
      %dma_start3A_2522 = arith.constant 0 : i32
      %dma_start3A_2523 = tpu.memref_slice %arg6[%dma_start3A_2511, %dma_start3A_2520, %dma_start3A_2521, %dma_start3A_2522] : memref<8x8x8x128xf32, #tpu.memory_space<vmem>> -> memref<1x8x8x128xf32, #tpu.memory_space<vmem>>
      %dma_start3A_2524 = tpu.memref_squeeze %dma_start3A_2523 : memref<1x8x8x128xf32, #tpu.memory_space<vmem>> -> memref<8x8x128xf32, #tpu.memory_space<vmem>>
      %dma_start3A_2525 = arith.constant 0 : i32
      %dma_start3A_2526 = arith.constant 0 : i32
      %dma_start3A_2527 = tpu.memref_slice %arg3[%dma_start3A_2525, %dma_start3A_2526, %mul3A_2510] : memref<8x8x1000000xf32, #tpu.memory_space<hbm>> -> memref<8x8x128xf32, #tpu.memory_space<hbm>>
      tpu.enqueue_dma source(%dma_start3A_2527 : memref<8x8x128xf32, #tpu.memory_space<hbm>>) target(%dma_start3A_2524 : memref<8x8x128xf32, #tpu.memory_space<vmem>>) target_semaphore(%arg8 : memref<!tpu.dma_semaphore, #tpu.memory_space<semaphore_mem>>)
      %dma_wait3A_2528 = arith.constant 2 : i32
      %dma_wait3A_2529 = arith.constant 0 : i32
      %dma_wait3A_2530 = arith.constant 0 : i32
      %dma_wait3A_2531 = arith.constant 0 : i32
      %dma_wait3A_2532 = tpu.memref_slice %arg6[%dma_wait3A_2528, %dma_wait3A_2529, %dma_wait3A_2530, %dma_wait3A_2531] : memref<8x8x8x128xf32, #tpu.memory_space<vmem>> -> memref<1x8x8x128xf32, #tpu.memory_space<vmem>>
      %dma_wait3A_2533 = tpu.memref_squeeze %dma_wait3A_2532 : memref<1x8x8x128xf32, #tpu.memory_space<vmem>> -> memref<8x8x128xf32, #tpu.memory_space<vmem>>
      %dma_wait3A_2534 = arith.constant 0 : i32
      %dma_wait3A_2535 = arith.constant 0 : i32
      %dma_wait3A_2536 = arith.constant 0 : i32
      %dma_wait3A_2537 = tpu.memref_slice %arg3[%dma_wait3A_2534, %dma_wait3A_2535, %dma_wait3A_2536] : memref<8x8x1000000xf32, #tpu.memory_space<hbm>> -> memref<8x8x128xf32, #tpu.memory_space<hbm>>
      %dma_wait3A_2538 = arith.constant 0 : i32
      %dma_wait3A_2539 = arith.constant 0 : i32
      %dma_wait3A_2540 = arith.constant 0 : i32
      %dma_wait3A_2541 = tpu.memref_slice %arg6[%dma_wait3A_2528, %dma_wait3A_2538, %dma_wait3A_2539, %dma_wait3A_2540] : memref<8x8x8x128xf32, #tpu.memory_space<vmem>> -> memref<1x8x8x128xf32, #tpu.memory_space<vmem>>
      %dma_wait3A_2542 = tpu.memref_squeeze %dma_wait3A_2541 : memref<1x8x8x128xf32, #tpu.memory_space<vmem>> -> memref<8x8x128xf32, #tpu.memory_space<vmem>>
      %dma_wait3A_2543 = arith.constant 0 : i32
      %dma_wait3A_2544 = arith.constant 0 : i32
      %dma_wait3A_2545 = arith.constant 0 : i32
      %dma_wait3A_2546 = tpu.memref_slice %arg3[%dma_wait3A_2543, %dma_wait3A_2544, %dma_wait3A_2545] : memref<8x8x1000000xf32, #tpu.memory_space<hbm>> -> memref<8x8x128xf32, #tpu.memory_space<hbm>>
      tpu.wait_dma2 semaphore(%arg10 : memref<!tpu.dma_semaphore, #tpu.memory_space<semaphore_mem>>) src(%dma_wait3A_2546 : memref<8x8x128xf32, #tpu.memory_space<hbm>>) dst(%dma_wait3A_2542 : memref<8x8x128xf32, #tpu.memory_space<vmem>>)
      %slice3A_2547 = vector.extract_strided_slice %scan3A_170 {offsets = [2], sizes = [1], strides = [1]} : vector<16xi32> to vector<1xi32>
      %squeeze3A_2548 = vector.extract %slice3A_2547[0] : i32 from vector<1xi32>
      %and3A_2549 = arith.constant 127 : i32
      %and3A_2550 = arith.andi %squeeze3A_2548, %and3A_2549 : i32
      %broadcast_in_dim3A_2551 = vector.broadcast %and3A_2550 : i32 to vector<16xi32>
      %iota3A_2552 = tpu.iota {dimensions = array<i32: 0>} : vector<16xi32>
      %add3A_2553 = arith.constant 0 : i32
      %add3A_2554 = vector.broadcast %add3A_2553 : i32 to vector<16xi32>
      %add3A_2555 = arith.addi %iota3A_2552, %add3A_2554 : vector<16xi32>
      %shift_right_logical3A_2556 = arith.constant 3 : i32
      %shift_right_logical3A_2557 = vector.broadcast %shift_right_logical3A_2556 : i32 to vector<16xi32>
      %shift_right_logical3A_2558 = arith.shrui %add3A_2555, %shift_right_logical3A_2557 : vector<16xi32>
      %and3A_2559 = arith.constant 7 : i32
      %and3A_2560 = vector.broadcast %and3A_2559 : i32 to vector<16xi32>
      %and3A_2561 = arith.andi %add3A_2555, %and3A_2560 : vector<16xi32>
      %gather3A_2562 = arith.constant 2 : i32
      %gather3A_2563 = arith.constant 0 : i32
      %gather3A_2564 = arith.constant 0 : i32
      %gather3A_2565 = arith.constant 0 : i32
      %gather3A_2566 = tpu.memref_slice %arg6[%gather3A_2562, %gather3A_2563, %gather3A_2564, %gather3A_2565] : memref<8x8x8x128xf32, #tpu.memory_space<vmem>> -> memref<1x8x8x128xf32, #tpu.memory_space<vmem>>
      %gather3A_2567 = tpu.memref_squeeze %gather3A_2566 : memref<1x8x8x128xf32, #tpu.memory_space<vmem>> -> memref<8x8x128xf32, #tpu.memory_space<vmem>>
      %gather3A_2568 = tpu.vector_load_idx %gather3A_2567[%shift_right_logical3A_2558, %and3A_2561, %broadcast_in_dim3A_2551] : memref<8x8x128xf32, #tpu.memory_space<vmem>>[vector<16xi32>, vector<16xi32>, vector<16xi32>], vector<16xf32>,
      %swap3A_2569 = arith.constant 18 : i32
      %swap3A_2570 = arith.index_cast %swap3A_2569 : i32 to index
      %swap3A_2571 = arith.constant 0 : index
      %swap3A_2572 = tpu.vector_load %arg7[%swap3A_2570, %swap3A_2571] {strides = array<i32>} : memref<32x64xf32, #tpu.memory_space<vmem>>, vector<16xf32>,
      tpu.vector_store %arg7[%swap3A_2570, %swap3A_2571], %gather3A_2568 {strides = array<i32>} : memref<32x64xf32, #tpu.memory_space<vmem>>, vector<16xf32>,
      %iota3A_2573 = tpu.iota {dimensions = array<i32: 0>} : vector<16xi32>
      %add3A_2574 = arith.constant 16 : i32
      %add3A_2575 = vector.broadcast %add3A_2574 : i32 to vector<16xi32>
      %add3A_2576 = arith.addi %iota3A_2573, %add3A_2575 : vector<16xi32>
      %shift_right_logical3A_2577 = arith.constant 3 : i32
      %shift_right_logical3A_2578 = vector.broadcast %shift_right_logical3A_2577 : i32 to vector<16xi32>
      %shift_right_logical3A_2579 = arith.shrui %add3A_2576, %shift_right_logical3A_2578 : vector<16xi32>
      %and3A_2580 = arith.constant 7 : i32
      %and3A_2581 = vector.broadcast %and3A_2580 : i32 to vector<16xi32>
      %and3A_2582 = arith.andi %add3A_2576, %and3A_2581 : vector<16xi32>
      %gather3A_2583 = arith.constant 2 : i32
      %gather3A_2584 = arith.constant 0 : i32
      %gather3A_2585 = arith.constant 0 : i32
      %gather3A_2586 = arith.constant 0 : i32
      %gather3A_2587 = tpu.memref_slice %arg6[%gather3A_2583, %gather3A_2584, %gather3A_2585, %gather3A_2586] : memref<8x8x8x128xf32, #tpu.memory_space<vmem>> -> memref<1x8x8x128xf32, #tpu.memory_space<vmem>>
      %gather3A_2588 = tpu.memref_squeeze %gather3A_2587 : memref<1x8x8x128xf32, #tpu.memory_space<vmem>> -> memref<8x8x128xf32, #tpu.memory_space<vmem>>
      %gather3A_2589 = tpu.vector_load_idx %gather3A_2588[%shift_right_logical3A_2579, %and3A_2582, %broadcast_in_dim3A_2551] : memref<8x8x128xf32, #tpu.memory_space<vmem>>[vector<16xi32>, vector<16xi32>, vector<16xi32>], vector<16xf32>,
      %swap3A_2590 = arith.constant 18 : i32
      %swap3A_2591 = arith.index_cast %swap3A_2590 : i32 to index
      %swap3A_2592 = arith.constant 16 : index
      %swap3A_2593 = tpu.vector_load %arg7[%swap3A_2591, %swap3A_2592] {strides = array<i32>} : memref<32x64xf32, #tpu.memory_space<vmem>>, vector<16xf32>,
      tpu.vector_store %arg7[%swap3A_2591, %swap3A_2592], %gather3A_2589 {strides = array<i32>} : memref<32x64xf32, #tpu.memory_space<vmem>>, vector<16xf32>,
      %iota3A_2594 = tpu.iota {dimensions = array<i32: 0>} : vector<16xi32>
      %add3A_2595 = arith.constant 32 : i32
      %add3A_2596 = vector.broadcast %add3A_2595 : i32 to vector<16xi32>
      %add3A_2597 = arith.addi %iota3A_2594, %add3A_2596 : vector<16xi32>
      %shift_right_logical3A_2598 = arith.constant 3 : i32
      %shift_right_logical3A_2599 = vector.broadcast %shift_right_logical3A_2598 : i32 to vector<16xi32>
      %shift_right_logical3A_2600 = arith.shrui %add3A_2597, %shift_right_logical3A_2599 : vector<16xi32>
      %and3A_2601 = arith.constant 7 : i32
      %and3A_2602 = vector.broadcast %and3A_2601 : i32 to vector<16xi32>
      %and3A_2603 = arith.andi %add3A_2597, %and3A_2602 : vector<16xi32>
      %gather3A_2604 = arith.constant 2 : i32
      %gather3A_2605 = arith.constant 0 : i32
      %gather3A_2606 = arith.constant 0 : i32
      %gather3A_2607 = arith.constant 0 : i32
      %gather3A_2608 = tpu.memref_slice %arg6[%gather3A_2604, %gather3A_2605, %gather3A_2606, %gather3A_2607] : memref<8x8x8x128xf32, #tpu.memory_space<vmem>> -> memref<1x8x8x128xf32, #tpu.memory_space<vmem>>
      %gather3A_2609 = tpu.memref_squeeze %gather3A_2608 : memref<1x8x8x128xf32, #tpu.memory_space<vmem>> -> memref<8x8x128xf32, #tpu.memory_space<vmem>>
      %gather3A_2610 = tpu.vector_load_idx %gather3A_2609[%shift_right_logical3A_2600, %and3A_2603, %broadcast_in_dim3A_2551] : memref<8x8x128xf32, #tpu.memory_space<vmem>>[vector<16xi32>, vector<16xi32>, vector<16xi32>], vector<16xf32>,
      %swap3A_2611 = arith.constant 18 : i32
      %swap3A_2612 = arith.index_cast %swap3A_2611 : i32 to index
      %swap3A_2613 = arith.constant 32 : index
      %swap3A_2614 = tpu.vector_load %arg7[%swap3A_2612, %swap3A_2613] {strides = array<i32>} : memref<32x64xf32, #tpu.memory_space<vmem>>, vector<16xf32>,
      tpu.vector_store %arg7[%swap3A_2612, %swap3A_2613], %gather3A_2610 {strides = array<i32>} : memref<32x64xf32, #tpu.memory_space<vmem>>, vector<16xf32>,
      %iota3A_2615 = tpu.iota {dimensions = array<i32: 0>} : vector<16xi32>
      %add3A_2616 = arith.constant 48 : i32
      %add3A_2617 = vector.broadcast %add3A_2616 : i32 to vector<16xi32>
      %add3A_2618 = arith.addi %iota3A_2615, %add3A_2617 : vector<16xi32>
      %shift_right_logical3A_2619 = arith.constant 3 : i32
      %shift_right_logical3A_2620 = vector.broadcast %shift_right_logical3A_2619 : i32 to vector<16xi32>
      %shift_right_logical3A_2621 = arith.shrui %add3A_2618, %shift_right_logical3A_2620 : vector<16xi32>
      %and3A_2622 = arith.constant 7 : i32
      %and3A_2623 = vector.broadcast %and3A_2622 : i32 to vector<16xi32>
      %and3A_2624 = arith.andi %add3A_2618, %and3A_2623 : vector<16xi32>
      %gather3A_2625 = arith.constant 2 : i32
      %gather3A_2626 = arith.constant 0 : i32
      %gather3A_2627 = arith.constant 0 : i32
      %gather3A_2628 = arith.constant 0 : i32
      %gather3A_2629 = tpu.memref_slice %arg6[%gather3A_2625, %gather3A_2626, %gather3A_2627, %gather3A_2628] : memref<8x8x8x128xf32, #tpu.memory_space<vmem>> -> memref<1x8x8x128xf32, #tpu.memory_space<vmem>>
      %gather3A_2630 = tpu.memref_squeeze %gather3A_2629 : memref<1x8x8x128xf32, #tpu.memory_space<vmem>> -> memref<8x8x128xf32, #tpu.memory_space<vmem>>
      %gather3A_2631 = tpu.vector_load_idx %gather3A_2630[%shift_right_logical3A_2621, %and3A_2624, %broadcast_in_dim3A_2551] : memref<8x8x128xf32, #tpu.memory_space<vmem>>[vector<16xi32>, vector<16xi32>, vector<16xi32>], vector<16xf32>,
      %swap3A_2632 = arith.constant 18 : i32
      %swap3A_2633 = arith.index_cast %swap3A_2632 : i32 to index
      %swap3A_2634 = arith.constant 48 : index
      %swap3A_2635 = tpu.vector_load %arg7[%swap3A_2633, %swap3A_2634] {strides = array<i32>} : memref<32x64xf32, #tpu.memory_space<vmem>>, vector<16xf32>,
      tpu.vector_store %arg7[%swap3A_2633, %swap3A_2634], %gather3A_2631 {strides = array<i32>} : memref<32x64xf32, #tpu.memory_space<vmem>>, vector<16xf32>,
      %slice3A_2636 = vector.extract_strided_slice %scan3A_170 {offsets = [9], sizes = [1], strides = [1]} : vector<16xi32> to vector<1xi32>
      %squeeze3A_2637 = vector.extract %slice3A_2636[0] : i32 from vector<1xi32>
      %shift_right_logical3A_2638 = arith.constant 7 : i32
      %shift_right_logical3A_2639 = arith.shrui %squeeze3A_2637, %shift_right_logical3A_2638 : i32
      %mul3A_2640 = arith.constant 128 : i32
      %mul3A_2641 = arith.muli %shift_right_logical3A_2639, %mul3A_2640 : i32
      %dma_start3A_2642 = arith.constant 1 : i32
      %dma_start3A_2643 = arith.constant 0 : i32
      %dma_start3A_2644 = arith.constant 0 : i32
      %dma_start3A_2645 = arith.constant 0 : i32
      %dma_start3A_2646 = tpu.memref_slice %arg6[%dma_start3A_2642, %dma_start3A_2643, %dma_start3A_2644, %dma_start3A_2645] : memref<8x8x8x128xf32, #tpu.memory_space<vmem>> -> memref<1x8x8x128xf32, #tpu.memory_space<vmem>>
      %dma_start3A_2647 = tpu.memref_squeeze %dma_start3A_2646 : memref<1x8x8x128xf32, #tpu.memory_space<vmem>> -> memref<8x8x128xf32, #tpu.memory_space<vmem>>
      %dma_start3A_2648 = arith.constant 0 : i32
      %dma_start3A_2649 = arith.constant 0 : i32
      %dma_start3A_2650 = tpu.memref_slice %arg3[%dma_start3A_2648, %dma_start3A_2649, %mul3A_2641] : memref<8x8x1000000xf32, #tpu.memory_space<hbm>> -> memref<8x8x128xf32, #tpu.memory_space<hbm>>
      %dma_start3A_2651 = arith.constant 0 : i32
      %dma_start3A_2652 = arith.constant 0 : i32
      %dma_start3A_2653 = arith.constant 0 : i32
      %dma_start3A_2654 = tpu.memref_slice %arg6[%dma_start3A_2642, %dma_start3A_2651, %dma_start3A_2652, %dma_start3A_2653] : memref<8x8x8x128xf32, #tpu.memory_space<vmem>> -> memref<1x8x8x128xf32, #tpu.memory_space<vmem>>
      %dma_start3A_2655 = tpu.memref_squeeze %dma_start3A_2654 : memref<1x8x8x128xf32, #tpu.memory_space<vmem>> -> memref<8x8x128xf32, #tpu.memory_space<vmem>>
      %dma_start3A_2656 = arith.constant 0 : i32
      %dma_start3A_2657 = arith.constant 0 : i32
      %dma_start3A_2658 = tpu.memref_slice %arg3[%dma_start3A_2656, %dma_start3A_2657, %mul3A_2641] : memref<8x8x1000000xf32, #tpu.memory_space<hbm>> -> memref<8x8x128xf32, #tpu.memory_space<hbm>>
      tpu.enqueue_dma source(%dma_start3A_2658 : memref<8x8x128xf32, #tpu.memory_space<hbm>>) target(%dma_start3A_2655 : memref<8x8x128xf32, #tpu.memory_space<vmem>>) target_semaphore(%arg9 : memref<!tpu.dma_semaphore, #tpu.memory_space<semaphore_mem>>)
      %dma_wait3A_2659 = arith.constant 3 : i32
      %dma_wait3A_2660 = arith.constant 0 : i32
      %dma_wait3A_2661 = arith.constant 0 : i32
      %dma_wait3A_2662 = arith.constant 0 : i32
      %dma_wait3A_2663 = tpu.memref_slice %arg6[%dma_wait3A_2659, %dma_wait3A_2660, %dma_wait3A_2661, %dma_wait3A_2662] : memref<8x8x8x128xf32, #tpu.memory_space<vmem>> -> memref<1x8x8x128xf32, #tpu.memory_space<vmem>>
      %dma_wait3A_2664 = tpu.memref_squeeze %dma_wait3A_2663 : memref<1x8x8x128xf32, #tpu.memory_space<vmem>> -> memref<8x8x128xf32, #tpu.memory_space<vmem>>
      %dma_wait3A_2665 = arith.constant 0 : i32
      %dma_wait3A_2666 = arith.constant 0 : i32
      %dma_wait3A_2667 = arith.constant 0 : i32
      %dma_wait3A_2668 = tpu.memref_slice %arg3[%dma_wait3A_2665, %dma_wait3A_2666, %dma_wait3A_2667] : memref<8x8x1000000xf32, #tpu.memory_space<hbm>> -> memref<8x8x128xf32, #tpu.memory_space<hbm>>
      %dma_wait3A_2669 = arith.constant 0 : i32
      %dma_wait3A_2670 = arith.constant 0 : i32
      %dma_wait3A_2671 = arith.constant 0 : i32
      %dma_wait3A_2672 = tpu.memref_slice %arg6[%dma_wait3A_2659, %dma_wait3A_2669, %dma_wait3A_2670, %dma_wait3A_2671] : memref<8x8x8x128xf32, #tpu.memory_space<vmem>> -> memref<1x8x8x128xf32, #tpu.memory_space<vmem>>
      %dma_wait3A_2673 = tpu.memref_squeeze %dma_wait3A_2672 : memref<1x8x8x128xf32, #tpu.memory_space<vmem>> -> memref<8x8x128xf32, #tpu.memory_space<vmem>>
      %dma_wait3A_2674 = arith.constant 0 : i32
      %dma_wait3A_2675 = arith.constant 0 : i32
      %dma_wait3A_2676 = arith.constant 0 : i32
      %dma_wait3A_2677 = tpu.memref_slice %arg3[%dma_wait3A_2674, %dma_wait3A_2675, %dma_wait3A_2676] : memref<8x8x1000000xf32, #tpu.memory_space<hbm>> -> memref<8x8x128xf32, #tpu.memory_space<hbm>>
      tpu.wait_dma2 semaphore(%arg11 : memref<!tpu.dma_semaphore, #tpu.memory_space<semaphore_mem>>) src(%dma_wait3A_2677 : memref<8x8x128xf32, #tpu.memory_space<hbm>>) dst(%dma_wait3A_2673 : memref<8x8x128xf32, #tpu.memory_space<vmem>>)
      %slice3A_2678 = vector.extract_strided_slice %scan3A_170 {offsets = [3], sizes = [1], strides = [1]} : vector<16xi32> to vector<1xi32>
      %squeeze3A_2679 = vector.extract %slice3A_2678[0] : i32 from vector<1xi32>
      %and3A_2680 = arith.constant 127 : i32
      %and3A_2681 = arith.andi %squeeze3A_2679, %and3A_2680 : i32
      %broadcast_in_dim3A_2682 = vector.broadcast %and3A_2681 : i32 to vector<16xi32>
      %iota3A_2683 = tpu.iota {dimensions = array<i32: 0>} : vector<16xi32>
      %add3A_2684 = arith.constant 0 : i32
      %add3A_2685 = vector.broadcast %add3A_2684 : i32 to vector<16xi32>
      %add3A_2686 = arith.addi %iota3A_2683, %add3A_2685 : vector<16xi32>
      %shift_right_logical3A_2687 = arith.constant 3 : i32
      %shift_right_logical3A_2688 = vector.broadcast %shift_right_logical3A_2687 : i32 to vector<16xi32>
      %shift_right_logical3A_2689 = arith.shrui %add3A_2686, %shift_right_logical3A_2688 : vector<16xi32>
      %and3A_2690 = arith.constant 7 : i32
      %and3A_2691 = vector.broadcast %and3A_2690 : i32 to vector<16xi32>
      %and3A_2692 = arith.andi %add3A_2686, %and3A_2691 : vector<16xi32>
      %gather3A_2693 = arith.constant 3 : i32
      %gather3A_2694 = arith.constant 0 : i32
      %gather3A_2695 = arith.constant 0 : i32
      %gather3A_2696 = arith.constant 0 : i32
      %gather3A_2697 = tpu.memref_slice %arg6[%gather3A_2693, %gather3A_2694, %gather3A_2695, %gather3A_2696] : memref<8x8x8x128xf32, #tpu.memory_space<vmem>> -> memref<1x8x8x128xf32, #tpu.memory_space<vmem>>
      %gather3A_2698 = tpu.memref_squeeze %gather3A_2697 : memref<1x8x8x128xf32, #tpu.memory_space<vmem>> -> memref<8x8x128xf32, #tpu.memory_space<vmem>>
      %gather3A_2699 = tpu.vector_load_idx %gather3A_2698[%shift_right_logical3A_2689, %and3A_2692, %broadcast_in_dim3A_2682] : memref<8x8x128xf32, #tpu.memory_space<vmem>>[vector<16xi32>, vector<16xi32>, vector<16xi32>], vector<16xf32>,
      %swap3A_2700 = arith.constant 19 : i32
      %swap3A_2701 = arith.index_cast %swap3A_2700 : i32 to index
      %swap3A_2702 = arith.constant 0 : index
      %swap3A_2703 = tpu.vector_load %arg7[%swap3A_2701, %swap3A_2702] {strides = array<i32>} : memref<32x64xf32, #tpu.memory_space<vmem>>, vector<16xf32>,
      tpu.vector_store %arg7[%swap3A_2701, %swap3A_2702], %gather3A_2699 {strides = array<i32>} : memref<32x64xf32, #tpu.memory_space<vmem>>, vector<16xf32>,
      %iota3A_2704 = tpu.iota {dimensions = array<i32: 0>} : vector<16xi32>
      %add3A_2705 = arith.constant 16 : i32
      %add3A_2706 = vector.broadcast %add3A_2705 : i32 to vector<16xi32>
      %add3A_2707 = arith.addi %iota3A_2704, %add3A_2706 : vector<16xi32>
      %shift_right_logical3A_2708 = arith.constant 3 : i32
      %shift_right_logical3A_2709 = vector.broadcast %shift_right_logical3A_2708 : i32 to vector<16xi32>
      %shift_right_logical3A_2710 = arith.shrui %add3A_2707, %shift_right_logical3A_2709 : vector<16xi32>
      %and3A_2711 = arith.constant 7 : i32
      %and3A_2712 = vector.broadcast %and3A_2711 : i32 to vector<16xi32>
      %and3A_2713 = arith.andi %add3A_2707, %and3A_2712 : vector<16xi32>
      %gather3A_2714 = arith.constant 3 : i32
      %gather3A_2715 = arith.constant 0 : i32
      %gather3A_2716 = arith.constant 0 : i32
      %gather3A_2717 = arith.constant 0 : i32
      %gather3A_2718 = tpu.memref_slice %arg6[%gather3A_2714, %gather3A_2715, %gather3A_2716, %gather3A_2717] : memref<8x8x8x128xf32, #tpu.memory_space<vmem>> -> memref<1x8x8x128xf32, #tpu.memory_space<vmem>>
      %gather3A_2719 = tpu.memref_squeeze %gather3A_2718 : memref<1x8x8x128xf32, #tpu.memory_space<vmem>> -> memref<8x8x128xf32, #tpu.memory_space<vmem>>
      %gather3A_2720 = tpu.vector_load_idx %gather3A_2719[%shift_right_logical3A_2710, %and3A_2713, %broadcast_in_dim3A_2682] : memref<8x8x128xf32, #tpu.memory_space<vmem>>[vector<16xi32>, vector<16xi32>, vector<16xi32>], vector<16xf32>,
      %swap3A_2721 = arith.constant 19 : i32
      %swap3A_2722 = arith.index_cast %swap3A_2721 : i32 to index
      %swap3A_2723 = arith.constant 16 : index
      %swap3A_2724 = tpu.vector_load %arg7[%swap3A_2722, %swap3A_2723] {strides = array<i32>} : memref<32x64xf32, #tpu.memory_space<vmem>>, vector<16xf32>,
      tpu.vector_store %arg7[%swap3A_2722, %swap3A_2723], %gather3A_2720 {strides = array<i32>} : memref<32x64xf32, #tpu.memory_space<vmem>>, vector<16xf32>,
      %iota3A_2725 = tpu.iota {dimensions = array<i32: 0>} : vector<16xi32>
      %add3A_2726 = arith.constant 32 : i32
      %add3A_2727 = vector.broadcast %add3A_2726 : i32 to vector<16xi32>
      %add3A_2728 = arith.addi %iota3A_2725, %add3A_2727 : vector<16xi32>
      %shift_right_logical3A_2729 = arith.constant 3 : i32
      %shift_right_logical3A_2730 = vector.broadcast %shift_right_logical3A_2729 : i32 to vector<16xi32>
      %shift_right_logical3A_2731 = arith.shrui %add3A_2728, %shift_right_logical3A_2730 : vector<16xi32>
      %and3A_2732 = arith.constant 7 : i32
      %and3A_2733 = vector.broadcast %and3A_2732 : i32 to vector<16xi32>
      %and3A_2734 = arith.andi %add3A_2728, %and3A_2733 : vector<16xi32>
      %gather3A_2735 = arith.constant 3 : i32
      %gather3A_2736 = arith.constant 0 : i32
      %gather3A_2737 = arith.constant 0 : i32
      %gather3A_2738 = arith.constant 0 : i32
      %gather3A_2739 = tpu.memref_slice %arg6[%gather3A_2735, %gather3A_2736, %gather3A_2737, %gather3A_2738] : memref<8x8x8x128xf32, #tpu.memory_space<vmem>> -> memref<1x8x8x128xf32, #tpu.memory_space<vmem>>
      %gather3A_2740 = tpu.memref_squeeze %gather3A_2739 : memref<1x8x8x128xf32, #tpu.memory_space<vmem>> -> memref<8x8x128xf32, #tpu.memory_space<vmem>>
      %gather3A_2741 = tpu.vector_load_idx %gather3A_2740[%shift_right_logical3A_2731, %and3A_2734, %broadcast_in_dim3A_2682] : memref<8x8x128xf32, #tpu.memory_space<vmem>>[vector<16xi32>, vector<16xi32>, vector<16xi32>], vector<16xf32>,
      %swap3A_2742 = arith.constant 19 : i32
      %swap3A_2743 = arith.index_cast %swap3A_2742 : i32 to index
      %swap3A_2744 = arith.constant 32 : index
      %swap3A_2745 = tpu.vector_load %arg7[%swap3A_2743, %swap3A_2744] {strides = array<i32>} : memref<32x64xf32, #tpu.memory_space<vmem>>, vector<16xf32>,
      tpu.vector_store %arg7[%swap3A_2743, %swap3A_2744], %gather3A_2741 {strides = array<i32>} : memref<32x64xf32, #tpu.memory_space<vmem>>, vector<16xf32>,
      %iota3A_2746 = tpu.iota {dimensions = array<i32: 0>} : vector<16xi32>
      %add3A_2747 = arith.constant 48 : i32
      %add3A_2748 = vector.broadcast %add3A_2747 : i32 to vector<16xi32>
      %add3A_2749 = arith.addi %iota3A_2746, %add3A_2748 : vector<16xi32>
      %shift_right_logical3A_2750 = arith.constant 3 : i32
      %shift_right_logical3A_2751 = vector.broadcast %shift_right_logical3A_2750 : i32 to vector<16xi32>
      %shift_right_logical3A_2752 = arith.shrui %add3A_2749, %shift_right_logical3A_2751 : vector<16xi32>
      %and3A_2753 = arith.constant 7 : i32
      %and3A_2754 = vector.broadcast %and3A_2753 : i32 to vector<16xi32>
      %and3A_2755 = arith.andi %add3A_2749, %and3A_2754 : vector<16xi32>
      %gather3A_2756 = arith.constant 3 : i32
      %gather3A_2757 = arith.constant 0 : i32
      %gather3A_2758 = arith.constant 0 : i32
      %gather3A_2759 = arith.constant 0 : i32
      %gather3A_2760 = tpu.memref_slice %arg6[%gather3A_2756, %gather3A_2757, %gather3A_2758, %gather3A_2759] : memref<8x8x8x128xf32, #tpu.memory_space<vmem>> -> memref<1x8x8x128xf32, #tpu.memory_space<vmem>>
      %gather3A_2761 = tpu.memref_squeeze %gather3A_2760 : memref<1x8x8x128xf32, #tpu.memory_space<vmem>> -> memref<8x8x128xf32, #tpu.memory_space<vmem>>
      %gather3A_2762 = tpu.vector_load_idx %gather3A_2761[%shift_right_logical3A_2752, %and3A_2755, %broadcast_in_dim3A_2682] : memref<8x8x128xf32, #tpu.memory_space<vmem>>[vector<16xi32>, vector<16xi32>, vector<16xi32>], vector<16xf32>,
      %swap3A_2763 = arith.constant 19 : i32
      %swap3A_2764 = arith.index_cast %swap3A_2763 : i32 to index
      %swap3A_2765 = arith.constant 48 : index
      %swap3A_2766 = tpu.vector_load %arg7[%swap3A_2764, %swap3A_2765] {strides = array<i32>} : memref<32x64xf32, #tpu.memory_space<vmem>>, vector<16xf32>,
      tpu.vector_store %arg7[%swap3A_2764, %swap3A_2765], %gather3A_2762 {strides = array<i32>} : memref<32x64xf32, #tpu.memory_space<vmem>>, vector<16xf32>,
      %slice3A_2767 = vector.extract_strided_slice %scan3A_170 {offsets = [10], sizes = [1], strides = [1]} : vector<16xi32> to vector<1xi32>
      %squeeze3A_2768 = vector.extract %slice3A_2767[0] : i32 from vector<1xi32>
      %shift_right_logical3A_2769 = arith.constant 7 : i32
      %shift_right_logical3A_2770 = arith.shrui %squeeze3A_2768, %shift_right_logical3A_2769 : i32
      %mul3A_2771 = arith.constant 128 : i32
      %mul3A_2772 = arith.muli %shift_right_logical3A_2770, %mul3A_2771 : i32
      %dma_start3A_2773 = arith.constant 2 : i32
      %dma_start3A_2774 = arith.constant 0 : i32
      %dma_start3A_2775 = arith.constant 0 : i32
      %dma_start3A_2776 = arith.constant 0 : i32
      %dma_start3A_2777 = tpu.memref_slice %arg6[%dma_start3A_2773, %dma_start3A_2774, %dma_start3A_2775, %dma_start3A_2776] : memref<8x8x8x128xf32, #tpu.memory_space<vmem>> -> memref<1x8x8x128xf32, #tpu.memory_space<vmem>>
      %dma_start3A_2778 = tpu.memref_squeeze %dma_start3A_2777 : memref<1x8x8x128xf32, #tpu.memory_space<vmem>> -> memref<8x8x128xf32, #tpu.memory_space<vmem>>
      %dma_start3A_2779 = arith.constant 0 : i32
      %dma_start3A_2780 = arith.constant 0 : i32
      %dma_start3A_2781 = tpu.memref_slice %arg3[%dma_start3A_2779, %dma_start3A_2780, %mul3A_2772] : memref<8x8x1000000xf32, #tpu.memory_space<hbm>> -> memref<8x8x128xf32, #tpu.memory_space<hbm>>
      %dma_start3A_2782 = arith.constant 0 : i32
      %dma_start3A_2783 = arith.constant 0 : i32
      %dma_start3A_2784 = arith.constant 0 : i32
      %dma_start3A_2785 = tpu.memref_slice %arg6[%dma_start3A_2773, %dma_start3A_2782, %dma_start3A_2783, %dma_start3A_2784] : memref<8x8x8x128xf32, #tpu.memory_space<vmem>> -> memref<1x8x8x128xf32, #tpu.memory_space<vmem>>
      %dma_start3A_2786 = tpu.memref_squeeze %dma_start3A_2785 : memref<1x8x8x128xf32, #tpu.memory_space<vmem>> -> memref<8x8x128xf32, #tpu.memory_space<vmem>>
      %dma_start3A_2787 = arith.constant 0 : i32
      %dma_start3A_2788 = arith.constant 0 : i32
      %dma_start3A_2789 = tpu.memref_slice %arg3[%dma_start3A_2787, %dma_start3A_2788, %mul3A_2772] : memref<8x8x1000000xf32, #tpu.memory_space<hbm>> -> memref<8x8x128xf32, #tpu.memory_space<hbm>>
      tpu.enqueue_dma source(%dma_start3A_2789 : memref<8x8x128xf32, #tpu.memory_space<hbm>>) target(%dma_start3A_2786 : memref<8x8x128xf32, #tpu.memory_space<vmem>>) target_semaphore(%arg10 : memref<!tpu.dma_semaphore, #tpu.memory_space<semaphore_mem>>)
      %dma_wait3A_2790 = arith.constant 4 : i32
      %dma_wait3A_2791 = arith.constant 0 : i32
      %dma_wait3A_2792 = arith.constant 0 : i32
      %dma_wait3A_2793 = arith.constant 0 : i32
      %dma_wait3A_2794 = tpu.memref_slice %arg6[%dma_wait3A_2790, %dma_wait3A_2791, %dma_wait3A_2792, %dma_wait3A_2793] : memref<8x8x8x128xf32, #tpu.memory_space<vmem>> -> memref<1x8x8x128xf32, #tpu.memory_space<vmem>>
      %dma_wait3A_2795 = tpu.memref_squeeze %dma_wait3A_2794 : memref<1x8x8x128xf32, #tpu.memory_space<vmem>> -> memref<8x8x128xf32, #tpu.memory_space<vmem>>
      %dma_wait3A_2796 = arith.constant 0 : i32
      %dma_wait3A_2797 = arith.constant 0 : i32
      %dma_wait3A_2798 = arith.constant 0 : i32
      %dma_wait3A_2799 = tpu.memref_slice %arg3[%dma_wait3A_2796, %dma_wait3A_2797, %dma_wait3A_2798] : memref<8x8x1000000xf32, #tpu.memory_space<hbm>> -> memref<8x8x128xf32, #tpu.memory_space<hbm>>
      %dma_wait3A_2800 = arith.constant 0 : i32
      %dma_wait3A_2801 = arith.constant 0 : i32
      %dma_wait3A_2802 = arith.constant 0 : i32
      %dma_wait3A_2803 = tpu.memref_slice %arg6[%dma_wait3A_2790, %dma_wait3A_2800, %dma_wait3A_2801, %dma_wait3A_2802] : memref<8x8x8x128xf32, #tpu.memory_space<vmem>> -> memref<1x8x8x128xf32, #tpu.memory_space<vmem>>
      %dma_wait3A_2804 = tpu.memref_squeeze %dma_wait3A_2803 : memref<1x8x8x128xf32, #tpu.memory_space<vmem>> -> memref<8x8x128xf32, #tpu.memory_space<vmem>>
      %dma_wait3A_2805 = arith.constant 0 : i32
      %dma_wait3A_2806 = arith.constant 0 : i32
      %dma_wait3A_2807 = arith.constant 0 : i32
      %dma_wait3A_2808 = tpu.memref_slice %arg3[%dma_wait3A_2805, %dma_wait3A_2806, %dma_wait3A_2807] : memref<8x8x1000000xf32, #tpu.memory_space<hbm>> -> memref<8x8x128xf32, #tpu.memory_space<hbm>>
      tpu.wait_dma2 semaphore(%arg12 : memref<!tpu.dma_semaphore, #tpu.memory_space<semaphore_mem>>) src(%dma_wait3A_2808 : memref<8x8x128xf32, #tpu.memory_space<hbm>>) dst(%dma_wait3A_2804 : memref<8x8x128xf32, #tpu.memory_space<vmem>>)
      %slice3A_2809 = vector.extract_strided_slice %scan3A_170 {offsets = [4], sizes = [1], strides = [1]} : vector<16xi32> to vector<1xi32>
      %squeeze3A_2810 = vector.extract %slice3A_2809[0] : i32 from vector<1xi32>
      %and3A_2811 = arith.constant 127 : i32
      %and3A_2812 = arith.andi %squeeze3A_2810, %and3A_2811 : i32
      %broadcast_in_dim3A_2813 = vector.broadcast %and3A_2812 : i32 to vector<16xi32>
      %iota3A_2814 = tpu.iota {dimensions = array<i32: 0>} : vector<16xi32>
      %add3A_2815 = arith.constant 0 : i32
      %add3A_2816 = vector.broadcast %add3A_2815 : i32 to vector<16xi32>
      %add3A_2817 = arith.addi %iota3A_2814, %add3A_2816 : vector<16xi32>
      %shift_right_logical3A_2818 = arith.constant 3 : i32
      %shift_right_logical3A_2819 = vector.broadcast %shift_right_logical3A_2818 : i32 to vector<16xi32>
      %shift_right_logical3A_2820 = arith.shrui %add3A_2817, %shift_right_logical3A_2819 : vector<16xi32>
      %and3A_2821 = arith.constant 7 : i32
      %and3A_2822 = vector.broadcast %and3A_2821 : i32 to vector<16xi32>
      %and3A_2823 = arith.andi %add3A_2817, %and3A_2822 : vector<16xi32>
      %gather3A_2824 = arith.constant 4 : i32
      %gather3A_2825 = arith.constant 0 : i32
      %gather3A_2826 = arith.constant 0 : i32
      %gather3A_2827 = arith.constant 0 : i32
      %gather3A_2828 = tpu.memref_slice %arg6[%gather3A_2824, %gather3A_2825, %gather3A_2826, %gather3A_2827] : memref<8x8x8x128xf32, #tpu.memory_space<vmem>> -> memref<1x8x8x128xf32, #tpu.memory_space<vmem>>
      %gather3A_2829 = tpu.memref_squeeze %gather3A_2828 : memref<1x8x8x128xf32, #tpu.memory_space<vmem>> -> memref<8x8x128xf32, #tpu.memory_space<vmem>>
      %gather3A_2830 = tpu.vector_load_idx %gather3A_2829[%shift_right_logical3A_2820, %and3A_2823, %broadcast_in_dim3A_2813] : memref<8x8x128xf32, #tpu.memory_space<vmem>>[vector<16xi32>, vector<16xi32>, vector<16xi32>], vector<16xf32>,
      %swap3A_2831 = arith.constant 20 : i32
      %swap3A_2832 = arith.index_cast %swap3A_2831 : i32 to index
      %swap3A_2833 = arith.constant 0 : index
      %swap3A_2834 = tpu.vector_load %arg7[%swap3A_2832, %swap3A_2833] {strides = array<i32>} : memref<32x64xf32, #tpu.memory_space<vmem>>, vector<16xf32>,
      tpu.vector_store %arg7[%swap3A_2832, %swap3A_2833], %gather3A_2830 {strides = array<i32>} : memref<32x64xf32, #tpu.memory_space<vmem>>, vector<16xf32>,
      %iota3A_2835 = tpu.iota {dimensions = array<i32: 0>} : vector<16xi32>
      %add3A_2836 = arith.constant 16 : i32
      %add3A_2837 = vector.broadcast %add3A_2836 : i32 to vector<16xi32>
      %add3A_2838 = arith.addi %iota3A_2835, %add3A_2837 : vector<16xi32>
      %shift_right_logical3A_2839 = arith.constant 3 : i32
      %shift_right_logical3A_2840 = vector.broadcast %shift_right_logical3A_2839 : i32 to vector<16xi32>
      %shift_right_logical3A_2841 = arith.shrui %add3A_2838, %shift_right_logical3A_2840 : vector<16xi32>
      %and3A_2842 = arith.constant 7 : i32
      %and3A_2843 = vector.broadcast %and3A_2842 : i32 to vector<16xi32>
      %and3A_2844 = arith.andi %add3A_2838, %and3A_2843 : vector<16xi32>
      %gather3A_2845 = arith.constant 4 : i32
      %gather3A_2846 = arith.constant 0 : i32
      %gather3A_2847 = arith.constant 0 : i32
      %gather3A_2848 = arith.constant 0 : i32
      %gather3A_2849 = tpu.memref_slice %arg6[%gather3A_2845, %gather3A_2846, %gather3A_2847, %gather3A_2848] : memref<8x8x8x128xf32, #tpu.memory_space<vmem>> -> memref<1x8x8x128xf32, #tpu.memory_space<vmem>>
      %gather3A_2850 = tpu.memref_squeeze %gather3A_2849 : memref<1x8x8x128xf32, #tpu.memory_space<vmem>> -> memref<8x8x128xf32, #tpu.memory_space<vmem>>
      %gather3A_2851 = tpu.vector_load_idx %gather3A_2850[%shift_right_logical3A_2841, %and3A_2844, %broadcast_in_dim3A_2813] : memref<8x8x128xf32, #tpu.memory_space<vmem>>[vector<16xi32>, vector<16xi32>, vector<16xi32>], vector<16xf32>,
      %swap3A_2852 = arith.constant 20 : i32
      %swap3A_2853 = arith.index_cast %swap3A_2852 : i32 to index
      %swap3A_2854 = arith.constant 16 : index
      %swap3A_2855 = tpu.vector_load %arg7[%swap3A_2853, %swap3A_2854] {strides = array<i32>} : memref<32x64xf32, #tpu.memory_space<vmem>>, vector<16xf32>,
      tpu.vector_store %arg7[%swap3A_2853, %swap3A_2854], %gather3A_2851 {strides = array<i32>} : memref<32x64xf32, #tpu.memory_space<vmem>>, vector<16xf32>,
      %iota3A_2856 = tpu.iota {dimensions = array<i32: 0>} : vector<16xi32>
      %add3A_2857 = arith.constant 32 : i32
      %add3A_2858 = vector.broadcast %add3A_2857 : i32 to vector<16xi32>
      %add3A_2859 = arith.addi %iota3A_2856, %add3A_2858 : vector<16xi32>
      %shift_right_logical3A_2860 = arith.constant 3 : i32
      %shift_right_logical3A_2861 = vector.broadcast %shift_right_logical3A_2860 : i32 to vector<16xi32>
      %shift_right_logical3A_2862 = arith.shrui %add3A_2859, %shift_right_logical3A_2861 : vector<16xi32>
      %and3A_2863 = arith.constant 7 : i32
      %and3A_2864 = vector.broadcast %and3A_2863 : i32 to vector<16xi32>
      %and3A_2865 = arith.andi %add3A_2859, %and3A_2864 : vector<16xi32>
      %gather3A_2866 = arith.constant 4 : i32
      %gather3A_2867 = arith.constant 0 : i32
      %gather3A_2868 = arith.constant 0 : i32
      %gather3A_2869 = arith.constant 0 : i32
      %gather3A_2870 = tpu.memref_slice %arg6[%gather3A_2866, %gather3A_2867, %gather3A_2868, %gather3A_2869] : memref<8x8x8x128xf32, #tpu.memory_space<vmem>> -> memref<1x8x8x128xf32, #tpu.memory_space<vmem>>
      %gather3A_2871 = tpu.memref_squeeze %gather3A_2870 : memref<1x8x8x128xf32, #tpu.memory_space<vmem>> -> memref<8x8x128xf32, #tpu.memory_space<vmem>>
      %gather3A_2872 = tpu.vector_load_idx %gather3A_2871[%shift_right_logical3A_2862, %and3A_2865, %broadcast_in_dim3A_2813] : memref<8x8x128xf32, #tpu.memory_space<vmem>>[vector<16xi32>, vector<16xi32>, vector<16xi32>], vector<16xf32>,
      %swap3A_2873 = arith.constant 20 : i32
      %swap3A_2874 = arith.index_cast %swap3A_2873 : i32 to index
      %swap3A_2875 = arith.constant 32 : index
      %swap3A_2876 = tpu.vector_load %arg7[%swap3A_2874, %swap3A_2875] {strides = array<i32>} : memref<32x64xf32, #tpu.memory_space<vmem>>, vector<16xf32>,
      tpu.vector_store %arg7[%swap3A_2874, %swap3A_2875], %gather3A_2872 {strides = array<i32>} : memref<32x64xf32, #tpu.memory_space<vmem>>, vector<16xf32>,
      %iota3A_2877 = tpu.iota {dimensions = array<i32: 0>} : vector<16xi32>
      %add3A_2878 = arith.constant 48 : i32
      %add3A_2879 = vector.broadcast %add3A_2878 : i32 to vector<16xi32>
      %add3A_2880 = arith.addi %iota3A_2877, %add3A_2879 : vector<16xi32>
      %shift_right_logical3A_2881 = arith.constant 3 : i32
      %shift_right_logical3A_2882 = vector.broadcast %shift_right_logical3A_2881 : i32 to vector<16xi32>
      %shift_right_logical3A_2883 = arith.shrui %add3A_2880, %shift_right_logical3A_2882 : vector<16xi32>
      %and3A_2884 = arith.constant 7 : i32
      %and3A_2885 = vector.broadcast %and3A_2884 : i32 to vector<16xi32>
      %and3A_2886 = arith.andi %add3A_2880, %and3A_2885 : vector<16xi32>
      %gather3A_2887 = arith.constant 4 : i32
      %gather3A_2888 = arith.constant 0 : i32
      %gather3A_2889 = arith.constant 0 : i32
      %gather3A_2890 = arith.constant 0 : i32
      %gather3A_2891 = tpu.memref_slice %arg6[%gather3A_2887, %gather3A_2888, %gather3A_2889, %gather3A_2890] : memref<8x8x8x128xf32, #tpu.memory_space<vmem>> -> memref<1x8x8x128xf32, #tpu.memory_space<vmem>>
      %gather3A_2892 = tpu.memref_squeeze %gather3A_2891 : memref<1x8x8x128xf32, #tpu.memory_space<vmem>> -> memref<8x8x128xf32, #tpu.memory_space<vmem>>
      %gather3A_2893 = tpu.vector_load_idx %gather3A_2892[%shift_right_logical3A_2883, %and3A_2886, %broadcast_in_dim3A_2813] : memref<8x8x128xf32, #tpu.memory_space<vmem>>[vector<16xi32>, vector<16xi32>, vector<16xi32>], vector<16xf32>,
      %swap3A_2894 = arith.constant 20 : i32
      %swap3A_2895 = arith.index_cast %swap3A_2894 : i32 to index
      %swap3A_2896 = arith.constant 48 : index
      %swap3A_2897 = tpu.vector_load %arg7[%swap3A_2895, %swap3A_2896] {strides = array<i32>} : memref<32x64xf32, #tpu.memory_space<vmem>>, vector<16xf32>,
      tpu.vector_store %arg7[%swap3A_2895, %swap3A_2896], %gather3A_2893 {strides = array<i32>} : memref<32x64xf32, #tpu.memory_space<vmem>>, vector<16xf32>,
      %slice3A_2898 = vector.extract_strided_slice %scan3A_170 {offsets = [11], sizes = [1], strides = [1]} : vector<16xi32> to vector<1xi32>
      %squeeze3A_2899 = vector.extract %slice3A_2898[0] : i32 from vector<1xi32>
      %shift_right_logical3A_2900 = arith.constant 7 : i32
      %shift_right_logical3A_2901 = arith.shrui %squeeze3A_2899, %shift_right_logical3A_2900 : i32
      %mul3A_2902 = arith.constant 128 : i32
      %mul3A_2903 = arith.muli %shift_right_logical3A_2901, %mul3A_2902 : i32
      %dma_start3A_2904 = arith.constant 3 : i32
      %dma_start3A_2905 = arith.constant 0 : i32
      %dma_start3A_2906 = arith.constant 0 : i32
      %dma_start3A_2907 = arith.constant 0 : i32
      %dma_start3A_2908 = tpu.memref_slice %arg6[%dma_start3A_2904, %dma_start3A_2905, %dma_start3A_2906, %dma_start3A_2907] : memref<8x8x8x128xf32, #tpu.memory_space<vmem>> -> memref<1x8x8x128xf32, #tpu.memory_space<vmem>>
      %dma_start3A_2909 = tpu.memref_squeeze %dma_start3A_2908 : memref<1x8x8x128xf32, #tpu.memory_space<vmem>> -> memref<8x8x128xf32, #tpu.memory_space<vmem>>
      %dma_start3A_2910 = arith.constant 0 : i32
      %dma_start3A_2911 = arith.constant 0 : i32
      %dma_start3A_2912 = tpu.memref_slice %arg3[%dma_start3A_2910, %dma_start3A_2911, %mul3A_2903] : memref<8x8x1000000xf32, #tpu.memory_space<hbm>> -> memref<8x8x128xf32, #tpu.memory_space<hbm>>
      %dma_start3A_2913 = arith.constant 0 : i32
      %dma_start3A_2914 = arith.constant 0 : i32
      %dma_start3A_2915 = arith.constant 0 : i32
      %dma_start3A_2916 = tpu.memref_slice %arg6[%dma_start3A_2904, %dma_start3A_2913, %dma_start3A_2914, %dma_start3A_2915] : memref<8x8x8x128xf32, #tpu.memory_space<vmem>> -> memref<1x8x8x128xf32, #tpu.memory_space<vmem>>
      %dma_start3A_2917 = tpu.memref_squeeze %dma_start3A_2916 : memref<1x8x8x128xf32, #tpu.memory_space<vmem>> -> memref<8x8x128xf32, #tpu.memory_space<vmem>>
      %dma_start3A_2918 = arith.constant 0 : i32
      %dma_start3A_2919 = arith.constant 0 : i32
      %dma_start3A_2920 = tpu.memref_slice %arg3[%dma_start3A_2918, %dma_start3A_2919, %mul3A_2903] : memref<8x8x1000000xf32, #tpu.memory_space<hbm>> -> memref<8x8x128xf32, #tpu.memory_space<hbm>>
      tpu.enqueue_dma source(%dma_start3A_2920 : memref<8x8x128xf32, #tpu.memory_space<hbm>>) target(%dma_start3A_2917 : memref<8x8x128xf32, #tpu.memory_space<vmem>>) target_semaphore(%arg11 : memref<!tpu.dma_semaphore, #tpu.memory_space<semaphore_mem>>)
      %dma_wait3A_2921 = arith.constant 5 : i32
      %dma_wait3A_2922 = arith.constant 0 : i32
      %dma_wait3A_2923 = arith.constant 0 : i32
      %dma_wait3A_2924 = arith.constant 0 : i32
      %dma_wait3A_2925 = tpu.memref_slice %arg6[%dma_wait3A_2921, %dma_wait3A_2922, %dma_wait3A_2923, %dma_wait3A_2924] : memref<8x8x8x128xf32, #tpu.memory_space<vmem>> -> memref<1x8x8x128xf32, #tpu.memory_space<vmem>>
      %dma_wait3A_2926 = tpu.memref_squeeze %dma_wait3A_2925 : memref<1x8x8x128xf32, #tpu.memory_space<vmem>> -> memref<8x8x128xf32, #tpu.memory_space<vmem>>
      %dma_wait3A_2927 = arith.constant 0 : i32
      %dma_wait3A_2928 = arith.constant 0 : i32
      %dma_wait3A_2929 = arith.constant 0 : i32
      %dma_wait3A_2930 = tpu.memref_slice %arg3[%dma_wait3A_2927, %dma_wait3A_2928, %dma_wait3A_2929] : memref<8x8x1000000xf32, #tpu.memory_space<hbm>> -> memref<8x8x128xf32, #tpu.memory_space<hbm>>
      %dma_wait3A_2931 = arith.constant 0 : i32
      %dma_wait3A_2932 = arith.constant 0 : i32
      %dma_wait3A_2933 = arith.constant 0 : i32
      %dma_wait3A_2934 = tpu.memref_slice %arg6[%dma_wait3A_2921, %dma_wait3A_2931, %dma_wait3A_2932, %dma_wait3A_2933] : memref<8x8x8x128xf32, #tpu.memory_space<vmem>> -> memref<1x8x8x128xf32, #tpu.memory_space<vmem>>
      %dma_wait3A_2935 = tpu.memref_squeeze %dma_wait3A_2934 : memref<1x8x8x128xf32, #tpu.memory_space<vmem>> -> memref<8x8x128xf32, #tpu.memory_space<vmem>>
      %dma_wait3A_2936 = arith.constant 0 : i32
      %dma_wait3A_2937 = arith.constant 0 : i32
      %dma_wait3A_2938 = arith.constant 0 : i32
      %dma_wait3A_2939 = tpu.memref_slice %arg3[%dma_wait3A_2936, %dma_wait3A_2937, %dma_wait3A_2938] : memref<8x8x1000000xf32, #tpu.memory_space<hbm>> -> memref<8x8x128xf32, #tpu.memory_space<hbm>>
      tpu.wait_dma2 semaphore(%arg13 : memref<!tpu.dma_semaphore, #tpu.memory_space<semaphore_mem>>) src(%dma_wait3A_2939 : memref<8x8x128xf32, #tpu.memory_space<hbm>>) dst(%dma_wait3A_2935 : memref<8x8x128xf32, #tpu.memory_space<vmem>>)
      %slice3A_2940 = vector.extract_strided_slice %scan3A_170 {offsets = [5], sizes = [1], strides = [1]} : vector<16xi32> to vector<1xi32>
      %squeeze3A_2941 = vector.extract %slice3A_2940[0] : i32 from vector<1xi32>
      %and3A_2942 = arith.constant 127 : i32
      %and3A_2943 = arith.andi %squeeze3A_2941, %and3A_2942 : i32
      %broadcast_in_dim3A_2944 = vector.broadcast %and3A_2943 : i32 to vector<16xi32>
      %iota3A_2945 = tpu.iota {dimensions = array<i32: 0>} : vector<16xi32>
      %add3A_2946 = arith.constant 0 : i32
      %add3A_2947 = vector.broadcast %add3A_2946 : i32 to vector<16xi32>
      %add3A_2948 = arith.addi %iota3A_2945, %add3A_2947 : vector<16xi32>
      %shift_right_logical3A_2949 = arith.constant 3 : i32
      %shift_right_logical3A_2950 = vector.broadcast %shift_right_logical3A_2949 : i32 to vector<16xi32>
      %shift_right_logical3A_2951 = arith.shrui %add3A_2948, %shift_right_logical3A_2950 : vector<16xi32>
      %and3A_2952 = arith.constant 7 : i32
      %and3A_2953 = vector.broadcast %and3A_2952 : i32 to vector<16xi32>
      %and3A_2954 = arith.andi %add3A_2948, %and3A_2953 : vector<16xi32>
      %gather3A_2955 = arith.constant 5 : i32
      %gather3A_2956 = arith.constant 0 : i32
      %gather3A_2957 = arith.constant 0 : i32
      %gather3A_2958 = arith.constant 0 : i32
      %gather3A_2959 = tpu.memref_slice %arg6[%gather3A_2955, %gather3A_2956, %gather3A_2957, %gather3A_2958] : memref<8x8x8x128xf32, #tpu.memory_space<vmem>> -> memref<1x8x8x128xf32, #tpu.memory_space<vmem>>
      %gather3A_2960 = tpu.memref_squeeze %gather3A_2959 : memref<1x8x8x128xf32, #tpu.memory_space<vmem>> -> memref<8x8x128xf32, #tpu.memory_space<vmem>>
      %gather3A_2961 = tpu.vector_load_idx %gather3A_2960[%shift_right_logical3A_2951, %and3A_2954, %broadcast_in_dim3A_2944] : memref<8x8x128xf32, #tpu.memory_space<vmem>>[vector<16xi32>, vector<16xi32>, vector<16xi32>], vector<16xf32>,
      %swap3A_2962 = arith.constant 21 : i32
      %swap3A_2963 = arith.index_cast %swap3A_2962 : i32 to index
      %swap3A_2964 = arith.constant 0 : index
      %swap3A_2965 = tpu.vector_load %arg7[%swap3A_2963, %swap3A_2964] {strides = array<i32>} : memref<32x64xf32, #tpu.memory_space<vmem>>, vector<16xf32>,
      tpu.vector_store %arg7[%swap3A_2963, %swap3A_2964], %gather3A_2961 {strides = array<i32>} : memref<32x64xf32, #tpu.memory_space<vmem>>, vector<16xf32>,
      %iota3A_2966 = tpu.iota {dimensions = array<i32: 0>} : vector<16xi32>
      %add3A_2967 = arith.constant 16 : i32
      %add3A_2968 = vector.broadcast %add3A_2967 : i32 to vector<16xi32>
      %add3A_2969 = arith.addi %iota3A_2966, %add3A_2968 : vector<16xi32>
      %shift_right_logical3A_2970 = arith.constant 3 : i32
      %shift_right_logical3A_2971 = vector.broadcast %shift_right_logical3A_2970 : i32 to vector<16xi32>
      %shift_right_logical3A_2972 = arith.shrui %add3A_2969, %shift_right_logical3A_2971 : vector<16xi32>
      %and3A_2973 = arith.constant 7 : i32
      %and3A_2974 = vector.broadcast %and3A_2973 : i32 to vector<16xi32>
      %and3A_2975 = arith.andi %add3A_2969, %and3A_2974 : vector<16xi32>
      %gather3A_2976 = arith.constant 5 : i32
      %gather3A_2977 = arith.constant 0 : i32
      %gather3A_2978 = arith.constant 0 : i32
      %gather3A_2979 = arith.constant 0 : i32
      %gather3A_2980 = tpu.memref_slice %arg6[%gather3A_2976, %gather3A_2977, %gather3A_2978, %gather3A_2979] : memref<8x8x8x128xf32, #tpu.memory_space<vmem>> -> memref<1x8x8x128xf32, #tpu.memory_space<vmem>>
      %gather3A_2981 = tpu.memref_squeeze %gather3A_2980 : memref<1x8x8x128xf32, #tpu.memory_space<vmem>> -> memref<8x8x128xf32, #tpu.memory_space<vmem>>
      %gather3A_2982 = tpu.vector_load_idx %gather3A_2981[%shift_right_logical3A_2972, %and3A_2975, %broadcast_in_dim3A_2944] : memref<8x8x128xf32, #tpu.memory_space<vmem>>[vector<16xi32>, vector<16xi32>, vector<16xi32>], vector<16xf32>,
      %swap3A_2983 = arith.constant 21 : i32
      %swap3A_2984 = arith.index_cast %swap3A_2983 : i32 to index
      %swap3A_2985 = arith.constant 16 : index
      %swap3A_2986 = tpu.vector_load %arg7[%swap3A_2984, %swap3A_2985] {strides = array<i32>} : memref<32x64xf32, #tpu.memory_space<vmem>>, vector<16xf32>,
      tpu.vector_store %arg7[%swap3A_2984, %swap3A_2985], %gather3A_2982 {strides = array<i32>} : memref<32x64xf32, #tpu.memory_space<vmem>>, vector<16xf32>,
      %iota3A_2987 = tpu.iota {dimensions = array<i32: 0>} : vector<16xi32>
      %add3A_2988 = arith.constant 32 : i32
      %add3A_2989 = vector.broadcast %add3A_2988 : i32 to vector<16xi32>
      %add3A_2990 = arith.addi %iota3A_2987, %add3A_2989 : vector<16xi32>
      %shift_right_logical3A_2991 = arith.constant 3 : i32
      %shift_right_logical3A_2992 = vector.broadcast %shift_right_logical3A_2991 : i32 to vector<16xi32>
      %shift_right_logical3A_2993 = arith.shrui %add3A_2990, %shift_right_logical3A_2992 : vector<16xi32>
      %and3A_2994 = arith.constant 7 : i32
      %and3A_2995 = vector.broadcast %and3A_2994 : i32 to vector<16xi32>
      %and3A_2996 = arith.andi %add3A_2990, %and3A_2995 : vector<16xi32>
      %gather3A_2997 = arith.constant 5 : i32
      %gather3A_2998 = arith.constant 0 : i32
      %gather3A_2999 = arith.constant 0 : i32
      %gather3A_3000 = arith.constant 0 : i32
      %gather3A_3001 = tpu.memref_slice %arg6[%gather3A_2997, %gather3A_2998, %gather3A_2999, %gather3A_3000] : memref<8x8x8x128xf32, #tpu.memory_space<vmem>> -> memref<1x8x8x128xf32, #tpu.memory_space<vmem>>
      %gather3A_3002 = tpu.memref_squeeze %gather3A_3001 : memref<1x8x8x128xf32, #tpu.memory_space<vmem>> -> memref<8x8x128xf32, #tpu.memory_space<vmem>>
      %gather3A_3003 = tpu.vector_load_idx %gather3A_3002[%shift_right_logical3A_2993, %and3A_2996, %broadcast_in_dim3A_2944] : memref<8x8x128xf32, #tpu.memory_space<vmem>>[vector<16xi32>, vector<16xi32>, vector<16xi32>], vector<16xf32>,
      %swap3A_3004 = arith.constant 21 : i32
      %swap3A_3005 = arith.index_cast %swap3A_3004 : i32 to index
      %swap3A_3006 = arith.constant 32 : index
      %swap3A_3007 = tpu.vector_load %arg7[%swap3A_3005, %swap3A_3006] {strides = array<i32>} : memref<32x64xf32, #tpu.memory_space<vmem>>, vector<16xf32>,
      tpu.vector_store %arg7[%swap3A_3005, %swap3A_3006], %gather3A_3003 {strides = array<i32>} : memref<32x64xf32, #tpu.memory_space<vmem>>, vector<16xf32>,
      %iota3A_3008 = tpu.iota {dimensions = array<i32: 0>} : vector<16xi32>
      %add3A_3009 = arith.constant 48 : i32
      %add3A_3010 = vector.broadcast %add3A_3009 : i32 to vector<16xi32>
      %add3A_3011 = arith.addi %iota3A_3008, %add3A_3010 : vector<16xi32>
      %shift_right_logical3A_3012 = arith.constant 3 : i32
      %shift_right_logical3A_3013 = vector.broadcast %shift_right_logical3A_3012 : i32 to vector<16xi32>
      %shift_right_logical3A_3014 = arith.shrui %add3A_3011, %shift_right_logical3A_3013 : vector<16xi32>
      %and3A_3015 = arith.constant 7 : i32
      %and3A_3016 = vector.broadcast %and3A_3015 : i32 to vector<16xi32>
      %and3A_3017 = arith.andi %add3A_3011, %and3A_3016 : vector<16xi32>
      %gather3A_3018 = arith.constant 5 : i32
      %gather3A_3019 = arith.constant 0 : i32
      %gather3A_3020 = arith.constant 0 : i32
      %gather3A_3021 = arith.constant 0 : i32
      %gather3A_3022 = tpu.memref_slice %arg6[%gather3A_3018, %gather3A_3019, %gather3A_3020, %gather3A_3021] : memref<8x8x8x128xf32, #tpu.memory_space<vmem>> -> memref<1x8x8x128xf32, #tpu.memory_space<vmem>>
      %gather3A_3023 = tpu.memref_squeeze %gather3A_3022 : memref<1x8x8x128xf32, #tpu.memory_space<vmem>> -> memref<8x8x128xf32, #tpu.memory_space<vmem>>
      %gather3A_3024 = tpu.vector_load_idx %gather3A_3023[%shift_right_logical3A_3014, %and3A_3017, %broadcast_in_dim3A_2944] : memref<8x8x128xf32, #tpu.memory_space<vmem>>[vector<16xi32>, vector<16xi32>, vector<16xi32>], vector<16xf32>,
      %swap3A_3025 = arith.constant 21 : i32
      %swap3A_3026 = arith.index_cast %swap3A_3025 : i32 to index
      %swap3A_3027 = arith.constant 48 : index
      %swap3A_3028 = tpu.vector_load %arg7[%swap3A_3026, %swap3A_3027] {strides = array<i32>} : memref<32x64xf32, #tpu.memory_space<vmem>>, vector<16xf32>,
      tpu.vector_store %arg7[%swap3A_3026, %swap3A_3027], %gather3A_3024 {strides = array<i32>} : memref<32x64xf32, #tpu.memory_space<vmem>>, vector<16xf32>,
      %slice3A_3029 = vector.extract_strided_slice %scan3A_170 {offsets = [12], sizes = [1], strides = [1]} : vector<16xi32> to vector<1xi32>
      %squeeze3A_3030 = vector.extract %slice3A_3029[0] : i32 from vector<1xi32>
      %shift_right_logical3A_3031 = arith.constant 7 : i32
      %shift_right_logical3A_3032 = arith.shrui %squeeze3A_3030, %shift_right_logical3A_3031 : i32
      %mul3A_3033 = arith.constant 128 : i32
      %mul3A_3034 = arith.muli %shift_right_logical3A_3032, %mul3A_3033 : i32
      %dma_start3A_3035 = arith.constant 4 : i32
      %dma_start3A_3036 = arith.constant 0 : i32
      %dma_start3A_3037 = arith.constant 0 : i32
      %dma_start3A_3038 = arith.constant 0 : i32
      %dma_start3A_3039 = tpu.memref_slice %arg6[%dma_start3A_3035, %dma_start3A_3036, %dma_start3A_3037, %dma_start3A_3038] : memref<8x8x8x128xf32, #tpu.memory_space<vmem>> -> memref<1x8x8x128xf32, #tpu.memory_space<vmem>>
      %dma_start3A_3040 = tpu.memref_squeeze %dma_start3A_3039 : memref<1x8x8x128xf32, #tpu.memory_space<vmem>> -> memref<8x8x128xf32, #tpu.memory_space<vmem>>
      %dma_start3A_3041 = arith.constant 0 : i32
      %dma_start3A_3042 = arith.constant 0 : i32
      %dma_start3A_3043 = tpu.memref_slice %arg3[%dma_start3A_3041, %dma_start3A_3042, %mul3A_3034] : memref<8x8x1000000xf32, #tpu.memory_space<hbm>> -> memref<8x8x128xf32, #tpu.memory_space<hbm>>
      %dma_start3A_3044 = arith.constant 0 : i32
      %dma_start3A_3045 = arith.constant 0 : i32
      %dma_start3A_3046 = arith.constant 0 : i32
      %dma_start3A_3047 = tpu.memref_slice %arg6[%dma_start3A_3035, %dma_start3A_3044, %dma_start3A_3045, %dma_start3A_3046] : memref<8x8x8x128xf32, #tpu.memory_space<vmem>> -> memref<1x8x8x128xf32, #tpu.memory_space<vmem>>
      %dma_start3A_3048 = tpu.memref_squeeze %dma_start3A_3047 : memref<1x8x8x128xf32, #tpu.memory_space<vmem>> -> memref<8x8x128xf32, #tpu.memory_space<vmem>>
      %dma_start3A_3049 = arith.constant 0 : i32
      %dma_start3A_3050 = arith.constant 0 : i32
      %dma_start3A_3051 = tpu.memref_slice %arg3[%dma_start3A_3049, %dma_start3A_3050, %mul3A_3034] : memref<8x8x1000000xf32, #tpu.memory_space<hbm>> -> memref<8x8x128xf32, #tpu.memory_space<hbm>>
      tpu.enqueue_dma source(%dma_start3A_3051 : memref<8x8x128xf32, #tpu.memory_space<hbm>>) target(%dma_start3A_3048 : memref<8x8x128xf32, #tpu.memory_space<vmem>>) target_semaphore(%arg12 : memref<!tpu.dma_semaphore, #tpu.memory_space<semaphore_mem>>)
      %dma_wait3A_3052 = arith.constant 6 : i32
      %dma_wait3A_3053 = arith.constant 0 : i32
      %dma_wait3A_3054 = arith.constant 0 : i32
      %dma_wait3A_3055 = arith.constant 0 : i32
      %dma_wait3A_3056 = tpu.memref_slice %arg6[%dma_wait3A_3052, %dma_wait3A_3053, %dma_wait3A_3054, %dma_wait3A_3055] : memref<8x8x8x128xf32, #tpu.memory_space<vmem>> -> memref<1x8x8x128xf32, #tpu.memory_space<vmem>>
      %dma_wait3A_3057 = tpu.memref_squeeze %dma_wait3A_3056 : memref<1x8x8x128xf32, #tpu.memory_space<vmem>> -> memref<8x8x128xf32, #tpu.memory_space<vmem>>
      %dma_wait3A_3058 = arith.constant 0 : i32
      %dma_wait3A_3059 = arith.constant 0 : i32
      %dma_wait3A_3060 = arith.constant 0 : i32
      %dma_wait3A_3061 = tpu.memref_slice %arg3[%dma_wait3A_3058, %dma_wait3A_3059, %dma_wait3A_3060] : memref<8x8x1000000xf32, #tpu.memory_space<hbm>> -> memref<8x8x128xf32, #tpu.memory_space<hbm>>
      %dma_wait3A_3062 = arith.constant 0 : i32
      %dma_wait3A_3063 = arith.constant 0 : i32
      %dma_wait3A_3064 = arith.constant 0 : i32
      %dma_wait3A_3065 = tpu.memref_slice %arg6[%dma_wait3A_3052, %dma_wait3A_3062, %dma_wait3A_3063, %dma_wait3A_3064] : memref<8x8x8x128xf32, #tpu.memory_space<vmem>> -> memref<1x8x8x128xf32, #tpu.memory_space<vmem>>
      %dma_wait3A_3066 = tpu.memref_squeeze %dma_wait3A_3065 : memref<1x8x8x128xf32, #tpu.memory_space<vmem>> -> memref<8x8x128xf32, #tpu.memory_space<vmem>>
      %dma_wait3A_3067 = arith.constant 0 : i32
      %dma_wait3A_3068 = arith.constant 0 : i32
      %dma_wait3A_3069 = arith.constant 0 : i32
      %dma_wait3A_3070 = tpu.memref_slice %arg3[%dma_wait3A_3067, %dma_wait3A_3068, %dma_wait3A_3069] : memref<8x8x1000000xf32, #tpu.memory_space<hbm>> -> memref<8x8x128xf32, #tpu.memory_space<hbm>>
      tpu.wait_dma2 semaphore(%arg14 : memref<!tpu.dma_semaphore, #tpu.memory_space<semaphore_mem>>) src(%dma_wait3A_3070 : memref<8x8x128xf32, #tpu.memory_space<hbm>>) dst(%dma_wait3A_3066 : memref<8x8x128xf32, #tpu.memory_space<vmem>>)
      %slice3A_3071 = vector.extract_strided_slice %scan3A_170 {offsets = [6], sizes = [1], strides = [1]} : vector<16xi32> to vector<1xi32>
      %squeeze3A_3072 = vector.extract %slice3A_3071[0] : i32 from vector<1xi32>
      %and3A_3073 = arith.constant 127 : i32
      %and3A_3074 = arith.andi %squeeze3A_3072, %and3A_3073 : i32
      %broadcast_in_dim3A_3075 = vector.broadcast %and3A_3074 : i32 to vector<16xi32>
      %iota3A_3076 = tpu.iota {dimensions = array<i32: 0>} : vector<16xi32>
      %add3A_3077 = arith.constant 0 : i32
      %add3A_3078 = vector.broadcast %add3A_3077 : i32 to vector<16xi32>
      %add3A_3079 = arith.addi %iota3A_3076, %add3A_3078 : vector<16xi32>
      %shift_right_logical3A_3080 = arith.constant 3 : i32
      %shift_right_logical3A_3081 = vector.broadcast %shift_right_logical3A_3080 : i32 to vector<16xi32>
      %shift_right_logical3A_3082 = arith.shrui %add3A_3079, %shift_right_logical3A_3081 : vector<16xi32>
      %and3A_3083 = arith.constant 7 : i32
      %and3A_3084 = vector.broadcast %and3A_3083 : i32 to vector<16xi32>
      %and3A_3085 = arith.andi %add3A_3079, %and3A_3084 : vector<16xi32>
      %gather3A_3086 = arith.constant 6 : i32
      %gather3A_3087 = arith.constant 0 : i32
      %gather3A_3088 = arith.constant 0 : i32
      %gather3A_3089 = arith.constant 0 : i32
      %gather3A_3090 = tpu.memref_slice %arg6[%gather3A_3086, %gather3A_3087, %gather3A_3088, %gather3A_3089] : memref<8x8x8x128xf32, #tpu.memory_space<vmem>> -> memref<1x8x8x128xf32, #tpu.memory_space<vmem>>
      %gather3A_3091 = tpu.memref_squeeze %gather3A_3090 : memref<1x8x8x128xf32, #tpu.memory_space<vmem>> -> memref<8x8x128xf32, #tpu.memory_space<vmem>>
      %gather3A_3092 = tpu.vector_load_idx %gather3A_3091[%shift_right_logical3A_3082, %and3A_3085, %broadcast_in_dim3A_3075] : memref<8x8x128xf32, #tpu.memory_space<vmem>>[vector<16xi32>, vector<16xi32>, vector<16xi32>], vector<16xf32>,
      %swap3A_3093 = arith.constant 22 : i32
      %swap3A_3094 = arith.index_cast %swap3A_3093 : i32 to index
      %swap3A_3095 = arith.constant 0 : index
      %swap3A_3096 = tpu.vector_load %arg7[%swap3A_3094, %swap3A_3095] {strides = array<i32>} : memref<32x64xf32, #tpu.memory_space<vmem>>, vector<16xf32>,
      tpu.vector_store %arg7[%swap3A_3094, %swap3A_3095], %gather3A_3092 {strides = array<i32>} : memref<32x64xf32, #tpu.memory_space<vmem>>, vector<16xf32>,
      %iota3A_3097 = tpu.iota {dimensions = array<i32: 0>} : vector<16xi32>
      %add3A_3098 = arith.constant 16 : i32
      %add3A_3099 = vector.broadcast %add3A_3098 : i32 to vector<16xi32>
      %add3A_3100 = arith.addi %iota3A_3097, %add3A_3099 : vector<16xi32>
      %shift_right_logical3A_3101 = arith.constant 3 : i32
      %shift_right_logical3A_3102 = vector.broadcast %shift_right_logical3A_3101 : i32 to vector<16xi32>
      %shift_right_logical3A_3103 = arith.shrui %add3A_3100, %shift_right_logical3A_3102 : vector<16xi32>
      %and3A_3104 = arith.constant 7 : i32
      %and3A_3105 = vector.broadcast %and3A_3104 : i32 to vector<16xi32>
      %and3A_3106 = arith.andi %add3A_3100, %and3A_3105 : vector<16xi32>
      %gather3A_3107 = arith.constant 6 : i32
      %gather3A_3108 = arith.constant 0 : i32
      %gather3A_3109 = arith.constant 0 : i32
      %gather3A_3110 = arith.constant 0 : i32
      %gather3A_3111 = tpu.memref_slice %arg6[%gather3A_3107, %gather3A_3108, %gather3A_3109, %gather3A_3110] : memref<8x8x8x128xf32, #tpu.memory_space<vmem>> -> memref<1x8x8x128xf32, #tpu.memory_space<vmem>>
      %gather3A_3112 = tpu.memref_squeeze %gather3A_3111 : memref<1x8x8x128xf32, #tpu.memory_space<vmem>> -> memref<8x8x128xf32, #tpu.memory_space<vmem>>
      %gather3A_3113 = tpu.vector_load_idx %gather3A_3112[%shift_right_logical3A_3103, %and3A_3106, %broadcast_in_dim3A_3075] : memref<8x8x128xf32, #tpu.memory_space<vmem>>[vector<16xi32>, vector<16xi32>, vector<16xi32>], vector<16xf32>,
      %swap3A_3114 = arith.constant 22 : i32
      %swap3A_3115 = arith.index_cast %swap3A_3114 : i32 to index
      %swap3A_3116 = arith.constant 16 : index
      %swap3A_3117 = tpu.vector_load %arg7[%swap3A_3115, %swap3A_3116] {strides = array<i32>} : memref<32x64xf32, #tpu.memory_space<vmem>>, vector<16xf32>,
      tpu.vector_store %arg7[%swap3A_3115, %swap3A_3116], %gather3A_3113 {strides = array<i32>} : memref<32x64xf32, #tpu.memory_space<vmem>>, vector<16xf32>,
      %iota3A_3118 = tpu.iota {dimensions = array<i32: 0>} : vector<16xi32>
      %add3A_3119 = arith.constant 32 : i32
      %add3A_3120 = vector.broadcast %add3A_3119 : i32 to vector<16xi32>
      %add3A_3121 = arith.addi %iota3A_3118, %add3A_3120 : vector<16xi32>
      %shift_right_logical3A_3122 = arith.constant 3 : i32
      %shift_right_logical3A_3123 = vector.broadcast %shift_right_logical3A_3122 : i32 to vector<16xi32>
      %shift_right_logical3A_3124 = arith.shrui %add3A_3121, %shift_right_logical3A_3123 : vector<16xi32>
      %and3A_3125 = arith.constant 7 : i32
      %and3A_3126 = vector.broadcast %and3A_3125 : i32 to vector<16xi32>
      %and3A_3127 = arith.andi %add3A_3121, %and3A_3126 : vector<16xi32>
      %gather3A_3128 = arith.constant 6 : i32
      %gather3A_3129 = arith.constant 0 : i32
      %gather3A_3130 = arith.constant 0 : i32
      %gather3A_3131 = arith.constant 0 : i32
      %gather3A_3132 = tpu.memref_slice %arg6[%gather3A_3128, %gather3A_3129, %gather3A_3130, %gather3A_3131] : memref<8x8x8x128xf32, #tpu.memory_space<vmem>> -> memref<1x8x8x128xf32, #tpu.memory_space<vmem>>
      %gather3A_3133 = tpu.memref_squeeze %gather3A_3132 : memref<1x8x8x128xf32, #tpu.memory_space<vmem>> -> memref<8x8x128xf32, #tpu.memory_space<vmem>>
      %gather3A_3134 = tpu.vector_load_idx %gather3A_3133[%shift_right_logical3A_3124, %and3A_3127, %broadcast_in_dim3A_3075] : memref<8x8x128xf32, #tpu.memory_space<vmem>>[vector<16xi32>, vector<16xi32>, vector<16xi32>], vector<16xf32>,
      %swap3A_3135 = arith.constant 22 : i32
      %swap3A_3136 = arith.index_cast %swap3A_3135 : i32 to index
      %swap3A_3137 = arith.constant 32 : index
      %swap3A_3138 = tpu.vector_load %arg7[%swap3A_3136, %swap3A_3137] {strides = array<i32>} : memref<32x64xf32, #tpu.memory_space<vmem>>, vector<16xf32>,
      tpu.vector_store %arg7[%swap3A_3136, %swap3A_3137], %gather3A_3134 {strides = array<i32>} : memref<32x64xf32, #tpu.memory_space<vmem>>, vector<16xf32>,
      %iota3A_3139 = tpu.iota {dimensions = array<i32: 0>} : vector<16xi32>
      %add3A_3140 = arith.constant 48 : i32
      %add3A_3141 = vector.broadcast %add3A_3140 : i32 to vector<16xi32>
      %add3A_3142 = arith.addi %iota3A_3139, %add3A_3141 : vector<16xi32>
      %shift_right_logical3A_3143 = arith.constant 3 : i32
      %shift_right_logical3A_3144 = vector.broadcast %shift_right_logical3A_3143 : i32 to vector<16xi32>
      %shift_right_logical3A_3145 = arith.shrui %add3A_3142, %shift_right_logical3A_3144 : vector<16xi32>
      %and3A_3146 = arith.constant 7 : i32
      %and3A_3147 = vector.broadcast %and3A_3146 : i32 to vector<16xi32>
      %and3A_3148 = arith.andi %add3A_3142, %and3A_3147 : vector<16xi32>
      %gather3A_3149 = arith.constant 6 : i32
      %gather3A_3150 = arith.constant 0 : i32
      %gather3A_3151 = arith.constant 0 : i32
      %gather3A_3152 = arith.constant 0 : i32
      %gather3A_3153 = tpu.memref_slice %arg6[%gather3A_3149, %gather3A_3150, %gather3A_3151, %gather3A_3152] : memref<8x8x8x128xf32, #tpu.memory_space<vmem>> -> memref<1x8x8x128xf32, #tpu.memory_space<vmem>>
      %gather3A_3154 = tpu.memref_squeeze %gather3A_3153 : memref<1x8x8x128xf32, #tpu.memory_space<vmem>> -> memref<8x8x128xf32, #tpu.memory_space<vmem>>
      %gather3A_3155 = tpu.vector_load_idx %gather3A_3154[%shift_right_logical3A_3145, %and3A_3148, %broadcast_in_dim3A_3075] : memref<8x8x128xf32, #tpu.memory_space<vmem>>[vector<16xi32>, vector<16xi32>, vector<16xi32>], vector<16xf32>,
      %swap3A_3156 = arith.constant 22 : i32
      %swap3A_3157 = arith.index_cast %swap3A_3156 : i32 to index
      %swap3A_3158 = arith.constant 48 : index
      %swap3A_3159 = tpu.vector_load %arg7[%swap3A_3157, %swap3A_3158] {strides = array<i32>} : memref<32x64xf32, #tpu.memory_space<vmem>>, vector<16xf32>,
      tpu.vector_store %arg7[%swap3A_3157, %swap3A_3158], %gather3A_3155 {strides = array<i32>} : memref<32x64xf32, #tpu.memory_space<vmem>>, vector<16xf32>,
      %slice3A_3160 = vector.extract_strided_slice %scan3A_170 {offsets = [13], sizes = [1], strides = [1]} : vector<16xi32> to vector<1xi32>
      %squeeze3A_3161 = vector.extract %slice3A_3160[0] : i32 from vector<1xi32>
      %shift_right_logical3A_3162 = arith.constant 7 : i32
      %shift_right_logical3A_3163 = arith.shrui %squeeze3A_3161, %shift_right_logical3A_3162 : i32
      %mul3A_3164 = arith.constant 128 : i32
      %mul3A_3165 = arith.muli %shift_right_logical3A_3163, %mul3A_3164 : i32
      %dma_start3A_3166 = arith.constant 5 : i32
      %dma_start3A_3167 = arith.constant 0 : i32
      %dma_start3A_3168 = arith.constant 0 : i32
      %dma_start3A_3169 = arith.constant 0 : i32
      %dma_start3A_3170 = tpu.memref_slice %arg6[%dma_start3A_3166, %dma_start3A_3167, %dma_start3A_3168, %dma_start3A_3169] : memref<8x8x8x128xf32, #tpu.memory_space<vmem>> -> memref<1x8x8x128xf32, #tpu.memory_space<vmem>>
      %dma_start3A_3171 = tpu.memref_squeeze %dma_start3A_3170 : memref<1x8x8x128xf32, #tpu.memory_space<vmem>> -> memref<8x8x128xf32, #tpu.memory_space<vmem>>
      %dma_start3A_3172 = arith.constant 0 : i32
      %dma_start3A_3173 = arith.constant 0 : i32
      %dma_start3A_3174 = tpu.memref_slice %arg3[%dma_start3A_3172, %dma_start3A_3173, %mul3A_3165] : memref<8x8x1000000xf32, #tpu.memory_space<hbm>> -> memref<8x8x128xf32, #tpu.memory_space<hbm>>
      %dma_start3A_3175 = arith.constant 0 : i32
      %dma_start3A_3176 = arith.constant 0 : i32
      %dma_start3A_3177 = arith.constant 0 : i32
      %dma_start3A_3178 = tpu.memref_slice %arg6[%dma_start3A_3166, %dma_start3A_3175, %dma_start3A_3176, %dma_start3A_3177] : memref<8x8x8x128xf32, #tpu.memory_space<vmem>> -> memref<1x8x8x128xf32, #tpu.memory_space<vmem>>
      %dma_start3A_3179 = tpu.memref_squeeze %dma_start3A_3178 : memref<1x8x8x128xf32, #tpu.memory_space<vmem>> -> memref<8x8x128xf32, #tpu.memory_space<vmem>>
      %dma_start3A_3180 = arith.constant 0 : i32
      %dma_start3A_3181 = arith.constant 0 : i32
      %dma_start3A_3182 = tpu.memref_slice %arg3[%dma_start3A_3180, %dma_start3A_3181, %mul3A_3165] : memref<8x8x1000000xf32, #tpu.memory_space<hbm>> -> memref<8x8x128xf32, #tpu.memory_space<hbm>>
      tpu.enqueue_dma source(%dma_start3A_3182 : memref<8x8x128xf32, #tpu.memory_space<hbm>>) target(%dma_start3A_3179 : memref<8x8x128xf32, #tpu.memory_space<vmem>>) target_semaphore(%arg13 : memref<!tpu.dma_semaphore, #tpu.memory_space<semaphore_mem>>)
      %dma_wait3A_3183 = arith.constant 7 : i32
      %dma_wait3A_3184 = arith.constant 0 : i32
      %dma_wait3A_3185 = arith.constant 0 : i32
      %dma_wait3A_3186 = arith.constant 0 : i32
      %dma_wait3A_3187 = tpu.memref_slice %arg6[%dma_wait3A_3183, %dma_wait3A_3184, %dma_wait3A_3185, %dma_wait3A_3186] : memref<8x8x8x128xf32, #tpu.memory_space<vmem>> -> memref<1x8x8x128xf32, #tpu.memory_space<vmem>>
      %dma_wait3A_3188 = tpu.memref_squeeze %dma_wait3A_3187 : memref<1x8x8x128xf32, #tpu.memory_space<vmem>> -> memref<8x8x128xf32, #tpu.memory_space<vmem>>
      %dma_wait3A_3189 = arith.constant 0 : i32
      %dma_wait3A_3190 = arith.constant 0 : i32
      %dma_wait3A_3191 = arith.constant 0 : i32
      %dma_wait3A_3192 = tpu.memref_slice %arg3[%dma_wait3A_3189, %dma_wait3A_3190, %dma_wait3A_3191] : memref<8x8x1000000xf32, #tpu.memory_space<hbm>> -> memref<8x8x128xf32, #tpu.memory_space<hbm>>
      %dma_wait3A_3193 = arith.constant 0 : i32
      %dma_wait3A_3194 = arith.constant 0 : i32
      %dma_wait3A_3195 = arith.constant 0 : i32
      %dma_wait3A_3196 = tpu.memref_slice %arg6[%dma_wait3A_3183, %dma_wait3A_3193, %dma_wait3A_3194, %dma_wait3A_3195] : memref<8x8x8x128xf32, #tpu.memory_space<vmem>> -> memref<1x8x8x128xf32, #tpu.memory_space<vmem>>
      %dma_wait3A_3197 = tpu.memref_squeeze %dma_wait3A_3196 : memref<1x8x8x128xf32, #tpu.memory_space<vmem>> -> memref<8x8x128xf32, #tpu.memory_space<vmem>>
      %dma_wait3A_3198 = arith.constant 0 : i32
      %dma_wait3A_3199 = arith.constant 0 : i32
      %dma_wait3A_3200 = arith.constant 0 : i32
      %dma_wait3A_3201 = tpu.memref_slice %arg3[%dma_wait3A_3198, %dma_wait3A_3199, %dma_wait3A_3200] : memref<8x8x1000000xf32, #tpu.memory_space<hbm>> -> memref<8x8x128xf32, #tpu.memory_space<hbm>>
      tpu.wait_dma2 semaphore(%arg15 : memref<!tpu.dma_semaphore, #tpu.memory_space<semaphore_mem>>) src(%dma_wait3A_3201 : memref<8x8x128xf32, #tpu.memory_space<hbm>>) dst(%dma_wait3A_3197 : memref<8x8x128xf32, #tpu.memory_space<vmem>>)
      %slice3A_3202 = vector.extract_strided_slice %scan3A_170 {offsets = [7], sizes = [1], strides = [1]} : vector<16xi32> to vector<1xi32>
      %squeeze3A_3203 = vector.extract %slice3A_3202[0] : i32 from vector<1xi32>
      %and3A_3204 = arith.constant 127 : i32
      %and3A_3205 = arith.andi %squeeze3A_3203, %and3A_3204 : i32
      %broadcast_in_dim3A_3206 = vector.broadcast %and3A_3205 : i32 to vector<16xi32>
      %iota3A_3207 = tpu.iota {dimensions = array<i32: 0>} : vector<16xi32>
      %add3A_3208 = arith.constant 0 : i32
      %add3A_3209 = vector.broadcast %add3A_3208 : i32 to vector<16xi32>
      %add3A_3210 = arith.addi %iota3A_3207, %add3A_3209 : vector<16xi32>
      %shift_right_logical3A_3211 = arith.constant 3 : i32
      %shift_right_logical3A_3212 = vector.broadcast %shift_right_logical3A_3211 : i32 to vector<16xi32>
      %shift_right_logical3A_3213 = arith.shrui %add3A_3210, %shift_right_logical3A_3212 : vector<16xi32>
      %and3A_3214 = arith.constant 7 : i32
      %and3A_3215 = vector.broadcast %and3A_3214 : i32 to vector<16xi32>
      %and3A_3216 = arith.andi %add3A_3210, %and3A_3215 : vector<16xi32>
      %gather3A_3217 = arith.constant 7 : i32
      %gather3A_3218 = arith.constant 0 : i32
      %gather3A_3219 = arith.constant 0 : i32
      %gather3A_3220 = arith.constant 0 : i32
      %gather3A_3221 = tpu.memref_slice %arg6[%gather3A_3217, %gather3A_3218, %gather3A_3219, %gather3A_3220] : memref<8x8x8x128xf32, #tpu.memory_space<vmem>> -> memref<1x8x8x128xf32, #tpu.memory_space<vmem>>
      %gather3A_3222 = tpu.memref_squeeze %gather3A_3221 : memref<1x8x8x128xf32, #tpu.memory_space<vmem>> -> memref<8x8x128xf32, #tpu.memory_space<vmem>>
      %gather3A_3223 = tpu.vector_load_idx %gather3A_3222[%shift_right_logical3A_3213, %and3A_3216, %broadcast_in_dim3A_3206] : memref<8x8x128xf32, #tpu.memory_space<vmem>>[vector<16xi32>, vector<16xi32>, vector<16xi32>], vector<16xf32>,
      %swap3A_3224 = arith.constant 23 : i32
      %swap3A_3225 = arith.index_cast %swap3A_3224 : i32 to index
      %swap3A_3226 = arith.constant 0 : index
      %swap3A_3227 = tpu.vector_load %arg7[%swap3A_3225, %swap3A_3226] {strides = array<i32>} : memref<32x64xf32, #tpu.memory_space<vmem>>, vector<16xf32>,
      tpu.vector_store %arg7[%swap3A_3225, %swap3A_3226], %gather3A_3223 {strides = array<i32>} : memref<32x64xf32, #tpu.memory_space<vmem>>, vector<16xf32>,
      %iota3A_3228 = tpu.iota {dimensions = array<i32: 0>} : vector<16xi32>
      %add3A_3229 = arith.constant 16 : i32
      %add3A_3230 = vector.broadcast %add3A_3229 : i32 to vector<16xi32>
      %add3A_3231 = arith.addi %iota3A_3228, %add3A_3230 : vector<16xi32>
      %shift_right_logical3A_3232 = arith.constant 3 : i32
      %shift_right_logical3A_3233 = vector.broadcast %shift_right_logical3A_3232 : i32 to vector<16xi32>
      %shift_right_logical3A_3234 = arith.shrui %add3A_3231, %shift_right_logical3A_3233 : vector<16xi32>
      %and3A_3235 = arith.constant 7 : i32
      %and3A_3236 = vector.broadcast %and3A_3235 : i32 to vector<16xi32>
      %and3A_3237 = arith.andi %add3A_3231, %and3A_3236 : vector<16xi32>
      %gather3A_3238 = arith.constant 7 : i32
      %gather3A_3239 = arith.constant 0 : i32
      %gather3A_3240 = arith.constant 0 : i32
      %gather3A_3241 = arith.constant 0 : i32
      %gather3A_3242 = tpu.memref_slice %arg6[%gather3A_3238, %gather3A_3239, %gather3A_3240, %gather3A_3241] : memref<8x8x8x128xf32, #tpu.memory_space<vmem>> -> memref<1x8x8x128xf32, #tpu.memory_space<vmem>>
      %gather3A_3243 = tpu.memref_squeeze %gather3A_3242 : memref<1x8x8x128xf32, #tpu.memory_space<vmem>> -> memref<8x8x128xf32, #tpu.memory_space<vmem>>
      %gather3A_3244 = tpu.vector_load_idx %gather3A_3243[%shift_right_logical3A_3234, %and3A_3237, %broadcast_in_dim3A_3206] : memref<8x8x128xf32, #tpu.memory_space<vmem>>[vector<16xi32>, vector<16xi32>, vector<16xi32>], vector<16xf32>,
      %swap3A_3245 = arith.constant 23 : i32
      %swap3A_3246 = arith.index_cast %swap3A_3245 : i32 to index
      %swap3A_3247 = arith.constant 16 : index
      %swap3A_3248 = tpu.vector_load %arg7[%swap3A_3246, %swap3A_3247] {strides = array<i32>} : memref<32x64xf32, #tpu.memory_space<vmem>>, vector<16xf32>,
      tpu.vector_store %arg7[%swap3A_3246, %swap3A_3247], %gather3A_3244 {strides = array<i32>} : memref<32x64xf32, #tpu.memory_space<vmem>>, vector<16xf32>,
      %iota3A_3249 = tpu.iota {dimensions = array<i32: 0>} : vector<16xi32>
      %add3A_3250 = arith.constant 32 : i32
      %add3A_3251 = vector.broadcast %add3A_3250 : i32 to vector<16xi32>
      %add3A_3252 = arith.addi %iota3A_3249, %add3A_3251 : vector<16xi32>
      %shift_right_logical3A_3253 = arith.constant 3 : i32
      %shift_right_logical3A_3254 = vector.broadcast %shift_right_logical3A_3253 : i32 to vector<16xi32>
      %shift_right_logical3A_3255 = arith.shrui %add3A_3252, %shift_right_logical3A_3254 : vector<16xi32>
      %and3A_3256 = arith.constant 7 : i32
      %and3A_3257 = vector.broadcast %and3A_3256 : i32 to vector<16xi32>
      %and3A_3258 = arith.andi %add3A_3252, %and3A_3257 : vector<16xi32>
      %gather3A_3259 = arith.constant 7 : i32
      %gather3A_3260 = arith.constant 0 : i32
      %gather3A_3261 = arith.constant 0 : i32
      %gather3A_3262 = arith.constant 0 : i32
      %gather3A_3263 = tpu.memref_slice %arg6[%gather3A_3259, %gather3A_3260, %gather3A_3261, %gather3A_3262] : memref<8x8x8x128xf32, #tpu.memory_space<vmem>> -> memref<1x8x8x128xf32, #tpu.memory_space<vmem>>
      %gather3A_3264 = tpu.memref_squeeze %gather3A_3263 : memref<1x8x8x128xf32, #tpu.memory_space<vmem>> -> memref<8x8x128xf32, #tpu.memory_space<vmem>>
      %gather3A_3265 = tpu.vector_load_idx %gather3A_3264[%shift_right_logical3A_3255, %and3A_3258, %broadcast_in_dim3A_3206] : memref<8x8x128xf32, #tpu.memory_space<vmem>>[vector<16xi32>, vector<16xi32>, vector<16xi32>], vector<16xf32>,
      %swap3A_3266 = arith.constant 23 : i32
      %swap3A_3267 = arith.index_cast %swap3A_3266 : i32 to index
      %swap3A_3268 = arith.constant 32 : index
      %swap3A_3269 = tpu.vector_load %arg7[%swap3A_3267, %swap3A_3268] {strides = array<i32>} : memref<32x64xf32, #tpu.memory_space<vmem>>, vector<16xf32>,
      tpu.vector_store %arg7[%swap3A_3267, %swap3A_3268], %gather3A_3265 {strides = array<i32>} : memref<32x64xf32, #tpu.memory_space<vmem>>, vector<16xf32>,
      %iota3A_3270 = tpu.iota {dimensions = array<i32: 0>} : vector<16xi32>
      %add3A_3271 = arith.constant 48 : i32
      %add3A_3272 = vector.broadcast %add3A_3271 : i32 to vector<16xi32>
      %add3A_3273 = arith.addi %iota3A_3270, %add3A_3272 : vector<16xi32>
      %shift_right_logical3A_3274 = arith.constant 3 : i32
      %shift_right_logical3A_3275 = vector.broadcast %shift_right_logical3A_3274 : i32 to vector<16xi32>
      %shift_right_logical3A_3276 = arith.shrui %add3A_3273, %shift_right_logical3A_3275 : vector<16xi32>
      %and3A_3277 = arith.constant 7 : i32
      %and3A_3278 = vector.broadcast %and3A_3277 : i32 to vector<16xi32>
      %and3A_3279 = arith.andi %add3A_3273, %and3A_3278 : vector<16xi32>
      %gather3A_3280 = arith.constant 7 : i32
      %gather3A_3281 = arith.constant 0 : i32
      %gather3A_3282 = arith.constant 0 : i32
      %gather3A_3283 = arith.constant 0 : i32
      %gather3A_3284 = tpu.memref_slice %arg6[%gather3A_3280, %gather3A_3281, %gather3A_3282, %gather3A_3283] : memref<8x8x8x128xf32, #tpu.memory_space<vmem>> -> memref<1x8x8x128xf32, #tpu.memory_space<vmem>>
      %gather3A_3285 = tpu.memref_squeeze %gather3A_3284 : memref<1x8x8x128xf32, #tpu.memory_space<vmem>> -> memref<8x8x128xf32, #tpu.memory_space<vmem>>
      %gather3A_3286 = tpu.vector_load_idx %gather3A_3285[%shift_right_logical3A_3276, %and3A_3279, %broadcast_in_dim3A_3206] : memref<8x8x128xf32, #tpu.memory_space<vmem>>[vector<16xi32>, vector<16xi32>, vector<16xi32>], vector<16xf32>,
      %swap3A_3287 = arith.constant 23 : i32
      %swap3A_3288 = arith.index_cast %swap3A_3287 : i32 to index
      %swap3A_3289 = arith.constant 48 : index
      %swap3A_3290 = tpu.vector_load %arg7[%swap3A_3288, %swap3A_3289] {strides = array<i32>} : memref<32x64xf32, #tpu.memory_space<vmem>>, vector<16xf32>,
      tpu.vector_store %arg7[%swap3A_3288, %swap3A_3289], %gather3A_3286 {strides = array<i32>} : memref<32x64xf32, #tpu.memory_space<vmem>>, vector<16xf32>,
      %slice3A_3291 = vector.extract_strided_slice %scan3A_170 {offsets = [14], sizes = [1], strides = [1]} : vector<16xi32> to vector<1xi32>
      %squeeze3A_3292 = vector.extract %slice3A_3291[0] : i32 from vector<1xi32>
      %shift_right_logical3A_3293 = arith.constant 7 : i32
      %shift_right_logical3A_3294 = arith.shrui %squeeze3A_3292, %shift_right_logical3A_3293 : i32
      %mul3A_3295 = arith.constant 128 : i32
      %mul3A_3296 = arith.muli %shift_right_logical3A_3294, %mul3A_3295 : i32
      %dma_start3A_3297 = arith.constant 6 : i32
      %dma_start3A_3298 = arith.constant 0 : i32
      %dma_start3A_3299 = arith.constant 0 : i32
      %dma_start3A_3300 = arith.constant 0 : i32
      %dma_start3A_3301 = tpu.memref_slice %arg6[%dma_start3A_3297, %dma_start3A_3298, %dma_start3A_3299, %dma_start3A_3300] : memref<8x8x8x128xf32, #tpu.memory_space<vmem>> -> memref<1x8x8x128xf32, #tpu.memory_space<vmem>>
      %dma_start3A_3302 = tpu.memref_squeeze %dma_start3A_3301 : memref<1x8x8x128xf32, #tpu.memory_space<vmem>> -> memref<8x8x128xf32, #tpu.memory_space<vmem>>
      %dma_start3A_3303 = arith.constant 0 : i32
      %dma_start3A_3304 = arith.constant 0 : i32
      %dma_start3A_3305 = tpu.memref_slice %arg3[%dma_start3A_3303, %dma_start3A_3304, %mul3A_3296] : memref<8x8x1000000xf32, #tpu.memory_space<hbm>> -> memref<8x8x128xf32, #tpu.memory_space<hbm>>
      %dma_start3A_3306 = arith.constant 0 : i32
      %dma_start3A_3307 = arith.constant 0 : i32
      %dma_start3A_3308 = arith.constant 0 : i32
      %dma_start3A_3309 = tpu.memref_slice %arg6[%dma_start3A_3297, %dma_start3A_3306, %dma_start3A_3307, %dma_start3A_3308] : memref<8x8x8x128xf32, #tpu.memory_space<vmem>> -> memref<1x8x8x128xf32, #tpu.memory_space<vmem>>
      %dma_start3A_3310 = tpu.memref_squeeze %dma_start3A_3309 : memref<1x8x8x128xf32, #tpu.memory_space<vmem>> -> memref<8x8x128xf32, #tpu.memory_space<vmem>>
      %dma_start3A_3311 = arith.constant 0 : i32
      %dma_start3A_3312 = arith.constant 0 : i32
      %dma_start3A_3313 = tpu.memref_slice %arg3[%dma_start3A_3311, %dma_start3A_3312, %mul3A_3296] : memref<8x8x1000000xf32, #tpu.memory_space<hbm>> -> memref<8x8x128xf32, #tpu.memory_space<hbm>>
      tpu.enqueue_dma source(%dma_start3A_3313 : memref<8x8x128xf32, #tpu.memory_space<hbm>>) target(%dma_start3A_3310 : memref<8x8x128xf32, #tpu.memory_space<vmem>>) target_semaphore(%arg14 : memref<!tpu.dma_semaphore, #tpu.memory_space<semaphore_mem>>)
      %dma_wait3A_3314 = arith.constant 0 : i32
      %dma_wait3A_3315 = arith.constant 0 : i32
      %dma_wait3A_3316 = arith.constant 0 : i32
      %dma_wait3A_3317 = arith.constant 0 : i32
      %dma_wait3A_3318 = tpu.memref_slice %arg6[%dma_wait3A_3314, %dma_wait3A_3315, %dma_wait3A_3316, %dma_wait3A_3317] : memref<8x8x8x128xf32, #tpu.memory_space<vmem>> -> memref<1x8x8x128xf32, #tpu.memory_space<vmem>>
      %dma_wait3A_3319 = tpu.memref_squeeze %dma_wait3A_3318 : memref<1x8x8x128xf32, #tpu.memory_space<vmem>> -> memref<8x8x128xf32, #tpu.memory_space<vmem>>
      %dma_wait3A_3320 = arith.constant 0 : i32
      %dma_wait3A_3321 = arith.constant 0 : i32
      %dma_wait3A_3322 = arith.constant 0 : i32
      %dma_wait3A_3323 = tpu.memref_slice %arg3[%dma_wait3A_3320, %dma_wait3A_3321, %dma_wait3A_3322] : memref<8x8x1000000xf32, #tpu.memory_space<hbm>> -> memref<8x8x128xf32, #tpu.memory_space<hbm>>
      %dma_wait3A_3324 = arith.constant 0 : i32
      %dma_wait3A_3325 = arith.constant 0 : i32
      %dma_wait3A_3326 = arith.constant 0 : i32
      %dma_wait3A_3327 = tpu.memref_slice %arg6[%dma_wait3A_3314, %dma_wait3A_3324, %dma_wait3A_3325, %dma_wait3A_3326] : memref<8x8x8x128xf32, #tpu.memory_space<vmem>> -> memref<1x8x8x128xf32, #tpu.memory_space<vmem>>
      %dma_wait3A_3328 = tpu.memref_squeeze %dma_wait3A_3327 : memref<1x8x8x128xf32, #tpu.memory_space<vmem>> -> memref<8x8x128xf32, #tpu.memory_space<vmem>>
      %dma_wait3A_3329 = arith.constant 0 : i32
      %dma_wait3A_3330 = arith.constant 0 : i32
      %dma_wait3A_3331 = arith.constant 0 : i32
      %dma_wait3A_3332 = tpu.memref_slice %arg3[%dma_wait3A_3329, %dma_wait3A_3330, %dma_wait3A_3331] : memref<8x8x1000000xf32, #tpu.memory_space<hbm>> -> memref<8x8x128xf32, #tpu.memory_space<hbm>>
      tpu.wait_dma2 semaphore(%arg8 : memref<!tpu.dma_semaphore, #tpu.memory_space<semaphore_mem>>) src(%dma_wait3A_3332 : memref<8x8x128xf32, #tpu.memory_space<hbm>>) dst(%dma_wait3A_3328 : memref<8x8x128xf32, #tpu.memory_space<vmem>>)
      %slice3A_3333 = vector.extract_strided_slice %scan3A_170 {offsets = [8], sizes = [1], strides = [1]} : vector<16xi32> to vector<1xi32>
      %squeeze3A_3334 = vector.extract %slice3A_3333[0] : i32 from vector<1xi32>
      %and3A_3335 = arith.constant 127 : i32
      %and3A_3336 = arith.andi %squeeze3A_3334, %and3A_3335 : i32
      %broadcast_in_dim3A_3337 = vector.broadcast %and3A_3336 : i32 to vector<16xi32>
      %iota3A_3338 = tpu.iota {dimensions = array<i32: 0>} : vector<16xi32>
      %add3A_3339 = arith.constant 0 : i32
      %add3A_3340 = vector.broadcast %add3A_3339 : i32 to vector<16xi32>
      %add3A_3341 = arith.addi %iota3A_3338, %add3A_3340 : vector<16xi32>
      %shift_right_logical3A_3342 = arith.constant 3 : i32
      %shift_right_logical3A_3343 = vector.broadcast %shift_right_logical3A_3342 : i32 to vector<16xi32>
      %shift_right_logical3A_3344 = arith.shrui %add3A_3341, %shift_right_logical3A_3343 : vector<16xi32>
      %and3A_3345 = arith.constant 7 : i32
      %and3A_3346 = vector.broadcast %and3A_3345 : i32 to vector<16xi32>
      %and3A_3347 = arith.andi %add3A_3341, %and3A_3346 : vector<16xi32>
      %gather3A_3348 = arith.constant 0 : i32
      %gather3A_3349 = arith.constant 0 : i32
      %gather3A_3350 = arith.constant 0 : i32
      %gather3A_3351 = arith.constant 0 : i32
      %gather3A_3352 = tpu.memref_slice %arg6[%gather3A_3348, %gather3A_3349, %gather3A_3350, %gather3A_3351] : memref<8x8x8x128xf32, #tpu.memory_space<vmem>> -> memref<1x8x8x128xf32, #tpu.memory_space<vmem>>
      %gather3A_3353 = tpu.memref_squeeze %gather3A_3352 : memref<1x8x8x128xf32, #tpu.memory_space<vmem>> -> memref<8x8x128xf32, #tpu.memory_space<vmem>>
      %gather3A_3354 = tpu.vector_load_idx %gather3A_3353[%shift_right_logical3A_3344, %and3A_3347, %broadcast_in_dim3A_3337] : memref<8x8x128xf32, #tpu.memory_space<vmem>>[vector<16xi32>, vector<16xi32>, vector<16xi32>], vector<16xf32>,
      %swap3A_3355 = arith.constant 24 : i32
      %swap3A_3356 = arith.index_cast %swap3A_3355 : i32 to index
      %swap3A_3357 = arith.constant 0 : index
      %swap3A_3358 = tpu.vector_load %arg7[%swap3A_3356, %swap3A_3357] {strides = array<i32>} : memref<32x64xf32, #tpu.memory_space<vmem>>, vector<16xf32>,
      tpu.vector_store %arg7[%swap3A_3356, %swap3A_3357], %gather3A_3354 {strides = array<i32>} : memref<32x64xf32, #tpu.memory_space<vmem>>, vector<16xf32>,
      %iota3A_3359 = tpu.iota {dimensions = array<i32: 0>} : vector<16xi32>
      %add3A_3360 = arith.constant 16 : i32
      %add3A_3361 = vector.broadcast %add3A_3360 : i32 to vector<16xi32>
      %add3A_3362 = arith.addi %iota3A_3359, %add3A_3361 : vector<16xi32>
      %shift_right_logical3A_3363 = arith.constant 3 : i32
      %shift_right_logical3A_3364 = vector.broadcast %shift_right_logical3A_3363 : i32 to vector<16xi32>
      %shift_right_logical3A_3365 = arith.shrui %add3A_3362, %shift_right_logical3A_3364 : vector<16xi32>
      %and3A_3366 = arith.constant 7 : i32
      %and3A_3367 = vector.broadcast %and3A_3366 : i32 to vector<16xi32>
      %and3A_3368 = arith.andi %add3A_3362, %and3A_3367 : vector<16xi32>
      %gather3A_3369 = arith.constant 0 : i32
      %gather3A_3370 = arith.constant 0 : i32
      %gather3A_3371 = arith.constant 0 : i32
      %gather3A_3372 = arith.constant 0 : i32
      %gather3A_3373 = tpu.memref_slice %arg6[%gather3A_3369, %gather3A_3370, %gather3A_3371, %gather3A_3372] : memref<8x8x8x128xf32, #tpu.memory_space<vmem>> -> memref<1x8x8x128xf32, #tpu.memory_space<vmem>>
      %gather3A_3374 = tpu.memref_squeeze %gather3A_3373 : memref<1x8x8x128xf32, #tpu.memory_space<vmem>> -> memref<8x8x128xf32, #tpu.memory_space<vmem>>
      %gather3A_3375 = tpu.vector_load_idx %gather3A_3374[%shift_right_logical3A_3365, %and3A_3368, %broadcast_in_dim3A_3337] : memref<8x8x128xf32, #tpu.memory_space<vmem>>[vector<16xi32>, vector<16xi32>, vector<16xi32>], vector<16xf32>,
      %swap3A_3376 = arith.constant 24 : i32
      %swap3A_3377 = arith.index_cast %swap3A_3376 : i32 to index
      %swap3A_3378 = arith.constant 16 : index
      %swap3A_3379 = tpu.vector_load %arg7[%swap3A_3377, %swap3A_3378] {strides = array<i32>} : memref<32x64xf32, #tpu.memory_space<vmem>>, vector<16xf32>,
      tpu.vector_store %arg7[%swap3A_3377, %swap3A_3378], %gather3A_3375 {strides = array<i32>} : memref<32x64xf32, #tpu.memory_space<vmem>>, vector<16xf32>,
      %iota3A_3380 = tpu.iota {dimensions = array<i32: 0>} : vector<16xi32>
      %add3A_3381 = arith.constant 32 : i32
      %add3A_3382 = vector.broadcast %add3A_3381 : i32 to vector<16xi32>
      %add3A_3383 = arith.addi %iota3A_3380, %add3A_3382 : vector<16xi32>
      %shift_right_logical3A_3384 = arith.constant 3 : i32
      %shift_right_logical3A_3385 = vector.broadcast %shift_right_logical3A_3384 : i32 to vector<16xi32>
      %shift_right_logical3A_3386 = arith.shrui %add3A_3383, %shift_right_logical3A_3385 : vector<16xi32>
      %and3A_3387 = arith.constant 7 : i32
      %and3A_3388 = vector.broadcast %and3A_3387 : i32 to vector<16xi32>
      %and3A_3389 = arith.andi %add3A_3383, %and3A_3388 : vector<16xi32>
      %gather3A_3390 = arith.constant 0 : i32
      %gather3A_3391 = arith.constant 0 : i32
      %gather3A_3392 = arith.constant 0 : i32
      %gather3A_3393 = arith.constant 0 : i32
      %gather3A_3394 = tpu.memref_slice %arg6[%gather3A_3390, %gather3A_3391, %gather3A_3392, %gather3A_3393] : memref<8x8x8x128xf32, #tpu.memory_space<vmem>> -> memref<1x8x8x128xf32, #tpu.memory_space<vmem>>
      %gather3A_3395 = tpu.memref_squeeze %gather3A_3394 : memref<1x8x8x128xf32, #tpu.memory_space<vmem>> -> memref<8x8x128xf32, #tpu.memory_space<vmem>>
      %gather3A_3396 = tpu.vector_load_idx %gather3A_3395[%shift_right_logical3A_3386, %and3A_3389, %broadcast_in_dim3A_3337] : memref<8x8x128xf32, #tpu.memory_space<vmem>>[vector<16xi32>, vector<16xi32>, vector<16xi32>], vector<16xf32>,
      %swap3A_3397 = arith.constant 24 : i32
      %swap3A_3398 = arith.index_cast %swap3A_3397 : i32 to index
      %swap3A_3399 = arith.constant 32 : index
      %swap3A_3400 = tpu.vector_load %arg7[%swap3A_3398, %swap3A_3399] {strides = array<i32>} : memref<32x64xf32, #tpu.memory_space<vmem>>, vector<16xf32>,
      tpu.vector_store %arg7[%swap3A_3398, %swap3A_3399], %gather3A_3396 {strides = array<i32>} : memref<32x64xf32, #tpu.memory_space<vmem>>, vector<16xf32>,
      %iota3A_3401 = tpu.iota {dimensions = array<i32: 0>} : vector<16xi32>
      %add3A_3402 = arith.constant 48 : i32
      %add3A_3403 = vector.broadcast %add3A_3402 : i32 to vector<16xi32>
      %add3A_3404 = arith.addi %iota3A_3401, %add3A_3403 : vector<16xi32>
      %shift_right_logical3A_3405 = arith.constant 3 : i32
      %shift_right_logical3A_3406 = vector.broadcast %shift_right_logical3A_3405 : i32 to vector<16xi32>
      %shift_right_logical3A_3407 = arith.shrui %add3A_3404, %shift_right_logical3A_3406 : vector<16xi32>
      %and3A_3408 = arith.constant 7 : i32
      %and3A_3409 = vector.broadcast %and3A_3408 : i32 to vector<16xi32>
      %and3A_3410 = arith.andi %add3A_3404, %and3A_3409 : vector<16xi32>
      %gather3A_3411 = arith.constant 0 : i32
      %gather3A_3412 = arith.constant 0 : i32
      %gather3A_3413 = arith.constant 0 : i32
      %gather3A_3414 = arith.constant 0 : i32
      %gather3A_3415 = tpu.memref_slice %arg6[%gather3A_3411, %gather3A_3412, %gather3A_3413, %gather3A_3414] : memref<8x8x8x128xf32, #tpu.memory_space<vmem>> -> memref<1x8x8x128xf32, #tpu.memory_space<vmem>>
      %gather3A_3416 = tpu.memref_squeeze %gather3A_3415 : memref<1x8x8x128xf32, #tpu.memory_space<vmem>> -> memref<8x8x128xf32, #tpu.memory_space<vmem>>
      %gather3A_3417 = tpu.vector_load_idx %gather3A_3416[%shift_right_logical3A_3407, %and3A_3410, %broadcast_in_dim3A_3337] : memref<8x8x128xf32, #tpu.memory_space<vmem>>[vector<16xi32>, vector<16xi32>, vector<16xi32>], vector<16xf32>,
      %swap3A_3418 = arith.constant 24 : i32
      %swap3A_3419 = arith.index_cast %swap3A_3418 : i32 to index
      %swap3A_3420 = arith.constant 48 : index
      %swap3A_3421 = tpu.vector_load %arg7[%swap3A_3419, %swap3A_3420] {strides = array<i32>} : memref<32x64xf32, #tpu.memory_space<vmem>>, vector<16xf32>,
      tpu.vector_store %arg7[%swap3A_3419, %swap3A_3420], %gather3A_3417 {strides = array<i32>} : memref<32x64xf32, #tpu.memory_space<vmem>>, vector<16xf32>,
      %slice3A_3422 = vector.extract_strided_slice %scan3A_170 {offsets = [15], sizes = [1], strides = [1]} : vector<16xi32> to vector<1xi32>
      %squeeze3A_3423 = vector.extract %slice3A_3422[0] : i32 from vector<1xi32>
      %shift_right_logical3A_3424 = arith.constant 7 : i32
      %shift_right_logical3A_3425 = arith.shrui %squeeze3A_3423, %shift_right_logical3A_3424 : i32
      %mul3A_3426 = arith.constant 128 : i32
      %mul3A_3427 = arith.muli %shift_right_logical3A_3425, %mul3A_3426 : i32
      %dma_start3A_3428 = arith.constant 7 : i32
      %dma_start3A_3429 = arith.constant 0 : i32
      %dma_start3A_3430 = arith.constant 0 : i32
      %dma_start3A_3431 = arith.constant 0 : i32
      %dma_start3A_3432 = tpu.memref_slice %arg6[%dma_start3A_3428, %dma_start3A_3429, %dma_start3A_3430, %dma_start3A_3431] : memref<8x8x8x128xf32, #tpu.memory_space<vmem>> -> memref<1x8x8x128xf32, #tpu.memory_space<vmem>>
      %dma_start3A_3433 = tpu.memref_squeeze %dma_start3A_3432 : memref<1x8x8x128xf32, #tpu.memory_space<vmem>> -> memref<8x8x128xf32, #tpu.memory_space<vmem>>
      %dma_start3A_3434 = arith.constant 0 : i32
      %dma_start3A_3435 = arith.constant 0 : i32
      %dma_start3A_3436 = tpu.memref_slice %arg3[%dma_start3A_3434, %dma_start3A_3435, %mul3A_3427] : memref<8x8x1000000xf32, #tpu.memory_space<hbm>> -> memref<8x8x128xf32, #tpu.memory_space<hbm>>
      %dma_start3A_3437 = arith.constant 0 : i32
      %dma_start3A_3438 = arith.constant 0 : i32
      %dma_start3A_3439 = arith.constant 0 : i32
      %dma_start3A_3440 = tpu.memref_slice %arg6[%dma_start3A_3428, %dma_start3A_3437, %dma_start3A_3438, %dma_start3A_3439] : memref<8x8x8x128xf32, #tpu.memory_space<vmem>> -> memref<1x8x8x128xf32, #tpu.memory_space<vmem>>
      %dma_start3A_3441 = tpu.memref_squeeze %dma_start3A_3440 : memref<1x8x8x128xf32, #tpu.memory_space<vmem>> -> memref<8x8x128xf32, #tpu.memory_space<vmem>>
      %dma_start3A_3442 = arith.constant 0 : i32
      %dma_start3A_3443 = arith.constant 0 : i32
      %dma_start3A_3444 = tpu.memref_slice %arg3[%dma_start3A_3442, %dma_start3A_3443, %mul3A_3427] : memref<8x8x1000000xf32, #tpu.memory_space<hbm>> -> memref<8x8x128xf32, #tpu.memory_space<hbm>>
      tpu.enqueue_dma source(%dma_start3A_3444 : memref<8x8x128xf32, #tpu.memory_space<hbm>>) target(%dma_start3A_3441 : memref<8x8x128xf32, #tpu.memory_space<vmem>>) target_semaphore(%arg15 : memref<!tpu.dma_semaphore, #tpu.memory_space<semaphore_mem>>)
      %dma_wait3A_3445 = arith.constant 1 : i32
      %dma_wait3A_3446 = arith.constant 0 : i32
      %dma_wait3A_3447 = arith.constant 0 : i32
      %dma_wait3A_3448 = arith.constant 0 : i32
      %dma_wait3A_3449 = tpu.memref_slice %arg6[%dma_wait3A_3445, %dma_wait3A_3446, %dma_wait3A_3447, %dma_wait3A_3448] : memref<8x8x8x128xf32, #tpu.memory_space<vmem>> -> memref<1x8x8x128xf32, #tpu.memory_space<vmem>>
      %dma_wait3A_3450 = tpu.memref_squeeze %dma_wait3A_3449 : memref<1x8x8x128xf32, #tpu.memory_space<vmem>> -> memref<8x8x128xf32, #tpu.memory_space<vmem>>
      %dma_wait3A_3451 = arith.constant 0 : i32
      %dma_wait3A_3452 = arith.constant 0 : i32
      %dma_wait3A_3453 = arith.constant 0 : i32
      %dma_wait3A_3454 = tpu.memref_slice %arg3[%dma_wait3A_3451, %dma_wait3A_3452, %dma_wait3A_3453] : memref<8x8x1000000xf32, #tpu.memory_space<hbm>> -> memref<8x8x128xf32, #tpu.memory_space<hbm>>
      %dma_wait3A_3455 = arith.constant 0 : i32
      %dma_wait3A_3456 = arith.constant 0 : i32
      %dma_wait3A_3457 = arith.constant 0 : i32
      %dma_wait3A_3458 = tpu.memref_slice %arg6[%dma_wait3A_3445, %dma_wait3A_3455, %dma_wait3A_3456, %dma_wait3A_3457] : memref<8x8x8x128xf32, #tpu.memory_space<vmem>> -> memref<1x8x8x128xf32, #tpu.memory_space<vmem>>
      %dma_wait3A_3459 = tpu.memref_squeeze %dma_wait3A_3458 : memref<1x8x8x128xf32, #tpu.memory_space<vmem>> -> memref<8x8x128xf32, #tpu.memory_space<vmem>>
      %dma_wait3A_3460 = arith.constant 0 : i32
      %dma_wait3A_3461 = arith.constant 0 : i32
      %dma_wait3A_3462 = arith.constant 0 : i32
      %dma_wait3A_3463 = tpu.memref_slice %arg3[%dma_wait3A_3460, %dma_wait3A_3461, %dma_wait3A_3462] : memref<8x8x1000000xf32, #tpu.memory_space<hbm>> -> memref<8x8x128xf32, #tpu.memory_space<hbm>>
      tpu.wait_dma2 semaphore(%arg9 : memref<!tpu.dma_semaphore, #tpu.memory_space<semaphore_mem>>) src(%dma_wait3A_3463 : memref<8x8x128xf32, #tpu.memory_space<hbm>>) dst(%dma_wait3A_3459 : memref<8x8x128xf32, #tpu.memory_space<vmem>>)
      %slice3A_3464 = vector.extract_strided_slice %scan3A_170 {offsets = [9], sizes = [1], strides = [1]} : vector<16xi32> to vector<1xi32>
      %squeeze3A_3465 = vector.extract %slice3A_3464[0] : i32 from vector<1xi32>
      %and3A_3466 = arith.constant 127 : i32
      %and3A_3467 = arith.andi %squeeze3A_3465, %and3A_3466 : i32
      %broadcast_in_dim3A_3468 = vector.broadcast %and3A_3467 : i32 to vector<16xi32>
      %iota3A_3469 = tpu.iota {dimensions = array<i32: 0>} : vector<16xi32>
      %add3A_3470 = arith.constant 0 : i32
      %add3A_3471 = vector.broadcast %add3A_3470 : i32 to vector<16xi32>
      %add3A_3472 = arith.addi %iota3A_3469, %add3A_3471 : vector<16xi32>
      %shift_right_logical3A_3473 = arith.constant 3 : i32
      %shift_right_logical3A_3474 = vector.broadcast %shift_right_logical3A_3473 : i32 to vector<16xi32>
      %shift_right_logical3A_3475 = arith.shrui %add3A_3472, %shift_right_logical3A_3474 : vector<16xi32>
      %and3A_3476 = arith.constant 7 : i32
      %and3A_3477 = vector.broadcast %and3A_3476 : i32 to vector<16xi32>
      %and3A_3478 = arith.andi %add3A_3472, %and3A_3477 : vector<16xi32>
      %gather3A_3479 = arith.constant 1 : i32
      %gather3A_3480 = arith.constant 0 : i32
      %gather3A_3481 = arith.constant 0 : i32
      %gather3A_3482 = arith.constant 0 : i32
      %gather3A_3483 = tpu.memref_slice %arg6[%gather3A_3479, %gather3A_3480, %gather3A_3481, %gather3A_3482] : memref<8x8x8x128xf32, #tpu.memory_space<vmem>> -> memref<1x8x8x128xf32, #tpu.memory_space<vmem>>
      %gather3A_3484 = tpu.memref_squeeze %gather3A_3483 : memref<1x8x8x128xf32, #tpu.memory_space<vmem>> -> memref<8x8x128xf32, #tpu.memory_space<vmem>>
      %gather3A_3485 = tpu.vector_load_idx %gather3A_3484[%shift_right_logical3A_3475, %and3A_3478, %broadcast_in_dim3A_3468] : memref<8x8x128xf32, #tpu.memory_space<vmem>>[vector<16xi32>, vector<16xi32>, vector<16xi32>], vector<16xf32>,
      %swap3A_3486 = arith.constant 25 : i32
      %swap3A_3487 = arith.index_cast %swap3A_3486 : i32 to index
      %swap3A_3488 = arith.constant 0 : index
      %swap3A_3489 = tpu.vector_load %arg7[%swap3A_3487, %swap3A_3488] {strides = array<i32>} : memref<32x64xf32, #tpu.memory_space<vmem>>, vector<16xf32>,
      tpu.vector_store %arg7[%swap3A_3487, %swap3A_3488], %gather3A_3485 {strides = array<i32>} : memref<32x64xf32, #tpu.memory_space<vmem>>, vector<16xf32>,
      %iota3A_3490 = tpu.iota {dimensions = array<i32: 0>} : vector<16xi32>
      %add3A_3491 = arith.constant 16 : i32
      %add3A_3492 = vector.broadcast %add3A_3491 : i32 to vector<16xi32>
      %add3A_3493 = arith.addi %iota3A_3490, %add3A_3492 : vector<16xi32>
      %shift_right_logical3A_3494 = arith.constant 3 : i32
      %shift_right_logical3A_3495 = vector.broadcast %shift_right_logical3A_3494 : i32 to vector<16xi32>
      %shift_right_logical3A_3496 = arith.shrui %add3A_3493, %shift_right_logical3A_3495 : vector<16xi32>
      %and3A_3497 = arith.constant 7 : i32
      %and3A_3498 = vector.broadcast %and3A_3497 : i32 to vector<16xi32>
      %and3A_3499 = arith.andi %add3A_3493, %and3A_3498 : vector<16xi32>
      %gather3A_3500 = arith.constant 1 : i32
      %gather3A_3501 = arith.constant 0 : i32
      %gather3A_3502 = arith.constant 0 : i32
      %gather3A_3503 = arith.constant 0 : i32
      %gather3A_3504 = tpu.memref_slice %arg6[%gather3A_3500, %gather3A_3501, %gather3A_3502, %gather3A_3503] : memref<8x8x8x128xf32, #tpu.memory_space<vmem>> -> memref<1x8x8x128xf32, #tpu.memory_space<vmem>>
      %gather3A_3505 = tpu.memref_squeeze %gather3A_3504 : memref<1x8x8x128xf32, #tpu.memory_space<vmem>> -> memref<8x8x128xf32, #tpu.memory_space<vmem>>
      %gather3A_3506 = tpu.vector_load_idx %gather3A_3505[%shift_right_logical3A_3496, %and3A_3499, %broadcast_in_dim3A_3468] : memref<8x8x128xf32, #tpu.memory_space<vmem>>[vector<16xi32>, vector<16xi32>, vector<16xi32>], vector<16xf32>,
      %swap3A_3507 = arith.constant 25 : i32
      %swap3A_3508 = arith.index_cast %swap3A_3507 : i32 to index
      %swap3A_3509 = arith.constant 16 : index
      %swap3A_3510 = tpu.vector_load %arg7[%swap3A_3508, %swap3A_3509] {strides = array<i32>} : memref<32x64xf32, #tpu.memory_space<vmem>>, vector<16xf32>,
      tpu.vector_store %arg7[%swap3A_3508, %swap3A_3509], %gather3A_3506 {strides = array<i32>} : memref<32x64xf32, #tpu.memory_space<vmem>>, vector<16xf32>,
      %iota3A_3511 = tpu.iota {dimensions = array<i32: 0>} : vector<16xi32>
      %add3A_3512 = arith.constant 32 : i32
      %add3A_3513 = vector.broadcast %add3A_3512 : i32 to vector<16xi32>
      %add3A_3514 = arith.addi %iota3A_3511, %add3A_3513 : vector<16xi32>
      %shift_right_logical3A_3515 = arith.constant 3 : i32
      %shift_right_logical3A_3516 = vector.broadcast %shift_right_logical3A_3515 : i32 to vector<16xi32>
      %shift_right_logical3A_3517 = arith.shrui %add3A_3514, %shift_right_logical3A_3516 : vector<16xi32>
      %and3A_3518 = arith.constant 7 : i32
      %and3A_3519 = vector.broadcast %and3A_3518 : i32 to vector<16xi32>
      %and3A_3520 = arith.andi %add3A_3514, %and3A_3519 : vector<16xi32>
      %gather3A_3521 = arith.constant 1 : i32
      %gather3A_3522 = arith.constant 0 : i32
      %gather3A_3523 = arith.constant 0 : i32
      %gather3A_3524 = arith.constant 0 : i32
      %gather3A_3525 = tpu.memref_slice %arg6[%gather3A_3521, %gather3A_3522, %gather3A_3523, %gather3A_3524] : memref<8x8x8x128xf32, #tpu.memory_space<vmem>> -> memref<1x8x8x128xf32, #tpu.memory_space<vmem>>
      %gather3A_3526 = tpu.memref_squeeze %gather3A_3525 : memref<1x8x8x128xf32, #tpu.memory_space<vmem>> -> memref<8x8x128xf32, #tpu.memory_space<vmem>>
      %gather3A_3527 = tpu.vector_load_idx %gather3A_3526[%shift_right_logical3A_3517, %and3A_3520, %broadcast_in_dim3A_3468] : memref<8x8x128xf32, #tpu.memory_space<vmem>>[vector<16xi32>, vector<16xi32>, vector<16xi32>], vector<16xf32>,
      %swap3A_3528 = arith.constant 25 : i32
      %swap3A_3529 = arith.index_cast %swap3A_3528 : i32 to index
      %swap3A_3530 = arith.constant 32 : index
      %swap3A_3531 = tpu.vector_load %arg7[%swap3A_3529, %swap3A_3530] {strides = array<i32>} : memref<32x64xf32, #tpu.memory_space<vmem>>, vector<16xf32>,
      tpu.vector_store %arg7[%swap3A_3529, %swap3A_3530], %gather3A_3527 {strides = array<i32>} : memref<32x64xf32, #tpu.memory_space<vmem>>, vector<16xf32>,
      %iota3A_3532 = tpu.iota {dimensions = array<i32: 0>} : vector<16xi32>
      %add3A_3533 = arith.constant 48 : i32
      %add3A_3534 = vector.broadcast %add3A_3533 : i32 to vector<16xi32>
      %add3A_3535 = arith.addi %iota3A_3532, %add3A_3534 : vector<16xi32>
      %shift_right_logical3A_3536 = arith.constant 3 : i32
      %shift_right_logical3A_3537 = vector.broadcast %shift_right_logical3A_3536 : i32 to vector<16xi32>
      %shift_right_logical3A_3538 = arith.shrui %add3A_3535, %shift_right_logical3A_3537 : vector<16xi32>
      %and3A_3539 = arith.constant 7 : i32
      %and3A_3540 = vector.broadcast %and3A_3539 : i32 to vector<16xi32>
      %and3A_3541 = arith.andi %add3A_3535, %and3A_3540 : vector<16xi32>
      %gather3A_3542 = arith.constant 1 : i32
      %gather3A_3543 = arith.constant 0 : i32
      %gather3A_3544 = arith.constant 0 : i32
      %gather3A_3545 = arith.constant 0 : i32
      %gather3A_3546 = tpu.memref_slice %arg6[%gather3A_3542, %gather3A_3543, %gather3A_3544, %gather3A_3545] : memref<8x8x8x128xf32, #tpu.memory_space<vmem>> -> memref<1x8x8x128xf32, #tpu.memory_space<vmem>>
      %gather3A_3547 = tpu.memref_squeeze %gather3A_3546 : memref<1x8x8x128xf32, #tpu.memory_space<vmem>> -> memref<8x8x128xf32, #tpu.memory_space<vmem>>
      %gather3A_3548 = tpu.vector_load_idx %gather3A_3547[%shift_right_logical3A_3538, %and3A_3541, %broadcast_in_dim3A_3468] : memref<8x8x128xf32, #tpu.memory_space<vmem>>[vector<16xi32>, vector<16xi32>, vector<16xi32>], vector<16xf32>,
      %swap3A_3549 = arith.constant 25 : i32
      %swap3A_3550 = arith.index_cast %swap3A_3549 : i32 to index
      %swap3A_3551 = arith.constant 48 : index
      %swap3A_3552 = tpu.vector_load %arg7[%swap3A_3550, %swap3A_3551] {strides = array<i32>} : memref<32x64xf32, #tpu.memory_space<vmem>>, vector<16xf32>,
      tpu.vector_store %arg7[%swap3A_3550, %swap3A_3551], %gather3A_3548 {strides = array<i32>} : memref<32x64xf32, #tpu.memory_space<vmem>>, vector<16xf32>,
      %add3A_3553 = arith.constant 1 : i32
      %add3A_3554 = arith.addi %scan3A_168, %add3A_3553 : i32
      %lt3A_3555 = arith.constant 16 : i32
      %lt3A_3556 = arith.cmpi slt, %add3A_3554, %lt3A_3555 : i32
      %convert_element_type3A_3557 = arith.extui %lt3A_3556 : i1 to i32
      %cond3A_3558 = arith.constant 0 : i32
      %cond3A_3559 = arith.cmpi ne, %convert_element_type3A_3557, %cond3A_3558 : i32
      scf.if %cond3A_3559 {
        %slice3A_4253 = vector.extract_strided_slice %cond3A_175#0 {offsets = [0], sizes = [1], strides = [1]} : vector<16xi32> to vector<1xi32>
        %squeeze3A_4254 = vector.extract %slice3A_4253[0] : i32 from vector<1xi32>
        %shift_right_logical3A_4255 = arith.constant 7 : i32
        %shift_right_logical3A_4256 = arith.shrui %squeeze3A_4254, %shift_right_logical3A_4255 : i32
        %mul3A_4257 = arith.constant 128 : i32
        %mul3A_4258 = arith.muli %shift_right_logical3A_4256, %mul3A_4257 : i32
        %dma_start3A_4259 = arith.constant 0 : i32
        %dma_start3A_4260 = arith.constant 0 : i32
        %dma_start3A_4261 = arith.constant 0 : i32
        %dma_start3A_4262 = arith.constant 0 : i32
        %dma_start3A_4263 = tpu.memref_slice %arg6[%dma_start3A_4259, %dma_start3A_4260, %dma_start3A_4261, %dma_start3A_4262] : memref<8x8x8x128xf32, #tpu.memory_space<vmem>> -> memref<1x8x8x128xf32, #tpu.memory_space<vmem>>
        %dma_start3A_4264 = tpu.memref_squeeze %dma_start3A_4263 : memref<1x8x8x128xf32, #tpu.memory_space<vmem>> -> memref<8x8x128xf32, #tpu.memory_space<vmem>>
        %dma_start3A_4265 = arith.constant 0 : i32
        %dma_start3A_4266 = arith.constant 0 : i32
        %dma_start3A_4267 = tpu.memref_slice %arg3[%dma_start3A_4265, %dma_start3A_4266, %mul3A_4258] : memref<8x8x1000000xf32, #tpu.memory_space<hbm>> -> memref<8x8x128xf32, #tpu.memory_space<hbm>>
        %dma_start3A_4268 = arith.constant 0 : i32
        %dma_start3A_4269 = arith.constant 0 : i32
        %dma_start3A_4270 = arith.constant 0 : i32
        %dma_start3A_4271 = tpu.memref_slice %arg6[%dma_start3A_4259, %dma_start3A_4268, %dma_start3A_4269, %dma_start3A_4270] : memref<8x8x8x128xf32, #tpu.memory_space<vmem>> -> memref<1x8x8x128xf32, #tpu.memory_space<vmem>>
        %dma_start3A_4272 = tpu.memref_squeeze %dma_start3A_4271 : memref<1x8x8x128xf32, #tpu.memory_space<vmem>> -> memref<8x8x128xf32, #tpu.memory_space<vmem>>
        %dma_start3A_4273 = arith.constant 0 : i32
        %dma_start3A_4274 = arith.constant 0 : i32
        %dma_start3A_4275 = tpu.memref_slice %arg3[%dma_start3A_4273, %dma_start3A_4274, %mul3A_4258] : memref<8x8x1000000xf32, #tpu.memory_space<hbm>> -> memref<8x8x128xf32, #tpu.memory_space<hbm>>
        tpu.enqueue_dma source(%dma_start3A_4275 : memref<8x8x128xf32, #tpu.memory_space<hbm>>) target(%dma_start3A_4272 : memref<8x8x128xf32, #tpu.memory_space<vmem>>) target_semaphore(%arg8 : memref<!tpu.dma_semaphore, #tpu.memory_space<semaphore_mem>>)
      } else {
      }
      %dma_wait3A_3560 = arith.constant 2 : i32
      %dma_wait3A_3561 = arith.constant 0 : i32
      %dma_wait3A_3562 = arith.constant 0 : i32
      %dma_wait3A_3563 = arith.constant 0 : i32
      %dma_wait3A_3564 = tpu.memref_slice %arg6[%dma_wait3A_3560, %dma_wait3A_3561, %dma_wait3A_3562, %dma_wait3A_3563] : memref<8x8x8x128xf32, #tpu.memory_space<vmem>> -> memref<1x8x8x128xf32, #tpu.memory_space<vmem>>
      %dma_wait3A_3565 = tpu.memref_squeeze %dma_wait3A_3564 : memref<1x8x8x128xf32, #tpu.memory_space<vmem>> -> memref<8x8x128xf32, #tpu.memory_space<vmem>>
      %dma_wait3A_3566 = arith.constant 0 : i32
      %dma_wait3A_3567 = arith.constant 0 : i32
      %dma_wait3A_3568 = arith.constant 0 : i32
      %dma_wait3A_3569 = tpu.memref_slice %arg3[%dma_wait3A_3566, %dma_wait3A_3567, %dma_wait3A_3568] : memref<8x8x1000000xf32, #tpu.memory_space<hbm>> -> memref<8x8x128xf32, #tpu.memory_space<hbm>>
      %dma_wait3A_3570 = arith.constant 0 : i32
      %dma_wait3A_3571 = arith.constant 0 : i32
      %dma_wait3A_3572 = arith.constant 0 : i32
      %dma_wait3A_3573 = tpu.memref_slice %arg6[%dma_wait3A_3560, %dma_wait3A_3570, %dma_wait3A_3571, %dma_wait3A_3572] : memref<8x8x8x128xf32, #tpu.memory_space<vmem>> -> memref<1x8x8x128xf32, #tpu.memory_space<vmem>>
      %dma_wait3A_3574 = tpu.memref_squeeze %dma_wait3A_3573 : memref<1x8x8x128xf32, #tpu.memory_space<vmem>> -> memref<8x8x128xf32, #tpu.memory_space<vmem>>
      %dma_wait3A_3575 = arith.constant 0 : i32
      %dma_wait3A_3576 = arith.constant 0 : i32
      %dma_wait3A_3577 = arith.constant 0 : i32
      %dma_wait3A_3578 = tpu.memref_slice %arg3[%dma_wait3A_3575, %dma_wait3A_3576, %dma_wait3A_3577] : memref<8x8x1000000xf32, #tpu.memory_space<hbm>> -> memref<8x8x128xf32, #tpu.memory_space<hbm>>
      tpu.wait_dma2 semaphore(%arg10 : memref<!tpu.dma_semaphore, #tpu.memory_space<semaphore_mem>>) src(%dma_wait3A_3578 : memref<8x8x128xf32, #tpu.memory_space<hbm>>) dst(%dma_wait3A_3574 : memref<8x8x128xf32, #tpu.memory_space<vmem>>)
      %slice3A_3579 = vector.extract_strided_slice %scan3A_170 {offsets = [10], sizes = [1], strides = [1]} : vector<16xi32> to vector<1xi32>
      %squeeze3A_3580 = vector.extract %slice3A_3579[0] : i32 from vector<1xi32>
      %and3A_3581 = arith.constant 127 : i32
      %and3A_3582 = arith.andi %squeeze3A_3580, %and3A_3581 : i32
      %broadcast_in_dim3A_3583 = vector.broadcast %and3A_3582 : i32 to vector<16xi32>
      %iota3A_3584 = tpu.iota {dimensions = array<i32: 0>} : vector<16xi32>
      %add3A_3585 = arith.constant 0 : i32
      %add3A_3586 = vector.broadcast %add3A_3585 : i32 to vector<16xi32>
      %add3A_3587 = arith.addi %iota3A_3584, %add3A_3586 : vector<16xi32>
      %shift_right_logical3A_3588 = arith.constant 3 : i32
      %shift_right_logical3A_3589 = vector.broadcast %shift_right_logical3A_3588 : i32 to vector<16xi32>
      %shift_right_logical3A_3590 = arith.shrui %add3A_3587, %shift_right_logical3A_3589 : vector<16xi32>
      %and3A_3591 = arith.constant 7 : i32
      %and3A_3592 = vector.broadcast %and3A_3591 : i32 to vector<16xi32>
      %and3A_3593 = arith.andi %add3A_3587, %and3A_3592 : vector<16xi32>
      %gather3A_3594 = arith.constant 2 : i32
      %gather3A_3595 = arith.constant 0 : i32
      %gather3A_3596 = arith.constant 0 : i32
      %gather3A_3597 = arith.constant 0 : i32
      %gather3A_3598 = tpu.memref_slice %arg6[%gather3A_3594, %gather3A_3595, %gather3A_3596, %gather3A_3597] : memref<8x8x8x128xf32, #tpu.memory_space<vmem>> -> memref<1x8x8x128xf32, #tpu.memory_space<vmem>>
      %gather3A_3599 = tpu.memref_squeeze %gather3A_3598 : memref<1x8x8x128xf32, #tpu.memory_space<vmem>> -> memref<8x8x128xf32, #tpu.memory_space<vmem>>
      %gather3A_3600 = tpu.vector_load_idx %gather3A_3599[%shift_right_logical3A_3590, %and3A_3593, %broadcast_in_dim3A_3583] : memref<8x8x128xf32, #tpu.memory_space<vmem>>[vector<16xi32>, vector<16xi32>, vector<16xi32>], vector<16xf32>,
      %swap3A_3601 = arith.constant 26 : i32
      %swap3A_3602 = arith.index_cast %swap3A_3601 : i32 to index
      %swap3A_3603 = arith.constant 0 : index
      %swap3A_3604 = tpu.vector_load %arg7[%swap3A_3602, %swap3A_3603] {strides = array<i32>} : memref<32x64xf32, #tpu.memory_space<vmem>>, vector<16xf32>,
      tpu.vector_store %arg7[%swap3A_3602, %swap3A_3603], %gather3A_3600 {strides = array<i32>} : memref<32x64xf32, #tpu.memory_space<vmem>>, vector<16xf32>,
      %iota3A_3605 = tpu.iota {dimensions = array<i32: 0>} : vector<16xi32>
      %add3A_3606 = arith.constant 16 : i32
      %add3A_3607 = vector.broadcast %add3A_3606 : i32 to vector<16xi32>
      %add3A_3608 = arith.addi %iota3A_3605, %add3A_3607 : vector<16xi32>
      %shift_right_logical3A_3609 = arith.constant 3 : i32
      %shift_right_logical3A_3610 = vector.broadcast %shift_right_logical3A_3609 : i32 to vector<16xi32>
      %shift_right_logical3A_3611 = arith.shrui %add3A_3608, %shift_right_logical3A_3610 : vector<16xi32>
      %and3A_3612 = arith.constant 7 : i32
      %and3A_3613 = vector.broadcast %and3A_3612 : i32 to vector<16xi32>
      %and3A_3614 = arith.andi %add3A_3608, %and3A_3613 : vector<16xi32>
      %gather3A_3615 = arith.constant 2 : i32
      %gather3A_3616 = arith.constant 0 : i32
      %gather3A_3617 = arith.constant 0 : i32
      %gather3A_3618 = arith.constant 0 : i32
      %gather3A_3619 = tpu.memref_slice %arg6[%gather3A_3615, %gather3A_3616, %gather3A_3617, %gather3A_3618] : memref<8x8x8x128xf32, #tpu.memory_space<vmem>> -> memref<1x8x8x128xf32, #tpu.memory_space<vmem>>
      %gather3A_3620 = tpu.memref_squeeze %gather3A_3619 : memref<1x8x8x128xf32, #tpu.memory_space<vmem>> -> memref<8x8x128xf32, #tpu.memory_space<vmem>>
      %gather3A_3621 = tpu.vector_load_idx %gather3A_3620[%shift_right_logical3A_3611, %and3A_3614, %broadcast_in_dim3A_3583] : memref<8x8x128xf32, #tpu.memory_space<vmem>>[vector<16xi32>, vector<16xi32>, vector<16xi32>], vector<16xf32>,
      %swap3A_3622 = arith.constant 26 : i32
      %swap3A_3623 = arith.index_cast %swap3A_3622 : i32 to index
      %swap3A_3624 = arith.constant 16 : index
      %swap3A_3625 = tpu.vector_load %arg7[%swap3A_3623, %swap3A_3624] {strides = array<i32>} : memref<32x64xf32, #tpu.memory_space<vmem>>, vector<16xf32>,
      tpu.vector_store %arg7[%swap3A_3623, %swap3A_3624], %gather3A_3621 {strides = array<i32>} : memref<32x64xf32, #tpu.memory_space<vmem>>, vector<16xf32>,
      %iota3A_3626 = tpu.iota {dimensions = array<i32: 0>} : vector<16xi32>
      %add3A_3627 = arith.constant 32 : i32
      %add3A_3628 = vector.broadcast %add3A_3627 : i32 to vector<16xi32>
      %add3A_3629 = arith.addi %iota3A_3626, %add3A_3628 : vector<16xi32>
      %shift_right_logical3A_3630 = arith.constant 3 : i32
      %shift_right_logical3A_3631 = vector.broadcast %shift_right_logical3A_3630 : i32 to vector<16xi32>
      %shift_right_logical3A_3632 = arith.shrui %add3A_3629, %shift_right_logical3A_3631 : vector<16xi32>
      %and3A_3633 = arith.constant 7 : i32
      %and3A_3634 = vector.broadcast %and3A_3633 : i32 to vector<16xi32>
      %and3A_3635 = arith.andi %add3A_3629, %and3A_3634 : vector<16xi32>
      %gather3A_3636 = arith.constant 2 : i32
      %gather3A_3637 = arith.constant 0 : i32
      %gather3A_3638 = arith.constant 0 : i32
      %gather3A_3639 = arith.constant 0 : i32
      %gather3A_3640 = tpu.memref_slice %arg6[%gather3A_3636, %gather3A_3637, %gather3A_3638, %gather3A_3639] : memref<8x8x8x128xf32, #tpu.memory_space<vmem>> -> memref<1x8x8x128xf32, #tpu.memory_space<vmem>>
      %gather3A_3641 = tpu.memref_squeeze %gather3A_3640 : memref<1x8x8x128xf32, #tpu.memory_space<vmem>> -> memref<8x8x128xf32, #tpu.memory_space<vmem>>
      %gather3A_3642 = tpu.vector_load_idx %gather3A_3641[%shift_right_logical3A_3632, %and3A_3635, %broadcast_in_dim3A_3583] : memref<8x8x128xf32, #tpu.memory_space<vmem>>[vector<16xi32>, vector<16xi32>, vector<16xi32>], vector<16xf32>,
      %swap3A_3643 = arith.constant 26 : i32
      %swap3A_3644 = arith.index_cast %swap3A_3643 : i32 to index
      %swap3A_3645 = arith.constant 32 : index
      %swap3A_3646 = tpu.vector_load %arg7[%swap3A_3644, %swap3A_3645] {strides = array<i32>} : memref<32x64xf32, #tpu.memory_space<vmem>>, vector<16xf32>,
      tpu.vector_store %arg7[%swap3A_3644, %swap3A_3645], %gather3A_3642 {strides = array<i32>} : memref<32x64xf32, #tpu.memory_space<vmem>>, vector<16xf32>,
      %iota3A_3647 = tpu.iota {dimensions = array<i32: 0>} : vector<16xi32>
      %add3A_3648 = arith.constant 48 : i32
      %add3A_3649 = vector.broadcast %add3A_3648 : i32 to vector<16xi32>
      %add3A_3650 = arith.addi %iota3A_3647, %add3A_3649 : vector<16xi32>
      %shift_right_logical3A_3651 = arith.constant 3 : i32
      %shift_right_logical3A_3652 = vector.broadcast %shift_right_logical3A_3651 : i32 to vector<16xi32>
      %shift_right_logical3A_3653 = arith.shrui %add3A_3650, %shift_right_logical3A_3652 : vector<16xi32>
      %and3A_3654 = arith.constant 7 : i32
      %and3A_3655 = vector.broadcast %and3A_3654 : i32 to vector<16xi32>
      %and3A_3656 = arith.andi %add3A_3650, %and3A_3655 : vector<16xi32>
      %gather3A_3657 = arith.constant 2 : i32
      %gather3A_3658 = arith.constant 0 : i32
      %gather3A_3659 = arith.constant 0 : i32
      %gather3A_3660 = arith.constant 0 : i32
      %gather3A_3661 = tpu.memref_slice %arg6[%gather3A_3657, %gather3A_3658, %gather3A_3659, %gather3A_3660] : memref<8x8x8x128xf32, #tpu.memory_space<vmem>> -> memref<1x8x8x128xf32, #tpu.memory_space<vmem>>
      %gather3A_3662 = tpu.memref_squeeze %gather3A_3661 : memref<1x8x8x128xf32, #tpu.memory_space<vmem>> -> memref<8x8x128xf32, #tpu.memory_space<vmem>>
      %gather3A_3663 = tpu.vector_load_idx %gather3A_3662[%shift_right_logical3A_3653, %and3A_3656, %broadcast_in_dim3A_3583] : memref<8x8x128xf32, #tpu.memory_space<vmem>>[vector<16xi32>, vector<16xi32>, vector<16xi32>], vector<16xf32>,
      %swap3A_3664 = arith.constant 26 : i32
      %swap3A_3665 = arith.index_cast %swap3A_3664 : i32 to index
      %swap3A_3666 = arith.constant 48 : index
      %swap3A_3667 = tpu.vector_load %arg7[%swap3A_3665, %swap3A_3666] {strides = array<i32>} : memref<32x64xf32, #tpu.memory_space<vmem>>, vector<16xf32>,
      tpu.vector_store %arg7[%swap3A_3665, %swap3A_3666], %gather3A_3663 {strides = array<i32>} : memref<32x64xf32, #tpu.memory_space<vmem>>, vector<16xf32>,
      %add3A_3668 = arith.constant 1 : i32
      %add3A_3669 = arith.addi %scan3A_168, %add3A_3668 : i32
      %lt3A_3670 = arith.constant 16 : i32
      %lt3A_3671 = arith.cmpi slt, %add3A_3669, %lt3A_3670 : i32
      %convert_element_type3A_3672 = arith.extui %lt3A_3671 : i1 to i32
      %cond3A_3673 = arith.constant 0 : i32
      %cond3A_3674 = arith.cmpi ne, %convert_element_type3A_3672, %cond3A_3673 : i32
      scf.if %cond3A_3674 {
        %slice3A_4253 = vector.extract_strided_slice %cond3A_175#0 {offsets = [1], sizes = [1], strides = [1]} : vector<16xi32> to vector<1xi32>
        %squeeze3A_4254 = vector.extract %slice3A_4253[0] : i32 from vector<1xi32>
        %shift_right_logical3A_4255 = arith.constant 7 : i32
        %shift_right_logical3A_4256 = arith.shrui %squeeze3A_4254, %shift_right_logical3A_4255 : i32
        %mul3A_4257 = arith.constant 128 : i32
        %mul3A_4258 = arith.muli %shift_right_logical3A_4256, %mul3A_4257 : i32
        %dma_start3A_4259 = arith.constant 1 : i32
        %dma_start3A_4260 = arith.constant 0 : i32
        %dma_start3A_4261 = arith.constant 0 : i32
        %dma_start3A_4262 = arith.constant 0 : i32
        %dma_start3A_4263 = tpu.memref_slice %arg6[%dma_start3A_4259, %dma_start3A_4260, %dma_start3A_4261, %dma_start3A_4262] : memref<8x8x8x128xf32, #tpu.memory_space<vmem>> -> memref<1x8x8x128xf32, #tpu.memory_space<vmem>>
        %dma_start3A_4264 = tpu.memref_squeeze %dma_start3A_4263 : memref<1x8x8x128xf32, #tpu.memory_space<vmem>> -> memref<8x8x128xf32, #tpu.memory_space<vmem>>
        %dma_start3A_4265 = arith.constant 0 : i32
        %dma_start3A_4266 = arith.constant 0 : i32
        %dma_start3A_4267 = tpu.memref_slice %arg3[%dma_start3A_4265, %dma_start3A_4266, %mul3A_4258] : memref<8x8x1000000xf32, #tpu.memory_space<hbm>> -> memref<8x8x128xf32, #tpu.memory_space<hbm>>
        %dma_start3A_4268 = arith.constant 0 : i32
        %dma_start3A_4269 = arith.constant 0 : i32
        %dma_start3A_4270 = arith.constant 0 : i32
        %dma_start3A_4271 = tpu.memref_slice %arg6[%dma_start3A_4259, %dma_start3A_4268, %dma_start3A_4269, %dma_start3A_4270] : memref<8x8x8x128xf32, #tpu.memory_space<vmem>> -> memref<1x8x8x128xf32, #tpu.memory_space<vmem>>
        %dma_start3A_4272 = tpu.memref_squeeze %dma_start3A_4271 : memref<1x8x8x128xf32, #tpu.memory_space<vmem>> -> memref<8x8x128xf32, #tpu.memory_space<vmem>>
        %dma_start3A_4273 = arith.constant 0 : i32
        %dma_start3A_4274 = arith.constant 0 : i32
        %dma_start3A_4275 = tpu.memref_slice %arg3[%dma_start3A_4273, %dma_start3A_4274, %mul3A_4258] : memref<8x8x1000000xf32, #tpu.memory_space<hbm>> -> memref<8x8x128xf32, #tpu.memory_space<hbm>>
        tpu.enqueue_dma source(%dma_start3A_4275 : memref<8x8x128xf32, #tpu.memory_space<hbm>>) target(%dma_start3A_4272 : memref<8x8x128xf32, #tpu.memory_space<vmem>>) target_semaphore(%arg9 : memref<!tpu.dma_semaphore, #tpu.memory_space<semaphore_mem>>)
      } else {
      }
      %dma_wait3A_3675 = arith.constant 3 : i32
      %dma_wait3A_3676 = arith.constant 0 : i32
      %dma_wait3A_3677 = arith.constant 0 : i32
      %dma_wait3A_3678 = arith.constant 0 : i32
      %dma_wait3A_3679 = tpu.memref_slice %arg6[%dma_wait3A_3675, %dma_wait3A_3676, %dma_wait3A_3677, %dma_wait3A_3678] : memref<8x8x8x128xf32, #tpu.memory_space<vmem>> -> memref<1x8x8x128xf32, #tpu.memory_space<vmem>>
      %dma_wait3A_3680 = tpu.memref_squeeze %dma_wait3A_3679 : memref<1x8x8x128xf32, #tpu.memory_space<vmem>> -> memref<8x8x128xf32, #tpu.memory_space<vmem>>
      %dma_wait3A_3681 = arith.constant 0 : i32
      %dma_wait3A_3682 = arith.constant 0 : i32
      %dma_wait3A_3683 = arith.constant 0 : i32
      %dma_wait3A_3684 = tpu.memref_slice %arg3[%dma_wait3A_3681, %dma_wait3A_3682, %dma_wait3A_3683] : memref<8x8x1000000xf32, #tpu.memory_space<hbm>> -> memref<8x8x128xf32, #tpu.memory_space<hbm>>
      %dma_wait3A_3685 = arith.constant 0 : i32
      %dma_wait3A_3686 = arith.constant 0 : i32
      %dma_wait3A_3687 = arith.constant 0 : i32
      %dma_wait3A_3688 = tpu.memref_slice %arg6[%dma_wait3A_3675, %dma_wait3A_3685, %dma_wait3A_3686, %dma_wait3A_3687] : memref<8x8x8x128xf32, #tpu.memory_space<vmem>> -> memref<1x8x8x128xf32, #tpu.memory_space<vmem>>
      %dma_wait3A_3689 = tpu.memref_squeeze %dma_wait3A_3688 : memref<1x8x8x128xf32, #tpu.memory_space<vmem>> -> memref<8x8x128xf32, #tpu.memory_space<vmem>>
      %dma_wait3A_3690 = arith.constant 0 : i32
      %dma_wait3A_3691 = arith.constant 0 : i32
      %dma_wait3A_3692 = arith.constant 0 : i32
      %dma_wait3A_3693 = tpu.memref_slice %arg3[%dma_wait3A_3690, %dma_wait3A_3691, %dma_wait3A_3692] : memref<8x8x1000000xf32, #tpu.memory_space<hbm>> -> memref<8x8x128xf32, #tpu.memory_space<hbm>>
      tpu.wait_dma2 semaphore(%arg11 : memref<!tpu.dma_semaphore, #tpu.memory_space<semaphore_mem>>) src(%dma_wait3A_3693 : memref<8x8x128xf32, #tpu.memory_space<hbm>>) dst(%dma_wait3A_3689 : memref<8x8x128xf32, #tpu.memory_space<vmem>>)
      %slice3A_3694 = vector.extract_strided_slice %scan3A_170 {offsets = [11], sizes = [1], strides = [1]} : vector<16xi32> to vector<1xi32>
      %squeeze3A_3695 = vector.extract %slice3A_3694[0] : i32 from vector<1xi32>
      %and3A_3696 = arith.constant 127 : i32
      %and3A_3697 = arith.andi %squeeze3A_3695, %and3A_3696 : i32
      %broadcast_in_dim3A_3698 = vector.broadcast %and3A_3697 : i32 to vector<16xi32>
      %iota3A_3699 = tpu.iota {dimensions = array<i32: 0>} : vector<16xi32>
      %add3A_3700 = arith.constant 0 : i32
      %add3A_3701 = vector.broadcast %add3A_3700 : i32 to vector<16xi32>
      %add3A_3702 = arith.addi %iota3A_3699, %add3A_3701 : vector<16xi32>
      %shift_right_logical3A_3703 = arith.constant 3 : i32
      %shift_right_logical3A_3704 = vector.broadcast %shift_right_logical3A_3703 : i32 to vector<16xi32>
      %shift_right_logical3A_3705 = arith.shrui %add3A_3702, %shift_right_logical3A_3704 : vector<16xi32>
      %and3A_3706 = arith.constant 7 : i32
      %and3A_3707 = vector.broadcast %and3A_3706 : i32 to vector<16xi32>
      %and3A_3708 = arith.andi %add3A_3702, %and3A_3707 : vector<16xi32>
      %gather3A_3709 = arith.constant 3 : i32
      %gather3A_3710 = arith.constant 0 : i32
      %gather3A_3711 = arith.constant 0 : i32
      %gather3A_3712 = arith.constant 0 : i32
      %gather3A_3713 = tpu.memref_slice %arg6[%gather3A_3709, %gather3A_3710, %gather3A_3711, %gather3A_3712] : memref<8x8x8x128xf32, #tpu.memory_space<vmem>> -> memref<1x8x8x128xf32, #tpu.memory_space<vmem>>
      %gather3A_3714 = tpu.memref_squeeze %gather3A_3713 : memref<1x8x8x128xf32, #tpu.memory_space<vmem>> -> memref<8x8x128xf32, #tpu.memory_space<vmem>>
      %gather3A_3715 = tpu.vector_load_idx %gather3A_3714[%shift_right_logical3A_3705, %and3A_3708, %broadcast_in_dim3A_3698] : memref<8x8x128xf32, #tpu.memory_space<vmem>>[vector<16xi32>, vector<16xi32>, vector<16xi32>], vector<16xf32>,
      %swap3A_3716 = arith.constant 27 : i32
      %swap3A_3717 = arith.index_cast %swap3A_3716 : i32 to index
      %swap3A_3718 = arith.constant 0 : index
      %swap3A_3719 = tpu.vector_load %arg7[%swap3A_3717, %swap3A_3718] {strides = array<i32>} : memref<32x64xf32, #tpu.memory_space<vmem>>, vector<16xf32>,
      tpu.vector_store %arg7[%swap3A_3717, %swap3A_3718], %gather3A_3715 {strides = array<i32>} : memref<32x64xf32, #tpu.memory_space<vmem>>, vector<16xf32>,
      %iota3A_3720 = tpu.iota {dimensions = array<i32: 0>} : vector<16xi32>
      %add3A_3721 = arith.constant 16 : i32
      %add3A_3722 = vector.broadcast %add3A_3721 : i32 to vector<16xi32>
      %add3A_3723 = arith.addi %iota3A_3720, %add3A_3722 : vector<16xi32>
      %shift_right_logical3A_3724 = arith.constant 3 : i32
      %shift_right_logical3A_3725 = vector.broadcast %shift_right_logical3A_3724 : i32 to vector<16xi32>
      %shift_right_logical3A_3726 = arith.shrui %add3A_3723, %shift_right_logical3A_3725 : vector<16xi32>
      %and3A_3727 = arith.constant 7 : i32
      %and3A_3728 = vector.broadcast %and3A_3727 : i32 to vector<16xi32>
      %and3A_3729 = arith.andi %add3A_3723, %and3A_3728 : vector<16xi32>
      %gather3A_3730 = arith.constant 3 : i32
      %gather3A_3731 = arith.constant 0 : i32
      %gather3A_3732 = arith.constant 0 : i32
      %gather3A_3733 = arith.constant 0 : i32
      %gather3A_3734 = tpu.memref_slice %arg6[%gather3A_3730, %gather3A_3731, %gather3A_3732, %gather3A_3733] : memref<8x8x8x128xf32, #tpu.memory_space<vmem>> -> memref<1x8x8x128xf32, #tpu.memory_space<vmem>>
      %gather3A_3735 = tpu.memref_squeeze %gather3A_3734 : memref<1x8x8x128xf32, #tpu.memory_space<vmem>> -> memref<8x8x128xf32, #tpu.memory_space<vmem>>
      %gather3A_3736 = tpu.vector_load_idx %gather3A_3735[%shift_right_logical3A_3726, %and3A_3729, %broadcast_in_dim3A_3698] : memref<8x8x128xf32, #tpu.memory_space<vmem>>[vector<16xi32>, vector<16xi32>, vector<16xi32>], vector<16xf32>,
      %swap3A_3737 = arith.constant 27 : i32
      %swap3A_3738 = arith.index_cast %swap3A_3737 : i32 to index
      %swap3A_3739 = arith.constant 16 : index
      %swap3A_3740 = tpu.vector_load %arg7[%swap3A_3738, %swap3A_3739] {strides = array<i32>} : memref<32x64xf32, #tpu.memory_space<vmem>>, vector<16xf32>,
      tpu.vector_store %arg7[%swap3A_3738, %swap3A_3739], %gather3A_3736 {strides = array<i32>} : memref<32x64xf32, #tpu.memory_space<vmem>>, vector<16xf32>,
      %iota3A_3741 = tpu.iota {dimensions = array<i32: 0>} : vector<16xi32>
      %add3A_3742 = arith.constant 32 : i32
      %add3A_3743 = vector.broadcast %add3A_3742 : i32 to vector<16xi32>
      %add3A_3744 = arith.addi %iota3A_3741, %add3A_3743 : vector<16xi32>
      %shift_right_logical3A_3745 = arith.constant 3 : i32
      %shift_right_logical3A_3746 = vector.broadcast %shift_right_logical3A_3745 : i32 to vector<16xi32>
      %shift_right_logical3A_3747 = arith.shrui %add3A_3744, %shift_right_logical3A_3746 : vector<16xi32>
      %and3A_3748 = arith.constant 7 : i32
      %and3A_3749 = vector.broadcast %and3A_3748 : i32 to vector<16xi32>
      %and3A_3750 = arith.andi %add3A_3744, %and3A_3749 : vector<16xi32>
      %gather3A_3751 = arith.constant 3 : i32
      %gather3A_3752 = arith.constant 0 : i32
      %gather3A_3753 = arith.constant 0 : i32
      %gather3A_3754 = arith.constant 0 : i32
      %gather3A_3755 = tpu.memref_slice %arg6[%gather3A_3751, %gather3A_3752, %gather3A_3753, %gather3A_3754] : memref<8x8x8x128xf32, #tpu.memory_space<vmem>> -> memref<1x8x8x128xf32, #tpu.memory_space<vmem>>
      %gather3A_3756 = tpu.memref_squeeze %gather3A_3755 : memref<1x8x8x128xf32, #tpu.memory_space<vmem>> -> memref<8x8x128xf32, #tpu.memory_space<vmem>>
      %gather3A_3757 = tpu.vector_load_idx %gather3A_3756[%shift_right_logical3A_3747, %and3A_3750, %broadcast_in_dim3A_3698] : memref<8x8x128xf32, #tpu.memory_space<vmem>>[vector<16xi32>, vector<16xi32>, vector<16xi32>], vector<16xf32>,
      %swap3A_3758 = arith.constant 27 : i32
      %swap3A_3759 = arith.index_cast %swap3A_3758 : i32 to index
      %swap3A_3760 = arith.constant 32 : index
      %swap3A_3761 = tpu.vector_load %arg7[%swap3A_3759, %swap3A_3760] {strides = array<i32>} : memref<32x64xf32, #tpu.memory_space<vmem>>, vector<16xf32>,
      tpu.vector_store %arg7[%swap3A_3759, %swap3A_3760], %gather3A_3757 {strides = array<i32>} : memref<32x64xf32, #tpu.memory_space<vmem>>, vector<16xf32>,
      %iota3A_3762 = tpu.iota {dimensions = array<i32: 0>} : vector<16xi32>
      %add3A_3763 = arith.constant 48 : i32
      %add3A_3764 = vector.broadcast %add3A_3763 : i32 to vector<16xi32>
      %add3A_3765 = arith.addi %iota3A_3762, %add3A_3764 : vector<16xi32>
      %shift_right_logical3A_3766 = arith.constant 3 : i32
      %shift_right_logical3A_3767 = vector.broadcast %shift_right_logical3A_3766 : i32 to vector<16xi32>
      %shift_right_logical3A_3768 = arith.shrui %add3A_3765, %shift_right_logical3A_3767 : vector<16xi32>
      %and3A_3769 = arith.constant 7 : i32
      %and3A_3770 = vector.broadcast %and3A_3769 : i32 to vector<16xi32>
      %and3A_3771 = arith.andi %add3A_3765, %and3A_3770 : vector<16xi32>
      %gather3A_3772 = arith.constant 3 : i32
      %gather3A_3773 = arith.constant 0 : i32
      %gather3A_3774 = arith.constant 0 : i32
      %gather3A_3775 = arith.constant 0 : i32
      %gather3A_3776 = tpu.memref_slice %arg6[%gather3A_3772, %gather3A_3773, %gather3A_3774, %gather3A_3775] : memref<8x8x8x128xf32, #tpu.memory_space<vmem>> -> memref<1x8x8x128xf32, #tpu.memory_space<vmem>>
      %gather3A_3777 = tpu.memref_squeeze %gather3A_3776 : memref<1x8x8x128xf32, #tpu.memory_space<vmem>> -> memref<8x8x128xf32, #tpu.memory_space<vmem>>
      %gather3A_3778 = tpu.vector_load_idx %gather3A_3777[%shift_right_logical3A_3768, %and3A_3771, %broadcast_in_dim3A_3698] : memref<8x8x128xf32, #tpu.memory_space<vmem>>[vector<16xi32>, vector<16xi32>, vector<16xi32>], vector<16xf32>,
      %swap3A_3779 = arith.constant 27 : i32
      %swap3A_3780 = arith.index_cast %swap3A_3779 : i32 to index
      %swap3A_3781 = arith.constant 48 : index
      %swap3A_3782 = tpu.vector_load %arg7[%swap3A_3780, %swap3A_3781] {strides = array<i32>} : memref<32x64xf32, #tpu.memory_space<vmem>>, vector<16xf32>,
      tpu.vector_store %arg7[%swap3A_3780, %swap3A_3781], %gather3A_3778 {strides = array<i32>} : memref<32x64xf32, #tpu.memory_space<vmem>>, vector<16xf32>,
      %add3A_3783 = arith.constant 1 : i32
      %add3A_3784 = arith.addi %scan3A_168, %add3A_3783 : i32
      %lt3A_3785 = arith.constant 16 : i32
      %lt3A_3786 = arith.cmpi slt, %add3A_3784, %lt3A_3785 : i32
      %convert_element_type3A_3787 = arith.extui %lt3A_3786 : i1 to i32
      %cond3A_3788 = arith.constant 0 : i32
      %cond3A_3789 = arith.cmpi ne, %convert_element_type3A_3787, %cond3A_3788 : i32
      scf.if %cond3A_3789 {
        %slice3A_4253 = vector.extract_strided_slice %cond3A_175#0 {offsets = [2], sizes = [1], strides = [1]} : vector<16xi32> to vector<1xi32>
        %squeeze3A_4254 = vector.extract %slice3A_4253[0] : i32 from vector<1xi32>
        %shift_right_logical3A_4255 = arith.constant 7 : i32
        %shift_right_logical3A_4256 = arith.shrui %squeeze3A_4254, %shift_right_logical3A_4255 : i32
        %mul3A_4257 = arith.constant 128 : i32
        %mul3A_4258 = arith.muli %shift_right_logical3A_4256, %mul3A_4257 : i32
        %dma_start3A_4259 = arith.constant 2 : i32
        %dma_start3A_4260 = arith.constant 0 : i32
        %dma_start3A_4261 = arith.constant 0 : i32
        %dma_start3A_4262 = arith.constant 0 : i32
        %dma_start3A_4263 = tpu.memref_slice %arg6[%dma_start3A_4259, %dma_start3A_4260, %dma_start3A_4261, %dma_start3A_4262] : memref<8x8x8x128xf32, #tpu.memory_space<vmem>> -> memref<1x8x8x128xf32, #tpu.memory_space<vmem>>
        %dma_start3A_4264 = tpu.memref_squeeze %dma_start3A_4263 : memref<1x8x8x128xf32, #tpu.memory_space<vmem>> -> memref<8x8x128xf32, #tpu.memory_space<vmem>>
        %dma_start3A_4265 = arith.constant 0 : i32
        %dma_start3A_4266 = arith.constant 0 : i32
        %dma_start3A_4267 = tpu.memref_slice %arg3[%dma_start3A_4265, %dma_start3A_4266, %mul3A_4258] : memref<8x8x1000000xf32, #tpu.memory_space<hbm>> -> memref<8x8x128xf32, #tpu.memory_space<hbm>>
        %dma_start3A_4268 = arith.constant 0 : i32
        %dma_start3A_4269 = arith.constant 0 : i32
        %dma_start3A_4270 = arith.constant 0 : i32
        %dma_start3A_4271 = tpu.memref_slice %arg6[%dma_start3A_4259, %dma_start3A_4268, %dma_start3A_4269, %dma_start3A_4270] : memref<8x8x8x128xf32, #tpu.memory_space<vmem>> -> memref<1x8x8x128xf32, #tpu.memory_space<vmem>>
        %dma_start3A_4272 = tpu.memref_squeeze %dma_start3A_4271 : memref<1x8x8x128xf32, #tpu.memory_space<vmem>> -> memref<8x8x128xf32, #tpu.memory_space<vmem>>
        %dma_start3A_4273 = arith.constant 0 : i32
        %dma_start3A_4274 = arith.constant 0 : i32
        %dma_start3A_4275 = tpu.memref_slice %arg3[%dma_start3A_4273, %dma_start3A_4274, %mul3A_4258] : memref<8x8x1000000xf32, #tpu.memory_space<hbm>> -> memref<8x8x128xf32, #tpu.memory_space<hbm>>
        tpu.enqueue_dma source(%dma_start3A_4275 : memref<8x8x128xf32, #tpu.memory_space<hbm>>) target(%dma_start3A_4272 : memref<8x8x128xf32, #tpu.memory_space<vmem>>) target_semaphore(%arg10 : memref<!tpu.dma_semaphore, #tpu.memory_space<semaphore_mem>>)
      } else {
      }
      %dma_wait3A_3790 = arith.constant 4 : i32
      %dma_wait3A_3791 = arith.constant 0 : i32
      %dma_wait3A_3792 = arith.constant 0 : i32
      %dma_wait3A_3793 = arith.constant 0 : i32
      %dma_wait3A_3794 = tpu.memref_slice %arg6[%dma_wait3A_3790, %dma_wait3A_3791, %dma_wait3A_3792, %dma_wait3A_3793] : memref<8x8x8x128xf32, #tpu.memory_space<vmem>> -> memref<1x8x8x128xf32, #tpu.memory_space<vmem>>
      %dma_wait3A_3795 = tpu.memref_squeeze %dma_wait3A_3794 : memref<1x8x8x128xf32, #tpu.memory_space<vmem>> -> memref<8x8x128xf32, #tpu.memory_space<vmem>>
      %dma_wait3A_3796 = arith.constant 0 : i32
      %dma_wait3A_3797 = arith.constant 0 : i32
      %dma_wait3A_3798 = arith.constant 0 : i32
      %dma_wait3A_3799 = tpu.memref_slice %arg3[%dma_wait3A_3796, %dma_wait3A_3797, %dma_wait3A_3798] : memref<8x8x1000000xf32, #tpu.memory_space<hbm>> -> memref<8x8x128xf32, #tpu.memory_space<hbm>>
      %dma_wait3A_3800 = arith.constant 0 : i32
      %dma_wait3A_3801 = arith.constant 0 : i32
      %dma_wait3A_3802 = arith.constant 0 : i32
      %dma_wait3A_3803 = tpu.memref_slice %arg6[%dma_wait3A_3790, %dma_wait3A_3800, %dma_wait3A_3801, %dma_wait3A_3802] : memref<8x8x8x128xf32, #tpu.memory_space<vmem>> -> memref<1x8x8x128xf32, #tpu.memory_space<vmem>>
      %dma_wait3A_3804 = tpu.memref_squeeze %dma_wait3A_3803 : memref<1x8x8x128xf32, #tpu.memory_space<vmem>> -> memref<8x8x128xf32, #tpu.memory_space<vmem>>
      %dma_wait3A_3805 = arith.constant 0 : i32
      %dma_wait3A_3806 = arith.constant 0 : i32
      %dma_wait3A_3807 = arith.constant 0 : i32
      %dma_wait3A_3808 = tpu.memref_slice %arg3[%dma_wait3A_3805, %dma_wait3A_3806, %dma_wait3A_3807] : memref<8x8x1000000xf32, #tpu.memory_space<hbm>> -> memref<8x8x128xf32, #tpu.memory_space<hbm>>
      tpu.wait_dma2 semaphore(%arg12 : memref<!tpu.dma_semaphore, #tpu.memory_space<semaphore_mem>>) src(%dma_wait3A_3808 : memref<8x8x128xf32, #tpu.memory_space<hbm>>) dst(%dma_wait3A_3804 : memref<8x8x128xf32, #tpu.memory_space<vmem>>)
      %slice3A_3809 = vector.extract_strided_slice %scan3A_170 {offsets = [12], sizes = [1], strides = [1]} : vector<16xi32> to vector<1xi32>
      %squeeze3A_3810 = vector.extract %slice3A_3809[0] : i32 from vector<1xi32>
      %and3A_3811 = arith.constant 127 : i32
      %and3A_3812 = arith.andi %squeeze3A_3810, %and3A_3811 : i32
      %broadcast_in_dim3A_3813 = vector.broadcast %and3A_3812 : i32 to vector<16xi32>
      %iota3A_3814 = tpu.iota {dimensions = array<i32: 0>} : vector<16xi32>
      %add3A_3815 = arith.constant 0 : i32
      %add3A_3816 = vector.broadcast %add3A_3815 : i32 to vector<16xi32>
      %add3A_3817 = arith.addi %iota3A_3814, %add3A_3816 : vector<16xi32>
      %shift_right_logical3A_3818 = arith.constant 3 : i32
      %shift_right_logical3A_3819 = vector.broadcast %shift_right_logical3A_3818 : i32 to vector<16xi32>
      %shift_right_logical3A_3820 = arith.shrui %add3A_3817, %shift_right_logical3A_3819 : vector<16xi32>
      %and3A_3821 = arith.constant 7 : i32
      %and3A_3822 = vector.broadcast %and3A_3821 : i32 to vector<16xi32>
      %and3A_3823 = arith.andi %add3A_3817, %and3A_3822 : vector<16xi32>
      %gather3A_3824 = arith.constant 4 : i32
      %gather3A_3825 = arith.constant 0 : i32
      %gather3A_3826 = arith.constant 0 : i32
      %gather3A_3827 = arith.constant 0 : i32
      %gather3A_3828 = tpu.memref_slice %arg6[%gather3A_3824, %gather3A_3825, %gather3A_3826, %gather3A_3827] : memref<8x8x8x128xf32, #tpu.memory_space<vmem>> -> memref<1x8x8x128xf32, #tpu.memory_space<vmem>>
      %gather3A_3829 = tpu.memref_squeeze %gather3A_3828 : memref<1x8x8x128xf32, #tpu.memory_space<vmem>> -> memref<8x8x128xf32, #tpu.memory_space<vmem>>
      %gather3A_3830 = tpu.vector_load_idx %gather3A_3829[%shift_right_logical3A_3820, %and3A_3823, %broadcast_in_dim3A_3813] : memref<8x8x128xf32, #tpu.memory_space<vmem>>[vector<16xi32>, vector<16xi32>, vector<16xi32>], vector<16xf32>,
      %swap3A_3831 = arith.constant 28 : i32
      %swap3A_3832 = arith.index_cast %swap3A_3831 : i32 to index
      %swap3A_3833 = arith.constant 0 : index
      %swap3A_3834 = tpu.vector_load %arg7[%swap3A_3832, %swap3A_3833] {strides = array<i32>} : memref<32x64xf32, #tpu.memory_space<vmem>>, vector<16xf32>,
      tpu.vector_store %arg7[%swap3A_3832, %swap3A_3833], %gather3A_3830 {strides = array<i32>} : memref<32x64xf32, #tpu.memory_space<vmem>>, vector<16xf32>,
      %iota3A_3835 = tpu.iota {dimensions = array<i32: 0>} : vector<16xi32>
      %add3A_3836 = arith.constant 16 : i32
      %add3A_3837 = vector.broadcast %add3A_3836 : i32 to vector<16xi32>
      %add3A_3838 = arith.addi %iota3A_3835, %add3A_3837 : vector<16xi32>
      %shift_right_logical3A_3839 = arith.constant 3 : i32
      %shift_right_logical3A_3840 = vector.broadcast %shift_right_logical3A_3839 : i32 to vector<16xi32>
      %shift_right_logical3A_3841 = arith.shrui %add3A_3838, %shift_right_logical3A_3840 : vector<16xi32>
      %and3A_3842 = arith.constant 7 : i32
      %and3A_3843 = vector.broadcast %and3A_3842 : i32 to vector<16xi32>
      %and3A_3844 = arith.andi %add3A_3838, %and3A_3843 : vector<16xi32>
      %gather3A_3845 = arith.constant 4 : i32
      %gather3A_3846 = arith.constant 0 : i32
      %gather3A_3847 = arith.constant 0 : i32
      %gather3A_3848 = arith.constant 0 : i32
      %gather3A_3849 = tpu.memref_slice %arg6[%gather3A_3845, %gather3A_3846, %gather3A_3847, %gather3A_3848] : memref<8x8x8x128xf32, #tpu.memory_space<vmem>> -> memref<1x8x8x128xf32, #tpu.memory_space<vmem>>
      %gather3A_3850 = tpu.memref_squeeze %gather3A_3849 : memref<1x8x8x128xf32, #tpu.memory_space<vmem>> -> memref<8x8x128xf32, #tpu.memory_space<vmem>>
      %gather3A_3851 = tpu.vector_load_idx %gather3A_3850[%shift_right_logical3A_3841, %and3A_3844, %broadcast_in_dim3A_3813] : memref<8x8x128xf32, #tpu.memory_space<vmem>>[vector<16xi32>, vector<16xi32>, vector<16xi32>], vector<16xf32>,
      %swap3A_3852 = arith.constant 28 : i32
      %swap3A_3853 = arith.index_cast %swap3A_3852 : i32 to index
      %swap3A_3854 = arith.constant 16 : index
      %swap3A_3855 = tpu.vector_load %arg7[%swap3A_3853, %swap3A_3854] {strides = array<i32>} : memref<32x64xf32, #tpu.memory_space<vmem>>, vector<16xf32>,
      tpu.vector_store %arg7[%swap3A_3853, %swap3A_3854], %gather3A_3851 {strides = array<i32>} : memref<32x64xf32, #tpu.memory_space<vmem>>, vector<16xf32>,
      %iota3A_3856 = tpu.iota {dimensions = array<i32: 0>} : vector<16xi32>
      %add3A_3857 = arith.constant 32 : i32
      %add3A_3858 = vector.broadcast %add3A_3857 : i32 to vector<16xi32>
      %add3A_3859 = arith.addi %iota3A_3856, %add3A_3858 : vector<16xi32>
      %shift_right_logical3A_3860 = arith.constant 3 : i32
      %shift_right_logical3A_3861 = vector.broadcast %shift_right_logical3A_3860 : i32 to vector<16xi32>
      %shift_right_logical3A_3862 = arith.shrui %add3A_3859, %shift_right_logical3A_3861 : vector<16xi32>
      %and3A_3863 = arith.constant 7 : i32
      %and3A_3864 = vector.broadcast %and3A_3863 : i32 to vector<16xi32>
      %and3A_3865 = arith.andi %add3A_3859, %and3A_3864 : vector<16xi32>
      %gather3A_3866 = arith.constant 4 : i32
      %gather3A_3867 = arith.constant 0 : i32
      %gather3A_3868 = arith.constant 0 : i32
      %gather3A_3869 = arith.constant 0 : i32
      %gather3A_3870 = tpu.memref_slice %arg6[%gather3A_3866, %gather3A_3867, %gather3A_3868, %gather3A_3869] : memref<8x8x8x128xf32, #tpu.memory_space<vmem>> -> memref<1x8x8x128xf32, #tpu.memory_space<vmem>>
      %gather3A_3871 = tpu.memref_squeeze %gather3A_3870 : memref<1x8x8x128xf32, #tpu.memory_space<vmem>> -> memref<8x8x128xf32, #tpu.memory_space<vmem>>
      %gather3A_3872 = tpu.vector_load_idx %gather3A_3871[%shift_right_logical3A_3862, %and3A_3865, %broadcast_in_dim3A_3813] : memref<8x8x128xf32, #tpu.memory_space<vmem>>[vector<16xi32>, vector<16xi32>, vector<16xi32>], vector<16xf32>,
      %swap3A_3873 = arith.constant 28 : i32
      %swap3A_3874 = arith.index_cast %swap3A_3873 : i32 to index
      %swap3A_3875 = arith.constant 32 : index
      %swap3A_3876 = tpu.vector_load %arg7[%swap3A_3874, %swap3A_3875] {strides = array<i32>} : memref<32x64xf32, #tpu.memory_space<vmem>>, vector<16xf32>,
      tpu.vector_store %arg7[%swap3A_3874, %swap3A_3875], %gather3A_3872 {strides = array<i32>} : memref<32x64xf32, #tpu.memory_space<vmem>>, vector<16xf32>,
      %iota3A_3877 = tpu.iota {dimensions = array<i32: 0>} : vector<16xi32>
      %add3A_3878 = arith.constant 48 : i32
      %add3A_3879 = vector.broadcast %add3A_3878 : i32 to vector<16xi32>
      %add3A_3880 = arith.addi %iota3A_3877, %add3A_3879 : vector<16xi32>
      %shift_right_logical3A_3881 = arith.constant 3 : i32
      %shift_right_logical3A_3882 = vector.broadcast %shift_right_logical3A_3881 : i32 to vector<16xi32>
      %shift_right_logical3A_3883 = arith.shrui %add3A_3880, %shift_right_logical3A_3882 : vector<16xi32>
      %and3A_3884 = arith.constant 7 : i32
      %and3A_3885 = vector.broadcast %and3A_3884 : i32 to vector<16xi32>
      %and3A_3886 = arith.andi %add3A_3880, %and3A_3885 : vector<16xi32>
      %gather3A_3887 = arith.constant 4 : i32
      %gather3A_3888 = arith.constant 0 : i32
      %gather3A_3889 = arith.constant 0 : i32
      %gather3A_3890 = arith.constant 0 : i32
      %gather3A_3891 = tpu.memref_slice %arg6[%gather3A_3887, %gather3A_3888, %gather3A_3889, %gather3A_3890] : memref<8x8x8x128xf32, #tpu.memory_space<vmem>> -> memref<1x8x8x128xf32, #tpu.memory_space<vmem>>
      %gather3A_3892 = tpu.memref_squeeze %gather3A_3891 : memref<1x8x8x128xf32, #tpu.memory_space<vmem>> -> memref<8x8x128xf32, #tpu.memory_space<vmem>>
      %gather3A_3893 = tpu.vector_load_idx %gather3A_3892[%shift_right_logical3A_3883, %and3A_3886, %broadcast_in_dim3A_3813] : memref<8x8x128xf32, #tpu.memory_space<vmem>>[vector<16xi32>, vector<16xi32>, vector<16xi32>], vector<16xf32>,
      %swap3A_3894 = arith.constant 28 : i32
      %swap3A_3895 = arith.index_cast %swap3A_3894 : i32 to index
      %swap3A_3896 = arith.constant 48 : index
      %swap3A_3897 = tpu.vector_load %arg7[%swap3A_3895, %swap3A_3896] {strides = array<i32>} : memref<32x64xf32, #tpu.memory_space<vmem>>, vector<16xf32>,
      tpu.vector_store %arg7[%swap3A_3895, %swap3A_3896], %gather3A_3893 {strides = array<i32>} : memref<32x64xf32, #tpu.memory_space<vmem>>, vector<16xf32>,
      %add3A_3898 = arith.constant 1 : i32
      %add3A_3899 = arith.addi %scan3A_168, %add3A_3898 : i32
      %lt3A_3900 = arith.constant 16 : i32
      %lt3A_3901 = arith.cmpi slt, %add3A_3899, %lt3A_3900 : i32
      %convert_element_type3A_3902 = arith.extui %lt3A_3901 : i1 to i32
      %cond3A_3903 = arith.constant 0 : i32
      %cond3A_3904 = arith.cmpi ne, %convert_element_type3A_3902, %cond3A_3903 : i32
      scf.if %cond3A_3904 {
        %slice3A_4253 = vector.extract_strided_slice %cond3A_175#0 {offsets = [3], sizes = [1], strides = [1]} : vector<16xi32> to vector<1xi32>
        %squeeze3A_4254 = vector.extract %slice3A_4253[0] : i32 from vector<1xi32>
        %shift_right_logical3A_4255 = arith.constant 7 : i32
        %shift_right_logical3A_4256 = arith.shrui %squeeze3A_4254, %shift_right_logical3A_4255 : i32
        %mul3A_4257 = arith.constant 128 : i32
        %mul3A_4258 = arith.muli %shift_right_logical3A_4256, %mul3A_4257 : i32
        %dma_start3A_4259 = arith.constant 3 : i32
        %dma_start3A_4260 = arith.constant 0 : i32
        %dma_start3A_4261 = arith.constant 0 : i32
        %dma_start3A_4262 = arith.constant 0 : i32
        %dma_start3A_4263 = tpu.memref_slice %arg6[%dma_start3A_4259, %dma_start3A_4260, %dma_start3A_4261, %dma_start3A_4262] : memref<8x8x8x128xf32, #tpu.memory_space<vmem>> -> memref<1x8x8x128xf32, #tpu.memory_space<vmem>>
        %dma_start3A_4264 = tpu.memref_squeeze %dma_start3A_4263 : memref<1x8x8x128xf32, #tpu.memory_space<vmem>> -> memref<8x8x128xf32, #tpu.memory_space<vmem>>
        %dma_start3A_4265 = arith.constant 0 : i32
        %dma_start3A_4266 = arith.constant 0 : i32
        %dma_start3A_4267 = tpu.memref_slice %arg3[%dma_start3A_4265, %dma_start3A_4266, %mul3A_4258] : memref<8x8x1000000xf32, #tpu.memory_space<hbm>> -> memref<8x8x128xf32, #tpu.memory_space<hbm>>
        %dma_start3A_4268 = arith.constant 0 : i32
        %dma_start3A_4269 = arith.constant 0 : i32
        %dma_start3A_4270 = arith.constant 0 : i32
        %dma_start3A_4271 = tpu.memref_slice %arg6[%dma_start3A_4259, %dma_start3A_4268, %dma_start3A_4269, %dma_start3A_4270] : memref<8x8x8x128xf32, #tpu.memory_space<vmem>> -> memref<1x8x8x128xf32, #tpu.memory_space<vmem>>
        %dma_start3A_4272 = tpu.memref_squeeze %dma_start3A_4271 : memref<1x8x8x128xf32, #tpu.memory_space<vmem>> -> memref<8x8x128xf32, #tpu.memory_space<vmem>>
        %dma_start3A_4273 = arith.constant 0 : i32
        %dma_start3A_4274 = arith.constant 0 : i32
        %dma_start3A_4275 = tpu.memref_slice %arg3[%dma_start3A_4273, %dma_start3A_4274, %mul3A_4258] : memref<8x8x1000000xf32, #tpu.memory_space<hbm>> -> memref<8x8x128xf32, #tpu.memory_space<hbm>>
        tpu.enqueue_dma source(%dma_start3A_4275 : memref<8x8x128xf32, #tpu.memory_space<hbm>>) target(%dma_start3A_4272 : memref<8x8x128xf32, #tpu.memory_space<vmem>>) target_semaphore(%arg11 : memref<!tpu.dma_semaphore, #tpu.memory_space<semaphore_mem>>)
      } else {
      }
      %dma_wait3A_3905 = arith.constant 5 : i32
      %dma_wait3A_3906 = arith.constant 0 : i32
      %dma_wait3A_3907 = arith.constant 0 : i32
      %dma_wait3A_3908 = arith.constant 0 : i32
      %dma_wait3A_3909 = tpu.memref_slice %arg6[%dma_wait3A_3905, %dma_wait3A_3906, %dma_wait3A_3907, %dma_wait3A_3908] : memref<8x8x8x128xf32, #tpu.memory_space<vmem>> -> memref<1x8x8x128xf32, #tpu.memory_space<vmem>>
      %dma_wait3A_3910 = tpu.memref_squeeze %dma_wait3A_3909 : memref<1x8x8x128xf32, #tpu.memory_space<vmem>> -> memref<8x8x128xf32, #tpu.memory_space<vmem>>
      %dma_wait3A_3911 = arith.constant 0 : i32
      %dma_wait3A_3912 = arith.constant 0 : i32
      %dma_wait3A_3913 = arith.constant 0 : i32
      %dma_wait3A_3914 = tpu.memref_slice %arg3[%dma_wait3A_3911, %dma_wait3A_3912, %dma_wait3A_3913] : memref<8x8x1000000xf32, #tpu.memory_space<hbm>> -> memref<8x8x128xf32, #tpu.memory_space<hbm>>
      %dma_wait3A_3915 = arith.constant 0 : i32
      %dma_wait3A_3916 = arith.constant 0 : i32
      %dma_wait3A_3917 = arith.constant 0 : i32
      %dma_wait3A_3918 = tpu.memref_slice %arg6[%dma_wait3A_3905, %dma_wait3A_3915, %dma_wait3A_3916, %dma_wait3A_3917] : memref<8x8x8x128xf32, #tpu.memory_space<vmem>> -> memref<1x8x8x128xf32, #tpu.memory_space<vmem>>
      %dma_wait3A_3919 = tpu.memref_squeeze %dma_wait3A_3918 : memref<1x8x8x128xf32, #tpu.memory_space<vmem>> -> memref<8x8x128xf32, #tpu.memory_space<vmem>>
      %dma_wait3A_3920 = arith.constant 0 : i32
      %dma_wait3A_3921 = arith.constant 0 : i32
      %dma_wait3A_3922 = arith.constant 0 : i32
      %dma_wait3A_3923 = tpu.memref_slice %arg3[%dma_wait3A_3920, %dma_wait3A_3921, %dma_wait3A_3922] : memref<8x8x1000000xf32, #tpu.memory_space<hbm>> -> memref<8x8x128xf32, #tpu.memory_space<hbm>>
      tpu.wait_dma2 semaphore(%arg13 : memref<!tpu.dma_semaphore, #tpu.memory_space<semaphore_mem>>) src(%dma_wait3A_3923 : memref<8x8x128xf32, #tpu.memory_space<hbm>>) dst(%dma_wait3A_3919 : memref<8x8x128xf32, #tpu.memory_space<vmem>>)
      %slice3A_3924 = vector.extract_strided_slice %scan3A_170 {offsets = [13], sizes = [1], strides = [1]} : vector<16xi32> to vector<1xi32>
      %squeeze3A_3925 = vector.extract %slice3A_3924[0] : i32 from vector<1xi32>
      %and3A_3926 = arith.constant 127 : i32
      %and3A_3927 = arith.andi %squeeze3A_3925, %and3A_3926 : i32
      %broadcast_in_dim3A_3928 = vector.broadcast %and3A_3927 : i32 to vector<16xi32>
      %iota3A_3929 = tpu.iota {dimensions = array<i32: 0>} : vector<16xi32>
      %add3A_3930 = arith.constant 0 : i32
      %add3A_3931 = vector.broadcast %add3A_3930 : i32 to vector<16xi32>
      %add3A_3932 = arith.addi %iota3A_3929, %add3A_3931 : vector<16xi32>
      %shift_right_logical3A_3933 = arith.constant 3 : i32
      %shift_right_logical3A_3934 = vector.broadcast %shift_right_logical3A_3933 : i32 to vector<16xi32>
      %shift_right_logical3A_3935 = arith.shrui %add3A_3932, %shift_right_logical3A_3934 : vector<16xi32>
      %and3A_3936 = arith.constant 7 : i32
      %and3A_3937 = vector.broadcast %and3A_3936 : i32 to vector<16xi32>
      %and3A_3938 = arith.andi %add3A_3932, %and3A_3937 : vector<16xi32>
      %gather3A_3939 = arith.constant 5 : i32
      %gather3A_3940 = arith.constant 0 : i32
      %gather3A_3941 = arith.constant 0 : i32
      %gather3A_3942 = arith.constant 0 : i32
      %gather3A_3943 = tpu.memref_slice %arg6[%gather3A_3939, %gather3A_3940, %gather3A_3941, %gather3A_3942] : memref<8x8x8x128xf32, #tpu.memory_space<vmem>> -> memref<1x8x8x128xf32, #tpu.memory_space<vmem>>
      %gather3A_3944 = tpu.memref_squeeze %gather3A_3943 : memref<1x8x8x128xf32, #tpu.memory_space<vmem>> -> memref<8x8x128xf32, #tpu.memory_space<vmem>>
      %gather3A_3945 = tpu.vector_load_idx %gather3A_3944[%shift_right_logical3A_3935, %and3A_3938, %broadcast_in_dim3A_3928] : memref<8x8x128xf32, #tpu.memory_space<vmem>>[vector<16xi32>, vector<16xi32>, vector<16xi32>], vector<16xf32>,
      %swap3A_3946 = arith.constant 29 : i32
      %swap3A_3947 = arith.index_cast %swap3A_3946 : i32 to index
      %swap3A_3948 = arith.constant 0 : index
      %swap3A_3949 = tpu.vector_load %arg7[%swap3A_3947, %swap3A_3948] {strides = array<i32>} : memref<32x64xf32, #tpu.memory_space<vmem>>, vector<16xf32>,
      tpu.vector_store %arg7[%swap3A_3947, %swap3A_3948], %gather3A_3945 {strides = array<i32>} : memref<32x64xf32, #tpu.memory_space<vmem>>, vector<16xf32>,
      %iota3A_3950 = tpu.iota {dimensions = array<i32: 0>} : vector<16xi32>
      %add3A_3951 = arith.constant 16 : i32
      %add3A_3952 = vector.broadcast %add3A_3951 : i32 to vector<16xi32>
      %add3A_3953 = arith.addi %iota3A_3950, %add3A_3952 : vector<16xi32>
      %shift_right_logical3A_3954 = arith.constant 3 : i32
      %shift_right_logical3A_3955 = vector.broadcast %shift_right_logical3A_3954 : i32 to vector<16xi32>
      %shift_right_logical3A_3956 = arith.shrui %add3A_3953, %shift_right_logical3A_3955 : vector<16xi32>
      %and3A_3957 = arith.constant 7 : i32
      %and3A_3958 = vector.broadcast %and3A_3957 : i32 to vector<16xi32>
      %and3A_3959 = arith.andi %add3A_3953, %and3A_3958 : vector<16xi32>
      %gather3A_3960 = arith.constant 5 : i32
      %gather3A_3961 = arith.constant 0 : i32
      %gather3A_3962 = arith.constant 0 : i32
      %gather3A_3963 = arith.constant 0 : i32
      %gather3A_3964 = tpu.memref_slice %arg6[%gather3A_3960, %gather3A_3961, %gather3A_3962, %gather3A_3963] : memref<8x8x8x128xf32, #tpu.memory_space<vmem>> -> memref<1x8x8x128xf32, #tpu.memory_space<vmem>>
      %gather3A_3965 = tpu.memref_squeeze %gather3A_3964 : memref<1x8x8x128xf32, #tpu.memory_space<vmem>> -> memref<8x8x128xf32, #tpu.memory_space<vmem>>
      %gather3A_3966 = tpu.vector_load_idx %gather3A_3965[%shift_right_logical3A_3956, %and3A_3959, %broadcast_in_dim3A_3928] : memref<8x8x128xf32, #tpu.memory_space<vmem>>[vector<16xi32>, vector<16xi32>, vector<16xi32>], vector<16xf32>,
      %swap3A_3967 = arith.constant 29 : i32
      %swap3A_3968 = arith.index_cast %swap3A_3967 : i32 to index
      %swap3A_3969 = arith.constant 16 : index
      %swap3A_3970 = tpu.vector_load %arg7[%swap3A_3968, %swap3A_3969] {strides = array<i32>} : memref<32x64xf32, #tpu.memory_space<vmem>>, vector<16xf32>,
      tpu.vector_store %arg7[%swap3A_3968, %swap3A_3969], %gather3A_3966 {strides = array<i32>} : memref<32x64xf32, #tpu.memory_space<vmem>>, vector<16xf32>,
      %iota3A_3971 = tpu.iota {dimensions = array<i32: 0>} : vector<16xi32>
      %add3A_3972 = arith.constant 32 : i32
      %add3A_3973 = vector.broadcast %add3A_3972 : i32 to vector<16xi32>
      %add3A_3974 = arith.addi %iota3A_3971, %add3A_3973 : vector<16xi32>
      %shift_right_logical3A_3975 = arith.constant 3 : i32
      %shift_right_logical3A_3976 = vector.broadcast %shift_right_logical3A_3975 : i32 to vector<16xi32>
      %shift_right_logical3A_3977 = arith.shrui %add3A_3974, %shift_right_logical3A_3976 : vector<16xi32>
      %and3A_3978 = arith.constant 7 : i32
      %and3A_3979 = vector.broadcast %and3A_3978 : i32 to vector<16xi32>
      %and3A_3980 = arith.andi %add3A_3974, %and3A_3979 : vector<16xi32>
      %gather3A_3981 = arith.constant 5 : i32
      %gather3A_3982 = arith.constant 0 : i32
      %gather3A_3983 = arith.constant 0 : i32
      %gather3A_3984 = arith.constant 0 : i32
      %gather3A_3985 = tpu.memref_slice %arg6[%gather3A_3981, %gather3A_3982, %gather3A_3983, %gather3A_3984] : memref<8x8x8x128xf32, #tpu.memory_space<vmem>> -> memref<1x8x8x128xf32, #tpu.memory_space<vmem>>
      %gather3A_3986 = tpu.memref_squeeze %gather3A_3985 : memref<1x8x8x128xf32, #tpu.memory_space<vmem>> -> memref<8x8x128xf32, #tpu.memory_space<vmem>>
      %gather3A_3987 = tpu.vector_load_idx %gather3A_3986[%shift_right_logical3A_3977, %and3A_3980, %broadcast_in_dim3A_3928] : memref<8x8x128xf32, #tpu.memory_space<vmem>>[vector<16xi32>, vector<16xi32>, vector<16xi32>], vector<16xf32>,
      %swap3A_3988 = arith.constant 29 : i32
      %swap3A_3989 = arith.index_cast %swap3A_3988 : i32 to index
      %swap3A_3990 = arith.constant 32 : index
      %swap3A_3991 = tpu.vector_load %arg7[%swap3A_3989, %swap3A_3990] {strides = array<i32>} : memref<32x64xf32, #tpu.memory_space<vmem>>, vector<16xf32>,
      tpu.vector_store %arg7[%swap3A_3989, %swap3A_3990], %gather3A_3987 {strides = array<i32>} : memref<32x64xf32, #tpu.memory_space<vmem>>, vector<16xf32>,
      %iota3A_3992 = tpu.iota {dimensions = array<i32: 0>} : vector<16xi32>
      %add3A_3993 = arith.constant 48 : i32
      %add3A_3994 = vector.broadcast %add3A_3993 : i32 to vector<16xi32>
      %add3A_3995 = arith.addi %iota3A_3992, %add3A_3994 : vector<16xi32>
      %shift_right_logical3A_3996 = arith.constant 3 : i32
      %shift_right_logical3A_3997 = vector.broadcast %shift_right_logical3A_3996 : i32 to vector<16xi32>
      %shift_right_logical3A_3998 = arith.shrui %add3A_3995, %shift_right_logical3A_3997 : vector<16xi32>
      %and3A_3999 = arith.constant 7 : i32
      %and3A_4000 = vector.broadcast %and3A_3999 : i32 to vector<16xi32>
      %and3A_4001 = arith.andi %add3A_3995, %and3A_4000 : vector<16xi32>
      %gather3A_4002 = arith.constant 5 : i32
      %gather3A_4003 = arith.constant 0 : i32
      %gather3A_4004 = arith.constant 0 : i32
      %gather3A_4005 = arith.constant 0 : i32
      %gather3A_4006 = tpu.memref_slice %arg6[%gather3A_4002, %gather3A_4003, %gather3A_4004, %gather3A_4005] : memref<8x8x8x128xf32, #tpu.memory_space<vmem>> -> memref<1x8x8x128xf32, #tpu.memory_space<vmem>>
      %gather3A_4007 = tpu.memref_squeeze %gather3A_4006 : memref<1x8x8x128xf32, #tpu.memory_space<vmem>> -> memref<8x8x128xf32, #tpu.memory_space<vmem>>
      %gather3A_4008 = tpu.vector_load_idx %gather3A_4007[%shift_right_logical3A_3998, %and3A_4001, %broadcast_in_dim3A_3928] : memref<8x8x128xf32, #tpu.memory_space<vmem>>[vector<16xi32>, vector<16xi32>, vector<16xi32>], vector<16xf32>,
      %swap3A_4009 = arith.constant 29 : i32
      %swap3A_4010 = arith.index_cast %swap3A_4009 : i32 to index
      %swap3A_4011 = arith.constant 48 : index
      %swap3A_4012 = tpu.vector_load %arg7[%swap3A_4010, %swap3A_4011] {strides = array<i32>} : memref<32x64xf32, #tpu.memory_space<vmem>>, vector<16xf32>,
      tpu.vector_store %arg7[%swap3A_4010, %swap3A_4011], %gather3A_4008 {strides = array<i32>} : memref<32x64xf32, #tpu.memory_space<vmem>>, vector<16xf32>,
      %add3A_4013 = arith.constant 1 : i32
      %add3A_4014 = arith.addi %scan3A_168, %add3A_4013 : i32
      %lt3A_4015 = arith.constant 16 : i32
      %lt3A_4016 = arith.cmpi slt, %add3A_4014, %lt3A_4015 : i32
      %convert_element_type3A_4017 = arith.extui %lt3A_4016 : i1 to i32
      %cond3A_4018 = arith.constant 0 : i32
      %cond3A_4019 = arith.cmpi ne, %convert_element_type3A_4017, %cond3A_4018 : i32
      scf.if %cond3A_4019 {
        %slice3A_4253 = vector.extract_strided_slice %cond3A_175#0 {offsets = [4], sizes = [1], strides = [1]} : vector<16xi32> to vector<1xi32>
        %squeeze3A_4254 = vector.extract %slice3A_4253[0] : i32 from vector<1xi32>
        %shift_right_logical3A_4255 = arith.constant 7 : i32
        %shift_right_logical3A_4256 = arith.shrui %squeeze3A_4254, %shift_right_logical3A_4255 : i32
        %mul3A_4257 = arith.constant 128 : i32
        %mul3A_4258 = arith.muli %shift_right_logical3A_4256, %mul3A_4257 : i32
        %dma_start3A_4259 = arith.constant 4 : i32
        %dma_start3A_4260 = arith.constant 0 : i32
        %dma_start3A_4261 = arith.constant 0 : i32
        %dma_start3A_4262 = arith.constant 0 : i32
        %dma_start3A_4263 = tpu.memref_slice %arg6[%dma_start3A_4259, %dma_start3A_4260, %dma_start3A_4261, %dma_start3A_4262] : memref<8x8x8x128xf32, #tpu.memory_space<vmem>> -> memref<1x8x8x128xf32, #tpu.memory_space<vmem>>
        %dma_start3A_4264 = tpu.memref_squeeze %dma_start3A_4263 : memref<1x8x8x128xf32, #tpu.memory_space<vmem>> -> memref<8x8x128xf32, #tpu.memory_space<vmem>>
        %dma_start3A_4265 = arith.constant 0 : i32
        %dma_start3A_4266 = arith.constant 0 : i32
        %dma_start3A_4267 = tpu.memref_slice %arg3[%dma_start3A_4265, %dma_start3A_4266, %mul3A_4258] : memref<8x8x1000000xf32, #tpu.memory_space<hbm>> -> memref<8x8x128xf32, #tpu.memory_space<hbm>>
        %dma_start3A_4268 = arith.constant 0 : i32
        %dma_start3A_4269 = arith.constant 0 : i32
        %dma_start3A_4270 = arith.constant 0 : i32
        %dma_start3A_4271 = tpu.memref_slice %arg6[%dma_start3A_4259, %dma_start3A_4268, %dma_start3A_4269, %dma_start3A_4270] : memref<8x8x8x128xf32, #tpu.memory_space<vmem>> -> memref<1x8x8x128xf32, #tpu.memory_space<vmem>>
        %dma_start3A_4272 = tpu.memref_squeeze %dma_start3A_4271 : memref<1x8x8x128xf32, #tpu.memory_space<vmem>> -> memref<8x8x128xf32, #tpu.memory_space<vmem>>
        %dma_start3A_4273 = arith.constant 0 : i32
        %dma_start3A_4274 = arith.constant 0 : i32
        %dma_start3A_4275 = tpu.memref_slice %arg3[%dma_start3A_4273, %dma_start3A_4274, %mul3A_4258] : memref<8x8x1000000xf32, #tpu.memory_space<hbm>> -> memref<8x8x128xf32, #tpu.memory_space<hbm>>
        tpu.enqueue_dma source(%dma_start3A_4275 : memref<8x8x128xf32, #tpu.memory_space<hbm>>) target(%dma_start3A_4272 : memref<8x8x128xf32, #tpu.memory_space<vmem>>) target_semaphore(%arg12 : memref<!tpu.dma_semaphore, #tpu.memory_space<semaphore_mem>>)
      } else {
      }
      %dma_wait3A_4020 = arith.constant 6 : i32
      %dma_wait3A_4021 = arith.constant 0 : i32
      %dma_wait3A_4022 = arith.constant 0 : i32
      %dma_wait3A_4023 = arith.constant 0 : i32
      %dma_wait3A_4024 = tpu.memref_slice %arg6[%dma_wait3A_4020, %dma_wait3A_4021, %dma_wait3A_4022, %dma_wait3A_4023] : memref<8x8x8x128xf32, #tpu.memory_space<vmem>> -> memref<1x8x8x128xf32, #tpu.memory_space<vmem>>
      %dma_wait3A_4025 = tpu.memref_squeeze %dma_wait3A_4024 : memref<1x8x8x128xf32, #tpu.memory_space<vmem>> -> memref<8x8x128xf32, #tpu.memory_space<vmem>>
      %dma_wait3A_4026 = arith.constant 0 : i32
      %dma_wait3A_4027 = arith.constant 0 : i32
      %dma_wait3A_4028 = arith.constant 0 : i32
      %dma_wait3A_4029 = tpu.memref_slice %arg3[%dma_wait3A_4026, %dma_wait3A_4027, %dma_wait3A_4028] : memref<8x8x1000000xf32, #tpu.memory_space<hbm>> -> memref<8x8x128xf32, #tpu.memory_space<hbm>>
      %dma_wait3A_4030 = arith.constant 0 : i32
      %dma_wait3A_4031 = arith.constant 0 : i32
      %dma_wait3A_4032 = arith.constant 0 : i32
      %dma_wait3A_4033 = tpu.memref_slice %arg6[%dma_wait3A_4020, %dma_wait3A_4030, %dma_wait3A_4031, %dma_wait3A_4032] : memref<8x8x8x128xf32, #tpu.memory_space<vmem>> -> memref<1x8x8x128xf32, #tpu.memory_space<vmem>>
      %dma_wait3A_4034 = tpu.memref_squeeze %dma_wait3A_4033 : memref<1x8x8x128xf32, #tpu.memory_space<vmem>> -> memref<8x8x128xf32, #tpu.memory_space<vmem>>
      %dma_wait3A_4035 = arith.constant 0 : i32
      %dma_wait3A_4036 = arith.constant 0 : i32
      %dma_wait3A_4037 = arith.constant 0 : i32
      %dma_wait3A_4038 = tpu.memref_slice %arg3[%dma_wait3A_4035, %dma_wait3A_4036, %dma_wait3A_4037] : memref<8x8x1000000xf32, #tpu.memory_space<hbm>> -> memref<8x8x128xf32, #tpu.memory_space<hbm>>
      tpu.wait_dma2 semaphore(%arg14 : memref<!tpu.dma_semaphore, #tpu.memory_space<semaphore_mem>>) src(%dma_wait3A_4038 : memref<8x8x128xf32, #tpu.memory_space<hbm>>) dst(%dma_wait3A_4034 : memref<8x8x128xf32, #tpu.memory_space<vmem>>)
      %slice3A_4039 = vector.extract_strided_slice %scan3A_170 {offsets = [14], sizes = [1], strides = [1]} : vector<16xi32> to vector<1xi32>
      %squeeze3A_4040 = vector.extract %slice3A_4039[0] : i32 from vector<1xi32>
      %and3A_4041 = arith.constant 127 : i32
      %and3A_4042 = arith.andi %squeeze3A_4040, %and3A_4041 : i32
      %broadcast_in_dim3A_4043 = vector.broadcast %and3A_4042 : i32 to vector<16xi32>
      %iota3A_4044 = tpu.iota {dimensions = array<i32: 0>} : vector<16xi32>
      %add3A_4045 = arith.constant 0 : i32
      %add3A_4046 = vector.broadcast %add3A_4045 : i32 to vector<16xi32>
      %add3A_4047 = arith.addi %iota3A_4044, %add3A_4046 : vector<16xi32>
      %shift_right_logical3A_4048 = arith.constant 3 : i32
      %shift_right_logical3A_4049 = vector.broadcast %shift_right_logical3A_4048 : i32 to vector<16xi32>
      %shift_right_logical3A_4050 = arith.shrui %add3A_4047, %shift_right_logical3A_4049 : vector<16xi32>
      %and3A_4051 = arith.constant 7 : i32
      %and3A_4052 = vector.broadcast %and3A_4051 : i32 to vector<16xi32>
      %and3A_4053 = arith.andi %add3A_4047, %and3A_4052 : vector<16xi32>
      %gather3A_4054 = arith.constant 6 : i32
      %gather3A_4055 = arith.constant 0 : i32
      %gather3A_4056 = arith.constant 0 : i32
      %gather3A_4057 = arith.constant 0 : i32
      %gather3A_4058 = tpu.memref_slice %arg6[%gather3A_4054, %gather3A_4055, %gather3A_4056, %gather3A_4057] : memref<8x8x8x128xf32, #tpu.memory_space<vmem>> -> memref<1x8x8x128xf32, #tpu.memory_space<vmem>>
      %gather3A_4059 = tpu.memref_squeeze %gather3A_4058 : memref<1x8x8x128xf32, #tpu.memory_space<vmem>> -> memref<8x8x128xf32, #tpu.memory_space<vmem>>
      %gather3A_4060 = tpu.vector_load_idx %gather3A_4059[%shift_right_logical3A_4050, %and3A_4053, %broadcast_in_dim3A_4043] : memref<8x8x128xf32, #tpu.memory_space<vmem>>[vector<16xi32>, vector<16xi32>, vector<16xi32>], vector<16xf32>,
      %swap3A_4061 = arith.constant 30 : i32
      %swap3A_4062 = arith.index_cast %swap3A_4061 : i32 to index
      %swap3A_4063 = arith.constant 0 : index
      %swap3A_4064 = tpu.vector_load %arg7[%swap3A_4062, %swap3A_4063] {strides = array<i32>} : memref<32x64xf32, #tpu.memory_space<vmem>>, vector<16xf32>,
      tpu.vector_store %arg7[%swap3A_4062, %swap3A_4063], %gather3A_4060 {strides = array<i32>} : memref<32x64xf32, #tpu.memory_space<vmem>>, vector<16xf32>,
      %iota3A_4065 = tpu.iota {dimensions = array<i32: 0>} : vector<16xi32>
      %add3A_4066 = arith.constant 16 : i32
      %add3A_4067 = vector.broadcast %add3A_4066 : i32 to vector<16xi32>
      %add3A_4068 = arith.addi %iota3A_4065, %add3A_4067 : vector<16xi32>
      %shift_right_logical3A_4069 = arith.constant 3 : i32
      %shift_right_logical3A_4070 = vector.broadcast %shift_right_logical3A_4069 : i32 to vector<16xi32>
      %shift_right_logical3A_4071 = arith.shrui %add3A_4068, %shift_right_logical3A_4070 : vector<16xi32>
      %and3A_4072 = arith.constant 7 : i32
      %and3A_4073 = vector.broadcast %and3A_4072 : i32 to vector<16xi32>
      %and3A_4074 = arith.andi %add3A_4068, %and3A_4073 : vector<16xi32>
      %gather3A_4075 = arith.constant 6 : i32
      %gather3A_4076 = arith.constant 0 : i32
      %gather3A_4077 = arith.constant 0 : i32
      %gather3A_4078 = arith.constant 0 : i32
      %gather3A_4079 = tpu.memref_slice %arg6[%gather3A_4075, %gather3A_4076, %gather3A_4077, %gather3A_4078] : memref<8x8x8x128xf32, #tpu.memory_space<vmem>> -> memref<1x8x8x128xf32, #tpu.memory_space<vmem>>
      %gather3A_4080 = tpu.memref_squeeze %gather3A_4079 : memref<1x8x8x128xf32, #tpu.memory_space<vmem>> -> memref<8x8x128xf32, #tpu.memory_space<vmem>>
      %gather3A_4081 = tpu.vector_load_idx %gather3A_4080[%shift_right_logical3A_4071, %and3A_4074, %broadcast_in_dim3A_4043] : memref<8x8x128xf32, #tpu.memory_space<vmem>>[vector<16xi32>, vector<16xi32>, vector<16xi32>], vector<16xf32>,
      %swap3A_4082 = arith.constant 30 : i32
      %swap3A_4083 = arith.index_cast %swap3A_4082 : i32 to index
      %swap3A_4084 = arith.constant 16 : index
      %swap3A_4085 = tpu.vector_load %arg7[%swap3A_4083, %swap3A_4084] {strides = array<i32>} : memref<32x64xf32, #tpu.memory_space<vmem>>, vector<16xf32>,
      tpu.vector_store %arg7[%swap3A_4083, %swap3A_4084], %gather3A_4081 {strides = array<i32>} : memref<32x64xf32, #tpu.memory_space<vmem>>, vector<16xf32>,
      %iota3A_4086 = tpu.iota {dimensions = array<i32: 0>} : vector<16xi32>
      %add3A_4087 = arith.constant 32 : i32
      %add3A_4088 = vector.broadcast %add3A_4087 : i32 to vector<16xi32>
      %add3A_4089 = arith.addi %iota3A_4086, %add3A_4088 : vector<16xi32>
      %shift_right_logical3A_4090 = arith.constant 3 : i32
      %shift_right_logical3A_4091 = vector.broadcast %shift_right_logical3A_4090 : i32 to vector<16xi32>
      %shift_right_logical3A_4092 = arith.shrui %add3A_4089, %shift_right_logical3A_4091 : vector<16xi32>
      %and3A_4093 = arith.constant 7 : i32
      %and3A_4094 = vector.broadcast %and3A_4093 : i32 to vector<16xi32>
      %and3A_4095 = arith.andi %add3A_4089, %and3A_4094 : vector<16xi32>
      %gather3A_4096 = arith.constant 6 : i32
      %gather3A_4097 = arith.constant 0 : i32
      %gather3A_4098 = arith.constant 0 : i32
      %gather3A_4099 = arith.constant 0 : i32
      %gather3A_4100 = tpu.memref_slice %arg6[%gather3A_4096, %gather3A_4097, %gather3A_4098, %gather3A_4099] : memref<8x8x8x128xf32, #tpu.memory_space<vmem>> -> memref<1x8x8x128xf32, #tpu.memory_space<vmem>>
      %gather3A_4101 = tpu.memref_squeeze %gather3A_4100 : memref<1x8x8x128xf32, #tpu.memory_space<vmem>> -> memref<8x8x128xf32, #tpu.memory_space<vmem>>
      %gather3A_4102 = tpu.vector_load_idx %gather3A_4101[%shift_right_logical3A_4092, %and3A_4095, %broadcast_in_dim3A_4043] : memref<8x8x128xf32, #tpu.memory_space<vmem>>[vector<16xi32>, vector<16xi32>, vector<16xi32>], vector<16xf32>,
      %swap3A_4103 = arith.constant 30 : i32
      %swap3A_4104 = arith.index_cast %swap3A_4103 : i32 to index
      %swap3A_4105 = arith.constant 32 : index
      %swap3A_4106 = tpu.vector_load %arg7[%swap3A_4104, %swap3A_4105] {strides = array<i32>} : memref<32x64xf32, #tpu.memory_space<vmem>>, vector<16xf32>,
      tpu.vector_store %arg7[%swap3A_4104, %swap3A_4105], %gather3A_4102 {strides = array<i32>} : memref<32x64xf32, #tpu.memory_space<vmem>>, vector<16xf32>,
      %iota3A_4107 = tpu.iota {dimensions = array<i32: 0>} : vector<16xi32>
      %add3A_4108 = arith.constant 48 : i32
      %add3A_4109 = vector.broadcast %add3A_4108 : i32 to vector<16xi32>
      %add3A_4110 = arith.addi %iota3A_4107, %add3A_4109 : vector<16xi32>
      %shift_right_logical3A_4111 = arith.constant 3 : i32
      %shift_right_logical3A_4112 = vector.broadcast %shift_right_logical3A_4111 : i32 to vector<16xi32>
      %shift_right_logical3A_4113 = arith.shrui %add3A_4110, %shift_right_logical3A_4112 : vector<16xi32>
      %and3A_4114 = arith.constant 7 : i32
      %and3A_4115 = vector.broadcast %and3A_4114 : i32 to vector<16xi32>
      %and3A_4116 = arith.andi %add3A_4110, %and3A_4115 : vector<16xi32>
      %gather3A_4117 = arith.constant 6 : i32
      %gather3A_4118 = arith.constant 0 : i32
      %gather3A_4119 = arith.constant 0 : i32
      %gather3A_4120 = arith.constant 0 : i32
      %gather3A_4121 = tpu.memref_slice %arg6[%gather3A_4117, %gather3A_4118, %gather3A_4119, %gather3A_4120] : memref<8x8x8x128xf32, #tpu.memory_space<vmem>> -> memref<1x8x8x128xf32, #tpu.memory_space<vmem>>
      %gather3A_4122 = tpu.memref_squeeze %gather3A_4121 : memref<1x8x8x128xf32, #tpu.memory_space<vmem>> -> memref<8x8x128xf32, #tpu.memory_space<vmem>>
      %gather3A_4123 = tpu.vector_load_idx %gather3A_4122[%shift_right_logical3A_4113, %and3A_4116, %broadcast_in_dim3A_4043] : memref<8x8x128xf32, #tpu.memory_space<vmem>>[vector<16xi32>, vector<16xi32>, vector<16xi32>], vector<16xf32>,
      %swap3A_4124 = arith.constant 30 : i32
      %swap3A_4125 = arith.index_cast %swap3A_4124 : i32 to index
      %swap3A_4126 = arith.constant 48 : index
      %swap3A_4127 = tpu.vector_load %arg7[%swap3A_4125, %swap3A_4126] {strides = array<i32>} : memref<32x64xf32, #tpu.memory_space<vmem>>, vector<16xf32>,
      tpu.vector_store %arg7[%swap3A_4125, %swap3A_4126], %gather3A_4123 {strides = array<i32>} : memref<32x64xf32, #tpu.memory_space<vmem>>, vector<16xf32>,
      %add3A_4128 = arith.constant 1 : i32
      %add3A_4129 = arith.addi %scan3A_168, %add3A_4128 : i32
      %lt3A_4130 = arith.constant 16 : i32
      %lt3A_4131 = arith.cmpi slt, %add3A_4129, %lt3A_4130 : i32
      %convert_element_type3A_4132 = arith.extui %lt3A_4131 : i1 to i32
      %cond3A_4133 = arith.constant 0 : i32
      %cond3A_4134 = arith.cmpi ne, %convert_element_type3A_4132, %cond3A_4133 : i32
      scf.if %cond3A_4134 {
        %slice3A_4253 = vector.extract_strided_slice %cond3A_175#0 {offsets = [5], sizes = [1], strides = [1]} : vector<16xi32> to vector<1xi32>
        %squeeze3A_4254 = vector.extract %slice3A_4253[0] : i32 from vector<1xi32>
        %shift_right_logical3A_4255 = arith.constant 7 : i32
        %shift_right_logical3A_4256 = arith.shrui %squeeze3A_4254, %shift_right_logical3A_4255 : i32
        %mul3A_4257 = arith.constant 128 : i32
        %mul3A_4258 = arith.muli %shift_right_logical3A_4256, %mul3A_4257 : i32
        %dma_start3A_4259 = arith.constant 5 : i32
        %dma_start3A_4260 = arith.constant 0 : i32
        %dma_start3A_4261 = arith.constant 0 : i32
        %dma_start3A_4262 = arith.constant 0 : i32
        %dma_start3A_4263 = tpu.memref_slice %arg6[%dma_start3A_4259, %dma_start3A_4260, %dma_start3A_4261, %dma_start3A_4262] : memref<8x8x8x128xf32, #tpu.memory_space<vmem>> -> memref<1x8x8x128xf32, #tpu.memory_space<vmem>>
        %dma_start3A_4264 = tpu.memref_squeeze %dma_start3A_4263 : memref<1x8x8x128xf32, #tpu.memory_space<vmem>> -> memref<8x8x128xf32, #tpu.memory_space<vmem>>
        %dma_start3A_4265 = arith.constant 0 : i32
        %dma_start3A_4266 = arith.constant 0 : i32
        %dma_start3A_4267 = tpu.memref_slice %arg3[%dma_start3A_4265, %dma_start3A_4266, %mul3A_4258] : memref<8x8x1000000xf32, #tpu.memory_space<hbm>> -> memref<8x8x128xf32, #tpu.memory_space<hbm>>
        %dma_start3A_4268 = arith.constant 0 : i32
        %dma_start3A_4269 = arith.constant 0 : i32
        %dma_start3A_4270 = arith.constant 0 : i32
        %dma_start3A_4271 = tpu.memref_slice %arg6[%dma_start3A_4259, %dma_start3A_4268, %dma_start3A_4269, %dma_start3A_4270] : memref<8x8x8x128xf32, #tpu.memory_space<vmem>> -> memref<1x8x8x128xf32, #tpu.memory_space<vmem>>
        %dma_start3A_4272 = tpu.memref_squeeze %dma_start3A_4271 : memref<1x8x8x128xf32, #tpu.memory_space<vmem>> -> memref<8x8x128xf32, #tpu.memory_space<vmem>>
        %dma_start3A_4273 = arith.constant 0 : i32
        %dma_start3A_4274 = arith.constant 0 : i32
        %dma_start3A_4275 = tpu.memref_slice %arg3[%dma_start3A_4273, %dma_start3A_4274, %mul3A_4258] : memref<8x8x1000000xf32, #tpu.memory_space<hbm>> -> memref<8x8x128xf32, #tpu.memory_space<hbm>>
        tpu.enqueue_dma source(%dma_start3A_4275 : memref<8x8x128xf32, #tpu.memory_space<hbm>>) target(%dma_start3A_4272 : memref<8x8x128xf32, #tpu.memory_space<vmem>>) target_semaphore(%arg13 : memref<!tpu.dma_semaphore, #tpu.memory_space<semaphore_mem>>)
      } else {
      }
      %dma_wait3A_4135 = arith.constant 7 : i32
      %dma_wait3A_4136 = arith.constant 0 : i32
      %dma_wait3A_4137 = arith.constant 0 : i32
      %dma_wait3A_4138 = arith.constant 0 : i32
      %dma_wait3A_4139 = tpu.memref_slice %arg6[%dma_wait3A_4135, %dma_wait3A_4136, %dma_wait3A_4137, %dma_wait3A_4138] : memref<8x8x8x128xf32, #tpu.memory_space<vmem>> -> memref<1x8x8x128xf32, #tpu.memory_space<vmem>>
      %dma_wait3A_4140 = tpu.memref_squeeze %dma_wait3A_4139 : memref<1x8x8x128xf32, #tpu.memory_space<vmem>> -> memref<8x8x128xf32, #tpu.memory_space<vmem>>
      %dma_wait3A_4141 = arith.constant 0 : i32
      %dma_wait3A_4142 = arith.constant 0 : i32
      %dma_wait3A_4143 = arith.constant 0 : i32
      %dma_wait3A_4144 = tpu.memref_slice %arg3[%dma_wait3A_4141, %dma_wait3A_4142, %dma_wait3A_4143] : memref<8x8x1000000xf32, #tpu.memory_space<hbm>> -> memref<8x8x128xf32, #tpu.memory_space<hbm>>
      %dma_wait3A_4145 = arith.constant 0 : i32
      %dma_wait3A_4146 = arith.constant 0 : i32
      %dma_wait3A_4147 = arith.constant 0 : i32
      %dma_wait3A_4148 = tpu.memref_slice %arg6[%dma_wait3A_4135, %dma_wait3A_4145, %dma_wait3A_4146, %dma_wait3A_4147] : memref<8x8x8x128xf32, #tpu.memory_space<vmem>> -> memref<1x8x8x128xf32, #tpu.memory_space<vmem>>
      %dma_wait3A_4149 = tpu.memref_squeeze %dma_wait3A_4148 : memref<1x8x8x128xf32, #tpu.memory_space<vmem>> -> memref<8x8x128xf32, #tpu.memory_space<vmem>>
      %dma_wait3A_4150 = arith.constant 0 : i32
      %dma_wait3A_4151 = arith.constant 0 : i32
      %dma_wait3A_4152 = arith.constant 0 : i32
      %dma_wait3A_4153 = tpu.memref_slice %arg3[%dma_wait3A_4150, %dma_wait3A_4151, %dma_wait3A_4152] : memref<8x8x1000000xf32, #tpu.memory_space<hbm>> -> memref<8x8x128xf32, #tpu.memory_space<hbm>>
      tpu.wait_dma2 semaphore(%arg15 : memref<!tpu.dma_semaphore, #tpu.memory_space<semaphore_mem>>) src(%dma_wait3A_4153 : memref<8x8x128xf32, #tpu.memory_space<hbm>>) dst(%dma_wait3A_4149 : memref<8x8x128xf32, #tpu.memory_space<vmem>>)
      %slice3A_4154 = vector.extract_strided_slice %scan3A_170 {offsets = [15], sizes = [1], strides = [1]} : vector<16xi32> to vector<1xi32>
      %squeeze3A_4155 = vector.extract %slice3A_4154[0] : i32 from vector<1xi32>
      %and3A_4156 = arith.constant 127 : i32
      %and3A_4157 = arith.andi %squeeze3A_4155, %and3A_4156 : i32
      %broadcast_in_dim3A_4158 = vector.broadcast %and3A_4157 : i32 to vector<16xi32>
      %iota3A_4159 = tpu.iota {dimensions = array<i32: 0>} : vector<16xi32>
      %add3A_4160 = arith.constant 0 : i32
      %add3A_4161 = vector.broadcast %add3A_4160 : i32 to vector<16xi32>
      %add3A_4162 = arith.addi %iota3A_4159, %add3A_4161 : vector<16xi32>
      %shift_right_logical3A_4163 = arith.constant 3 : i32
      %shift_right_logical3A_4164 = vector.broadcast %shift_right_logical3A_4163 : i32 to vector<16xi32>
      %shift_right_logical3A_4165 = arith.shrui %add3A_4162, %shift_right_logical3A_4164 : vector<16xi32>
      %and3A_4166 = arith.constant 7 : i32
      %and3A_4167 = vector.broadcast %and3A_4166 : i32 to vector<16xi32>
      %and3A_4168 = arith.andi %add3A_4162, %and3A_4167 : vector<16xi32>
      %gather3A_4169 = arith.constant 7 : i32
      %gather3A_4170 = arith.constant 0 : i32
      %gather3A_4171 = arith.constant 0 : i32
      %gather3A_4172 = arith.constant 0 : i32
      %gather3A_4173 = tpu.memref_slice %arg6[%gather3A_4169, %gather3A_4170, %gather3A_4171, %gather3A_4172] : memref<8x8x8x128xf32, #tpu.memory_space<vmem>> -> memref<1x8x8x128xf32, #tpu.memory_space<vmem>>
      %gather3A_4174 = tpu.memref_squeeze %gather3A_4173 : memref<1x8x8x128xf32, #tpu.memory_space<vmem>> -> memref<8x8x128xf32, #tpu.memory_space<vmem>>
      %gather3A_4175 = tpu.vector_load_idx %gather3A_4174[%shift_right_logical3A_4165, %and3A_4168, %broadcast_in_dim3A_4158] : memref<8x8x128xf32, #tpu.memory_space<vmem>>[vector<16xi32>, vector<16xi32>, vector<16xi32>], vector<16xf32>,
      %swap3A_4176 = arith.constant 31 : i32
      %swap3A_4177 = arith.index_cast %swap3A_4176 : i32 to index
      %swap3A_4178 = arith.constant 0 : index
      %swap3A_4179 = tpu.vector_load %arg7[%swap3A_4177, %swap3A_4178] {strides = array<i32>} : memref<32x64xf32, #tpu.memory_space<vmem>>, vector<16xf32>,
      tpu.vector_store %arg7[%swap3A_4177, %swap3A_4178], %gather3A_4175 {strides = array<i32>} : memref<32x64xf32, #tpu.memory_space<vmem>>, vector<16xf32>,
      %iota3A_4180 = tpu.iota {dimensions = array<i32: 0>} : vector<16xi32>
      %add3A_4181 = arith.constant 16 : i32
      %add3A_4182 = vector.broadcast %add3A_4181 : i32 to vector<16xi32>
      %add3A_4183 = arith.addi %iota3A_4180, %add3A_4182 : vector<16xi32>
      %shift_right_logical3A_4184 = arith.constant 3 : i32
      %shift_right_logical3A_4185 = vector.broadcast %shift_right_logical3A_4184 : i32 to vector<16xi32>
      %shift_right_logical3A_4186 = arith.shrui %add3A_4183, %shift_right_logical3A_4185 : vector<16xi32>
      %and3A_4187 = arith.constant 7 : i32
      %and3A_4188 = vector.broadcast %and3A_4187 : i32 to vector<16xi32>
      %and3A_4189 = arith.andi %add3A_4183, %and3A_4188 : vector<16xi32>
      %gather3A_4190 = arith.constant 7 : i32
      %gather3A_4191 = arith.constant 0 : i32
      %gather3A_4192 = arith.constant 0 : i32
      %gather3A_4193 = arith.constant 0 : i32
      %gather3A_4194 = tpu.memref_slice %arg6[%gather3A_4190, %gather3A_4191, %gather3A_4192, %gather3A_4193] : memref<8x8x8x128xf32, #tpu.memory_space<vmem>> -> memref<1x8x8x128xf32, #tpu.memory_space<vmem>>
      %gather3A_4195 = tpu.memref_squeeze %gather3A_4194 : memref<1x8x8x128xf32, #tpu.memory_space<vmem>> -> memref<8x8x128xf32, #tpu.memory_space<vmem>>
      %gather3A_4196 = tpu.vector_load_idx %gather3A_4195[%shift_right_logical3A_4186, %and3A_4189, %broadcast_in_dim3A_4158] : memref<8x8x128xf32, #tpu.memory_space<vmem>>[vector<16xi32>, vector<16xi32>, vector<16xi32>], vector<16xf32>,
      %swap3A_4197 = arith.constant 31 : i32
      %swap3A_4198 = arith.index_cast %swap3A_4197 : i32 to index
      %swap3A_4199 = arith.constant 16 : index
      %swap3A_4200 = tpu.vector_load %arg7[%swap3A_4198, %swap3A_4199] {strides = array<i32>} : memref<32x64xf32, #tpu.memory_space<vmem>>, vector<16xf32>,
      tpu.vector_store %arg7[%swap3A_4198, %swap3A_4199], %gather3A_4196 {strides = array<i32>} : memref<32x64xf32, #tpu.memory_space<vmem>>, vector<16xf32>,
      %iota3A_4201 = tpu.iota {dimensions = array<i32: 0>} : vector<16xi32>
      %add3A_4202 = arith.constant 32 : i32
      %add3A_4203 = vector.broadcast %add3A_4202 : i32 to vector<16xi32>
      %add3A_4204 = arith.addi %iota3A_4201, %add3A_4203 : vector<16xi32>
      %shift_right_logical3A_4205 = arith.constant 3 : i32
      %shift_right_logical3A_4206 = vector.broadcast %shift_right_logical3A_4205 : i32 to vector<16xi32>
      %shift_right_logical3A_4207 = arith.shrui %add3A_4204, %shift_right_logical3A_4206 : vector<16xi32>
      %and3A_4208 = arith.constant 7 : i32
      %and3A_4209 = vector.broadcast %and3A_4208 : i32 to vector<16xi32>
      %and3A_4210 = arith.andi %add3A_4204, %and3A_4209 : vector<16xi32>
      %gather3A_4211 = arith.constant 7 : i32
      %gather3A_4212 = arith.constant 0 : i32
      %gather3A_4213 = arith.constant 0 : i32
      %gather3A_4214 = arith.constant 0 : i32
      %gather3A_4215 = tpu.memref_slice %arg6[%gather3A_4211, %gather3A_4212, %gather3A_4213, %gather3A_4214] : memref<8x8x8x128xf32, #tpu.memory_space<vmem>> -> memref<1x8x8x128xf32, #tpu.memory_space<vmem>>
      %gather3A_4216 = tpu.memref_squeeze %gather3A_4215 : memref<1x8x8x128xf32, #tpu.memory_space<vmem>> -> memref<8x8x128xf32, #tpu.memory_space<vmem>>
      %gather3A_4217 = tpu.vector_load_idx %gather3A_4216[%shift_right_logical3A_4207, %and3A_4210, %broadcast_in_dim3A_4158] : memref<8x8x128xf32, #tpu.memory_space<vmem>>[vector<16xi32>, vector<16xi32>, vector<16xi32>], vector<16xf32>,
      %swap3A_4218 = arith.constant 31 : i32
      %swap3A_4219 = arith.index_cast %swap3A_4218 : i32 to index
      %swap3A_4220 = arith.constant 32 : index
      %swap3A_4221 = tpu.vector_load %arg7[%swap3A_4219, %swap3A_4220] {strides = array<i32>} : memref<32x64xf32, #tpu.memory_space<vmem>>, vector<16xf32>,
      tpu.vector_store %arg7[%swap3A_4219, %swap3A_4220], %gather3A_4217 {strides = array<i32>} : memref<32x64xf32, #tpu.memory_space<vmem>>, vector<16xf32>,
      %iota3A_4222 = tpu.iota {dimensions = array<i32: 0>} : vector<16xi32>
      %add3A_4223 = arith.constant 48 : i32
      %add3A_4224 = vector.broadcast %add3A_4223 : i32 to vector<16xi32>
      %add3A_4225 = arith.addi %iota3A_4222, %add3A_4224 : vector<16xi32>
      %shift_right_logical3A_4226 = arith.constant 3 : i32
      %shift_right_logical3A_4227 = vector.broadcast %shift_right_logical3A_4226 : i32 to vector<16xi32>
      %shift_right_logical3A_4228 = arith.shrui %add3A_4225, %shift_right_logical3A_4227 : vector<16xi32>
      %and3A_4229 = arith.constant 7 : i32
      %and3A_4230 = vector.broadcast %and3A_4229 : i32 to vector<16xi32>
      %and3A_4231 = arith.andi %add3A_4225, %and3A_4230 : vector<16xi32>
      %gather3A_4232 = arith.constant 7 : i32
      %gather3A_4233 = arith.constant 0 : i32
      %gather3A_4234 = arith.constant 0 : i32
      %gather3A_4235 = arith.constant 0 : i32
      %gather3A_4236 = tpu.memref_slice %arg6[%gather3A_4232, %gather3A_4233, %gather3A_4234, %gather3A_4235] : memref<8x8x8x128xf32, #tpu.memory_space<vmem>> -> memref<1x8x8x128xf32, #tpu.memory_space<vmem>>
      %gather3A_4237 = tpu.memref_squeeze %gather3A_4236 : memref<1x8x8x128xf32, #tpu.memory_space<vmem>> -> memref<8x8x128xf32, #tpu.memory_space<vmem>>
      %gather3A_4238 = tpu.vector_load_idx %gather3A_4237[%shift_right_logical3A_4228, %and3A_4231, %broadcast_in_dim3A_4158] : memref<8x8x128xf32, #tpu.memory_space<vmem>>[vector<16xi32>, vector<16xi32>, vector<16xi32>], vector<16xf32>,
      %swap3A_4239 = arith.constant 31 : i32
      %swap3A_4240 = arith.index_cast %swap3A_4239 : i32 to index
      %swap3A_4241 = arith.constant 48 : index
      %swap3A_4242 = tpu.vector_load %arg7[%swap3A_4240, %swap3A_4241] {strides = array<i32>} : memref<32x64xf32, #tpu.memory_space<vmem>>, vector<16xf32>,
      tpu.vector_store %arg7[%swap3A_4240, %swap3A_4241], %gather3A_4238 {strides = array<i32>} : memref<32x64xf32, #tpu.memory_space<vmem>>, vector<16xf32>,
      %add3A_4243 = arith.constant 1 : i32
      %add3A_4244 = arith.addi %scan3A_168, %add3A_4243 : i32
      %lt3A_4245 = arith.constant 16 : i32
      %lt3A_4246 = arith.cmpi slt, %add3A_4244, %lt3A_4245 : i32
      %convert_element_type3A_4247 = arith.extui %lt3A_4246 : i1 to i32
      %cond3A_4248 = arith.constant 0 : i32
      %cond3A_4249 = arith.cmpi ne, %convert_element_type3A_4247, %cond3A_4248 : i32
      scf.if %cond3A_4249 {
        %slice3A_4253 = vector.extract_strided_slice %cond3A_175#0 {offsets = [6], sizes = [1], strides = [1]} : vector<16xi32> to vector<1xi32>
        %squeeze3A_4254 = vector.extract %slice3A_4253[0] : i32 from vector<1xi32>
        %shift_right_logical3A_4255 = arith.constant 7 : i32
        %shift_right_logical3A_4256 = arith.shrui %squeeze3A_4254, %shift_right_logical3A_4255 : i32
        %mul3A_4257 = arith.constant 128 : i32
        %mul3A_4258 = arith.muli %shift_right_logical3A_4256, %mul3A_4257 : i32
        %dma_start3A_4259 = arith.constant 6 : i32
        %dma_start3A_4260 = arith.constant 0 : i32
        %dma_start3A_4261 = arith.constant 0 : i32
        %dma_start3A_4262 = arith.constant 0 : i32
        %dma_start3A_4263 = tpu.memref_slice %arg6[%dma_start3A_4259, %dma_start3A_4260, %dma_start3A_4261, %dma_start3A_4262] : memref<8x8x8x128xf32, #tpu.memory_space<vmem>> -> memref<1x8x8x128xf32, #tpu.memory_space<vmem>>
        %dma_start3A_4264 = tpu.memref_squeeze %dma_start3A_4263 : memref<1x8x8x128xf32, #tpu.memory_space<vmem>> -> memref<8x8x128xf32, #tpu.memory_space<vmem>>
        %dma_start3A_4265 = arith.constant 0 : i32
        %dma_start3A_4266 = arith.constant 0 : i32
        %dma_start3A_4267 = tpu.memref_slice %arg3[%dma_start3A_4265, %dma_start3A_4266, %mul3A_4258] : memref<8x8x1000000xf32, #tpu.memory_space<hbm>> -> memref<8x8x128xf32, #tpu.memory_space<hbm>>
        %dma_start3A_4268 = arith.constant 0 : i32
        %dma_start3A_4269 = arith.constant 0 : i32
        %dma_start3A_4270 = arith.constant 0 : i32
        %dma_start3A_4271 = tpu.memref_slice %arg6[%dma_start3A_4259, %dma_start3A_4268, %dma_start3A_4269, %dma_start3A_4270] : memref<8x8x8x128xf32, #tpu.memory_space<vmem>> -> memref<1x8x8x128xf32, #tpu.memory_space<vmem>>
        %dma_start3A_4272 = tpu.memref_squeeze %dma_start3A_4271 : memref<1x8x8x128xf32, #tpu.memory_space<vmem>> -> memref<8x8x128xf32, #tpu.memory_space<vmem>>
        %dma_start3A_4273 = arith.constant 0 : i32
        %dma_start3A_4274 = arith.constant 0 : i32
        %dma_start3A_4275 = tpu.memref_slice %arg3[%dma_start3A_4273, %dma_start3A_4274, %mul3A_4258] : memref<8x8x1000000xf32, #tpu.memory_space<hbm>> -> memref<8x8x128xf32, #tpu.memory_space<hbm>>
        tpu.enqueue_dma source(%dma_start3A_4275 : memref<8x8x128xf32, #tpu.memory_space<hbm>>) target(%dma_start3A_4272 : memref<8x8x128xf32, #tpu.memory_space<vmem>>) target_semaphore(%arg14 : memref<!tpu.dma_semaphore, #tpu.memory_space<semaphore_mem>>)
      } else {
      }
      %mul3A_4250 = arith.constant 32 : i32
      %mul3A_4251 = arith.muli %scan3A_168, %mul3A_4250 : i32
      %add3A_4252 = arith.addi %mul3A_2, %mul3A_4251 : i32
      "tpu.region"() ({
        %run_scoped3A = tpu.sem_alloc : memref<!tpu.dma_semaphore, #tpu.memory_space<semaphore_mem>>
        %dma_start3A_4253 = arith.constant 0 : i32
        %dma_start3A_4254 = tpu.memref_slice %arg4[%add3A_4252, %dma_start3A_4253] : memref<16384x64xf32, #tpu.memory_space<hbm>> -> memref<32x64xf32, #tpu.memory_space<hbm>>
        %dma_start3A_4255 = arith.constant 0 : i32
        %dma_start3A_4256 = tpu.memref_slice %arg4[%add3A_4252, %dma_start3A_4255] : memref<16384x64xf32, #tpu.memory_space<hbm>> -> memref<32x64xf32, #tpu.memory_space<hbm>>
        tpu.enqueue_dma source(%arg7 : memref<32x64xf32, #tpu.memory_space<vmem>>) target(%dma_start3A_4256 : memref<32x64xf32, #tpu.memory_space<hbm>>) target_semaphore(%run_scoped3A : memref<!tpu.dma_semaphore, #tpu.memory_space<semaphore_mem>>)
        %dma_wait3A_4257 = arith.constant 0 : i32
        %dma_wait3A_4258 = tpu.memref_slice %arg4[%add3A_4252, %dma_wait3A_4257] : memref<16384x64xf32, #tpu.memory_space<hbm>> -> memref<32x64xf32, #tpu.memory_space<hbm>>
        %dma_wait3A_4259 = arith.constant 0 : i32
        %dma_wait3A_4260 = tpu.memref_slice %arg4[%add3A_4252, %dma_wait3A_4259] : memref<16384x64xf32, #tpu.memory_space<hbm>> -> memref<32x64xf32, #tpu.memory_space<hbm>>
        tpu.wait_dma2 semaphore(%run_scoped3A : memref<!tpu.dma_semaphore, #tpu.memory_space<semaphore_mem>>) src(%arg7 : memref<32x64xf32, #tpu.memory_space<vmem>>) dst(%dma_wait3A_4260 : memref<32x64xf32, #tpu.memory_space<hbm>>)
        tpu.yield
      }) : () -> ()
      scf.yield %cond3A_175#0, %cond3A_175#1 : vector<16xi32>, vector<16xi32>
    }
    %scan3A_167 = arith.constant 16 : i32
    return
  }
}

</mosaic_0001>

<sc_bundles>
// kernel: _sc_user_gather.3.cloned.1.call-start
scs
__scs_entry_jumppad:
0x0: {  	(pc) =	sbr.rel $0x88, $3  }
0x1: {  	(tag) =	ssettag $0x0;
	lr =	simm.s32 $0x1  }
0x2: {  	[smem:$0x3F9F] =	sst lr;
	_ =	strace $0xD0000000  }
0x3: {  	_ = 	snop  }
0x4: {  	_ = 	snop  }
0x5: {  	_ = 	snop  }
0x6: {  	_ = 	snop  }
0x7: {  	_ = 	snop  }
__scs_overlays_trampoline_lowered:
0x8: {  	[smem:$0x3FAE] =	sst s0  }
0x9: {  	[smem:$0x3FAF] =	sst s1  }
0xa: {  	[smem:$0x3FB0] =	sst s2  }
0xb: {  	[smem:$0x3FB1] =	sst s3  }
0xc: {  	[smem:$0x3FB2] =	sst s4  }
0xd: {  	[smem:$0x3FB3] =	sst s5  }
0xe: {  	[smem:$0x3FB4] =	sst s6  }
0xf: {  	[smem:$0x3FB5] =	sst s7  }
0x10: {  	[smem:$0x3FB6] =	sst s8  }
0x11: {  	[smem:$0x3FB7] =	sst s9;
	s0 =	simm.s32 @!p0 $0x0  }
0x12: {  	s1 =	sld [smem:$0x3F9D];
	s0 =	simm.s32 @p0 $0x1  }
0x13: {  	[smem:$0x3FB8] =	sst s0;
	s0 =	simm.s32 @!p1 $0x0  }
0x14: {  	s2 =	sld [smem:$0x3F9C];
	s0 =	simm.s32 @p1 $0x1  }
0x15: {  	[smem:$0x3FB9] =	sst s0;
	s0 =	simm.s32 @!p2 $0x0  }
0x16: {  	s3 =	sld [smem:$0x3FDB];
	s0 =	simm.s32 @p2 $0x1  }
0x17: {  	s4 =	simm.s32 $0x1BF5;
	[smem:$0x3FBB] =	sst s0  }
0x18: {  	s0 =	sld [smem:$0x3F9E];
	_ =	swait.ge [sflag:s4], $0x0  }
0x19: {  	s7 =	sld [smem:$0x3F9F]  }
0x1a: {  	s8 =	sadd.s32 $0xFFFFE003, lr  }
0x1b: {  	s9 =	sadd.s32 $0xFFFFFEF7, lr;
	s5 =	simm.s32 $0xFFFFFFFF;
	p2 =	slt.u32 s8, $0xFFFFF086  }
0x1c: {  	p1 =	slt.u32 s9, $0xF7A;
	s5 =	simm.s32 @!p2 $0x0  }
0x1d: {  	s5 =	simm.s32 @p1 $0x1;
	p0 =	seq.s32 s7, s2  }
0x1e: {  	s7 =	smul.u32 @!p0 $0xF7A, s2;
	p2 =	seq.s32 @!p0 s5, $0x0  }
0x1f: {  	s9 =	smul.u32 $0xF7A, s1;
	s8 =	simm.s32 @!p0 $0x1BF5;
	p2 =	por !p2, p0  }
0x20: {  	[sflag:s8] =	ssyncset.s32 @!p0 $0xFFFFF086;
	s6 =	sadd.s32 @!p0 s3, s7;
	s7 =	simm.s32 @!p0 $0x108  }
0x21: {  	s3 =	sadd.s32 s3, s9;
	s6 =	sadd.s32 @!p0 $0x88, s6;
	s7 =	simm.s32 @p2 $0x1082  }
0x22: {  	[simem:s7], [sflag:s8] =	dma.local @!p0 [hbm:s6], $0xF7A  }
0x23: {  	s9 =	sor.u32 $0xD0000000, s2;
	s6 =	simm.s32 $0x108;
	_ =	swait.ge @!p0 [sflag:s8], $0x0  }
0x24: {  	s3 =	sadd.s32 $0x88, s3;
	s6 =	simm.s32 @!p1 $0x1082;
	[sflag:s4] =	ssyncset.s32 $0xFFFFF086  }
0x25: {  	[simem:s6], [sflag:s4] =	dma.local [hbm:s3], $0xF7A  }
0x26: {  	[smem:$0x3F9F] =	sst s1;
	(tag) =	ssettag s2;
	_ =	strace s9  }
0x27: {  	s1 =	sld [smem:$0x3FAF]  }
0x28: {  	s2 =	sld [smem:$0x3FB0]  }
0x29: {  	s4 =	sld [smem:$0x3FB2]  }
0x2a: {  	p0 =	seq.s32 s5, $0x0;
	s5 =	sld [smem:$0x3FB3]  }
0x2b: {  	s6 =	sld [smem:$0x3FB4]  }
0x2c: {  	s7 =	sld [smem:$0x3FB5]  }
0x2d: {  	s3 =	simm.s32 $0x108;
	s8 =	sld [smem:$0x3FB6]  }
0x2e: {  	s3 =	simm.s32 @!p0 $0x1082;
	s9 =	sld [smem:$0x3FB7]  }
0x2f: {  	lr =	sadd.s32 s0, s3;
	s0 =	sld [smem:$0x3FAE]  }
0x30: {  	s3 =	sld [smem:$0x3FB1]  }
0x31: {  	[smem:$0x3FBA] =	sst s10  }
0x32: {  	s10 =	sld [smem:$0x3FB8];
	_ =	sdelay $0x3  }
0x33: {  	p0 =	seq.s32 s10, $0x1;
	s10 =	sld [smem:$0x3FBA];
	_ =	sdelay $0x3  }
0x34: {  	[smem:$0x3FBA] =	sst s10  }
0x35: {  	s10 =	sld [smem:$0x3FB9];
	_ =	sdelay $0x3  }
0x36: {  	p1 =	seq.s32 s10, $0x1;
	s10 =	sld [smem:$0x3FBA];
	_ =	sdelay $0x3  }
0x37: {  	[smem:$0x3FBA] =	sst s10  }
0x38: {  	s10 =	sld [smem:$0x3FBB]  }
0x39: {  	_ = 	snop;
	(pc) =	sbr.ind lr, $3  }
0x3a: {  	_ = 	snop  }
0x3b: {  	_ = 	snop  }
0x3c: {  	p2 =	seq.s32 s10, $0x1;
	s10 =	sld [smem:$0x3FBA]  }
0x3d: {  	_ =	shalt  }
0x3e: {  	_ =	shalt  }
0x3f: {  	_ =	shalt  }
0x40: {  	_ =	shalt  }
0x41: {  	_ =	shalt  }
0x42: {  	_ =	shalt  }
0x43: {  	_ =	shalt  }
0x44: {  	_ =	shalt  }
0x45: {  	_ =	shalt  }
0x46: {  	_ =	shalt  }
0x47: {  	_ =	shalt  }
0x48: {  	_ =	shalt  }
0x49: {  	_ =	shalt  }
0x4a: {  	_ =	shalt  }
0x4b: {  	_ =	shalt  }
0x4c: {  	_ =	shalt  }
0x4d: {  	_ =	shalt  }
0x4e: {  	_ =	shalt  }
0x4f: {  	_ =	shalt  }
0x50: {  	_ =	shalt  }
0x51: {  	_ =	shalt  }
0x52: {  	_ =	shalt  }
0x53: {  	_ =	shalt  }
0x54: {  	_ =	shalt  }
0x55: {  	_ =	shalt  }
0x56: {  	_ =	shalt  }
0x57: {  	_ =	shalt  }
0x58: {  	_ =	shalt  }
0x59: {  	_ =	shalt  }
0x5a: {  	_ =	shalt  }
0x5b: {  	_ =	shalt  }
0x5c: {  	_ =	shalt  }
0x5d: {  	_ =	shalt  }
0x5e: {  	_ =	shalt  }
0x5f: {  	_ =	shalt  }
0x60: {  	_ =	shalt  }
0x61: {  	_ =	shalt  }
0x62: {  	_ =	shalt  }
0x63: {  	_ =	shalt  }
0x64: {  	_ =	shalt  }
0x65: {  	_ =	shalt  }
0x66: {  	_ =	shalt  }
0x67: {  	_ =	shalt  }
0x68: {  	_ =	shalt  }
0x69: {  	_ =	shalt  }
0x6a: {  	_ =	shalt  }
0x6b: {  	_ =	shalt  }
0x6c: {  	_ =	shalt  }
0x6d: {  	_ =	shalt  }
0x6e: {  	_ =	shalt  }
0x6f: {  	_ =	shalt  }
0x70: {  	_ =	shalt  }
0x71: {  	_ =	shalt  }
0x72: {  	_ =	shalt  }
0x73: {  	_ =	shalt  }
0x74: {  	_ =	shalt  }
0x75: {  	_ =	shalt  }
0x76: {  	_ =	shalt  }
0x77: {  	_ =	shalt  }
0x78: {  	_ =	shalt  }
0x79: {  	_ =	shalt  }
0x7a: {  	_ =	shalt  }
0x7b: {  	_ =	shalt  }
0x7c: {  	_ =	shalt  }
0x7d: {  	_ =	shalt  }
0x7e: {  	_ =	shalt  }
0x7f: {  	_ =	shalt  }
0x80: {  	_ =	shalt  }
0x81: {  	_ =	shalt  }
0x82: {  	_ =	shalt  }
0x83: {  	_ =	shalt  }
0x84: {  	_ =	shalt  }
0x85: {  	_ =	shalt  }
0x86: {  	_ =	shalt  }
0x87: {  	_ =	shalt  }
.Lfunc_end0:
.L_simem_size_0:
called_computation_lowered:
.L_overlay_start_0:
0x88: {  	s2 =	sld [smem:$0x3FD9]  }
0x89: {  	s3 =	sld [smem:$0x3FFE];
	_ =	sdelay $0x1  }
0x8a: {  	s1 =	srdreg.scid  }
0x8b: {  	s0 =	sand.u32 $0x1, s1  }
0x8c: {  	s17 =	sshll.u32 s0, $0xA;
	s2 =	sadd.s32 s3, s2  }
0x8d: {  	s2 =	sadd.s32 s2, s17  }
0x8e: {  	[smem:$0x3FC6] =	sst s2  }
0x8f: {  	_ = 	snop  }
0x90: {  	s2 =	sld [smem:$0x3FC9]  }
0x91: {  	s18 =	sld [smem:$0x3FC8];
	(tm) =	ssettm $0x1  }
0x92: {  	s4 =	sld [smem:$0x3FFB];
	_ =	sdelay $0x3  }
0x93: {  	_ =	strace s4  }
0x94: {  	s4 =	sld [smem:$0x3FFC];
	_ =	sdelay $0x3  }
0x95: {  	_ =	strace s4  }
0x96: {  	s4 =	sld [smem:$0x3FFD];
	_ =	sdelay $0x3  }
0x97: {  	_ =	strace s4  }
0x98: {  	_ =	strace $0x8FFFFFFF  }
0x99: {  	s19 =	sld [smem:$0x3FDB];
	_ =	sdelay $0x1  }
0x9a: {  	s5 =	simm.s32 $_scs_section_size  }
0x9b: {  	s6 =	simm.s32 $_size__tile_overlayer_lowered;
	s7 =	simm.s32 $_tile_overlayer_lowered  }
0x9c: {  	s22 =	simm.s32 $0x1BFF;
	s21 =	sshll.u32 s7, $0x1;
	s4 =	sadd.s32 s5, s19  }
0x9d: {  	s8 =	simm.s32 $0x0;
	s20 =	sshll.u32 s6, $0x1;
	s6 =	sadd.s32 s21, s4  }
0x9e: {  	[timem:s8], [sflag:s22] =	dma.local [hbm:s6], s20  }
0x9f: {  	_ =	swait.ge [sflag:s22], s20  }
0xa0: {  	s5 =	ssub.s32 $0x0, s20;
	[sflag:s22] =	ssyncset.done $0x0  }
0xa1: {  	[sflag:s22] =	ssyncadd.s32 s5;
	_ =	sdelay $0x1  }
0xa2: {  	s23 =	simm.s32 $0x1B8B  }
0xa3: {  	_ =	swait.ge [sflag:s23], $0x1  }
0xa4: {  	[sflag:s23] =	ssyncset.done $0x0  }
0xa5: {  	s25 =	simm.s32 $0x1B8E;
	s24 =	sld [smem:$0x3FFE];
	[sflag:s23] =	ssyncadd.s32 $0xFFFFFFFF  }
0xa6: {  	s26 =	simm.s32 $execute0_lowered;
	[smem:$0x3FD2] =	sst s25  }
0xa7: {  	s6 =	sshll.u32 s26, $0x1;
	_ =	strace $0x80000046;
	[dreg:$0x1] =	wrdreg $0xFFFFFFFF  }
0xa8: {  	s28 =	simm.s32 $_size_execute0_lowered;
	s4 =	sadd.s32 s4, s6;
	[dreg:$0x0] =	wrdreg $0x0  }
0xa9: {  	s6 =	sshll.u32 s28, $0x1;
	[dreg:$0x2] =	wrdreg s4  }
0xaa: {  	[dreg:$0x3] =	wrdreg s6  }
0xab: {  	[dreg:$0x4] =	wrdreg $0xC0  }
0xac: {  	_ =	task [dreg:s8], $0x5FFFF  }
0xad: {  	[dreg:$0x1] =	wrdreg $0xFFFFFFFF  }
0xae: {  	[dreg:$0x0] =	wrdreg $0x60  }
0xaf: {  	[dreg:$0x2] =	wrdreg s2  }
0xb0: {  	[dreg:$0x3] =	wrdreg s18  }
0xb1: {  	[dreg:$0x4] =	wrdreg s24  }
0xb2: {  	[dreg:$0x5] =	wrdreg $0x9  }
0xb3: {  	_ =	task.clear_ibuf [dreg:s8], $0x6FFFF;
	_ =	strace $0x90000046  }
0xb4: {  	s29 =	simm.s32 $0x9;
	_ =	strace $0x80000048  }
0xb5: {  	_ =	swait.ge [sflag:s29], $0x1  }
0xb6: {  	[sflag:s29] =	ssyncadd.s32 $0xFFFFFFFF  }
0xb7: {  	_ =	strace $0x90000048  }
0xb8: {  	_ =	sfence  }
0xb9: {  	s30 =	sld [smem:$0x0];
	_ =	sdelay $0x2  }
0xba: {  	s31 =	sshll.u32 s1, $0xD;
	s1 =	sshrl.u32 s1, $0x2  }
0xbb: {  	s3 =	sand.u32 $0x4000, s31;
	s1 =	sadd.s32 s1, s30  }
0xbc: {  	s0 =	sor.u32 s3, s0;
	s1 =	sshll.u32 s1, $0x11  }
0xbd: {  	s0 =	sor.u32 s1, s0  }
0xbe: {  	s0 =	sadd.s32 $0x8F2B, s0  }
0xbf: {  	[sflag:s0] =	ssyncadd.remote.s32 $0x1  }
0xc0: {  	_ =	sfence.sel $0xFFFF  }
0xc1: {  	[dreg:$0x0] =	wrdreg $0xFFFFFFFF;
	(pc) =	sbr.abs _section_cstart, $3  }
0xc2: {  	[dreg:$0x1] =	wrdreg $0xFFFFFFFF  }
0xc3: {  	_ =	task.clear_ibuf [dreg:s8], $0x2FFFF;
	_ =	strace $0x9FFFFFFF  }
0xc4: {  	(tm) =	ssettm $0x7FFFFFFF  }
0xc5: {  	_ =	shalt  }
tec
execute0_lowered:
.L_overlay_start_1:
0x0: {  	(tag) =	ssettag $0x1  }
0x1: {  	s0 =	rddreg [dreg:$0x0]  }
0x2: {  	s1 =	rddreg [dreg:$0x1]  }
0x3: {  	s2 =	rddreg [dreg:$0x2];
	s26 =	simm.s32 $0x0  }
0x4: {  	s6 =	stileid.u32;
	s3 =	srdreg.scid;
	s8 =	simm.s32 $0x400  }
0x5: {  	s9 =	simm.s32 $0x7A1400;
	s10 =	simm.s32 $0x80;
	s11 =	simm.s32 $0x2080  }
0x6: {  	s12 =	simm.s32 $0x4080;
	s13 =	simm.s32 $0x6080;
	s14 =	simm.s32 $0x8080  }
0x7: {  	s15 =	simm.s32 $0xA080;
	s16 =	simm.s32 $0xC080;
	s17 =	simm.s32 $0x1  }
0x8: {  	s18 =	simm.s32 $0xE080;
	s19 =	simm.s32 $0x2;
	s20 =	simm.s32 $0x3  }
0x9: {  	s21 =	simm.s32 $0x4;
	s22 =	simm.s32 $0x5;
	s23 =	simm.s32 $0x6  }
0xa: {  	s24 =	simm.s32 $0x7;
	s31 =	simm.s32 $0x10080;
	[smem:$0x7FF] =	sst s26  }
0xb: {  	s4 =	sshll.u32 s6, $0xE;
	s3 =	sand.u32 $0x1, s3;
	s6 =	sshll.u32 s6, $0xA  }
0xc: {  	_ =	strace $0x80000047;
	s5 =	ssub.s32 $0x2, s3;
	s7 =	sshll.u32 s3, $0x9  }
0xd: {  	s2 =	sadd.s32 s4, s2;
	s3 =	sshll.u32 s3, $0xD;
	[dreg:$0x5] =	wrdreg s31  }
0xe: {  	s28 =	sshrl.u32 s5, $0x1;
	s6 =	sor.u32 s7, s6;
	s2 =	sadd.s32 s3, s2  }
0xf: {  	s4 =	ssub.s32 s5, s28;
	s29 =	sshrl.u32 s6, $0x3;
	s2 =	sadd.s32 $0x400, s2  }
0x10: {  	v0 =	vlaneseq.u32;
	s6 =	sor.u32 $0x20, s6;
	s5 =	sadd.s32 s0, s29;
	[dreg:$0x8] =	wrdreg s2  }
0x11: {  	v0 =	vmul.u32 $0x80, v0;
	s30 =	sshrl.u32 s6, $0x3;
	s4 =	smax.u32 s4, $0x1;
	[dreg:$0x6] =	wrdreg s5  }
0x12: {  	s25 =	simm.s32 $0x8;
	[dreg:$0x7] =	wrdreg s4;
	s0 =	sadd.s32 s30, s0  }
0x13: {  	v1 =	vor.u32 $0x800, v0;
	v2 =	vor.u32 $0x1000, v0;
	v3 =	vor.u32 $0x1800, v0;
	s3 =	simm.s32 $0x0;
	s2 =	simm.s32 $0x9;
	[dreg:$0x4] =	wrdreg s0  }
.LBB2_1:
0x14: {  	[dreg:$0x9] =	wrdreg s3  }
0x15: {  	s0 =	rddreg [dreg:$0x6]  }
0x16: {  	[tilespmem:s26], [sflag:$0x9] =	stream.linear.gather [hbm4b:s0+s26], $0x20, $0x38;
	[tilespmem:$0x11080] =	vst v63  }
0x17: {  	_ =	swait.ge [sflag:s2], $0x20  }
0x18: {  	[sflag:s2] =	ssyncset.done $0x0  }
0x19: {  	[sflag:s2] =	ssyncadd.s32 $0xFFFFFFE0  }
0x1a: {  	v6 =	vld [tilespmem:$0x0];
	_ =	sdelay $0x4  }
0x1b: {  	(v2sf) =	vpush v6, $0x0;
	_ =	sdelay $0x1  }
0x1c: {  	(v2sf) =	vpush v6, $0x1;
	_ =	sdelay $0x3  }
0x1d: {  	(v2sf) =	vpush v6, $0x2  }
0x1e: {  	(v2sf) =	vpush v6, $0x3;
	_ =	sdelay $0x1  }
0x1f: {  	(v2sf) =	vpush v6, $0x4;
	_ =	sdelay $0x5  }
0x20: {  	s26 =	spop (v2sf);
	(v2sf) =	vpush v6, $0x5;
	_ =	sdelay $0x1  }
0x21: {  	s30 =	spop (v2sf);
	(v2sf) =	vpush v6, $0x6  }
0x22: {  	s0 =	sand.u32 $0xFFFFF80, s26  }
0x23: {  	s0 =	sadd.s32 s1, s0  }
0x24: {  	v4 =	vld [tilespmem:$0x10];
	[tilespmem:s10], [sflag:$0x1] =	stream.strided.gather [hbm4b:s0+s8], $0x2000, s9, s8, $0x38  }
0x25: {  	s31 =	spop (v2sf);
	s0 =	sand.u32 $0xFFFFF80, s30  }
0x26: {  	s3 =	sand.u32 $0xFFFFF80, s31;
	s4 =	spop (v2sf);
	s0 =	sadd.s32 s1, s0  }
0x27: {  	[tilespmem:s11], [sflag:$0x2] =	stream.strided.gather [hbm4b:s0+s8], $0x2000, s9, s8, $0x38;
	[tilespmem:$0x11080] =	vst v63  }
0x28: {  	s5 =	sand.u32 $0xFFFFF80, s4;
	s6 =	spop (v2sf);
	s0 =	sadd.s32 s1, s3  }
0x29: {  	[tilespmem:s12], [sflag:$0x3] =	stream.strided.gather [hbm4b:s0+s8], $0x2000, s9, s8, $0x38;
	[tilespmem:$0x11080] =	vst v63  }
0x2a: {  	s7 =	sand.u32 $0xFFFFF80, s6;
	s0 =	sadd.s32 s1, s5  }
0x2b: {  	[tilespmem:s13], [sflag:$0x4] =	stream.strided.gather [hbm4b:s0+s8], $0x2000, s9, s8, $0x38;
	[tilespmem:$0x11080] =	vst v63  }
0x2c: {  	s0 =	sadd.s32 s1, s7  }
0x2d: {  	[tilespmem:s14], [sflag:$0x5] =	stream.strided.gather [hbm4b:s0+s8], $0x2000, s9, s8, $0x38;
	[tilespmem:$0x11080] =	vst v63  }
0x2e: {  	s26 =	spop (v2sf)  }
0x2f: {  	s30 =	sand.u32 $0xFFFFF80, s26  }
0x30: {  	s31 =	spop (v2sf);
	s0 =	sadd.s32 s1, s30  }
0x31: {  	[tilespmem:s15], [sflag:$0x6] =	stream.strided.gather [hbm4b:s0+s8], $0x2000, s9, s8, $0x38;
	[tilespmem:$0x11080] =	vst v63  }
0x32: {  	s0 =	sand.u32 $0xFFFFF80, s31  }
0x33: {  	s28 =	simm.s32 $0x0;
	s29 =	rddreg [dreg:$0x8];
	s0 =	sadd.s32 s1, s0  }
0x34: {  	[tilespmem:s16], [sflag:$0x7] =	stream.strided.gather [hbm4b:s0+s8], $0x2000, s9, s8, $0x38;
	[tilespmem:$0x11080] =	vst v63  }
.LBB2_2:
0x35: {  	s0 =	rddreg [dreg:$0x4];
	p0 =	seq.s32 s28, $0x3C  }
0x36: {  	s0 =	sadd.s32 @!p0 s28, s0;
	s2 =	simm.s32 @!p0 $0x0  }
0x37: {  	[tilespmem:s2], [sflag:$0x9] =	stream.linear.gather @!p0 [hbm4b:s0+s2], $0x20, $0x38;
	[tilespmem:$0x11080] =	vst v63  }
0x38: {  	s0 =	simm.s32 @!p0 $0x9  }
0x39: {  	_ =	swait.ge @!p0 [sflag:s0], $0x20  }
0x3a: {  	[sflag:s0] =	ssyncset.done @!p0 $0x0  }
0x3b: {  	[sflag:s0] =	ssyncadd.s32 @!p0 $0xFFFFFFE0  }
0x3c: {  	v7 =	vld @!p0 [tilespmem:$0x0]  }
0x3d: {  	v5 =	vld @!p0 [tilespmem:$0x10];
	_ =	swait.ge [sflag:s17], $0x2000  }
0x3e: {  	(v2sf) =	vpush v6, $0x0;
	_ =	sdelay $0xe  }
0x3f: {  	s5 =	spop (v2sf)  }
0x40: {  	s0 =	sand.u32 $0x7F, s5  }
0x41: {  	v8 =	vor.u32 s0, v0;
	_ =	sdelay $0x2  }
0x42: {  	[sflag:s17] =	ssyncset.done $0x0  }
0x43: {  	[sflag:s17] =	ssyncadd.s32 $0xFFFFE000  }
0x44: {  	v8 =	vld.idx.msk [tilespmem:v8+s10+$0x0], $0xffff  }
0x45: {  	v9 =	vor.u32 s0, v1;
	_ =	sdelay $0x3  }
0x46: {  	[tilespmem:$0x10080] =	vst v8  }
0x47: {  	(v2sf) =	vpush v6, $0x7;
	v8 =	vld.idx.msk [tilespmem:v9+s10+$0x0], $0xffff  }
0x48: {  	v41 =	vor.u32 s0, v2;
	_ =	sdelay $0x3  }
0x49: {  	[tilespmem:$0x10090] =	vst v8  }
0x4a: {  	v8 =	vld.idx.msk [tilespmem:v41+s10+$0x0], $0xffff  }
0x4b: {  	v42 =	vor.u32 s0, v3;
	_ =	sdelay $0x3  }
0x4c: {  	[tilespmem:$0x100A0] =	vst v8  }
0x4d: {  	v8 =	vld.idx.msk [tilespmem:v42+s10+$0x0], $0xffff;
	_ =	sdelay $0x2  }
0x4e: {  	s30 =	spop (v2sf)  }
0x4f: {  	s6 =	sand.u32 $0xFFFFF80, s30  }
0x50: {  	s0 =	sadd.s32 s1, s6;
	[tilespmem:$0x100B0] =	vst v8  }
0x51: {  	[tilespmem:s18], [sflag:$0x8] =	stream.strided.gather [hbm4b:s0+s8], $0x2000, s9, s8, $0x38;
	[tilespmem:$0x11080] =	vst v63  }
0x52: {  	_ =	swait.ge [sflag:s19], $0x2000  }
0x53: {  	(v2sf) =	vpush v6, $0x1;
	_ =	sdelay $0xe  }
0x54: {  	s7 =	spop (v2sf)  }
0x55: {  	s0 =	sand.u32 $0x7F, s7  }
0x56: {  	v8 =	vor.u32 s0, v0;
	_ =	sdelay $0x2  }
0x57: {  	[sflag:s19] =	ssyncset.done $0x0  }
0x58: {  	[sflag:s19] =	ssyncadd.s32 $0xFFFFE000  }
0x59: {  	v8 =	vld.idx.msk [tilespmem:v8+s11+$0x0], $0xffff  }
0x5a: {  	v43 =	vor.u32 s0, v1;
	_ =	sdelay $0x3  }
0x5b: {  	[tilespmem:$0x10100] =	vst v8  }
0x5c: {  	(v2sf) =	vpush v6, $0x8;
	v8 =	vld.idx.msk [tilespmem:v43+s11+$0x0], $0xffff  }
0x5d: {  	v44 =	vor.u32 s0, v2;
	_ =	sdelay $0x3  }
0x5e: {  	[tilespmem:$0x10110] =	vst v8  }
0x5f: {  	v8 =	vld.idx.msk [tilespmem:v44+s11+$0x0], $0xffff  }
0x60: {  	v45 =	vor.u32 s0, v3;
	_ =	sdelay $0x3  }
0x61: {  	[tilespmem:$0x10120] =	vst v8  }
0x62: {  	v8 =	vld.idx.msk [tilespmem:v45+s11+$0x0], $0xffff;
	_ =	sdelay $0x2  }
0x63: {  	s31 =	spop (v2sf)  }
0x64: {  	s26 =	sand.u32 $0xFFFFF80, s31  }
0x65: {  	s0 =	sadd.s32 s1, s26;
	[tilespmem:$0x10130] =	vst v8  }
0x66: {  	[tilespmem:s10], [sflag:$0x1] =	stream.strided.gather [hbm4b:s0+s8], $0x2000, s9, s8, $0x38;
	[tilespmem:$0x11080] =	vst v63  }
0x67: {  	_ =	swait.ge [sflag:s20], $0x2000  }
0x68: {  	(v2sf) =	vpush v6, $0x2;
	_ =	sdelay $0xe  }
0x69: {  	s2 =	spop (v2sf)  }
0x6a: {  	s0 =	sand.u32 $0x7F, s2  }
0x6b: {  	v8 =	vor.u32 s0, v0;
	_ =	sdelay $0x2  }
0x6c: {  	[sflag:s20] =	ssyncset.done $0x0  }
0x6d: {  	[sflag:s20] =	ssyncadd.s32 $0xFFFFE000  }
0x6e: {  	v8 =	vld.idx.msk [tilespmem:v8+s12+$0x0], $0xffff  }
0x6f: {  	v46 =	vor.u32 s0, v1;
	_ =	sdelay $0x3  }
0x70: {  	[tilespmem:$0x10180] =	vst v8  }
0x71: {  	(v2sf) =	vpush v6, $0x9;
	v8 =	vld.idx.msk [tilespmem:v46+s12+$0x0], $0xffff  }
0x72: {  	v47 =	vor.u32 s0, v2;
	_ =	sdelay $0x3  }
0x73: {  	[tilespmem:$0x10190] =	vst v8  }
0x74: {  	v8 =	vld.idx.msk [tilespmem:v47+s12+$0x0], $0xffff  }
0x75: {  	v48 =	vor.u32 s0, v3;
	_ =	sdelay $0x3  }
0x76: {  	[tilespmem:$0x101A0] =	vst v8  }
0x77: {  	v8 =	vld.idx.msk [tilespmem:v48+s12+$0x0], $0xffff;
	_ =	sdelay $0x2  }
0x78: {  	s0 =	spop (v2sf)  }
0x79: {  	s3 =	sand.u32 $0xFFFFF80, s0  }
0x7a: {  	s2 =	sadd.s32 s1, s3;
	[tilespmem:$0x101B0] =	vst v8  }
0x7b: {  	[tilespmem:s11], [sflag:$0x2] =	stream.strided.gather [hbm4b:s2+s8], $0x2000, s9, s8, $0x38;
	[tilespmem:$0x11080] =	vst v63  }
0x7c: {  	_ =	swait.ge [sflag:s21], $0x2000  }
0x7d: {  	(v2sf) =	vpush v6, $0x3;
	_ =	sdelay $0xe  }
0x7e: {  	s4 =	spop (v2sf)  }
0x7f: {  	s2 =	sand.u32 $0x7F, s4  }
0x80: {  	v8 =	vor.u32 s2, v0;
	_ =	sdelay $0x2  }
0x81: {  	[sflag:s21] =	ssyncset.done $0x0  }
0x82: {  	[sflag:s21] =	ssyncadd.s32 $0xFFFFE000  }
0x83: {  	v8 =	vld.idx.msk [tilespmem:v8+s13+$0x0], $0xffff  }
0x84: {  	v49 =	vor.u32 s2, v1;
	_ =	sdelay $0x3  }
0x85: {  	[tilespmem:$0x10200] =	vst v8  }
0x86: {  	(v2sf) =	vpush v6, $0xA;
	v8 =	vld.idx.msk [tilespmem:v49+s13+$0x0], $0xffff  }
0x87: {  	v50 =	vor.u32 s2, v2;
	_ =	sdelay $0x3  }
0x88: {  	[tilespmem:$0x10210] =	vst v8  }
0x89: {  	v8 =	vld.idx.msk [tilespmem:v50+s13+$0x0], $0xffff  }
0x8a: {  	v51 =	vor.u32 s2, v3;
	_ =	sdelay $0x3  }
0x8b: {  	[tilespmem:$0x10220] =	vst v8  }
0x8c: {  	v8 =	vld.idx.msk [tilespmem:v51+s13+$0x0], $0xffff;
	_ =	sdelay $0x2  }
0x8d: {  	s2 =	spop (v2sf)  }
0x8e: {  	s3 =	sand.u32 $0xFFFFF80, s2  }
0x8f: {  	s3 =	sadd.s32 s1, s3;
	[tilespmem:$0x10230] =	vst v8  }
0x90: {  	[tilespmem:s12], [sflag:$0x3] =	stream.strided.gather [hbm4b:s3+s8], $0x2000, s9, s8, $0x38;
	[tilespmem:$0x11080] =	vst v63  }
0x91: {  	_ =	swait.ge [sflag:s22], $0x2000  }
0x92: {  	(v2sf) =	vpush v6, $0x4;
	_ =	sdelay $0xe  }
0x93: {  	s5 =	spop (v2sf)  }
0x94: {  	s3 =	sand.u32 $0x7F, s5  }
0x95: {  	v8 =	vor.u32 s3, v0;
	_ =	sdelay $0x2  }
0x96: {  	[sflag:s22] =	ssyncset.done $0x0  }
0x97: {  	[sflag:s22] =	ssyncadd.s32 $0xFFFFE000  }
0x98: {  	v8 =	vld.idx.msk [tilespmem:v8+s14+$0x0], $0xffff  }
0x99: {  	v52 =	vor.u32 s3, v1;
	_ =	sdelay $0x3  }
0x9a: {  	[tilespmem:$0x10280] =	vst v8  }
0x9b: {  	(v2sf) =	vpush v6, $0xB;
	v8 =	vld.idx.msk [tilespmem:v52+s14+$0x0], $0xffff  }
0x9c: {  	v53 =	vor.u32 s3, v2;
	_ =	sdelay $0x3  }
0x9d: {  	[tilespmem:$0x10290] =	vst v8  }
0x9e: {  	v8 =	vld.idx.msk [tilespmem:v53+s14+$0x0], $0xffff  }
0x9f: {  	v54 =	vor.u32 s3, v3;
	_ =	sdelay $0x3  }
0xa0: {  	[tilespmem:$0x102A0] =	vst v8  }
0xa1: {  	v8 =	vld.idx.msk [tilespmem:v54+s14+$0x0], $0xffff;
	_ =	sdelay $0x2  }
0xa2: {  	s4 =	spop (v2sf)  }
0xa3: {  	s6 =	sand.u32 $0xFFFFF80, s4  }
0xa4: {  	s3 =	sadd.s32 s1, s6;
	[tilespmem:$0x102B0] =	vst v8  }
0xa5: {  	[tilespmem:s13], [sflag:$0x4] =	stream.strided.gather [hbm4b:s3+s8], $0x2000, s9, s8, $0x38;
	[tilespmem:$0x11080] =	vst v63  }
0xa6: {  	_ =	swait.ge [sflag:s23], $0x2000  }
0xa7: {  	(v2sf) =	vpush v6, $0x5;
	_ =	sdelay $0xe  }
0xa8: {  	s7 =	spop (v2sf)  }
0xa9: {  	s3 =	sand.u32 $0x7F, s7  }
0xaa: {  	v8 =	vor.u32 s3, v0;
	_ =	sdelay $0x2  }
0xab: {  	[sflag:s23] =	ssyncset.done $0x0  }
0xac: {  	[sflag:s23] =	ssyncadd.s32 $0xFFFFE000  }
0xad: {  	v8 =	vld.idx.msk [tilespmem:v8+s15+$0x0], $0xffff  }
0xae: {  	v55 =	vor.u32 s3, v1;
	_ =	sdelay $0x3  }
0xaf: {  	[tilespmem:$0x10300] =	vst v8  }
0xb0: {  	(v2sf) =	vpush v6, $0xC;
	v8 =	vld.idx.msk [tilespmem:v55+s15+$0x0], $0xffff  }
0xb1: {  	v56 =	vor.u32 s3, v2;
	_ =	sdelay $0x3  }
0xb2: {  	[tilespmem:$0x10310] =	vst v8  }
0xb3: {  	v8 =	vld.idx.msk [tilespmem:v56+s15+$0x0], $0xffff  }
0xb4: {  	v57 =	vor.u32 s3, v3;
	_ =	sdelay $0x3  }
0xb5: {  	[tilespmem:$0x10320] =	vst v8  }
0xb6: {  	v8 =	vld.idx.msk [tilespmem:v57+s15+$0x0], $0xffff;
	_ =	sdelay $0x2  }
0xb7: {  	s5 =	spop (v2sf)  }
0xb8: {  	s26 =	sand.u32 $0xFFFFF80, s5  }
0xb9: {  	s3 =	sadd.s32 s1, s26;
	[tilespmem:$0x10330] =	vst v8  }
0xba: {  	[tilespmem:s14], [sflag:$0x5] =	stream.strided.gather [hbm4b:s3+s8], $0x2000, s9, s8, $0x38;
	[tilespmem:$0x11080] =	vst v63  }
0xbb: {  	_ =	swait.ge [sflag:s24], $0x2000  }
0xbc: {  	(v2sf) =	vpush v6, $0x6;
	_ =	sdelay $0xe  }
0xbd: {  	s6 =	spop (v2sf)  }
0xbe: {  	s3 =	sand.u32 $0x7F, s6  }
0xbf: {  	v8 =	vor.u32 s3, v0;
	_ =	sdelay $0x2  }
0xc0: {  	[sflag:s24] =	ssyncset.done $0x0  }
0xc1: {  	[sflag:s24] =	ssyncadd.s32 $0xFFFFE000  }
0xc2: {  	v8 =	vld.idx.msk [tilespmem:v8+s16+$0x0], $0xffff  }
0xc3: {  	v58 =	vor.u32 s3, v1;
	_ =	sdelay $0x3  }
0xc4: {  	[tilespmem:$0x10380] =	vst v8  }
0xc5: {  	(v2sf) =	vpush v6, $0xD;
	v8 =	vld.idx.msk [tilespmem:v58+s16+$0x0], $0xffff  }
0xc6: {  	v59 =	vor.u32 s3, v2;
	_ =	sdelay $0x3  }
0xc7: {  	[tilespmem:$0x10390] =	vst v8  }
0xc8: {  	v8 =	vld.idx.msk [tilespmem:v59+s16+$0x0], $0xffff  }
0xc9: {  	v60 =	vor.u32 s3, v3;
	_ =	sdelay $0x3  }
0xca: {  	[tilespmem:$0x103A0] =	vst v8  }
0xcb: {  	v8 =	vld.idx.msk [tilespmem:v60+s16+$0x0], $0xffff;
	_ =	sdelay $0x2  }
0xcc: {  	s6 =	spop (v2sf)  }
0xcd: {  	s26 =	sand.u32 $0x7F, s30;
	s7 =	sand.u32 $0xFFFFF80, s6  }
0xce: {  	s3 =	sadd.s32 s1, s7;
	[tilespmem:$0x103B0] =	vst v8;
	v8 =	vor.u32 s26, v0  }
0xcf: {  	[tilespmem:s15], [sflag:$0x6] =	stream.strided.gather [hbm4b:s3+s8], $0x2000, s9, s8, $0x38;
	[tilespmem:$0x11080] =	vst v63  }
0xd0: {  	_ =	swait.ge [sflag:s25], $0x2000  }
0xd1: {  	[sflag:s25] =	ssyncset.done $0x0  }
0xd2: {  	[sflag:s25] =	ssyncadd.s32 $0xFFFFE000  }
0xd3: {  	v8 =	vld.idx.msk [tilespmem:v8+s18+$0x0], $0xffff  }
0xd4: {  	v61 =	vor.u32 s26, v1;
	_ =	sdelay $0x3  }
0xd5: {  	[tilespmem:$0x10400] =	vst v8  }
0xd6: {  	(v2sf) =	vpush v6, $0xE;
	v8 =	vld.idx.msk [tilespmem:v61+s18+$0x0], $0xffff  }
0xd7: {  	v62 =	vor.u32 s26, v2;
	_ =	sdelay $0x3  }
0xd8: {  	[tilespmem:$0x10410] =	vst v8  }
0xd9: {  	v8 =	vld.idx.msk [tilespmem:v62+s18+$0x0], $0xffff  }
0xda: {  	v63 =	vor.u32 s26, v3;
	_ =	sdelay $0x3  }
0xdb: {  	[tilespmem:$0x10420] =	vst v8  }
0xdc: {  	v8 =	vld.idx.msk [tilespmem:v63+s18+$0x0], $0xffff;
	_ =	sdelay $0x2  }
0xdd: {  	s30 =	spop (v2sf)  }
0xde: {  	s31 =	sand.u32 $0x7F, s31;
	s26 =	sand.u32 $0xFFFFF80, s30  }
0xdf: {  	s3 =	sadd.s32 s1, s26;
	[tilespmem:$0x10430] =	vst v8;
	v8 =	vor.u32 s31, v0  }
0xe0: {  	[tilespmem:s16], [sflag:$0x7] =	stream.strided.gather [hbm4b:s3+s8], $0x2000, s9, s8, $0x38;
	[tilespmem:$0x11080] =	vst v63  }
0xe1: {  	_ =	swait.ge [sflag:s17], $0x2000  }
0xe2: {  	[sflag:s17] =	ssyncset.done $0x0  }
0xe3: {  	[sflag:s17] =	ssyncadd.s32 $0xFFFFE000  }
0xe4: {  	v8 =	vld.idx.msk [tilespmem:v8+s10+$0x0], $0xffff  }
0xe5: {  	v12 =	vor.u32 s31, v1;
	_ =	sdelay $0x3  }
0xe6: {  	[tilespmem:$0x10480] =	vst v8  }
0xe7: {  	(v2sf) =	vpush v6, $0xF;
	v8 =	vld.idx.msk [tilespmem:v12+s10+$0x0], $0xffff  }
0xe8: {  	v13 =	vor.u32 s31, v2;
	_ =	sdelay $0x3  }
0xe9: {  	[tilespmem:$0x10490] =	vst v8  }
0xea: {  	v8 =	vld.idx.msk [tilespmem:v13+s10+$0x0], $0xffff  }
0xeb: {  	v14 =	vor.u32 s31, v3;
	_ =	sdelay $0x3  }
0xec: {  	[tilespmem:$0x104A0] =	vst v8  }
0xed: {  	v8 =	vld.idx.msk [tilespmem:v14+s10+$0x0], $0xffff;
	_ =	sdelay $0x2  }
0xee: {  	s31 =	spop (v2sf)  }
0xef: {  	s0 =	sand.u32 $0x7F, s0;
	s7 =	sand.u32 $0xFFFFF80, s31  }
0xf0: {  	s3 =	sadd.s32 s1, s7;
	[tilespmem:$0x104B0] =	vst v8;
	v8 =	vor.u32 s0, v0  }
0xf1: {  	[tilespmem:s18], [sflag:$0x8] =	stream.strided.gather [hbm4b:s3+s8], $0x2000, s9, s8, $0x38;
	[tilespmem:$0x11080] =	vst v63  }
0xf2: {  	_ =	swait.ge [sflag:s19], $0x2000  }
0xf3: {  	[sflag:s19] =	ssyncset.done $0x0  }
0xf4: {  	[sflag:s19] =	ssyncadd.s32 $0xFFFFE000  }
0xf5: {  	v8 =	vld.idx.msk [tilespmem:v8+s11+$0x0], $0xffff  }
0xf6: {  	v15 =	vor.u32 s0, v1;
	_ =	sdelay $0x3  }
0xf7: {  	[tilespmem:$0x10500] =	vst v8  }
0xf8: {  	(v2sf) =	vpush v4, $0x0;
	v8 =	vld.idx.msk [tilespmem:v15+s11+$0x0], $0xffff  }
0xf9: {  	v16 =	vor.u32 s0, v2;
	_ =	sdelay $0x3  }
0xfa: {  	[tilespmem:$0x10510] =	vst v8  }
0xfb: {  	v8 =	vld.idx.msk [tilespmem:v16+s11+$0x0], $0xffff  }
0xfc: {  	v17 =	vor.u32 s0, v3;
	_ =	sdelay $0x3  }
0xfd: {  	[tilespmem:$0x10520] =	vst v8  }
0xfe: {  	v8 =	vld.idx.msk [tilespmem:v17+s11+$0x0], $0xffff;
	_ =	sdelay $0x2  }
0xff: {  	s0 =	spop (v2sf)  }
0x100: {  	s2 =	sand.u32 $0x7F, s2;
	s26 =	sand.u32 $0xFFFFF80, s0  }
0x101: {  	s3 =	sadd.s32 s1, s26;
	[tilespmem:$0x10530] =	vst v8;
	v8 =	vor.u32 s2, v0  }
0x102: {  	[tilespmem:s10], [sflag:$0x1] =	stream.strided.gather [hbm4b:s3+s8], $0x2000, s9, s8, $0x38;
	[tilespmem:$0x11080] =	vst v63  }
0x103: {  	_ =	swait.ge [sflag:s20], $0x2000  }
0x104: {  	[sflag:s20] =	ssyncset.done $0x0  }
0x105: {  	[sflag:s20] =	ssyncadd.s32 $0xFFFFE000  }
0x106: {  	v8 =	vld.idx.msk [tilespmem:v8+s12+$0x0], $0xffff  }
0x107: {  	v18 =	vor.u32 s2, v1;
	_ =	sdelay $0x3  }
0x108: {  	[tilespmem:$0x10580] =	vst v8  }
0x109: {  	(v2sf) =	vpush v4, $0x1;
	v8 =	vld.idx.msk [tilespmem:v18+s12+$0x0], $0xffff  }
0x10a: {  	v19 =	vor.u32 s2, v2;
	_ =	sdelay $0x3  }
0x10b: {  	[tilespmem:$0x10590] =	vst v8  }
0x10c: {  	v8 =	vld.idx.msk [tilespmem:v19+s12+$0x0], $0xffff  }
0x10d: {  	v20 =	vor.u32 s2, v3;
	_ =	sdelay $0x3  }
0x10e: {  	[tilespmem:$0x105A0] =	vst v8  }
0x10f: {  	v8 =	vld.idx.msk [tilespmem:v20+s12+$0x0], $0xffff;
	_ =	sdelay $0x2  }
0x110: {  	s2 =	spop (v2sf)  }
0x111: {  	s4 =	sand.u32 $0x7F, s4;
	s7 =	sand.u32 $0xFFFFF80, s2  }
0x112: {  	s3 =	sadd.s32 s1, s7;
	[tilespmem:$0x105B0] =	vst v8;
	v8 =	vor.u32 s4, v0  }
0x113: {  	[tilespmem:s11], [sflag:$0x2] =	stream.strided.gather [hbm4b:s3+s8], $0x2000, s9, s8, $0x38;
	[tilespmem:$0x11080] =	vst v63  }
0x114: {  	_ =	swait.ge [sflag:s21], $0x2000  }
0x115: {  	[sflag:s21] =	ssyncset.done $0x0  }
0x116: {  	[sflag:s21] =	ssyncadd.s32 $0xFFFFE000  }
0x117: {  	v8 =	vld.idx.msk [tilespmem:v8+s13+$0x0], $0xffff  }
0x118: {  	v21 =	vor.u32 s4, v1;
	_ =	sdelay $0x3  }
0x119: {  	[tilespmem:$0x10600] =	vst v8  }
0x11a: {  	(v2sf) =	vpush v4, $0x2;
	v8 =	vld.idx.msk [tilespmem:v21+s13+$0x0], $0xffff  }
0x11b: {  	v22 =	vor.u32 s4, v2;
	_ =	sdelay $0x3  }
0x11c: {  	[tilespmem:$0x10610] =	vst v8  }
0x11d: {  	v8 =	vld.idx.msk [tilespmem:v22+s13+$0x0], $0xffff  }
0x11e: {  	v23 =	vor.u32 s4, v3;
	_ =	sdelay $0x3  }
0x11f: {  	[tilespmem:$0x10620] =	vst v8  }
0x120: {  	v8 =	vld.idx.msk [tilespmem:v23+s13+$0x0], $0xffff;
	_ =	sdelay $0x2  }
0x121: {  	s4 =	spop (v2sf)  }
0x122: {  	s5 =	sand.u32 $0x7F, s5;
	s26 =	sand.u32 $0xFFFFF80, s4  }
0x123: {  	s3 =	sadd.s32 s1, s26;
	[tilespmem:$0x10630] =	vst v8;
	v8 =	vor.u32 s5, v0  }
0x124: {  	[tilespmem:s12], [sflag:$0x3] =	stream.strided.gather [hbm4b:s3+s8], $0x2000, s9, s8, $0x38;
	[tilespmem:$0x11080] =	vst v63  }
0x125: {  	_ =	swait.ge [sflag:s22], $0x2000  }
0x126: {  	[sflag:s22] =	ssyncset.done $0x0  }
0x127: {  	[sflag:s22] =	ssyncadd.s32 $0xFFFFE000  }
0x128: {  	v8 =	vld.idx.msk [tilespmem:v8+s14+$0x0], $0xffff  }
0x129: {  	v24 =	vor.u32 s5, v1;
	_ =	sdelay $0x3  }
0x12a: {  	[tilespmem:$0x10680] =	vst v8  }
0x12b: {  	(v2sf) =	vpush v4, $0x3;
	v8 =	vld.idx.msk [tilespmem:v24+s14+$0x0], $0xffff  }
0x12c: {  	v25 =	vor.u32 s5, v2;
	_ =	sdelay $0x3  }
0x12d: {  	[tilespmem:$0x10690] =	vst v8  }
0x12e: {  	v8 =	vld.idx.msk [tilespmem:v25+s14+$0x0], $0xffff  }
0x12f: {  	v26 =	vor.u32 s5, v3;
	_ =	sdelay $0x3  }
0x130: {  	[tilespmem:$0x106A0] =	vst v8  }
0x131: {  	v8 =	vld.idx.msk [tilespmem:v26+s14+$0x0], $0xffff;
	_ =	sdelay $0x2  }
0x132: {  	s5 =	spop (v2sf)  }
0x133: {  	s6 =	sand.u32 $0x7F, s6;
	s7 =	sand.u32 $0xFFFFF80, s5  }
0x134: {  	s3 =	sadd.s32 s1, s7;
	[tilespmem:$0x106B0] =	vst v8;
	v8 =	vor.u32 s6, v0  }
0x135: {  	[tilespmem:s13], [sflag:$0x4] =	stream.strided.gather [hbm4b:s3+s8], $0x2000, s9, s8, $0x38;
	[tilespmem:$0x11080] =	vst v63  }
0x136: {  	_ =	swait.ge [sflag:s23], $0x2000  }
0x137: {  	[sflag:s23] =	ssyncset.done $0x0  }
0x138: {  	[sflag:s23] =	ssyncadd.s32 $0xFFFFE000  }
0x139: {  	v8 =	vld.idx.msk [tilespmem:v8+s15+$0x0], $0xffff  }
0x13a: {  	v27 =	vor.u32 s6, v1;
	_ =	sdelay $0x3  }
0x13b: {  	[tilespmem:$0x10700] =	vst v8  }
0x13c: {  	(v2sf) =	vpush v4, $0x4;
	v8 =	vld.idx.msk [tilespmem:v27+s15+$0x0], $0xffff  }
0x13d: {  	v28 =	vor.u32 s6, v2;
	_ =	sdelay $0x3  }
0x13e: {  	[tilespmem:$0x10710] =	vst v8  }
0x13f: {  	v8 =	vld.idx.msk [tilespmem:v28+s15+$0x0], $0xffff  }
0x140: {  	v29 =	vor.u32 s6, v3;
	_ =	sdelay $0x3  }
0x141: {  	[tilespmem:$0x10720] =	vst v8  }
0x142: {  	v8 =	vld.idx.msk [tilespmem:v29+s15+$0x0], $0xffff;
	_ =	sdelay $0x2  }
0x143: {  	s6 =	spop (v2sf)  }
0x144: {  	s7 =	sand.u32 $0x7F, s30;
	s26 =	sand.u32 $0xFFFFF80, s6  }
0x145: {  	s3 =	sadd.s32 s1, s26;
	[tilespmem:$0x10730] =	vst v8;
	v8 =	vor.u32 s7, v0  }
0x146: {  	[tilespmem:s14], [sflag:$0x5] =	stream.strided.gather [hbm4b:s3+s8], $0x2000, s9, s8, $0x38;
	[tilespmem:$0x11080] =	vst v63  }
0x147: {  	_ =	swait.ge [sflag:s24], $0x2000  }
0x148: {  	[sflag:s24] =	ssyncset.done $0x0  }
0x149: {  	[sflag:s24] =	ssyncadd.s32 $0xFFFFE000  }
0x14a: {  	v8 =	vld.idx.msk [tilespmem:v8+s16+$0x0], $0xffff  }
0x14b: {  	v30 =	vor.u32 s7, v1;
	_ =	sdelay $0x3  }
0x14c: {  	[tilespmem:$0x10780] =	vst v8  }
0x14d: {  	(v2sf) =	vpush v4, $0x5;
	v8 =	vld.idx.msk [tilespmem:v30+s16+$0x0], $0xffff  }
0x14e: {  	v31 =	vor.u32 s7, v2;
	_ =	sdelay $0x3  }
0x14f: {  	[tilespmem:$0x10790] =	vst v8  }
0x150: {  	v8 =	vld.idx.msk [tilespmem:v31+s16+$0x0], $0xffff  }
0x151: {  	v32 =	vor.u32 s7, v3;
	_ =	sdelay $0x3  }
0x152: {  	[tilespmem:$0x107A0] =	vst v8  }
0x153: {  	v8 =	vld.idx.msk [tilespmem:v32+s16+$0x0], $0xffff;
	_ =	sdelay $0x2  }
0x154: {  	s30 =	spop (v2sf)  }
0x155: {  	s31 =	sand.u32 $0x7F, s31;
	s26 =	sand.u32 $0xFFFFF80, s30  }
0x156: {  	s3 =	sadd.s32 s1, s26;
	[tilespmem:$0x107B0] =	vst v8;
	v8 =	vor.u32 s31, v0  }
0x157: {  	[tilespmem:s15], [sflag:$0x6] =	stream.strided.gather [hbm4b:s3+s8], $0x2000, s9, s8, $0x38;
	[tilespmem:$0x11080] =	vst v63  }
0x158: {  	_ =	swait.ge [sflag:s25], $0x2000  }
0x159: {  	[sflag:s25] =	ssyncset.done $0x0  }
0x15a: {  	[sflag:s25] =	ssyncadd.s32 $0xFFFFE000  }
0x15b: {  	v8 =	vld.idx.msk [tilespmem:v8+s18+$0x0], $0xffff  }
0x15c: {  	v33 =	vor.u32 s31, v1;
	_ =	sdelay $0x3  }
0x15d: {  	[tilespmem:$0x10800] =	vst v8  }
0x15e: {  	(v2sf) =	vpush v4, $0x6;
	v8 =	vld.idx.msk [tilespmem:v33+s18+$0x0], $0xffff  }
0x15f: {  	v34 =	vor.u32 s31, v2;
	_ =	sdelay $0x3  }
0x160: {  	[tilespmem:$0x10810] =	vst v8  }
0x161: {  	v8 =	vld.idx.msk [tilespmem:v34+s18+$0x0], $0xffff  }
0x162: {  	v35 =	vor.u32 s31, v3;
	_ =	sdelay $0x3  }
0x163: {  	[tilespmem:$0x10820] =	vst v8  }
0x164: {  	v8 =	vld.idx.msk [tilespmem:v35+s18+$0x0], $0xffff;
	_ =	sdelay $0x2  }
0x165: {  	s31 =	spop (v2sf)  }
0x166: {  	s0 =	sand.u32 $0x7F, s0;
	s7 =	sand.u32 $0xFFFFF80, s31  }
0x167: {  	s3 =	sadd.s32 s1, s7;
	[tilespmem:$0x10830] =	vst v8;
	v8 =	vor.u32 s0, v0  }
0x168: {  	[tilespmem:s16], [sflag:$0x7] =	stream.strided.gather [hbm4b:s3+s8], $0x2000, s9, s8, $0x38;
	[tilespmem:$0x11080] =	vst v63  }
0x169: {  	_ =	swait.ge [sflag:s17], $0x2000  }
0x16a: {  	[sflag:s17] =	ssyncset.done $0x0  }
0x16b: {  	[sflag:s17] =	ssyncadd.s32 $0xFFFFE000  }
0x16c: {  	v8 =	vld.idx.msk [tilespmem:v8+s10+$0x0], $0xffff  }
0x16d: {  	v36 =	vor.u32 s0, v1;
	_ =	sdelay $0x3  }
0x16e: {  	[tilespmem:$0x10880] =	vst v8  }
0x16f: {  	(v2sf) =	vpush v4, $0x7;
	v8 =	vld.idx.msk [tilespmem:v36+s10+$0x0], $0xffff  }
0x170: {  	v37 =	vor.u32 s0, v2;
	_ =	sdelay $0x3  }
0x171: {  	[tilespmem:$0x10890] =	vst v8  }
0x172: {  	v8 =	vld.idx.msk [tilespmem:v37+s10+$0x0], $0xffff  }
0x173: {  	v38 =	vor.u32 s0, v3;
	_ =	sdelay $0x3  }
0x174: {  	[tilespmem:$0x108A0] =	vst v8  }
0x175: {  	v8 =	vld.idx.msk [tilespmem:v38+s10+$0x0], $0xffff;
	_ =	sdelay $0x2  }
0x176: {  	s0 =	spop (v2sf)  }
0x177: {  	s2 =	sand.u32 $0x7F, s2;
	s26 =	sand.u32 $0xFFFFF80, s0  }
0x178: {  	s3 =	sadd.s32 s1, s26;
	[tilespmem:$0x108B0] =	vst v8;
	v8 =	vor.u32 s2, v0  }
0x179: {  	[tilespmem:s18], [sflag:$0x8] =	stream.strided.gather [hbm4b:s3+s8], $0x2000, s9, s8, $0x38;
	[tilespmem:$0x11080] =	vst v63  }
0x17a: {  	_ =	swait.ge [sflag:s19], $0x2000  }
0x17b: {  	[sflag:s19] =	ssyncset.done $0x0  }
0x17c: {  	[sflag:s19] =	ssyncadd.s32 $0xFFFFE000  }
0x17d: {  	v8 =	vld.idx.msk [tilespmem:v8+s11+$0x0], $0xffff  }
0x17e: {  	v39 =	vor.u32 s2, v1;
	_ =	sdelay $0x3  }
0x17f: {  	[tilespmem:$0x10900] =	vst v8  }
0x180: {  	(v2sf) =	vpush v4, $0x8;
	v8 =	vld.idx.msk [tilespmem:v39+s11+$0x0], $0xffff  }
0x181: {  	v40 =	vor.u32 s2, v2;
	_ =	sdelay $0x3  }
0x182: {  	[tilespmem:$0x10910] =	vst v8  }
0x183: {  	v8 =	vld.idx.msk [tilespmem:v40+s11+$0x0], $0xffff  }
0x184: {  	v41 =	vor.u32 s2, v3;
	_ =	sdelay $0x3  }
0x185: {  	[tilespmem:$0x10920] =	vst v8  }
0x186: {  	v8 =	vld.idx.msk [tilespmem:v41+s11+$0x0], $0xffff;
	_ =	sdelay $0x2  }
0x187: {  	s26 =	spop (v2sf)  }
0x188: {  	s7 =	sand.u32 $0x7F, s4;
	s3 =	sand.u32 $0xFFFFF80, s26  }
0x189: {  	s2 =	sadd.s32 s1, s3;
	[tilespmem:$0x10930] =	vst v8;
	v8 =	vor.u32 s7, v0  }
0x18a: {  	[tilespmem:s10], [sflag:$0x1] =	stream.strided.gather [hbm4b:s2+s8], $0x2000, s9, s8, $0x38;
	[tilespmem:$0x11080] =	vst v63  }
0x18b: {  	_ =	swait.ge [sflag:s20], $0x2000  }
0x18c: {  	[sflag:s20] =	ssyncset.done $0x0  }
0x18d: {  	[sflag:s20] =	ssyncadd.s32 $0xFFFFE000  }
0x18e: {  	v8 =	vld.idx.msk [tilespmem:v8+s12+$0x0], $0xffff  }
0x18f: {  	v42 =	vor.u32 s7, v1;
	_ =	sdelay $0x3  }
0x190: {  	[tilespmem:$0x10980] =	vst v8  }
0x191: {  	(v2sf) =	vpush v4, $0x9;
	v8 =	vld.idx.msk [tilespmem:v42+s12+$0x0], $0xffff  }
0x192: {  	v43 =	vor.u32 s7, v2;
	_ =	sdelay $0x3  }
0x193: {  	[tilespmem:$0x10990] =	vst v8  }
0x194: {  	v8 =	vld.idx.msk [tilespmem:v43+s12+$0x0], $0xffff  }
0x195: {  	v44 =	vor.u32 s7, v3;
	_ =	sdelay $0x3  }
0x196: {  	[tilespmem:$0x109A0] =	vst v8  }
0x197: {  	v8 =	vld.idx.msk [tilespmem:v44+s12+$0x0], $0xffff;
	_ =	sdelay $0x2  }
0x198: {  	s3 =	spop (v2sf)  }
0x199: {  	s7 =	sand.u32 $0x7F, s5;
	s4 =	sand.u32 $0xFFFFF80, s3  }
0x19a: {  	s2 =	sadd.s32 s1, s4;
	[tilespmem:$0x109B0] =	vst v8;
	v8 =	vor.u32 s7, v0  }
0x19b: {  	[tilespmem:s11], [sflag:$0x2] =	stream.strided.gather [hbm4b:s2+s8], $0x2000, s9, s8, $0x38;
	[tilespmem:$0x11080] =	vst v63  }
0x19c: {  	_ =	swait.ge [sflag:s21], $0x2000  }
0x19d: {  	[sflag:s21] =	ssyncset.done $0x0  }
0x19e: {  	[sflag:s21] =	ssyncadd.s32 $0xFFFFE000  }
0x19f: {  	v8 =	vld.idx.msk [tilespmem:v8+s13+$0x0], $0xffff  }
0x1a0: {  	v45 =	vor.u32 s7, v1;
	_ =	sdelay $0x3  }
0x1a1: {  	[tilespmem:$0x10A00] =	vst v8  }
0x1a2: {  	(v2sf) =	vpush v4, $0xA;
	v8 =	vld.idx.msk [tilespmem:v45+s13+$0x0], $0xffff  }
0x1a3: {  	v46 =	vor.u32 s7, v2;
	_ =	sdelay $0x3  }
0x1a4: {  	[tilespmem:$0x10A10] =	vst v8  }
0x1a5: {  	v8 =	vld.idx.msk [tilespmem:v46+s13+$0x0], $0xffff  }
0x1a6: {  	v47 =	vor.u32 s7, v3;
	_ =	sdelay $0x3  }
0x1a7: {  	[tilespmem:$0x10A20] =	vst v8  }
0x1a8: {  	v8 =	vld.idx.msk [tilespmem:v47+s13+$0x0], $0xffff;
	_ =	sdelay $0x2  }
0x1a9: {  	s4 =	spop (v2sf)  }
0x1aa: {  	s6 =	sand.u32 $0x7F, s6;
	s5 =	sand.u32 $0xFFFFF80, s4  }
0x1ab: {  	s2 =	sadd.s32 s1, s5;
	[tilespmem:$0x10A30] =	vst v8;
	v8 =	vor.u32 s6, v0  }
0x1ac: {  	[tilespmem:s12], [sflag:$0x3] =	stream.strided.gather [hbm4b:s2+s8], $0x2000, s9, s8, $0x38;
	[tilespmem:$0x11080] =	vst v63  }
0x1ad: {  	_ =	swait.ge [sflag:s22], $0x2000  }
0x1ae: {  	[sflag:s22] =	ssyncset.done $0x0  }
0x1af: {  	[sflag:s22] =	ssyncadd.s32 $0xFFFFE000  }
0x1b0: {  	v8 =	vld.idx.msk [tilespmem:v8+s14+$0x0], $0xffff  }
0x1b1: {  	v48 =	vor.u32 s6, v1;
	_ =	sdelay $0x3  }
0x1b2: {  	[tilespmem:$0x10A80] =	vst v8  }
0x1b3: {  	(v2sf) =	vpush v4, $0xB;
	v8 =	vld.idx.msk [tilespmem:v48+s14+$0x0], $0xffff  }
0x1b4: {  	v49 =	vor.u32 s6, v2;
	_ =	sdelay $0x3  }
0x1b5: {  	[tilespmem:$0x10A90] =	vst v8  }
0x1b6: {  	v8 =	vld.idx.msk [tilespmem:v49+s14+$0x0], $0xffff  }
0x1b7: {  	v50 =	vor.u32 s6, v3;
	_ =	sdelay $0x3  }
0x1b8: {  	[tilespmem:$0x10AA0] =	vst v8  }
0x1b9: {  	v8 =	vld.idx.msk [tilespmem:v50+s14+$0x0], $0xffff;
	_ =	sdelay $0x2  }
0x1ba: {  	s6 =	spop (v2sf)  }
0x1bb: {  	s30 =	sand.u32 $0x7F, s30;
	s7 =	sand.u32 $0xFFFFF80, s6  }
0x1bc: {  	s2 =	sadd.s32 s1, s7;
	[tilespmem:$0x10AB0] =	vst v8;
	v8 =	vor.u32 s30, v0  }
0x1bd: {  	[tilespmem:s13], [sflag:$0x4] =	stream.strided.gather [hbm4b:s2+s8], $0x2000, s9, s8, $0x38;
	[tilespmem:$0x11080] =	vst v63  }
0x1be: {  	_ =	swait.ge [sflag:s23], $0x2000  }
0x1bf: {  	[sflag:s23] =	ssyncset.done $0x0  }
0x1c0: {  	[sflag:s23] =	ssyncadd.s32 $0xFFFFE000  }
0x1c1: {  	v8 =	vld.idx.msk [tilespmem:v8+s15+$0x0], $0xffff  }
0x1c2: {  	v51 =	vor.u32 s30, v1;
	_ =	sdelay $0x3  }
0x1c3: {  	[tilespmem:$0x10B00] =	vst v8  }
0x1c4: {  	(v2sf) =	vpush v4, $0xC;
	v8 =	vld.idx.msk [tilespmem:v51+s15+$0x0], $0xffff  }
0x1c5: {  	v52 =	vor.u32 s30, v2;
	_ =	sdelay $0x3  }
0x1c6: {  	[tilespmem:$0x10B10] =	vst v8  }
0x1c7: {  	v8 =	vld.idx.msk [tilespmem:v52+s15+$0x0], $0xffff  }
0x1c8: {  	v53 =	vor.u32 s30, v3;
	_ =	sdelay $0x3  }
0x1c9: {  	[tilespmem:$0x10B20] =	vst v8  }
0x1ca: {  	v8 =	vld.idx.msk [tilespmem:v53+s15+$0x0], $0xffff;
	_ =	sdelay $0x2  }
0x1cb: {  	s5 =	spop (v2sf)  }
0x1cc: {  	s7 =	sand.u32 $0x7F, s31;
	s2 =	sand.u32 $0xFFFFF80, s5  }
0x1cd: {  	s2 =	sadd.s32 s1, s2;
	[tilespmem:$0x10B30] =	vst v8;
	v8 =	vor.u32 s7, v0  }
0x1ce: {  	[tilespmem:s14], [sflag:$0x5] =	stream.strided.gather [hbm4b:s2+s8], $0x2000, s9, s8, $0x38;
	[tilespmem:$0x11080] =	vst v63  }
0x1cf: {  	_ =	swait.ge [sflag:s24], $0x2000  }
0x1d0: {  	[sflag:s24] =	ssyncset.done $0x0  }
0x1d1: {  	[sflag:s24] =	ssyncadd.s32 $0xFFFFE000  }
0x1d2: {  	v8 =	vld.idx.msk [tilespmem:v8+s16+$0x0], $0xffff  }
0x1d3: {  	v54 =	vor.u32 s7, v1;
	_ =	sdelay $0x3  }
0x1d4: {  	[tilespmem:$0x10B80] =	vst v8  }
0x1d5: {  	(v2sf) =	vpush v4, $0xD;
	v8 =	vld.idx.msk [tilespmem:v54+s16+$0x0], $0xffff  }
0x1d6: {  	v55 =	vor.u32 s7, v2;
	_ =	sdelay $0x3  }
0x1d7: {  	[tilespmem:$0x10B90] =	vst v8  }
0x1d8: {  	v8 =	vld.idx.msk [tilespmem:v55+s16+$0x0], $0xffff  }
0x1d9: {  	v56 =	vor.u32 s7, v3;
	_ =	sdelay $0x3  }
0x1da: {  	[tilespmem:$0x10BA0] =	vst v8  }
0x1db: {  	v8 =	vld.idx.msk [tilespmem:v56+s16+$0x0], $0xffff;
	_ =	sdelay $0x2  }
0x1dc: {  	s2 =	spop (v2sf)  }
0x1dd: {  	s0 =	sand.u32 $0x7F, s0;
	s31 =	sand.u32 $0xFFFFF80, s2  }
0x1de: {  	s30 =	sadd.s32 s1, s31;
	[tilespmem:$0x10BB0] =	vst v8;
	v8 =	vor.u32 s0, v0  }
0x1df: {  	[tilespmem:s15], [sflag:$0x6] =	stream.strided.gather [hbm4b:s30+s8], $0x2000, s9, s8, $0x38;
	[tilespmem:$0x11080] =	vst v63  }
0x1e0: {  	_ =	swait.ge [sflag:s25], $0x2000  }
0x1e1: {  	[sflag:s25] =	ssyncset.done $0x0  }
0x1e2: {  	[sflag:s25] =	ssyncadd.s32 $0xFFFFE000  }
0x1e3: {  	v8 =	vld.idx.msk [tilespmem:v8+s18+$0x0], $0xffff  }
0x1e4: {  	v57 =	vor.u32 s0, v1;
	_ =	sdelay $0x3  }
0x1e5: {  	[tilespmem:$0x10C00] =	vst v8  }
0x1e6: {  	(v2sf) =	vpush v4, $0xE;
	v8 =	vld.idx.msk [tilespmem:v57+s18+$0x0], $0xffff  }
0x1e7: {  	v58 =	vor.u32 s0, v2;
	_ =	sdelay $0x3  }
0x1e8: {  	[tilespmem:$0x10C10] =	vst v8  }
0x1e9: {  	v8 =	vld.idx.msk [tilespmem:v58+s18+$0x0], $0xffff  }
0x1ea: {  	v59 =	vor.u32 s0, v3;
	_ =	sdelay $0x3  }
0x1eb: {  	[tilespmem:$0x10C20] =	vst v8  }
0x1ec: {  	v8 =	vld.idx.msk [tilespmem:v59+s18+$0x0], $0xffff;
	_ =	sdelay $0x2  }
0x1ed: {  	s0 =	spop (v2sf)  }
0x1ee: {  	s26 =	sand.u32 $0x7F, s26;
	s7 =	sand.u32 $0xFFFFF80, s0  }
0x1ef: {  	s30 =	sadd.s32 s1, s7;
	[tilespmem:$0x10C30] =	vst v8;
	v8 =	vor.u32 s26, v0  }
0x1f0: {  	[tilespmem:s16], [sflag:$0x7] =	stream.strided.gather [hbm4b:s30+s8], $0x2000, s9, s8, $0x38;
	[tilespmem:$0x11080] =	vst v63  }
0x1f1: {  	_ =	swait.ge [sflag:s17], $0x2000  }
0x1f2: {  	[sflag:s17] =	ssyncset.done $0x0  }
0x1f3: {  	[sflag:s17] =	ssyncadd.s32 $0xFFFFE000  }
0x1f4: {  	v8 =	vld.idx.msk [tilespmem:v8+s10+$0x0], $0xffff  }
0x1f5: {  	v60 =	vor.u32 s26, v1;
	_ =	sdelay $0x3  }
0x1f6: {  	[tilespmem:$0x10C80] =	vst v8  }
0x1f7: {  	(v2sf) =	vpush v4, $0xF;
	v8 =	vld.idx.msk [tilespmem:v60+s10+$0x0], $0xffff  }
0x1f8: {  	v61 =	vor.u32 s26, v2;
	_ =	sdelay $0x3  }
0x1f9: {  	[tilespmem:$0x10C90] =	vst v8  }
0x1fa: {  	v8 =	vld.idx.msk [tilespmem:v61+s10+$0x0], $0xffff  }
0x1fb: {  	v62 =	vor.u32 s26, v3;
	_ =	sdelay $0x3  }
0x1fc: {  	[tilespmem:$0x10CA0] =	vst v8  }
0x1fd: {  	v8 =	vld.idx.msk [tilespmem:v62+s10+$0x0], $0xffff;
	_ =	sdelay $0x2  }
0x1fe: {  	s30 =	spop (v2sf)  }
0x1ff: {  	s3 =	sand.u32 $0x7F, s3;
	s31 =	sand.u32 $0xFFFFF80, s30  }
0x200: {  	s26 =	sadd.s32 s1, s31;
	[tilespmem:$0x10CB0] =	vst v8;
	v8 =	vor.u32 s3, v0  }
0x201: {  	[tilespmem:s18], [sflag:$0x8] =	stream.strided.gather [hbm4b:s26+s8], $0x2000, s9, s8, $0x38;
	[tilespmem:$0x11080] =	vst v63  }
0x202: {  	_ =	swait.ge [sflag:s19], $0x2000  }
0x203: {  	[sflag:s19] =	ssyncset.done $0x0  }
0x204: {  	[sflag:s19] =	ssyncadd.s32 $0xFFFFE000  }
0x205: {  	v8 =	vld.idx.msk [tilespmem:v8+s11+$0x0], $0xffff  }
0x206: {  	v63 =	vor.u32 s3, v1;
	_ =	sdelay $0x3  }
0x207: {  	v6 =	vpsel p0, v6, v7;
	[tilespmem:$0x10D00] =	vst v8  }
0x208: {  	(v2sf) =	vpush @!p0 v6, $0x0;
	v7 =	vld.idx.msk [tilespmem:v63+s11+$0x0], $0xffff  }
0x209: {  	v8 =	vor.u32 s3, v2;
	_ =	sdelay $0x3  }
0x20a: {  	[tilespmem:$0x10D10] =	vst v7  }
0x20b: {  	v7 =	vld.idx.msk [tilespmem:v8+s11+$0x0], $0xffff  }
0x20c: {  	v8 =	vor.u32 s3, v3;
	_ =	sdelay $0x3  }
0x20d: {  	[tilespmem:$0x10D20] =	vst v7  }
0x20e: {  	v7 =	vld.idx.msk [tilespmem:v8+s11+$0x0], $0xffff;
	_ =	sdelay $0x2  }
0x20f: {  	s3 =	spop @!p0 (v2sf)  }
0x210: {  	s7 =	simm.s32 @!p0 $0x80;
	s26 =	sand.u32 $0x7F, s4;
	s3 =	sand.u32 @!p0 $0xFFFFF80, s3  }
0x211: {  	s31 =	simm.s32 @!p0 $0x400;
	s4 =	simm.s32 @!p0 $0x7A1400;
	s3 =	sadd.s32 @!p0 s1, s3;
	[tilespmem:$0x10D30] =	vst v7;
	v7 =	vor.u32 s26, v0  }
0x212: {  	[tilespmem:s7], [sflag:$0x1] =	stream.strided.gather @!p0 [hbm4b:s3+s31], $0x2000, s4, s31, $0x38;
	[tilespmem:$0x11080] =	vst v63  }
0x213: {  	_ =	swait.ge [sflag:s20], $0x2000  }
0x214: {  	[sflag:s20] =	ssyncset.done $0x0  }
0x215: {  	[sflag:s20] =	ssyncadd.s32 $0xFFFFE000  }
0x216: {  	v7 =	vld.idx.msk [tilespmem:v7+s12+$0x0], $0xffff  }
0x217: {  	v8 =	vor.u32 s26, v1;
	_ =	sdelay $0x3  }
0x218: {  	[tilespmem:$0x10D80] =	vst v7  }
0x219: {  	(v2sf) =	vpush @!p0 v6, $0x1;
	v7 =	vld.idx.msk [tilespmem:v8+s12+$0x0], $0xffff  }
0x21a: {  	v8 =	vor.u32 s26, v2;
	_ =	sdelay $0x3  }
0x21b: {  	[tilespmem:$0x10D90] =	vst v7  }
0x21c: {  	v7 =	vld.idx.msk [tilespmem:v8+s12+$0x0], $0xffff  }
0x21d: {  	v8 =	vor.u32 s26, v3;
	_ =	sdelay $0x3  }
0x21e: {  	[tilespmem:$0x10DA0] =	vst v7  }
0x21f: {  	v7 =	vld.idx.msk [tilespmem:v8+s12+$0x0], $0xffff;
	_ =	sdelay $0x2  }
0x220: {  	s3 =	spop @!p0 (v2sf)  }
0x221: {  	s6 =	sand.u32 $0x7F, s6;
	s3 =	sand.u32 @!p0 $0xFFFFF80, s3  }
0x222: {  	s7 =	simm.s32 @!p0 $0x2080;
	s3 =	sadd.s32 @!p0 s1, s3;
	[tilespmem:$0x10DB0] =	vst v7;
	v7 =	vor.u32 s6, v0  }
0x223: {  	[tilespmem:s7], [sflag:$0x2] =	stream.strided.gather @!p0 [hbm4b:s3+s31], $0x2000, s4, s31, $0x38;
	[tilespmem:$0x11080] =	vst v63  }
0x224: {  	_ =	swait.ge [sflag:s21], $0x2000  }
0x225: {  	[sflag:s21] =	ssyncset.done $0x0  }
0x226: {  	[sflag:s21] =	ssyncadd.s32 $0xFFFFE000  }
0x227: {  	v7 =	vld.idx.msk [tilespmem:v7+s13+$0x0], $0xffff  }
0x228: {  	v8 =	vor.u32 s6, v1;
	_ =	sdelay $0x3  }
0x229: {  	[tilespmem:$0x10E00] =	vst v7  }
0x22a: {  	(v2sf) =	vpush @!p0 v6, $0x2;
	v7 =	vld.idx.msk [tilespmem:v8+s13+$0x0], $0xffff  }
0x22b: {  	v8 =	vor.u32 s6, v2;
	_ =	sdelay $0x3  }
0x22c: {  	[tilespmem:$0x10E10] =	vst v7  }
0x22d: {  	v7 =	vld.idx.msk [tilespmem:v8+s13+$0x0], $0xffff  }
0x22e: {  	v8 =	vor.u32 s6, v3;
	_ =	sdelay $0x3  }
0x22f: {  	[tilespmem:$0x10E20] =	vst v7  }
0x230: {  	v7 =	vld.idx.msk [tilespmem:v8+s13+$0x0], $0xffff;
	_ =	sdelay $0x2  }
0x231: {  	s3 =	spop @!p0 (v2sf)  }
0x232: {  	s5 =	sand.u32 $0x7F, s5;
	s3 =	sand.u32 @!p0 $0xFFFFF80, s3  }
0x233: {  	s6 =	simm.s32 @!p0 $0x4080;
	s3 =	sadd.s32 @!p0 s1, s3;
	[tilespmem:$0x10E30] =	vst v7;
	v7 =	vor.u32 s5, v0  }
0x234: {  	[tilespmem:s6], [sflag:$0x3] =	stream.strided.gather @!p0 [hbm4b:s3+s31], $0x2000, s4, s31, $0x38;
	[tilespmem:$0x11080] =	vst v63  }
0x235: {  	_ =	swait.ge [sflag:s22], $0x2000  }
0x236: {  	[sflag:s22] =	ssyncset.done $0x0  }
0x237: {  	[sflag:s22] =	ssyncadd.s32 $0xFFFFE000  }
0x238: {  	v7 =	vld.idx.msk [tilespmem:v7+s14+$0x0], $0xffff  }
0x239: {  	v8 =	vor.u32 s5, v1;
	_ =	sdelay $0x3  }
0x23a: {  	[tilespmem:$0x10E80] =	vst v7  }
0x23b: {  	(v2sf) =	vpush @!p0 v6, $0x3;
	v7 =	vld.idx.msk [tilespmem:v8+s14+$0x0], $0xffff  }
0x23c: {  	v8 =	vor.u32 s5, v2;
	_ =	sdelay $0x3  }
0x23d: {  	[tilespmem:$0x10E90] =	vst v7  }
0x23e: {  	v7 =	vld.idx.msk [tilespmem:v8+s14+$0x0], $0xffff  }
0x23f: {  	v8 =	vor.u32 s5, v3;
	_ =	sdelay $0x3  }
0x240: {  	[tilespmem:$0x10EA0] =	vst v7  }
0x241: {  	v7 =	vld.idx.msk [tilespmem:v8+s14+$0x0], $0xffff;
	_ =	sdelay $0x2  }
0x242: {  	s3 =	spop @!p0 (v2sf)  }
0x243: {  	s2 =	sand.u32 $0x7F, s2;
	s3 =	sand.u32 @!p0 $0xFFFFF80, s3  }
0x244: {  	s5 =	simm.s32 @!p0 $0x6080;
	s3 =	sadd.s32 @!p0 s1, s3;
	[tilespmem:$0x10EB0] =	vst v7;
	v7 =	vor.u32 s2, v0  }
0x245: {  	[tilespmem:s5], [sflag:$0x4] =	stream.strided.gather @!p0 [hbm4b:s3+s31], $0x2000, s4, s31, $0x38;
	[tilespmem:$0x11080] =	vst v63  }
0x246: {  	_ =	swait.ge [sflag:s23], $0x2000  }
0x247: {  	[sflag:s23] =	ssyncset.done $0x0  }
0x248: {  	[sflag:s23] =	ssyncadd.s32 $0xFFFFE000  }
0x249: {  	v7 =	vld.idx.msk [tilespmem:v7+s15+$0x0], $0xffff  }
0x24a: {  	v8 =	vor.u32 s2, v1;
	_ =	sdelay $0x3  }
0x24b: {  	[tilespmem:$0x10F00] =	vst v7  }
0x24c: {  	(v2sf) =	vpush @!p0 v6, $0x4;
	v7 =	vld.idx.msk [tilespmem:v8+s15+$0x0], $0xffff  }
0x24d: {  	v8 =	vor.u32 s2, v2;
	_ =	sdelay $0x3  }
0x24e: {  	[tilespmem:$0x10F10] =	vst v7  }
0x24f: {  	v7 =	vld.idx.msk [tilespmem:v8+s15+$0x0], $0xffff  }
0x250: {  	v8 =	vor.u32 s2, v3;
	_ =	sdelay $0x3  }
0x251: {  	[tilespmem:$0x10F20] =	vst v7  }
0x252: {  	v7 =	vld.idx.msk [tilespmem:v8+s15+$0x0], $0xffff;
	_ =	sdelay $0x2  }
0x253: {  	s2 =	spop @!p0 (v2sf)  }
0x254: {  	s0 =	sand.u32 $0x7F, s0;
	s2 =	sand.u32 @!p0 $0xFFFFF80, s2  }
0x255: {  	s3 =	simm.s32 @!p0 $0x8080;
	s2 =	sadd.s32 @!p0 s1, s2;
	[tilespmem:$0x10F30] =	vst v7;
	v7 =	vor.u32 s0, v0  }
0x256: {  	[tilespmem:s3], [sflag:$0x5] =	stream.strided.gather @!p0 [hbm4b:s2+s31], $0x2000, s4, s31, $0x38;
	[tilespmem:$0x11080] =	vst v63  }
0x257: {  	_ =	swait.ge [sflag:s24], $0x2000  }
0x258: {  	[sflag:s24] =	ssyncset.done $0x0  }
0x259: {  	[sflag:s24] =	ssyncadd.s32 $0xFFFFE000  }
0x25a: {  	v7 =	vld.idx.msk [tilespmem:v7+s16+$0x0], $0xffff  }
0x25b: {  	v8 =	vor.u32 s0, v1;
	_ =	sdelay $0x3  }
0x25c: {  	[tilespmem:$0x10F80] =	vst v7  }
0x25d: {  	(v2sf) =	vpush @!p0 v6, $0x5;
	v7 =	vld.idx.msk [tilespmem:v8+s16+$0x0], $0xffff  }
0x25e: {  	v8 =	vor.u32 s0, v2;
	_ =	sdelay $0x3  }
0x25f: {  	[tilespmem:$0x10F90] =	vst v7  }
0x260: {  	v7 =	vld.idx.msk [tilespmem:v8+s16+$0x0], $0xffff  }
0x261: {  	v8 =	vor.u32 s0, v3;
	_ =	sdelay $0x3  }
0x262: {  	[tilespmem:$0x10FA0] =	vst v7  }
0x263: {  	v7 =	vld.idx.msk [tilespmem:v8+s16+$0x0], $0xffff;
	_ =	sdelay $0x2  }
0x264: {  	s0 =	spop @!p0 (v2sf)  }
0x265: {  	s7 =	sand.u32 $0x7F, s30;
	s0 =	sand.u32 @!p0 $0xFFFFF80, s0  }
0x266: {  	s3 =	simm.s32 @!p0 $0xA080;
	s0 =	sadd.s32 @!p0 s1, s0;
	[tilespmem:$0x10FB0] =	vst v7;
	v7 =	vor.u32 s7, v0  }
0x267: {  	[tilespmem:s3], [sflag:$0x6] =	stream.strided.gather @!p0 [hbm4b:s0+s31], $0x2000, s4, s31, $0x38;
	[tilespmem:$0x11080] =	vst v63  }
0x268: {  	_ =	swait.ge [sflag:s25], $0x2000  }
0x269: {  	[sflag:s25] =	ssyncset.done $0x0  }
0x26a: {  	[sflag:s25] =	ssyncadd.s32 $0xFFFFE000  }
0x26b: {  	v7 =	vld.idx.msk [tilespmem:v7+s18+$0x0], $0xffff  }
0x26c: {  	v8 =	vor.u32 s7, v1;
	_ =	sdelay $0x3  }
0x26d: {  	[tilespmem:$0x11000] =	vst v7  }
0x26e: {  	(v2sf) =	vpush @!p0 v6, $0x6;
	v7 =	vld.idx.msk [tilespmem:v8+s18+$0x0], $0xffff  }
0x26f: {  	v8 =	vor.u32 s7, v2;
	_ =	sdelay $0x3  }
0x270: {  	[tilespmem:$0x11010] =	vst v7  }
0x271: {  	v7 =	vld.idx.msk [tilespmem:v8+s18+$0x0], $0xffff  }
0x272: {  	v8 =	vor.u32 s7, v3;
	_ =	sdelay $0x3  }
0x273: {  	[tilespmem:$0x11020] =	vst v7  }
0x274: {  	v7 =	vld.idx.msk [tilespmem:v8+s18+$0x0], $0xffff;
	_ =	sdelay $0x2  }
0x275: {  	s0 =	spop @!p0 (v2sf)  }
0x276: {  	s0 =	sand.u32 @!p0 $0xFFFFF80, s0  }
0x277: {  	s28 =	sadd.s32 $0x4, s28;
	s2 =	simm.s32 @!p0 $0xC080;
	s0 =	sadd.s32 @!p0 s1, s0;
	[tilespmem:$0x11030] =	vst v7  }
0x278: {  	[tilespmem:s2], [sflag:$0x7] =	stream.strided.gather @!p0 [hbm4b:s0+s31], $0x2000, s4, s31, $0x38;
	[tilespmem:$0x11080] =	vst v63  }
0x279: {  	v4 =	vpsel p0, v4, v5;
	s26 =	simm.s32 $0x0;
	p0 =	sne.s32 s28, $0x40  }
.Ltmp0:
0x27a: {  	s30 =	rddreg [dreg:$0x5];
	s2 =	simm.s32 $0x9;
	(pc) =	sbr.rel @p0 .LBB2_2-.Ltmp0, $4  }
0x27b: {  	[hbm4b:s29+s26] =	stream.linear.scatter [tilespmem:s30], [sflag:$0x9], $0x1000, $0x38;
	[tilespmem:$0x11080] =	vst v63  }
0x27c: {  	_ =	swait.ge [sflag:s2], $0x1000  }
0x27d: {  	[sflag:s2] =	ssyncset.done $0x0  }
0x27e: {  	s29 =	sadd.s32 $0x200, s29;
	[sflag:s2] =	ssyncadd.s32 $0xFFFFF000  }
0x27f: {  	s3 =	rddreg [dreg:$0x9]  }
0x280: {  	s0 =	rddreg [dreg:$0x7];
	s3 =	sadd.s32 $0x1, s3  }
0x281: {  	p0 =	sne.s32 s3, s0  }
.Ltmp1:
0x282: {  	_ = 	snop;
	(pc) =	sbr.rel @p0 .LBB2_1-.Ltmp1, $1  }
0x283: {  	_ =	sdelay $0x3  }
0x284: {  	_ =	sfence.sel $0x180000  }
0x285: {  	[bflag:$0x0] =	sbarrier.arrive $0xFFFF  }
0x286: {  	_ =	strace $0x90000047  }
0x287: {  	s0 =	stileid.u32;
	[bflag:$0x2] =	sbarrier.arrive $0xFFFF  }
0x288: {  	p0 =	sne.s32 s0, $0x0;
	s0 =	rddreg [dreg:$0x3]  }
0x289: {  	s0 =	sadd.s32 @!p0 $0x100000, s0  }
0x28a: {  	[sflag:s0] =	ssyncadd.tile.s32 @!p0 $0x1;
	_ =	shalt  }
.Lfunc_end2:
_tile_overlayer_lowered:
.L_overlay_start_2:
0x28b: {  	(tag) =	ssettag $0x2  }
0x28c: {  	s0 =	rddreg [dreg:$0x0];
	s2 =	stileid.u32  }
0x28d: {  	s1 =	rddreg [dreg:$0x1];
	p0 =	sne.s32 s2, $0x0  }
0x28e: {  	s3 =	rddreg [dreg:$0x2];
	[bflag:$0x3] =	sbarrier.arrive $0xFFFF;
	s2 =	simm.s32 @!p0 $0x1C09  }
0x28f: {  	[timem:s3], [sflag:s2] =	dma.local @!p0 [hbm:s0], s1  }
0x290: {  	s0 =	simm.s32 @!p0 $0x9  }
0x291: {  	_ =	swait.ge @!p0 [sflag:s0], s1  }
0x292: {  	s1 =	ssub.s32 @!p0 $0x0, s1;
	[sflag:s0] =	ssyncset.done @!p0 $0x0  }
0x293: {  	[sflag:s0] =	ssyncadd.s32 @!p0 s1  }
0x294: {  	[bflag:$0x3] =	sbarrier.arrive $0xFFFF  }
0x295: {  	_ =	shalt  }

</sc_bundles>
